<compile_context>
chip_gen: v7x
topology: tpu7x:2x2x1
jax: 0.10.2.dev20260603
libtpu: 0.0.44.dev20260713+nightly
codegen_flags: <defaults>
</compile_context>

<pallas_src>
import functools

import jax
import jax.numpy as jnp
from jax import lax
from jax.experimental import pallas as pl
from jax.experimental.pallas import tpu as pltpu
from jax.experimental.pallas import tpu_sc as plsc

N = 10000
E = 320000
D = 128
H = 64
L = 3
G = 128

NQ = N // 4
NC = 2
NS = 16
NW = NC * NS
C = 128
CH = 80
KF = 5
NGRP = CH // KF
E_PAD = NW * CH * C
N_PAD = 10240
ROWS_PER_TILE = N_PAD // NS


def _make_sc_segsum():
    mesh = plsc.VectorSubcoreMesh(core_axis_name="c", subcore_axis_name="s")

    @functools.partial(
        pl.kernel,
        out_type=jax.ShapeDtypeStruct((NC, N_PAD, H), jnp.bfloat16),
        mesh=mesh,
        scratch_types=[
            pltpu.VMEM((CH, C), jnp.int32),
            pltpu.VMEM((CH, C), jnp.int32),
            pltpu.VMEM((KF, C, H), jnp.bfloat16),
            pltpu.VMEM_SHARED((N_PAD, H), jnp.bfloat16),
            pltpu.SemaphoreType.DMA((KF,)),
        ],
        compiler_params=pltpu.CompilerParams(use_tc_tiling_on_sc=False),
    )
    def sc_segsum(y_hbm, ei_hbm, zero_hbm, out_hbm,
                  src_v, dst_v, rows_v, agg_sh, sem):
        c = lax.axis_index("c")
        s = lax.axis_index("s")
        wid = s * NC + c
        row0 = pl.multiple_of(s * ROWS_PER_TILE, 8)

        pltpu.sync_copy(ei_hbm.at[0, pl.ds(wid * CH, CH)], src_v)
        pltpu.sync_copy(ei_hbm.at[1, pl.ds(wid * CH, CH)], dst_v)

        pltpu.sync_copy(zero_hbm.at[pl.ds(row0, ROWS_PER_TILE)],
                        agg_sh.at[pl.ds(row0, ROWS_PER_TILE)])
        plsc.subcore_barrier()

        def fire(g, b):
            pltpu.async_copy(y_hbm.at[src_v.at[g * KF + b]], rows_v.at[b],
                             sem.at[b])

        def drain(g, b):
            pltpu.make_async_copy(y_hbm.at[src_v.at[g * KF + b]],
                                  rows_v.at[b], sem.at[b]).wait()
            pltpu.sync_copy(rows_v.at[b], agg_sh.at[dst_v.at[g * KF + b]],
                            add=True)

        for b in range(KF):
            fire(0, b)

        def group(g, _):
            for b in range(KF):
                drain(g - 1, b)
                fire(g, b)
            return 0

        lax.fori_loop(1, NGRP, group, 0)
        for b in range(KF):
            drain(NGRP - 1, b)
        plsc.subcore_barrier()

        pltpu.sync_copy(agg_sh.at[pl.ds(row0, ROWS_PER_TILE)],
                        out_hbm.at[c, pl.ds(row0, ROWS_PER_TILE)])

    return sc_segsum


_sc_segsum = _make_sc_segsum()


def _pack_table(y4):
    lo = jnp.concatenate([y4[:, 64 * t: 64 * t + 32] for t in range(4)],
                         axis=1)
    hi = jnp.concatenate([y4[:, 64 * t + 32: 64 * t + 64] for t in range(4)],
                         axis=1)
    lo16 = lax.bitcast_convert_type(
        lo.astype(jnp.bfloat16), jnp.uint16).astype(jnp.uint32)
    hi16 = lax.bitcast_convert_type(
        hi.astype(jnp.bfloat16), jnp.uint16).astype(jnp.uint32)
    return lax.bitcast_convert_type(lo16 | (hi16 << 16), jnp.float32)


def _unpack_agg(agg_ref):
    def halves(p):
        u = lax.bitcast_convert_type(p, jnp.uint32)
        lo = lax.bitcast_convert_type(
            u.astype(jnp.uint16), jnp.bfloat16).astype(jnp.float32)
        hi = lax.bitcast_convert_type(
            (u >> 16).astype(jnp.uint16), jnp.bfloat16).astype(jnp.float32)
        return lo, hi

    lo0, hi0 = halves(agg_ref[0, :NQ])
    lo1, hi1 = halves(agg_ref[1, :NQ])
    lo = lo0 + lo1
    hi = hi0 + hi1
    return jnp.concatenate(
        [jnp.concatenate([lo[:, 32 * t: 32 * t + 32],
                          hi[:, 32 * t: 32 * t + 32]], axis=1)
         for t in range(4)], axis=1)


def _mm0_body(x_ref, w_ref, o_ref, ypk_ref):
    y4 = jnp.concatenate(
        [jnp.dot(x_ref[NQ * t: NQ * (t + 1)], w_ref[...],
                 preferred_element_type=jnp.float32) for t in range(4)],
        axis=1)
    o_ref[...] = y4
    ypk_ref[...] = _pack_table(y4)


def _pool(h4, bt_refs):
    iota = lax.broadcasted_iota(jnp.int32, (G, NQ), 0)
    acc = None
    for t in range(4):
        oh = (iota == bt_refs[t][...]).astype(jnp.float32)
        m = jnp.dot(oh, h4, preferred_element_type=jnp.float32)
        part = m[:, 64 * t: 64 * t + 64]
        acc = part if acc is None else acc + part
    return acc


def _layer_body(y_ref, agg_ref, scale_ref, b1_ref, w2_ref, b2_ref,
                wn_ref, b0_ref, bt1_ref, bt2_ref, bt3_ref,
                ynext_ref, ypk_ref, pooled_ref):
    t = scale_ref[...] * y_ref[...] + _unpack_agg(agg_ref) + b1_ref[...]
    u = jnp.maximum(t, 0.0)
    h4 = jnp.maximum(
        jnp.dot(u, w2_ref[...], preferred_element_type=jnp.float32)
        + b2_ref[...], 0.0)
    yn = jnp.dot(h4, wn_ref[...], preferred_element_type=jnp.float32)
    ynext_ref[...] = yn
    ypk_ref[...] = _pack_table(yn)
    pooled_ref[...] = _pool(h4, (b0_ref, bt1_ref, bt2_ref, bt3_ref))


def _layer_last_body(y_ref, agg_ref, scale_ref, b1_ref, w2_ref, b2_ref,
                     b0_ref, bt1_ref, bt2_ref, bt3_ref, pooled_ref):
    t = scale_ref[...] * y_ref[...] + _unpack_agg(agg_ref) + b1_ref[...]
    u = jnp.maximum(t, 0.0)
    h4 = jnp.maximum(
        jnp.dot(u, w2_ref[...], preferred_element_type=jnp.float32)
        + b2_ref[...], 0.0)
    pooled_ref[...] = _pool(h4, (b0_ref, bt1_ref, bt2_ref, bt3_ref))


def _blockdiag4(w):
    din, dout = w.shape
    z = jnp.zeros((din, dout), jnp.float32)
    rows = []
    for t in range(4):
        rows.append(jnp.concatenate(
            [w if i == t else z for i in range(4)], axis=1))
    return jnp.concatenate(rows, axis=0)


def _dup4(b):
    return jnp.concatenate([b, b, b, b]).reshape(1, 4 * H)


def kernel(x, edge_index, batch, params, eps, center):
    npad = E_PAD - E
    k = jnp.arange(npad, dtype=jnp.int32)
    em = 4 * (edge_index % NQ) + edge_index // NQ
    pads = jnp.stack([k % N, N + (k % (N_PAD - N))])
    ei = jnp.concatenate([em, pads], axis=1).reshape(2, NW * CH, C)

    zeros = jnp.zeros((N_PAD, H), jnp.bfloat16)
    bts = [batch[NQ * t: NQ * (t + 1)].reshape(1, NQ) for t in range(4)]

    def _as_bf16_table(ypk):
        return lax.bitcast_convert_type(
            ypk.reshape(N * H // 2), jnp.bfloat16).reshape(N, H)

    def _as_f32_packed(agg):
        return lax.bitcast_convert_type(
            agg.reshape(NC, N_PAD * H // 2, 2),
            jnp.float32).reshape(NC, N_PAD // 4, 2 * H)

    y4, ypk = pl.pallas_call(
        _mm0_body,
        out_shape=(jax.ShapeDtypeStruct((NQ, 4 * H), jnp.float32),
                   jax.ShapeDtypeStruct((NQ, 2 * H), jnp.float32)),
    )(x, params[0][0])

    pooled = []
    for l in range(L):
        W1, b1, W2, b2 = params[l]
        agg = _as_f32_packed(_sc_segsum(_as_bf16_table(ypk), ei, zeros))
        scale = (1.0 + eps[l]).reshape(1, 1)
        if l + 1 < L:
            y4, ypk, p = pl.pallas_call(
                _layer_body,
                out_shape=(jax.ShapeDtypeStruct((NQ, 4 * H), jnp.float32),
                           jax.ShapeDtypeStruct((NQ, 2 * H), jnp.float32),
                           jax.ShapeDtypeStruct((G, H), jnp.float32)),
            )(y4, agg, scale, _dup4(b1), _blockdiag4(W2), _dup4(b2),
              _blockdiag4(params[l + 1][0]), *bts)
        else:
            p = pl.pallas_call(
                _layer_last_body,
                out_shape=jax.ShapeDtypeStruct((G, H), jnp.float32),
            )(y4, agg, scale, _dup4(b1), _blockdiag4(W2), _dup4(b2), *bts)
        pooled.append(p)

    z = jnp.concatenate(pooled, axis=-1)
    return (z, center)

# --- scband reference (transcript-rebuilt; emitter-appended) ---
"""Pipeline reference for scband-ocgin-67851893342367 (READ-ONLY COPY).

The authoritative reference and input builder live on the scoring server;
editing this copy changes nothing except your own understanding.
"""

import jax, jax.numpy as jnp
import numpy as np

N = 10000
E = 320000
D = 128
H = 64
L = 3
G = 128


def setup_inputs(seed: int = 0) -> dict:
    key = jax.random.key(seed)
    ks = jax.random.split(key, 4 + 4 * L)
    x = jax.random.normal(ks[0], (N, D), dtype=jnp.float32)
    edge_index = jax.random.randint(ks[1], (2, E), 0, N, dtype=jnp.int32)
    batch = jnp.sort(jax.random.randint(ks[2], (N,), 0, G, dtype=jnp.int32))
    params = []
    for l in range(L):
        in_dim = D if l == 0 else H
        k0 = ks[4 + 4 * l]
        k1 = ks[4 + 4 * l + 1]
        W1 = jax.random.normal(k0, (in_dim, H), dtype=jnp.float32) * (1.0 / np.sqrt(in_dim))
        b1 = jnp.zeros((H,), jnp.float32)
        W2 = jax.random.normal(k1, (H, H), dtype=jnp.float32) * (1.0 / np.sqrt(H))
        b2 = jnp.zeros((H,), jnp.float32)
        params.append((W1, b1, W2, b2))
    eps = jnp.zeros((L,), jnp.float32)
    center = jnp.zeros((1, H * L), jnp.float32)
    return {"x": x, "edge_index": edge_index, "batch": batch, "params": params, "eps": eps, "center": center}


def reference(x, edge_index, batch, params, eps, center):
    # myGIN: stack of GIN convs h' = MLP((1+eps)*h + sum_{j in N(i)} h_j),
    # with per-layer global-add-pooled graph embeddings concatenated (dim_targets * num_layers).
    src = edge_index[0]
    dst = edge_index[1]
    h = x
    pooled = []
    for l in range(L):
        W1, b1, W2, b2 = params[l]
        msgs = jnp.take(h, src, axis=0)
        agg = jax.ops.segment_sum(msgs, dst, num_segments=N)
        t = (1.0 + eps[l]) * h + agg
        t = jnp.maximum(t @ W1 + b1, 0.0)
        t = t @ W2 + b2
        h = jnp.maximum(t, 0.0)
        pooled.append(jax.ops.segment_sum(h, batch, num_segments=G))
    z = jnp.concatenate(pooled, axis=-1)
    return (z, center)

if __name__ == "__main__":
    import jax
    _d = setup_inputs()
    print(jax.jit(kernel)(*tuple(_d.values())))

</pallas_src>

<mosaic_0001>
#map = affine_map<(d0, d1) -> (0, 0)>
#map1 = affine_map<(d0, d1) -> (0, 0, 0)>
module attributes {stable_mosaic.version = 14 : i64} {
  func.func @sc_segsum(%arg0: i32, %arg1: i32, %arg2: memref<10000x64xbf16, #tpu.memory_space<hbm>>, %arg3: memref<2x2560x128xi32, #tpu.memory_space<hbm>>, %arg4: memref<10240x64xbf16, #tpu.memory_space<hbm>>, %arg5: memref<2x10240x64xbf16, #tpu.memory_space<hbm>>, %arg6: memref<80x128xi32, #tpu.memory_space<vmem>>, %arg7: memref<80x128xi32, #tpu.memory_space<vmem>>, %arg8: memref<5x128x64xbf16, #tpu.memory_space<vmem>>, %arg9: memref<10240x64xbf16, #tpu.memory_space<vmem_shared>>, %arg10: memref<5x!tpu.dma_semaphore, #tpu.memory_space<semaphore_mem>>) attributes {dimension_semantics = [#tpu.dimension_semantics<core_parallel>, #tpu.dimension_semantics<subcore_parallel>], iteration_bounds = array<i64: 2, 16>, scalar_prefetch = 0 : i64, scratch_operands = 5 : i64, tpu.core_type = #tpu.core_type<sc_vector_subcore>, window_params = [{transform_indices = #map}, {transform_indices = #map1}, {transform_indices = #map}, {transform_indices = #map1}]} {
    %mul3A = arith.constant 2 : i32
    %mul3A_0 = arith.muli %arg1, %mul3A : i32
    %add3A = arith.addi %mul3A_0, %arg0 : i32
    %mul3A_1 = arith.constant 640 : i32
    %mul3A_2 = arith.muli %arg1, %mul3A_1 : i32
    %multiple_of3A = tpu.assume_multiple %mul3A_2, 8 : i32
    %mul3A_3 = arith.constant 80 : i32
    %mul3A_4 = arith.muli %add3A, %mul3A_3 : i32
    %run_scoped3A = arith.constant 0 : i32
    "tpu.region"() ({
      %run_scoped3A_173 = tpu.sem_alloc : memref<!tpu.dma_semaphore, #tpu.memory_space<semaphore_mem>>
      %dma_start3A_174 = arith.constant 0 : i32
      %dma_start3A_175 = tpu.memref_slice %arg3[%run_scoped3A, %mul3A_4, %dma_start3A_174] : memref<2x2560x128xi32, #tpu.memory_space<hbm>> -> memref<1x80x128xi32, #tpu.memory_space<hbm>>
      %dma_start3A_176 = tpu.memref_squeeze %dma_start3A_175 : memref<1x80x128xi32, #tpu.memory_space<hbm>> -> memref<80x128xi32, #tpu.memory_space<hbm>>
      %dma_start3A_177 = arith.constant 0 : i32
      %dma_start3A_178 = tpu.memref_slice %arg3[%run_scoped3A, %mul3A_4, %dma_start3A_177] : memref<2x2560x128xi32, #tpu.memory_space<hbm>> -> memref<1x80x128xi32, #tpu.memory_space<hbm>>
      %dma_start3A_179 = tpu.memref_squeeze %dma_start3A_178 : memref<1x80x128xi32, #tpu.memory_space<hbm>> -> memref<80x128xi32, #tpu.memory_space<hbm>>
      tpu.enqueue_dma source(%dma_start3A_179 : memref<80x128xi32, #tpu.memory_space<hbm>>) target(%arg6 : memref<80x128xi32, #tpu.memory_space<vmem>>) target_semaphore(%run_scoped3A_173 : memref<!tpu.dma_semaphore, #tpu.memory_space<semaphore_mem>>)
      %dma_wait3A_180 = arith.constant 0 : i32
      %dma_wait3A_181 = tpu.memref_slice %arg3[%run_scoped3A, %mul3A_4, %dma_wait3A_180] : memref<2x2560x128xi32, #tpu.memory_space<hbm>> -> memref<1x80x128xi32, #tpu.memory_space<hbm>>
      %dma_wait3A_182 = tpu.memref_squeeze %dma_wait3A_181 : memref<1x80x128xi32, #tpu.memory_space<hbm>> -> memref<80x128xi32, #tpu.memory_space<hbm>>
      %dma_wait3A_183 = arith.constant 0 : i32
      %dma_wait3A_184 = tpu.memref_slice %arg3[%run_scoped3A, %mul3A_4, %dma_wait3A_183] : memref<2x2560x128xi32, #tpu.memory_space<hbm>> -> memref<1x80x128xi32, #tpu.memory_space<hbm>>
      %dma_wait3A_185 = tpu.memref_squeeze %dma_wait3A_184 : memref<1x80x128xi32, #tpu.memory_space<hbm>> -> memref<80x128xi32, #tpu.memory_space<hbm>>
      tpu.wait_dma2 semaphore(%run_scoped3A_173 : memref<!tpu.dma_semaphore, #tpu.memory_space<semaphore_mem>>) src(%dma_wait3A_185 : memref<80x128xi32, #tpu.memory_space<hbm>>) dst(%arg6 : memref<80x128xi32, #tpu.memory_space<vmem>>)
      tpu.yield
    }) : () -> ()
    %mul3A_5 = arith.constant 80 : i32
    %mul3A_6 = arith.muli %add3A, %mul3A_5 : i32
    %run_scoped3A_7 = arith.constant 1 : i32
    "tpu.region"() ({
      %run_scoped3A_173 = tpu.sem_alloc : memref<!tpu.dma_semaphore, #tpu.memory_space<semaphore_mem>>
      %dma_start3A_174 = arith.constant 0 : i32
      %dma_start3A_175 = tpu.memref_slice %arg3[%run_scoped3A_7, %mul3A_6, %dma_start3A_174] : memref<2x2560x128xi32, #tpu.memory_space<hbm>> -> memref<1x80x128xi32, #tpu.memory_space<hbm>>
      %dma_start3A_176 = tpu.memref_squeeze %dma_start3A_175 : memref<1x80x128xi32, #tpu.memory_space<hbm>> -> memref<80x128xi32, #tpu.memory_space<hbm>>
      %dma_start3A_177 = arith.constant 0 : i32
      %dma_start3A_178 = tpu.memref_slice %arg3[%run_scoped3A_7, %mul3A_6, %dma_start3A_177] : memref<2x2560x128xi32, #tpu.memory_space<hbm>> -> memref<1x80x128xi32, #tpu.memory_space<hbm>>
      %dma_start3A_179 = tpu.memref_squeeze %dma_start3A_178 : memref<1x80x128xi32, #tpu.memory_space<hbm>> -> memref<80x128xi32, #tpu.memory_space<hbm>>
      tpu.enqueue_dma source(%dma_start3A_179 : memref<80x128xi32, #tpu.memory_space<hbm>>) target(%arg7 : memref<80x128xi32, #tpu.memory_space<vmem>>) target_semaphore(%run_scoped3A_173 : memref<!tpu.dma_semaphore, #tpu.memory_space<semaphore_mem>>)
      %dma_wait3A_180 = arith.constant 0 : i32
      %dma_wait3A_181 = tpu.memref_slice %arg3[%run_scoped3A_7, %mul3A_6, %dma_wait3A_180] : memref<2x2560x128xi32, #tpu.memory_space<hbm>> -> memref<1x80x128xi32, #tpu.memory_space<hbm>>
      %dma_wait3A_182 = tpu.memref_squeeze %dma_wait3A_181 : memref<1x80x128xi32, #tpu.memory_space<hbm>> -> memref<80x128xi32, #tpu.memory_space<hbm>>
      %dma_wait3A_183 = arith.constant 0 : i32
      %dma_wait3A_184 = tpu.memref_slice %arg3[%run_scoped3A_7, %mul3A_6, %dma_wait3A_183] : memref<2x2560x128xi32, #tpu.memory_space<hbm>> -> memref<1x80x128xi32, #tpu.memory_space<hbm>>
      %dma_wait3A_185 = tpu.memref_squeeze %dma_wait3A_184 : memref<1x80x128xi32, #tpu.memory_space<hbm>> -> memref<80x128xi32, #tpu.memory_space<hbm>>
      tpu.wait_dma2 semaphore(%run_scoped3A_173 : memref<!tpu.dma_semaphore, #tpu.memory_space<semaphore_mem>>) src(%dma_wait3A_185 : memref<80x128xi32, #tpu.memory_space<hbm>>) dst(%arg7 : memref<80x128xi32, #tpu.memory_space<vmem>>)
      tpu.yield
    }) : () -> ()
    "tpu.region"() ({
      %run_scoped3A_173 = tpu.sem_alloc : memref<!tpu.dma_semaphore, #tpu.memory_space<semaphore_mem>>
      %dma_start3A_174 = arith.constant 0 : i32
      %dma_start3A_175 = tpu.memref_slice %arg9[%multiple_of3A, %dma_start3A_174] : memref<10240x64xbf16, #tpu.memory_space<vmem_shared>> -> memref<640x64xbf16, #tpu.memory_space<vmem_shared>>
      %dma_start3A_176 = arith.constant 0 : i32
      %dma_start3A_177 = tpu.memref_slice %arg4[%multiple_of3A, %dma_start3A_176] : memref<10240x64xbf16, #tpu.memory_space<hbm>> -> memref<640x64xbf16, #tpu.memory_space<hbm>>
      tpu.enqueue_dma source(%dma_start3A_177 : memref<640x64xbf16, #tpu.memory_space<hbm>>) target(%dma_start3A_175 : memref<640x64xbf16, #tpu.memory_space<vmem_shared>>) target_semaphore(%run_scoped3A_173 : memref<!tpu.dma_semaphore, #tpu.memory_space<semaphore_mem>>)
      %dma_wait3A_178 = arith.constant 0 : i32
      %dma_wait3A_179 = tpu.memref_slice %arg9[%multiple_of3A, %dma_wait3A_178] : memref<10240x64xbf16, #tpu.memory_space<vmem_shared>> -> memref<640x64xbf16, #tpu.memory_space<vmem_shared>>
      %dma_wait3A_180 = arith.constant 0 : i32
      %dma_wait3A_181 = tpu.memref_slice %arg4[%multiple_of3A, %dma_wait3A_180] : memref<10240x64xbf16, #tpu.memory_space<hbm>> -> memref<640x64xbf16, #tpu.memory_space<hbm>>
      tpu.wait_dma2 semaphore(%run_scoped3A_173 : memref<!tpu.dma_semaphore, #tpu.memory_space<semaphore_mem>>) src(%dma_wait3A_181 : memref<640x64xbf16, #tpu.memory_space<hbm>>) dst(%dma_wait3A_179 : memref<640x64xbf16, #tpu.memory_space<vmem_shared>>)
      tpu.yield
    }) : () -> ()
    %barrier3A = arith.constant 0 : index
    tpu.barrier barrier_id(%barrier3A)
    %dma_start3A = arith.constant 0 : i32
    %dma_start3A_8 = arith.constant 0 : i32
    %dma_start3A_9 = arith.constant 0 : i32
    %dma_start3A_10 = arith.constant 0 : i32
    %dma_start3A_11 = arith.constant 0 : i32
    %dma_start3A_12 = tpu.memref_slice %arg8[%dma_start3A_8, %dma_start3A_10, %dma_start3A_11] : memref<5x128x64xbf16, #tpu.memory_space<vmem>> -> memref<1x128x64xbf16, #tpu.memory_space<vmem>>
    %dma_start3A_13 = tpu.memref_squeeze %dma_start3A_12 : memref<1x128x64xbf16, #tpu.memory_space<vmem>> -> memref<128x64xbf16, #tpu.memory_space<vmem>>
    %dma_start3A_14 = arith.constant 0 : i32
    %dma_start3A_15 = tpu.memref_slice %arg6[%dma_start3A, %dma_start3A_14] : memref<80x128xi32, #tpu.memory_space<vmem>> -> memref<1x128xi32, #tpu.memory_space<vmem>>
    %dma_start3A_16 = tpu.memref_squeeze %dma_start3A_15 : memref<1x128xi32, #tpu.memory_space<vmem>> -> memref<128xi32, #tpu.memory_space<vmem>>
    %dma_start3A_17 = arith.constant 0 : i32
    %dma_start3A_18 = arith.constant 0 : i32
    %dma_start3A_19 = tpu.memref_slice %arg2[%dma_start3A_17, %dma_start3A_18] : memref<10000x64xbf16, #tpu.memory_space<hbm>> -> memref<10000x64xbf16, #tpu.memory_space<hbm>>
    %dma_start3A_20 = tpu.memref_slice %arg10[%dma_start3A_9] : memref<5x!tpu.dma_semaphore, #tpu.memory_space<semaphore_mem>> -> memref<1x!tpu.dma_semaphore, #tpu.memory_space<semaphore_mem>>
    %dma_start3A_21 = tpu.memref_squeeze %dma_start3A_20 : memref<1x!tpu.dma_semaphore, #tpu.memory_space<semaphore_mem>> -> memref<!tpu.dma_semaphore, #tpu.memory_space<semaphore_mem>>
    tpu.enqueue_indirect_dma source(%dma_start3A_19 : memref<10000x64xbf16, #tpu.memory_space<hbm>>) target(%dma_start3A_13 : memref<128x64xbf16, #tpu.memory_space<vmem>>) offsets(%dma_start3A_16 : memref<128xi32, #tpu.memory_space<vmem>>) semaphore(%dma_start3A_21 : memref<!tpu.dma_semaphore, #tpu.memory_space<semaphore_mem>>)
    %dma_start3A_22 = arith.constant 1 : i32
    %dma_start3A_23 = arith.constant 1 : i32
    %dma_start3A_24 = arith.constant 1 : i32
    %dma_start3A_25 = arith.constant 0 : i32
    %dma_start3A_26 = arith.constant 0 : i32
    %dma_start3A_27 = tpu.memref_slice %arg8[%dma_start3A_23, %dma_start3A_25, %dma_start3A_26] : memref<5x128x64xbf16, #tpu.memory_space<vmem>> -> memref<1x128x64xbf16, #tpu.memory_space<vmem>>
    %dma_start3A_28 = tpu.memref_squeeze %dma_start3A_27 : memref<1x128x64xbf16, #tpu.memory_space<vmem>> -> memref<128x64xbf16, #tpu.memory_space<vmem>>
    %dma_start3A_29 = arith.constant 0 : i32
    %dma_start3A_30 = tpu.memref_slice %arg6[%dma_start3A_22, %dma_start3A_29] : memref<80x128xi32, #tpu.memory_space<vmem>> -> memref<1x128xi32, #tpu.memory_space<vmem>>
    %dma_start3A_31 = tpu.memref_squeeze %dma_start3A_30 : memref<1x128xi32, #tpu.memory_space<vmem>> -> memref<128xi32, #tpu.memory_space<vmem>>
    %dma_start3A_32 = arith.constant 0 : i32
    %dma_start3A_33 = arith.constant 0 : i32
    %dma_start3A_34 = tpu.memref_slice %arg2[%dma_start3A_32, %dma_start3A_33] : memref<10000x64xbf16, #tpu.memory_space<hbm>> -> memref<10000x64xbf16, #tpu.memory_space<hbm>>
    %dma_start3A_35 = tpu.memref_slice %arg10[%dma_start3A_24] : memref<5x!tpu.dma_semaphore, #tpu.memory_space<semaphore_mem>> -> memref<1x!tpu.dma_semaphore, #tpu.memory_space<semaphore_mem>>
    %dma_start3A_36 = tpu.memref_squeeze %dma_start3A_35 : memref<1x!tpu.dma_semaphore, #tpu.memory_space<semaphore_mem>> -> memref<!tpu.dma_semaphore, #tpu.memory_space<semaphore_mem>>
    tpu.enqueue_indirect_dma source(%dma_start3A_34 : memref<10000x64xbf16, #tpu.memory_space<hbm>>) target(%dma_start3A_28 : memref<128x64xbf16, #tpu.memory_space<vmem>>) offsets(%dma_start3A_31 : memref<128xi32, #tpu.memory_space<vmem>>) semaphore(%dma_start3A_36 : memref<!tpu.dma_semaphore, #tpu.memory_space<semaphore_mem>>)
    %dma_start3A_37 = arith.constant 2 : i32
    %dma_start3A_38 = arith.constant 2 : i32
    %dma_start3A_39 = arith.constant 2 : i32
    %dma_start3A_40 = arith.constant 0 : i32
    %dma_start3A_41 = arith.constant 0 : i32
    %dma_start3A_42 = tpu.memref_slice %arg8[%dma_start3A_38, %dma_start3A_40, %dma_start3A_41] : memref<5x128x64xbf16, #tpu.memory_space<vmem>> -> memref<1x128x64xbf16, #tpu.memory_space<vmem>>
    %dma_start3A_43 = tpu.memref_squeeze %dma_start3A_42 : memref<1x128x64xbf16, #tpu.memory_space<vmem>> -> memref<128x64xbf16, #tpu.memory_space<vmem>>
    %dma_start3A_44 = arith.constant 0 : i32
    %dma_start3A_45 = tpu.memref_slice %arg6[%dma_start3A_37, %dma_start3A_44] : memref<80x128xi32, #tpu.memory_space<vmem>> -> memref<1x128xi32, #tpu.memory_space<vmem>>
    %dma_start3A_46 = tpu.memref_squeeze %dma_start3A_45 : memref<1x128xi32, #tpu.memory_space<vmem>> -> memref<128xi32, #tpu.memory_space<vmem>>
    %dma_start3A_47 = arith.constant 0 : i32
    %dma_start3A_48 = arith.constant 0 : i32
    %dma_start3A_49 = tpu.memref_slice %arg2[%dma_start3A_47, %dma_start3A_48] : memref<10000x64xbf16, #tpu.memory_space<hbm>> -> memref<10000x64xbf16, #tpu.memory_space<hbm>>
    %dma_start3A_50 = tpu.memref_slice %arg10[%dma_start3A_39] : memref<5x!tpu.dma_semaphore, #tpu.memory_space<semaphore_mem>> -> memref<1x!tpu.dma_semaphore, #tpu.memory_space<semaphore_mem>>
    %dma_start3A_51 = tpu.memref_squeeze %dma_start3A_50 : memref<1x!tpu.dma_semaphore, #tpu.memory_space<semaphore_mem>> -> memref<!tpu.dma_semaphore, #tpu.memory_space<semaphore_mem>>
    tpu.enqueue_indirect_dma source(%dma_start3A_49 : memref<10000x64xbf16, #tpu.memory_space<hbm>>) target(%dma_start3A_43 : memref<128x64xbf16, #tpu.memory_space<vmem>>) offsets(%dma_start3A_46 : memref<128xi32, #tpu.memory_space<vmem>>) semaphore(%dma_start3A_51 : memref<!tpu.dma_semaphore, #tpu.memory_space<semaphore_mem>>)
    %dma_start3A_52 = arith.constant 3 : i32
    %dma_start3A_53 = arith.constant 3 : i32
    %dma_start3A_54 = arith.constant 3 : i32
    %dma_start3A_55 = arith.constant 0 : i32
    %dma_start3A_56 = arith.constant 0 : i32
    %dma_start3A_57 = tpu.memref_slice %arg8[%dma_start3A_53, %dma_start3A_55, %dma_start3A_56] : memref<5x128x64xbf16, #tpu.memory_space<vmem>> -> memref<1x128x64xbf16, #tpu.memory_space<vmem>>
    %dma_start3A_58 = tpu.memref_squeeze %dma_start3A_57 : memref<1x128x64xbf16, #tpu.memory_space<vmem>> -> memref<128x64xbf16, #tpu.memory_space<vmem>>
    %dma_start3A_59 = arith.constant 0 : i32
    %dma_start3A_60 = tpu.memref_slice %arg6[%dma_start3A_52, %dma_start3A_59] : memref<80x128xi32, #tpu.memory_space<vmem>> -> memref<1x128xi32, #tpu.memory_space<vmem>>
    %dma_start3A_61 = tpu.memref_squeeze %dma_start3A_60 : memref<1x128xi32, #tpu.memory_space<vmem>> -> memref<128xi32, #tpu.memory_space<vmem>>
    %dma_start3A_62 = arith.constant 0 : i32
    %dma_start3A_63 = arith.constant 0 : i32
    %dma_start3A_64 = tpu.memref_slice %arg2[%dma_start3A_62, %dma_start3A_63] : memref<10000x64xbf16, #tpu.memory_space<hbm>> -> memref<10000x64xbf16, #tpu.memory_space<hbm>>
    %dma_start3A_65 = tpu.memref_slice %arg10[%dma_start3A_54] : memref<5x!tpu.dma_semaphore, #tpu.memory_space<semaphore_mem>> -> memref<1x!tpu.dma_semaphore, #tpu.memory_space<semaphore_mem>>
    %dma_start3A_66 = tpu.memref_squeeze %dma_start3A_65 : memref<1x!tpu.dma_semaphore, #tpu.memory_space<semaphore_mem>> -> memref<!tpu.dma_semaphore, #tpu.memory_space<semaphore_mem>>
    tpu.enqueue_indirect_dma source(%dma_start3A_64 : memref<10000x64xbf16, #tpu.memory_space<hbm>>) target(%dma_start3A_58 : memref<128x64xbf16, #tpu.memory_space<vmem>>) offsets(%dma_start3A_61 : memref<128xi32, #tpu.memory_space<vmem>>) semaphore(%dma_start3A_66 : memref<!tpu.dma_semaphore, #tpu.memory_space<semaphore_mem>>)
    %dma_start3A_67 = arith.constant 4 : i32
    %dma_start3A_68 = arith.constant 4 : i32
    %dma_start3A_69 = arith.constant 4 : i32
    %dma_start3A_70 = arith.constant 0 : i32
    %dma_start3A_71 = arith.constant 0 : i32
    %dma_start3A_72 = tpu.memref_slice %arg8[%dma_start3A_68, %dma_start3A_70, %dma_start3A_71] : memref<5x128x64xbf16, #tpu.memory_space<vmem>> -> memref<1x128x64xbf16, #tpu.memory_space<vmem>>
    %dma_start3A_73 = tpu.memref_squeeze %dma_start3A_72 : memref<1x128x64xbf16, #tpu.memory_space<vmem>> -> memref<128x64xbf16, #tpu.memory_space<vmem>>
    %dma_start3A_74 = arith.constant 0 : i32
    %dma_start3A_75 = tpu.memref_slice %arg6[%dma_start3A_67, %dma_start3A_74] : memref<80x128xi32, #tpu.memory_space<vmem>> -> memref<1x128xi32, #tpu.memory_space<vmem>>
    %dma_start3A_76 = tpu.memref_squeeze %dma_start3A_75 : memref<1x128xi32, #tpu.memory_space<vmem>> -> memref<128xi32, #tpu.memory_space<vmem>>
    %dma_start3A_77 = arith.constant 0 : i32
    %dma_start3A_78 = arith.constant 0 : i32
    %dma_start3A_79 = tpu.memref_slice %arg2[%dma_start3A_77, %dma_start3A_78] : memref<10000x64xbf16, #tpu.memory_space<hbm>> -> memref<10000x64xbf16, #tpu.memory_space<hbm>>
    %dma_start3A_80 = tpu.memref_slice %arg10[%dma_start3A_69] : memref<5x!tpu.dma_semaphore, #tpu.memory_space<semaphore_mem>> -> memref<1x!tpu.dma_semaphore, #tpu.memory_space<semaphore_mem>>
    %dma_start3A_81 = tpu.memref_squeeze %dma_start3A_80 : memref<1x!tpu.dma_semaphore, #tpu.memory_space<semaphore_mem>> -> memref<!tpu.dma_semaphore, #tpu.memory_space<semaphore_mem>>
    tpu.enqueue_indirect_dma source(%dma_start3A_79 : memref<10000x64xbf16, #tpu.memory_space<hbm>>) target(%dma_start3A_73 : memref<128x64xbf16, #tpu.memory_space<vmem>>) offsets(%dma_start3A_76 : memref<128xi32, #tpu.memory_space<vmem>>) semaphore(%dma_start3A_81 : memref<!tpu.dma_semaphore, #tpu.memory_space<semaphore_mem>>)
    %scan3A = arith.constant 0 : i32
    %scan3A_82 = arith.constant 1 : i32
    %scan3A_83 = arith.constant 15 : i32
    %scan3A_84 = arith.addi %scan3A_82, %scan3A_83 : i32
    %scan3A_85 = arith.constant 1 : i32
    %scan3A_86 = scf.for %scan3A_173 = %scan3A_82 to %scan3A_84 step %scan3A_85 iter_args(%scan3A_174 = %scan3A) -> (i32)  : i32 {
      %sub3A = arith.constant 1 : i32
      %sub3A_175 = arith.subi %scan3A_173, %sub3A : i32
      %mul3A_176 = arith.constant 5 : i32
      %mul3A_177 = arith.muli %sub3A_175, %mul3A_176 : i32
      %add3A_178 = arith.constant 0 : i32
      %add3A_179 = arith.addi %mul3A_177, %add3A_178 : i32
      %dma_wait3A_180 = arith.constant 0 : i32
      %dma_wait3A_181 = arith.constant 0 : i32
      %dma_wait3A_182 = arith.constant 0 : i32
      %dma_wait3A_183 = arith.constant 0 : i32
      %dma_wait3A_184 = tpu.memref_slice %arg8[%dma_wait3A_180, %dma_wait3A_182, %dma_wait3A_183] : memref<5x128x64xbf16, #tpu.memory_space<vmem>> -> memref<1x128x64xbf16, #tpu.memory_space<vmem>>
      %dma_wait3A_185 = tpu.memref_squeeze %dma_wait3A_184 : memref<1x128x64xbf16, #tpu.memory_space<vmem>> -> memref<128x64xbf16, #tpu.memory_space<vmem>>
      %dma_wait3A_186 = arith.constant 0 : i32
      %dma_wait3A_187 = tpu.memref_slice %arg6[%add3A_179, %dma_wait3A_186] : memref<80x128xi32, #tpu.memory_space<vmem>> -> memref<1x128xi32, #tpu.memory_space<vmem>>
      %dma_wait3A_188 = tpu.memref_squeeze %dma_wait3A_187 : memref<1x128xi32, #tpu.memory_space<vmem>> -> memref<128xi32, #tpu.memory_space<vmem>>
      %dma_wait3A_189 = arith.constant 0 : i32
      %dma_wait3A_190 = arith.constant 0 : i32
      %dma_wait3A_191 = tpu.memref_slice %arg2[%dma_wait3A_189, %dma_wait3A_190] : memref<10000x64xbf16, #tpu.memory_space<hbm>> -> memref<10000x64xbf16, #tpu.memory_space<hbm>>
      %dma_wait3A_192 = tpu.memref_slice %arg10[%dma_wait3A_181] : memref<5x!tpu.dma_semaphore, #tpu.memory_space<semaphore_mem>> -> memref<1x!tpu.dma_semaphore, #tpu.memory_space<semaphore_mem>>
      %dma_wait3A_193 = tpu.memref_squeeze %dma_wait3A_192 : memref<1x!tpu.dma_semaphore, #tpu.memory_space<semaphore_mem>> -> memref<!tpu.dma_semaphore, #tpu.memory_space<semaphore_mem>>
      tpu.wait_indirect_dma semaphore(%dma_wait3A_193 : memref<!tpu.dma_semaphore, #tpu.memory_space<semaphore_mem>>) src(%dma_wait3A_191 : memref<10000x64xbf16, #tpu.memory_space<hbm>>) dst(%dma_wait3A_185 : memref<128x64xbf16, #tpu.memory_space<vmem>>)
      %mul3A_194 = arith.constant 5 : i32
      %mul3A_195 = arith.muli %sub3A_175, %mul3A_194 : i32
      %add3A_196 = arith.constant 0 : i32
      %add3A_197 = arith.addi %mul3A_195, %add3A_196 : i32
      %run_scoped3A_198 = arith.constant 0 : i32
      "tpu.region"() ({
        %run_scoped3A_390 = tpu.sem_alloc : memref<!tpu.dma_semaphore, #tpu.memory_space<semaphore_mem>>
        %dma_start3A_391 = arith.constant 0 : i32
        %dma_start3A_392 = arith.constant 0 : i32
        %dma_start3A_393 = tpu.memref_slice %arg8[%run_scoped3A_198, %dma_start3A_391, %dma_start3A_392] : memref<5x128x64xbf16, #tpu.memory_space<vmem>> -> memref<1x128x64xbf16, #tpu.memory_space<vmem>>
        %dma_start3A_394 = tpu.memref_squeeze %dma_start3A_393 : memref<1x128x64xbf16, #tpu.memory_space<vmem>> -> memref<128x64xbf16, #tpu.memory_space<vmem>>
        %dma_start3A_395 = arith.constant 0 : i32
        %dma_start3A_396 = tpu.memref_slice %arg7[%add3A_197, %dma_start3A_395] : memref<80x128xi32, #tpu.memory_space<vmem>> -> memref<1x128xi32, #tpu.memory_space<vmem>>
        %dma_start3A_397 = tpu.memref_squeeze %dma_start3A_396 : memref<1x128xi32, #tpu.memory_space<vmem>> -> memref<128xi32, #tpu.memory_space<vmem>>
        %dma_start3A_398 = arith.constant 0 : i32
        %dma_start3A_399 = arith.constant 0 : i32
        %dma_start3A_400 = tpu.memref_slice %arg9[%dma_start3A_398, %dma_start3A_399] : memref<10240x64xbf16, #tpu.memory_space<vmem_shared>> -> memref<10240x64xbf16, #tpu.memory_space<vmem_shared>>
        tpu.enqueue_indirect_dma source(%dma_start3A_394 : memref<128x64xbf16, #tpu.memory_space<vmem>>) target(%dma_start3A_400 : memref<10240x64xbf16, #tpu.memory_space<vmem_shared>>) offsets(%dma_start3A_397 : memref<128xi32, #tpu.memory_space<vmem>>) semaphore(%run_scoped3A_390 : memref<!tpu.dma_semaphore, #tpu.memory_space<semaphore_mem>>) {add = true}
        %dma_wait3A_401 = arith.constant 0 : i32
        %dma_wait3A_402 = arith.constant 0 : i32
        %dma_wait3A_403 = tpu.memref_slice %arg8[%run_scoped3A_198, %dma_wait3A_401, %dma_wait3A_402] : memref<5x128x64xbf16, #tpu.memory_space<vmem>> -> memref<1x128x64xbf16, #tpu.memory_space<vmem>>
        %dma_wait3A_404 = tpu.memref_squeeze %dma_wait3A_403 : memref<1x128x64xbf16, #tpu.memory_space<vmem>> -> memref<128x64xbf16, #tpu.memory_space<vmem>>
        %dma_wait3A_405 = arith.constant 0 : i32
        %dma_wait3A_406 = tpu.memref_slice %arg7[%add3A_197, %dma_wait3A_405] : memref<80x128xi32, #tpu.memory_space<vmem>> -> memref<1x128xi32, #tpu.memory_space<vmem>>
        %dma_wait3A_407 = tpu.memref_squeeze %dma_wait3A_406 : memref<1x128xi32, #tpu.memory_space<vmem>> -> memref<128xi32, #tpu.memory_space<vmem>>
        %dma_wait3A_408 = arith.constant 0 : i32
        %dma_wait3A_409 = arith.constant 0 : i32
        %dma_wait3A_410 = tpu.memref_slice %arg9[%dma_wait3A_408, %dma_wait3A_409] : memref<10240x64xbf16, #tpu.memory_space<vmem_shared>> -> memref<10240x64xbf16, #tpu.memory_space<vmem_shared>>
        tpu.wait_indirect_dma semaphore(%run_scoped3A_390 : memref<!tpu.dma_semaphore, #tpu.memory_space<semaphore_mem>>) src(%dma_wait3A_404 : memref<128x64xbf16, #tpu.memory_space<vmem>>) dst(%dma_wait3A_410 : memref<10240x64xbf16, #tpu.memory_space<vmem_shared>>)
        tpu.yield
      }) : () -> ()
      %mul3A_199 = arith.constant 5 : i32
      %mul3A_200 = arith.muli %scan3A_173, %mul3A_199 : i32
      %add3A_201 = arith.constant 0 : i32
      %add3A_202 = arith.addi %mul3A_200, %add3A_201 : i32
      %dma_start3A_203 = arith.constant 0 : i32
      %dma_start3A_204 = arith.constant 0 : i32
      %dma_start3A_205 = arith.constant 0 : i32
      %dma_start3A_206 = arith.constant 0 : i32
      %dma_start3A_207 = tpu.memref_slice %arg8[%dma_start3A_203, %dma_start3A_205, %dma_start3A_206] : memref<5x128x64xbf16, #tpu.memory_space<vmem>> -> memref<1x128x64xbf16, #tpu.memory_space<vmem>>
      %dma_start3A_208 = tpu.memref_squeeze %dma_start3A_207 : memref<1x128x64xbf16, #tpu.memory_space<vmem>> -> memref<128x64xbf16, #tpu.memory_space<vmem>>
      %dma_start3A_209 = arith.constant 0 : i32
      %dma_start3A_210 = tpu.memref_slice %arg6[%add3A_202, %dma_start3A_209] : memref<80x128xi32, #tpu.memory_space<vmem>> -> memref<1x128xi32, #tpu.memory_space<vmem>>
      %dma_start3A_211 = tpu.memref_squeeze %dma_start3A_210 : memref<1x128xi32, #tpu.memory_space<vmem>> -> memref<128xi32, #tpu.memory_space<vmem>>
      %dma_start3A_212 = arith.constant 0 : i32
      %dma_start3A_213 = arith.constant 0 : i32
      %dma_start3A_214 = tpu.memref_slice %arg2[%dma_start3A_212, %dma_start3A_213] : memref<10000x64xbf16, #tpu.memory_space<hbm>> -> memref<10000x64xbf16, #tpu.memory_space<hbm>>
      %dma_start3A_215 = tpu.memref_slice %arg10[%dma_start3A_204] : memref<5x!tpu.dma_semaphore, #tpu.memory_space<semaphore_mem>> -> memref<1x!tpu.dma_semaphore, #tpu.memory_space<semaphore_mem>>
      %dma_start3A_216 = tpu.memref_squeeze %dma_start3A_215 : memref<1x!tpu.dma_semaphore, #tpu.memory_space<semaphore_mem>> -> memref<!tpu.dma_semaphore, #tpu.memory_space<semaphore_mem>>
      tpu.enqueue_indirect_dma source(%dma_start3A_214 : memref<10000x64xbf16, #tpu.memory_space<hbm>>) target(%dma_start3A_208 : memref<128x64xbf16, #tpu.memory_space<vmem>>) offsets(%dma_start3A_211 : memref<128xi32, #tpu.memory_space<vmem>>) semaphore(%dma_start3A_216 : memref<!tpu.dma_semaphore, #tpu.memory_space<semaphore_mem>>)
      %sub3A_217 = arith.constant 1 : i32
      %sub3A_218 = arith.subi %scan3A_173, %sub3A_217 : i32
      %mul3A_219 = arith.constant 5 : i32
      %mul3A_220 = arith.muli %sub3A_218, %mul3A_219 : i32
      %add3A_221 = arith.constant 1 : i32
      %add3A_222 = arith.addi %mul3A_220, %add3A_221 : i32
      %dma_wait3A_223 = arith.constant 1 : i32
      %dma_wait3A_224 = arith.constant 1 : i32
      %dma_wait3A_225 = arith.constant 0 : i32
      %dma_wait3A_226 = arith.constant 0 : i32
      %dma_wait3A_227 = tpu.memref_slice %arg8[%dma_wait3A_223, %dma_wait3A_225, %dma_wait3A_226] : memref<5x128x64xbf16, #tpu.memory_space<vmem>> -> memref<1x128x64xbf16, #tpu.memory_space<vmem>>
      %dma_wait3A_228 = tpu.memref_squeeze %dma_wait3A_227 : memref<1x128x64xbf16, #tpu.memory_space<vmem>> -> memref<128x64xbf16, #tpu.memory_space<vmem>>
      %dma_wait3A_229 = arith.constant 0 : i32
      %dma_wait3A_230 = tpu.memref_slice %arg6[%add3A_222, %dma_wait3A_229] : memref<80x128xi32, #tpu.memory_space<vmem>> -> memref<1x128xi32, #tpu.memory_space<vmem>>
      %dma_wait3A_231 = tpu.memref_squeeze %dma_wait3A_230 : memref<1x128xi32, #tpu.memory_space<vmem>> -> memref<128xi32, #tpu.memory_space<vmem>>
      %dma_wait3A_232 = arith.constant 0 : i32
      %dma_wait3A_233 = arith.constant 0 : i32
      %dma_wait3A_234 = tpu.memref_slice %arg2[%dma_wait3A_232, %dma_wait3A_233] : memref<10000x64xbf16, #tpu.memory_space<hbm>> -> memref<10000x64xbf16, #tpu.memory_space<hbm>>
      %dma_wait3A_235 = tpu.memref_slice %arg10[%dma_wait3A_224] : memref<5x!tpu.dma_semaphore, #tpu.memory_space<semaphore_mem>> -> memref<1x!tpu.dma_semaphore, #tpu.memory_space<semaphore_mem>>
      %dma_wait3A_236 = tpu.memref_squeeze %dma_wait3A_235 : memref<1x!tpu.dma_semaphore, #tpu.memory_space<semaphore_mem>> -> memref<!tpu.dma_semaphore, #tpu.memory_space<semaphore_mem>>
      tpu.wait_indirect_dma semaphore(%dma_wait3A_236 : memref<!tpu.dma_semaphore, #tpu.memory_space<semaphore_mem>>) src(%dma_wait3A_234 : memref<10000x64xbf16, #tpu.memory_space<hbm>>) dst(%dma_wait3A_228 : memref<128x64xbf16, #tpu.memory_space<vmem>>)
      %mul3A_237 = arith.constant 5 : i32
      %mul3A_238 = arith.muli %sub3A_218, %mul3A_237 : i32
      %add3A_239 = arith.constant 1 : i32
      %add3A_240 = arith.addi %mul3A_238, %add3A_239 : i32
      %run_scoped3A_241 = arith.constant 1 : i32
      "tpu.region"() ({
        %run_scoped3A_390 = tpu.sem_alloc : memref<!tpu.dma_semaphore, #tpu.memory_space<semaphore_mem>>
        %dma_start3A_391 = arith.constant 0 : i32
        %dma_start3A_392 = arith.constant 0 : i32
        %dma_start3A_393 = tpu.memref_slice %arg8[%run_scoped3A_241, %dma_start3A_391, %dma_start3A_392] : memref<5x128x64xbf16, #tpu.memory_space<vmem>> -> memref<1x128x64xbf16, #tpu.memory_space<vmem>>
        %dma_start3A_394 = tpu.memref_squeeze %dma_start3A_393 : memref<1x128x64xbf16, #tpu.memory_space<vmem>> -> memref<128x64xbf16, #tpu.memory_space<vmem>>
        %dma_start3A_395 = arith.constant 0 : i32
        %dma_start3A_396 = tpu.memref_slice %arg7[%add3A_240, %dma_start3A_395] : memref<80x128xi32, #tpu.memory_space<vmem>> -> memref<1x128xi32, #tpu.memory_space<vmem>>
        %dma_start3A_397 = tpu.memref_squeeze %dma_start3A_396 : memref<1x128xi32, #tpu.memory_space<vmem>> -> memref<128xi32, #tpu.memory_space<vmem>>
        %dma_start3A_398 = arith.constant 0 : i32
        %dma_start3A_399 = arith.constant 0 : i32
        %dma_start3A_400 = tpu.memref_slice %arg9[%dma_start3A_398, %dma_start3A_399] : memref<10240x64xbf16, #tpu.memory_space<vmem_shared>> -> memref<10240x64xbf16, #tpu.memory_space<vmem_shared>>
        tpu.enqueue_indirect_dma source(%dma_start3A_394 : memref<128x64xbf16, #tpu.memory_space<vmem>>) target(%dma_start3A_400 : memref<10240x64xbf16, #tpu.memory_space<vmem_shared>>) offsets(%dma_start3A_397 : memref<128xi32, #tpu.memory_space<vmem>>) semaphore(%run_scoped3A_390 : memref<!tpu.dma_semaphore, #tpu.memory_space<semaphore_mem>>) {add = true}
        %dma_wait3A_401 = arith.constant 0 : i32
        %dma_wait3A_402 = arith.constant 0 : i32
        %dma_wait3A_403 = tpu.memref_slice %arg8[%run_scoped3A_241, %dma_wait3A_401, %dma_wait3A_402] : memref<5x128x64xbf16, #tpu.memory_space<vmem>> -> memref<1x128x64xbf16, #tpu.memory_space<vmem>>
        %dma_wait3A_404 = tpu.memref_squeeze %dma_wait3A_403 : memref<1x128x64xbf16, #tpu.memory_space<vmem>> -> memref<128x64xbf16, #tpu.memory_space<vmem>>
        %dma_wait3A_405 = arith.constant 0 : i32
        %dma_wait3A_406 = tpu.memref_slice %arg7[%add3A_240, %dma_wait3A_405] : memref<80x128xi32, #tpu.memory_space<vmem>> -> memref<1x128xi32, #tpu.memory_space<vmem>>
        %dma_wait3A_407 = tpu.memref_squeeze %dma_wait3A_406 : memref<1x128xi32, #tpu.memory_space<vmem>> -> memref<128xi32, #tpu.memory_space<vmem>>
        %dma_wait3A_408 = arith.constant 0 : i32
        %dma_wait3A_409 = arith.constant 0 : i32
        %dma_wait3A_410 = tpu.memref_slice %arg9[%dma_wait3A_408, %dma_wait3A_409] : memref<10240x64xbf16, #tpu.memory_space<vmem_shared>> -> memref<10240x64xbf16, #tpu.memory_space<vmem_shared>>
        tpu.wait_indirect_dma semaphore(%run_scoped3A_390 : memref<!tpu.dma_semaphore, #tpu.memory_space<semaphore_mem>>) src(%dma_wait3A_404 : memref<128x64xbf16, #tpu.memory_space<vmem>>) dst(%dma_wait3A_410 : memref<10240x64xbf16, #tpu.memory_space<vmem_shared>>)
        tpu.yield
      }) : () -> ()
      %mul3A_242 = arith.constant 5 : i32
      %mul3A_243 = arith.muli %scan3A_173, %mul3A_242 : i32
      %add3A_244 = arith.constant 1 : i32
      %add3A_245 = arith.addi %mul3A_243, %add3A_244 : i32
      %dma_start3A_246 = arith.constant 1 : i32
      %dma_start3A_247 = arith.constant 1 : i32
      %dma_start3A_248 = arith.constant 0 : i32
      %dma_start3A_249 = arith.constant 0 : i32
      %dma_start3A_250 = tpu.memref_slice %arg8[%dma_start3A_246, %dma_start3A_248, %dma_start3A_249] : memref<5x128x64xbf16, #tpu.memory_space<vmem>> -> memref<1x128x64xbf16, #tpu.memory_space<vmem>>
      %dma_start3A_251 = tpu.memref_squeeze %dma_start3A_250 : memref<1x128x64xbf16, #tpu.memory_space<vmem>> -> memref<128x64xbf16, #tpu.memory_space<vmem>>
      %dma_start3A_252 = arith.constant 0 : i32
      %dma_start3A_253 = tpu.memref_slice %arg6[%add3A_245, %dma_start3A_252] : memref<80x128xi32, #tpu.memory_space<vmem>> -> memref<1x128xi32, #tpu.memory_space<vmem>>
      %dma_start3A_254 = tpu.memref_squeeze %dma_start3A_253 : memref<1x128xi32, #tpu.memory_space<vmem>> -> memref<128xi32, #tpu.memory_space<vmem>>
      %dma_start3A_255 = arith.constant 0 : i32
      %dma_start3A_256 = arith.constant 0 : i32
      %dma_start3A_257 = tpu.memref_slice %arg2[%dma_start3A_255, %dma_start3A_256] : memref<10000x64xbf16, #tpu.memory_space<hbm>> -> memref<10000x64xbf16, #tpu.memory_space<hbm>>
      %dma_start3A_258 = tpu.memref_slice %arg10[%dma_start3A_247] : memref<5x!tpu.dma_semaphore, #tpu.memory_space<semaphore_mem>> -> memref<1x!tpu.dma_semaphore, #tpu.memory_space<semaphore_mem>>
      %dma_start3A_259 = tpu.memref_squeeze %dma_start3A_258 : memref<1x!tpu.dma_semaphore, #tpu.memory_space<semaphore_mem>> -> memref<!tpu.dma_semaphore, #tpu.memory_space<semaphore_mem>>
      tpu.enqueue_indirect_dma source(%dma_start3A_257 : memref<10000x64xbf16, #tpu.memory_space<hbm>>) target(%dma_start3A_251 : memref<128x64xbf16, #tpu.memory_space<vmem>>) offsets(%dma_start3A_254 : memref<128xi32, #tpu.memory_space<vmem>>) semaphore(%dma_start3A_259 : memref<!tpu.dma_semaphore, #tpu.memory_space<semaphore_mem>>)
      %sub3A_260 = arith.constant 1 : i32
      %sub3A_261 = arith.subi %scan3A_173, %sub3A_260 : i32
      %mul3A_262 = arith.constant 5 : i32
      %mul3A_263 = arith.muli %sub3A_261, %mul3A_262 : i32
      %add3A_264 = arith.constant 2 : i32
      %add3A_265 = arith.addi %mul3A_263, %add3A_264 : i32
      %dma_wait3A_266 = arith.constant 2 : i32
      %dma_wait3A_267 = arith.constant 2 : i32
      %dma_wait3A_268 = arith.constant 0 : i32
      %dma_wait3A_269 = arith.constant 0 : i32
      %dma_wait3A_270 = tpu.memref_slice %arg8[%dma_wait3A_266, %dma_wait3A_268, %dma_wait3A_269] : memref<5x128x64xbf16, #tpu.memory_space<vmem>> -> memref<1x128x64xbf16, #tpu.memory_space<vmem>>
      %dma_wait3A_271 = tpu.memref_squeeze %dma_wait3A_270 : memref<1x128x64xbf16, #tpu.memory_space<vmem>> -> memref<128x64xbf16, #tpu.memory_space<vmem>>
      %dma_wait3A_272 = arith.constant 0 : i32
      %dma_wait3A_273 = tpu.memref_slice %arg6[%add3A_265, %dma_wait3A_272] : memref<80x128xi32, #tpu.memory_space<vmem>> -> memref<1x128xi32, #tpu.memory_space<vmem>>
      %dma_wait3A_274 = tpu.memref_squeeze %dma_wait3A_273 : memref<1x128xi32, #tpu.memory_space<vmem>> -> memref<128xi32, #tpu.memory_space<vmem>>
      %dma_wait3A_275 = arith.constant 0 : i32
      %dma_wait3A_276 = arith.constant 0 : i32
      %dma_wait3A_277 = tpu.memref_slice %arg2[%dma_wait3A_275, %dma_wait3A_276] : memref<10000x64xbf16, #tpu.memory_space<hbm>> -> memref<10000x64xbf16, #tpu.memory_space<hbm>>
      %dma_wait3A_278 = tpu.memref_slice %arg10[%dma_wait3A_267] : memref<5x!tpu.dma_semaphore, #tpu.memory_space<semaphore_mem>> -> memref<1x!tpu.dma_semaphore, #tpu.memory_space<semaphore_mem>>
      %dma_wait3A_279 = tpu.memref_squeeze %dma_wait3A_278 : memref<1x!tpu.dma_semaphore, #tpu.memory_space<semaphore_mem>> -> memref<!tpu.dma_semaphore, #tpu.memory_space<semaphore_mem>>
      tpu.wait_indirect_dma semaphore(%dma_wait3A_279 : memref<!tpu.dma_semaphore, #tpu.memory_space<semaphore_mem>>) src(%dma_wait3A_277 : memref<10000x64xbf16, #tpu.memory_space<hbm>>) dst(%dma_wait3A_271 : memref<128x64xbf16, #tpu.memory_space<vmem>>)
      %mul3A_280 = arith.constant 5 : i32
      %mul3A_281 = arith.muli %sub3A_261, %mul3A_280 : i32
      %add3A_282 = arith.constant 2 : i32
      %add3A_283 = arith.addi %mul3A_281, %add3A_282 : i32
      %run_scoped3A_284 = arith.constant 2 : i32
      "tpu.region"() ({
        %run_scoped3A_390 = tpu.sem_alloc : memref<!tpu.dma_semaphore, #tpu.memory_space<semaphore_mem>>
        %dma_start3A_391 = arith.constant 0 : i32
        %dma_start3A_392 = arith.constant 0 : i32
        %dma_start3A_393 = tpu.memref_slice %arg8[%run_scoped3A_284, %dma_start3A_391, %dma_start3A_392] : memref<5x128x64xbf16, #tpu.memory_space<vmem>> -> memref<1x128x64xbf16, #tpu.memory_space<vmem>>
        %dma_start3A_394 = tpu.memref_squeeze %dma_start3A_393 : memref<1x128x64xbf16, #tpu.memory_space<vmem>> -> memref<128x64xbf16, #tpu.memory_space<vmem>>
        %dma_start3A_395 = arith.constant 0 : i32
        %dma_start3A_396 = tpu.memref_slice %arg7[%add3A_283, %dma_start3A_395] : memref<80x128xi32, #tpu.memory_space<vmem>> -> memref<1x128xi32, #tpu.memory_space<vmem>>
        %dma_start3A_397 = tpu.memref_squeeze %dma_start3A_396 : memref<1x128xi32, #tpu.memory_space<vmem>> -> memref<128xi32, #tpu.memory_space<vmem>>
        %dma_start3A_398 = arith.constant 0 : i32
        %dma_start3A_399 = arith.constant 0 : i32
        %dma_start3A_400 = tpu.memref_slice %arg9[%dma_start3A_398, %dma_start3A_399] : memref<10240x64xbf16, #tpu.memory_space<vmem_shared>> -> memref<10240x64xbf16, #tpu.memory_space<vmem_shared>>
        tpu.enqueue_indirect_dma source(%dma_start3A_394 : memref<128x64xbf16, #tpu.memory_space<vmem>>) target(%dma_start3A_400 : memref<10240x64xbf16, #tpu.memory_space<vmem_shared>>) offsets(%dma_start3A_397 : memref<128xi32, #tpu.memory_space<vmem>>) semaphore(%run_scoped3A_390 : memref<!tpu.dma_semaphore, #tpu.memory_space<semaphore_mem>>) {add = true}
        %dma_wait3A_401 = arith.constant 0 : i32
        %dma_wait3A_402 = arith.constant 0 : i32
        %dma_wait3A_403 = tpu.memref_slice %arg8[%run_scoped3A_284, %dma_wait3A_401, %dma_wait3A_402] : memref<5x128x64xbf16, #tpu.memory_space<vmem>> -> memref<1x128x64xbf16, #tpu.memory_space<vmem>>
        %dma_wait3A_404 = tpu.memref_squeeze %dma_wait3A_403 : memref<1x128x64xbf16, #tpu.memory_space<vmem>> -> memref<128x64xbf16, #tpu.memory_space<vmem>>
        %dma_wait3A_405 = arith.constant 0 : i32
        %dma_wait3A_406 = tpu.memref_slice %arg7[%add3A_283, %dma_wait3A_405] : memref<80x128xi32, #tpu.memory_space<vmem>> -> memref<1x128xi32, #tpu.memory_space<vmem>>
        %dma_wait3A_407 = tpu.memref_squeeze %dma_wait3A_406 : memref<1x128xi32, #tpu.memory_space<vmem>> -> memref<128xi32, #tpu.memory_space<vmem>>
        %dma_wait3A_408 = arith.constant 0 : i32
        %dma_wait3A_409 = arith.constant 0 : i32
        %dma_wait3A_410 = tpu.memref_slice %arg9[%dma_wait3A_408, %dma_wait3A_409] : memref<10240x64xbf16, #tpu.memory_space<vmem_shared>> -> memref<10240x64xbf16, #tpu.memory_space<vmem_shared>>
        tpu.wait_indirect_dma semaphore(%run_scoped3A_390 : memref<!tpu.dma_semaphore, #tpu.memory_space<semaphore_mem>>) src(%dma_wait3A_404 : memref<128x64xbf16, #tpu.memory_space<vmem>>) dst(%dma_wait3A_410 : memref<10240x64xbf16, #tpu.memory_space<vmem_shared>>)
        tpu.yield
      }) : () -> ()
      %mul3A_285 = arith.constant 5 : i32
      %mul3A_286 = arith.muli %scan3A_173, %mul3A_285 : i32
      %add3A_287 = arith.constant 2 : i32
      %add3A_288 = arith.addi %mul3A_286, %add3A_287 : i32
      %dma_start3A_289 = arith.constant 2 : i32
      %dma_start3A_290 = arith.constant 2 : i32
      %dma_start3A_291 = arith.constant 0 : i32
      %dma_start3A_292 = arith.constant 0 : i32
      %dma_start3A_293 = tpu.memref_slice %arg8[%dma_start3A_289, %dma_start3A_291, %dma_start3A_292] : memref<5x128x64xbf16, #tpu.memory_space<vmem>> -> memref<1x128x64xbf16, #tpu.memory_space<vmem>>
      %dma_start3A_294 = tpu.memref_squeeze %dma_start3A_293 : memref<1x128x64xbf16, #tpu.memory_space<vmem>> -> memref<128x64xbf16, #tpu.memory_space<vmem>>
      %dma_start3A_295 = arith.constant 0 : i32
      %dma_start3A_296 = tpu.memref_slice %arg6[%add3A_288, %dma_start3A_295] : memref<80x128xi32, #tpu.memory_space<vmem>> -> memref<1x128xi32, #tpu.memory_space<vmem>>
      %dma_start3A_297 = tpu.memref_squeeze %dma_start3A_296 : memref<1x128xi32, #tpu.memory_space<vmem>> -> memref<128xi32, #tpu.memory_space<vmem>>
      %dma_start3A_298 = arith.constant 0 : i32
      %dma_start3A_299 = arith.constant 0 : i32
      %dma_start3A_300 = tpu.memref_slice %arg2[%dma_start3A_298, %dma_start3A_299] : memref<10000x64xbf16, #tpu.memory_space<hbm>> -> memref<10000x64xbf16, #tpu.memory_space<hbm>>
      %dma_start3A_301 = tpu.memref_slice %arg10[%dma_start3A_290] : memref<5x!tpu.dma_semaphore, #tpu.memory_space<semaphore_mem>> -> memref<1x!tpu.dma_semaphore, #tpu.memory_space<semaphore_mem>>
      %dma_start3A_302 = tpu.memref_squeeze %dma_start3A_301 : memref<1x!tpu.dma_semaphore, #tpu.memory_space<semaphore_mem>> -> memref<!tpu.dma_semaphore, #tpu.memory_space<semaphore_mem>>
      tpu.enqueue_indirect_dma source(%dma_start3A_300 : memref<10000x64xbf16, #tpu.memory_space<hbm>>) target(%dma_start3A_294 : memref<128x64xbf16, #tpu.memory_space<vmem>>) offsets(%dma_start3A_297 : memref<128xi32, #tpu.memory_space<vmem>>) semaphore(%dma_start3A_302 : memref<!tpu.dma_semaphore, #tpu.memory_space<semaphore_mem>>)
      %sub3A_303 = arith.constant 1 : i32
      %sub3A_304 = arith.subi %scan3A_173, %sub3A_303 : i32
      %mul3A_305 = arith.constant 5 : i32
      %mul3A_306 = arith.muli %sub3A_304, %mul3A_305 : i32
      %add3A_307 = arith.constant 3 : i32
      %add3A_308 = arith.addi %mul3A_306, %add3A_307 : i32
      %dma_wait3A_309 = arith.constant 3 : i32
      %dma_wait3A_310 = arith.constant 3 : i32
      %dma_wait3A_311 = arith.constant 0 : i32
      %dma_wait3A_312 = arith.constant 0 : i32
      %dma_wait3A_313 = tpu.memref_slice %arg8[%dma_wait3A_309, %dma_wait3A_311, %dma_wait3A_312] : memref<5x128x64xbf16, #tpu.memory_space<vmem>> -> memref<1x128x64xbf16, #tpu.memory_space<vmem>>
      %dma_wait3A_314 = tpu.memref_squeeze %dma_wait3A_313 : memref<1x128x64xbf16, #tpu.memory_space<vmem>> -> memref<128x64xbf16, #tpu.memory_space<vmem>>
      %dma_wait3A_315 = arith.constant 0 : i32
      %dma_wait3A_316 = tpu.memref_slice %arg6[%add3A_308, %dma_wait3A_315] : memref<80x128xi32, #tpu.memory_space<vmem>> -> memref<1x128xi32, #tpu.memory_space<vmem>>
      %dma_wait3A_317 = tpu.memref_squeeze %dma_wait3A_316 : memref<1x128xi32, #tpu.memory_space<vmem>> -> memref<128xi32, #tpu.memory_space<vmem>>
      %dma_wait3A_318 = arith.constant 0 : i32
      %dma_wait3A_319 = arith.constant 0 : i32
      %dma_wait3A_320 = tpu.memref_slice %arg2[%dma_wait3A_318, %dma_wait3A_319] : memref<10000x64xbf16, #tpu.memory_space<hbm>> -> memref<10000x64xbf16, #tpu.memory_space<hbm>>
      %dma_wait3A_321 = tpu.memref_slice %arg10[%dma_wait3A_310] : memref<5x!tpu.dma_semaphore, #tpu.memory_space<semaphore_mem>> -> memref<1x!tpu.dma_semaphore, #tpu.memory_space<semaphore_mem>>
      %dma_wait3A_322 = tpu.memref_squeeze %dma_wait3A_321 : memref<1x!tpu.dma_semaphore, #tpu.memory_space<semaphore_mem>> -> memref<!tpu.dma_semaphore, #tpu.memory_space<semaphore_mem>>
      tpu.wait_indirect_dma semaphore(%dma_wait3A_322 : memref<!tpu.dma_semaphore, #tpu.memory_space<semaphore_mem>>) src(%dma_wait3A_320 : memref<10000x64xbf16, #tpu.memory_space<hbm>>) dst(%dma_wait3A_314 : memref<128x64xbf16, #tpu.memory_space<vmem>>)
      %mul3A_323 = arith.constant 5 : i32
      %mul3A_324 = arith.muli %sub3A_304, %mul3A_323 : i32
      %add3A_325 = arith.constant 3 : i32
      %add3A_326 = arith.addi %mul3A_324, %add3A_325 : i32
      %run_scoped3A_327 = arith.constant 3 : i32
      "tpu.region"() ({
        %run_scoped3A_390 = tpu.sem_alloc : memref<!tpu.dma_semaphore, #tpu.memory_space<semaphore_mem>>
        %dma_start3A_391 = arith.constant 0 : i32
        %dma_start3A_392 = arith.constant 0 : i32
        %dma_start3A_393 = tpu.memref_slice %arg8[%run_scoped3A_327, %dma_start3A_391, %dma_start3A_392] : memref<5x128x64xbf16, #tpu.memory_space<vmem>> -> memref<1x128x64xbf16, #tpu.memory_space<vmem>>
        %dma_start3A_394 = tpu.memref_squeeze %dma_start3A_393 : memref<1x128x64xbf16, #tpu.memory_space<vmem>> -> memref<128x64xbf16, #tpu.memory_space<vmem>>
        %dma_start3A_395 = arith.constant 0 : i32
        %dma_start3A_396 = tpu.memref_slice %arg7[%add3A_326, %dma_start3A_395] : memref<80x128xi32, #tpu.memory_space<vmem>> -> memref<1x128xi32, #tpu.memory_space<vmem>>
        %dma_start3A_397 = tpu.memref_squeeze %dma_start3A_396 : memref<1x128xi32, #tpu.memory_space<vmem>> -> memref<128xi32, #tpu.memory_space<vmem>>
        %dma_start3A_398 = arith.constant 0 : i32
        %dma_start3A_399 = arith.constant 0 : i32
        %dma_start3A_400 = tpu.memref_slice %arg9[%dma_start3A_398, %dma_start3A_399] : memref<10240x64xbf16, #tpu.memory_space<vmem_shared>> -> memref<10240x64xbf16, #tpu.memory_space<vmem_shared>>
        tpu.enqueue_indirect_dma source(%dma_start3A_394 : memref<128x64xbf16, #tpu.memory_space<vmem>>) target(%dma_start3A_400 : memref<10240x64xbf16, #tpu.memory_space<vmem_shared>>) offsets(%dma_start3A_397 : memref<128xi32, #tpu.memory_space<vmem>>) semaphore(%run_scoped3A_390 : memref<!tpu.dma_semaphore, #tpu.memory_space<semaphore_mem>>) {add = true}
        %dma_wait3A_401 = arith.constant 0 : i32
        %dma_wait3A_402 = arith.constant 0 : i32
        %dma_wait3A_403 = tpu.memref_slice %arg8[%run_scoped3A_327, %dma_wait3A_401, %dma_wait3A_402] : memref<5x128x64xbf16, #tpu.memory_space<vmem>> -> memref<1x128x64xbf16, #tpu.memory_space<vmem>>
        %dma_wait3A_404 = tpu.memref_squeeze %dma_wait3A_403 : memref<1x128x64xbf16, #tpu.memory_space<vmem>> -> memref<128x64xbf16, #tpu.memory_space<vmem>>
        %dma_wait3A_405 = arith.constant 0 : i32
        %dma_wait3A_406 = tpu.memref_slice %arg7[%add3A_326, %dma_wait3A_405] : memref<80x128xi32, #tpu.memory_space<vmem>> -> memref<1x128xi32, #tpu.memory_space<vmem>>
        %dma_wait3A_407 = tpu.memref_squeeze %dma_wait3A_406 : memref<1x128xi32, #tpu.memory_space<vmem>> -> memref<128xi32, #tpu.memory_space<vmem>>
        %dma_wait3A_408 = arith.constant 0 : i32
        %dma_wait3A_409 = arith.constant 0 : i32
        %dma_wait3A_410 = tpu.memref_slice %arg9[%dma_wait3A_408, %dma_wait3A_409] : memref<10240x64xbf16, #tpu.memory_space<vmem_shared>> -> memref<10240x64xbf16, #tpu.memory_space<vmem_shared>>
        tpu.wait_indirect_dma semaphore(%run_scoped3A_390 : memref<!tpu.dma_semaphore, #tpu.memory_space<semaphore_mem>>) src(%dma_wait3A_404 : memref<128x64xbf16, #tpu.memory_space<vmem>>) dst(%dma_wait3A_410 : memref<10240x64xbf16, #tpu.memory_space<vmem_shared>>)
        tpu.yield
      }) : () -> ()
      %mul3A_328 = arith.constant 5 : i32
      %mul3A_329 = arith.muli %scan3A_173, %mul3A_328 : i32
      %add3A_330 = arith.constant 3 : i32
      %add3A_331 = arith.addi %mul3A_329, %add3A_330 : i32
      %dma_start3A_332 = arith.constant 3 : i32
      %dma_start3A_333 = arith.constant 3 : i32
      %dma_start3A_334 = arith.constant 0 : i32
      %dma_start3A_335 = arith.constant 0 : i32
      %dma_start3A_336 = tpu.memref_slice %arg8[%dma_start3A_332, %dma_start3A_334, %dma_start3A_335] : memref<5x128x64xbf16, #tpu.memory_space<vmem>> -> memref<1x128x64xbf16, #tpu.memory_space<vmem>>
      %dma_start3A_337 = tpu.memref_squeeze %dma_start3A_336 : memref<1x128x64xbf16, #tpu.memory_space<vmem>> -> memref<128x64xbf16, #tpu.memory_space<vmem>>
      %dma_start3A_338 = arith.constant 0 : i32
      %dma_start3A_339 = tpu.memref_slice %arg6[%add3A_331, %dma_start3A_338] : memref<80x128xi32, #tpu.memory_space<vmem>> -> memref<1x128xi32, #tpu.memory_space<vmem>>
      %dma_start3A_340 = tpu.memref_squeeze %dma_start3A_339 : memref<1x128xi32, #tpu.memory_space<vmem>> -> memref<128xi32, #tpu.memory_space<vmem>>
      %dma_start3A_341 = arith.constant 0 : i32
      %dma_start3A_342 = arith.constant 0 : i32
      %dma_start3A_343 = tpu.memref_slice %arg2[%dma_start3A_341, %dma_start3A_342] : memref<10000x64xbf16, #tpu.memory_space<hbm>> -> memref<10000x64xbf16, #tpu.memory_space<hbm>>
      %dma_start3A_344 = tpu.memref_slice %arg10[%dma_start3A_333] : memref<5x!tpu.dma_semaphore, #tpu.memory_space<semaphore_mem>> -> memref<1x!tpu.dma_semaphore, #tpu.memory_space<semaphore_mem>>
      %dma_start3A_345 = tpu.memref_squeeze %dma_start3A_344 : memref<1x!tpu.dma_semaphore, #tpu.memory_space<semaphore_mem>> -> memref<!tpu.dma_semaphore, #tpu.memory_space<semaphore_mem>>
      tpu.enqueue_indirect_dma source(%dma_start3A_343 : memref<10000x64xbf16, #tpu.memory_space<hbm>>) target(%dma_start3A_337 : memref<128x64xbf16, #tpu.memory_space<vmem>>) offsets(%dma_start3A_340 : memref<128xi32, #tpu.memory_space<vmem>>) semaphore(%dma_start3A_345 : memref<!tpu.dma_semaphore, #tpu.memory_space<semaphore_mem>>)
      %sub3A_346 = arith.constant 1 : i32
      %sub3A_347 = arith.subi %scan3A_173, %sub3A_346 : i32
      %mul3A_348 = arith.constant 5 : i32
      %mul3A_349 = arith.muli %sub3A_347, %mul3A_348 : i32
      %add3A_350 = arith.constant 4 : i32
      %add3A_351 = arith.addi %mul3A_349, %add3A_350 : i32
      %dma_wait3A_352 = arith.constant 4 : i32
      %dma_wait3A_353 = arith.constant 4 : i32
      %dma_wait3A_354 = arith.constant 0 : i32
      %dma_wait3A_355 = arith.constant 0 : i32
      %dma_wait3A_356 = tpu.memref_slice %arg8[%dma_wait3A_352, %dma_wait3A_354, %dma_wait3A_355] : memref<5x128x64xbf16, #tpu.memory_space<vmem>> -> memref<1x128x64xbf16, #tpu.memory_space<vmem>>
      %dma_wait3A_357 = tpu.memref_squeeze %dma_wait3A_356 : memref<1x128x64xbf16, #tpu.memory_space<vmem>> -> memref<128x64xbf16, #tpu.memory_space<vmem>>
      %dma_wait3A_358 = arith.constant 0 : i32
      %dma_wait3A_359 = tpu.memref_slice %arg6[%add3A_351, %dma_wait3A_358] : memref<80x128xi32, #tpu.memory_space<vmem>> -> memref<1x128xi32, #tpu.memory_space<vmem>>
      %dma_wait3A_360 = tpu.memref_squeeze %dma_wait3A_359 : memref<1x128xi32, #tpu.memory_space<vmem>> -> memref<128xi32, #tpu.memory_space<vmem>>
      %dma_wait3A_361 = arith.constant 0 : i32
      %dma_wait3A_362 = arith.constant 0 : i32
      %dma_wait3A_363 = tpu.memref_slice %arg2[%dma_wait3A_361, %dma_wait3A_362] : memref<10000x64xbf16, #tpu.memory_space<hbm>> -> memref<10000x64xbf16, #tpu.memory_space<hbm>>
      %dma_wait3A_364 = tpu.memref_slice %arg10[%dma_wait3A_353] : memref<5x!tpu.dma_semaphore, #tpu.memory_space<semaphore_mem>> -> memref<1x!tpu.dma_semaphore, #tpu.memory_space<semaphore_mem>>
      %dma_wait3A_365 = tpu.memref_squeeze %dma_wait3A_364 : memref<1x!tpu.dma_semaphore, #tpu.memory_space<semaphore_mem>> -> memref<!tpu.dma_semaphore, #tpu.memory_space<semaphore_mem>>
      tpu.wait_indirect_dma semaphore(%dma_wait3A_365 : memref<!tpu.dma_semaphore, #tpu.memory_space<semaphore_mem>>) src(%dma_wait3A_363 : memref<10000x64xbf16, #tpu.memory_space<hbm>>) dst(%dma_wait3A_357 : memref<128x64xbf16, #tpu.memory_space<vmem>>)
      %mul3A_366 = arith.constant 5 : i32
      %mul3A_367 = arith.muli %sub3A_347, %mul3A_366 : i32
      %add3A_368 = arith.constant 4 : i32
      %add3A_369 = arith.addi %mul3A_367, %add3A_368 : i32
      %run_scoped3A_370 = arith.constant 4 : i32
      "tpu.region"() ({
        %run_scoped3A_390 = tpu.sem_alloc : memref<!tpu.dma_semaphore, #tpu.memory_space<semaphore_mem>>
        %dma_start3A_391 = arith.constant 0 : i32
        %dma_start3A_392 = arith.constant 0 : i32
        %dma_start3A_393 = tpu.memref_slice %arg8[%run_scoped3A_370, %dma_start3A_391, %dma_start3A_392] : memref<5x128x64xbf16, #tpu.memory_space<vmem>> -> memref<1x128x64xbf16, #tpu.memory_space<vmem>>
        %dma_start3A_394 = tpu.memref_squeeze %dma_start3A_393 : memref<1x128x64xbf16, #tpu.memory_space<vmem>> -> memref<128x64xbf16, #tpu.memory_space<vmem>>
        %dma_start3A_395 = arith.constant 0 : i32
        %dma_start3A_396 = tpu.memref_slice %arg7[%add3A_369, %dma_start3A_395] : memref<80x128xi32, #tpu.memory_space<vmem>> -> memref<1x128xi32, #tpu.memory_space<vmem>>
        %dma_start3A_397 = tpu.memref_squeeze %dma_start3A_396 : memref<1x128xi32, #tpu.memory_space<vmem>> -> memref<128xi32, #tpu.memory_space<vmem>>
        %dma_start3A_398 = arith.constant 0 : i32
        %dma_start3A_399 = arith.constant 0 : i32
        %dma_start3A_400 = tpu.memref_slice %arg9[%dma_start3A_398, %dma_start3A_399] : memref<10240x64xbf16, #tpu.memory_space<vmem_shared>> -> memref<10240x64xbf16, #tpu.memory_space<vmem_shared>>
        tpu.enqueue_indirect_dma source(%dma_start3A_394 : memref<128x64xbf16, #tpu.memory_space<vmem>>) target(%dma_start3A_400 : memref<10240x64xbf16, #tpu.memory_space<vmem_shared>>) offsets(%dma_start3A_397 : memref<128xi32, #tpu.memory_space<vmem>>) semaphore(%run_scoped3A_390 : memref<!tpu.dma_semaphore, #tpu.memory_space<semaphore_mem>>) {add = true}
        %dma_wait3A_401 = arith.constant 0 : i32
        %dma_wait3A_402 = arith.constant 0 : i32
        %dma_wait3A_403 = tpu.memref_slice %arg8[%run_scoped3A_370, %dma_wait3A_401, %dma_wait3A_402] : memref<5x128x64xbf16, #tpu.memory_space<vmem>> -> memref<1x128x64xbf16, #tpu.memory_space<vmem>>
        %dma_wait3A_404 = tpu.memref_squeeze %dma_wait3A_403 : memref<1x128x64xbf16, #tpu.memory_space<vmem>> -> memref<128x64xbf16, #tpu.memory_space<vmem>>
        %dma_wait3A_405 = arith.constant 0 : i32
        %dma_wait3A_406 = tpu.memref_slice %arg7[%add3A_369, %dma_wait3A_405] : memref<80x128xi32, #tpu.memory_space<vmem>> -> memref<1x128xi32, #tpu.memory_space<vmem>>
        %dma_wait3A_407 = tpu.memref_squeeze %dma_wait3A_406 : memref<1x128xi32, #tpu.memory_space<vmem>> -> memref<128xi32, #tpu.memory_space<vmem>>
        %dma_wait3A_408 = arith.constant 0 : i32
        %dma_wait3A_409 = arith.constant 0 : i32
        %dma_wait3A_410 = tpu.memref_slice %arg9[%dma_wait3A_408, %dma_wait3A_409] : memref<10240x64xbf16, #tpu.memory_space<vmem_shared>> -> memref<10240x64xbf16, #tpu.memory_space<vmem_shared>>
        tpu.wait_indirect_dma semaphore(%run_scoped3A_390 : memref<!tpu.dma_semaphore, #tpu.memory_space<semaphore_mem>>) src(%dma_wait3A_404 : memref<128x64xbf16, #tpu.memory_space<vmem>>) dst(%dma_wait3A_410 : memref<10240x64xbf16, #tpu.memory_space<vmem_shared>>)
        tpu.yield
      }) : () -> ()
      %mul3A_371 = arith.constant 5 : i32
      %mul3A_372 = arith.muli %scan3A_173, %mul3A_371 : i32
      %add3A_373 = arith.constant 4 : i32
      %add3A_374 = arith.addi %mul3A_372, %add3A_373 : i32
      %dma_start3A_375 = arith.constant 4 : i32
      %dma_start3A_376 = arith.constant 4 : i32
      %dma_start3A_377 = arith.constant 0 : i32
      %dma_start3A_378 = arith.constant 0 : i32
      %dma_start3A_379 = tpu.memref_slice %arg8[%dma_start3A_375, %dma_start3A_377, %dma_start3A_378] : memref<5x128x64xbf16, #tpu.memory_space<vmem>> -> memref<1x128x64xbf16, #tpu.memory_space<vmem>>
      %dma_start3A_380 = tpu.memref_squeeze %dma_start3A_379 : memref<1x128x64xbf16, #tpu.memory_space<vmem>> -> memref<128x64xbf16, #tpu.memory_space<vmem>>
      %dma_start3A_381 = arith.constant 0 : i32
      %dma_start3A_382 = tpu.memref_slice %arg6[%add3A_374, %dma_start3A_381] : memref<80x128xi32, #tpu.memory_space<vmem>> -> memref<1x128xi32, #tpu.memory_space<vmem>>
      %dma_start3A_383 = tpu.memref_squeeze %dma_start3A_382 : memref<1x128xi32, #tpu.memory_space<vmem>> -> memref<128xi32, #tpu.memory_space<vmem>>
      %dma_start3A_384 = arith.constant 0 : i32
      %dma_start3A_385 = arith.constant 0 : i32
      %dma_start3A_386 = tpu.memref_slice %arg2[%dma_start3A_384, %dma_start3A_385] : memref<10000x64xbf16, #tpu.memory_space<hbm>> -> memref<10000x64xbf16, #tpu.memory_space<hbm>>
      %dma_start3A_387 = tpu.memref_slice %arg10[%dma_start3A_376] : memref<5x!tpu.dma_semaphore, #tpu.memory_space<semaphore_mem>> -> memref<1x!tpu.dma_semaphore, #tpu.memory_space<semaphore_mem>>
      %dma_start3A_388 = tpu.memref_squeeze %dma_start3A_387 : memref<1x!tpu.dma_semaphore, #tpu.memory_space<semaphore_mem>> -> memref<!tpu.dma_semaphore, #tpu.memory_space<semaphore_mem>>
      tpu.enqueue_indirect_dma source(%dma_start3A_386 : memref<10000x64xbf16, #tpu.memory_space<hbm>>) target(%dma_start3A_380 : memref<128x64xbf16, #tpu.memory_space<vmem>>) offsets(%dma_start3A_383 : memref<128xi32, #tpu.memory_space<vmem>>) semaphore(%dma_start3A_388 : memref<!tpu.dma_semaphore, #tpu.memory_space<semaphore_mem>>)
      %scan3A_389 = arith.constant 0 : i32
      scf.yield %scan3A_389 : i32
    }
    %scan3A_87 = arith.constant 15 : i32
    %dma_wait3A = arith.constant 75 : i32
    %dma_wait3A_88 = arith.constant 0 : i32
    %dma_wait3A_89 = arith.constant 0 : i32
    %dma_wait3A_90 = arith.constant 0 : i32
    %dma_wait3A_91 = arith.constant 0 : i32
    %dma_wait3A_92 = tpu.memref_slice %arg8[%dma_wait3A_88, %dma_wait3A_90, %dma_wait3A_91] : memref<5x128x64xbf16, #tpu.memory_space<vmem>> -> memref<1x128x64xbf16, #tpu.memory_space<vmem>>
    %dma_wait3A_93 = tpu.memref_squeeze %dma_wait3A_92 : memref<1x128x64xbf16, #tpu.memory_space<vmem>> -> memref<128x64xbf16, #tpu.memory_space<vmem>>
    %dma_wait3A_94 = arith.constant 0 : i32
    %dma_wait3A_95 = tpu.memref_slice %arg6[%dma_wait3A, %dma_wait3A_94] : memref<80x128xi32, #tpu.memory_space<vmem>> -> memref<1x128xi32, #tpu.memory_space<vmem>>
    %dma_wait3A_96 = tpu.memref_squeeze %dma_wait3A_95 : memref<1x128xi32, #tpu.memory_space<vmem>> -> memref<128xi32, #tpu.memory_space<vmem>>
    %dma_wait3A_97 = arith.constant 0 : i32
    %dma_wait3A_98 = arith.constant 0 : i32
    %dma_wait3A_99 = tpu.memref_slice %arg2[%dma_wait3A_97, %dma_wait3A_98] : memref<10000x64xbf16, #tpu.memory_space<hbm>> -> memref<10000x64xbf16, #tpu.memory_space<hbm>>
    %dma_wait3A_100 = tpu.memref_slice %arg10[%dma_wait3A_89] : memref<5x!tpu.dma_semaphore, #tpu.memory_space<semaphore_mem>> -> memref<1x!tpu.dma_semaphore, #tpu.memory_space<semaphore_mem>>
    %dma_wait3A_101 = tpu.memref_squeeze %dma_wait3A_100 : memref<1x!tpu.dma_semaphore, #tpu.memory_space<semaphore_mem>> -> memref<!tpu.dma_semaphore, #tpu.memory_space<semaphore_mem>>
    tpu.wait_indirect_dma semaphore(%dma_wait3A_101 : memref<!tpu.dma_semaphore, #tpu.memory_space<semaphore_mem>>) src(%dma_wait3A_99 : memref<10000x64xbf16, #tpu.memory_space<hbm>>) dst(%dma_wait3A_93 : memref<128x64xbf16, #tpu.memory_space<vmem>>)
    %run_scoped3A_102 = arith.constant 0 : i32
    %run_scoped3A_103 = arith.constant 75 : i32
    "tpu.region"() ({
      %run_scoped3A_173 = tpu.sem_alloc : memref<!tpu.dma_semaphore, #tpu.memory_space<semaphore_mem>>
      %dma_start3A_174 = arith.constant 0 : i32
      %dma_start3A_175 = arith.constant 0 : i32
      %dma_start3A_176 = tpu.memref_slice %arg8[%run_scoped3A_102, %dma_start3A_174, %dma_start3A_175] : memref<5x128x64xbf16, #tpu.memory_space<vmem>> -> memref<1x128x64xbf16, #tpu.memory_space<vmem>>
      %dma_start3A_177 = tpu.memref_squeeze %dma_start3A_176 : memref<1x128x64xbf16, #tpu.memory_space<vmem>> -> memref<128x64xbf16, #tpu.memory_space<vmem>>
      %dma_start3A_178 = arith.constant 0 : i32
      %dma_start3A_179 = tpu.memref_slice %arg7[%run_scoped3A_103, %dma_start3A_178] : memref<80x128xi32, #tpu.memory_space<vmem>> -> memref<1x128xi32, #tpu.memory_space<vmem>>
      %dma_start3A_180 = tpu.memref_squeeze %dma_start3A_179 : memref<1x128xi32, #tpu.memory_space<vmem>> -> memref<128xi32, #tpu.memory_space<vmem>>
      %dma_start3A_181 = arith.constant 0 : i32
      %dma_start3A_182 = arith.constant 0 : i32
      %dma_start3A_183 = tpu.memref_slice %arg9[%dma_start3A_181, %dma_start3A_182] : memref<10240x64xbf16, #tpu.memory_space<vmem_shared>> -> memref<10240x64xbf16, #tpu.memory_space<vmem_shared>>
      tpu.enqueue_indirect_dma source(%dma_start3A_177 : memref<128x64xbf16, #tpu.memory_space<vmem>>) target(%dma_start3A_183 : memref<10240x64xbf16, #tpu.memory_space<vmem_shared>>) offsets(%dma_start3A_180 : memref<128xi32, #tpu.memory_space<vmem>>) semaphore(%run_scoped3A_173 : memref<!tpu.dma_semaphore, #tpu.memory_space<semaphore_mem>>) {add = true}
      %dma_wait3A_184 = arith.constant 0 : i32
      %dma_wait3A_185 = arith.constant 0 : i32
      %dma_wait3A_186 = tpu.memref_slice %arg8[%run_scoped3A_102, %dma_wait3A_184, %dma_wait3A_185] : memref<5x128x64xbf16, #tpu.memory_space<vmem>> -> memref<1x128x64xbf16, #tpu.memory_space<vmem>>
      %dma_wait3A_187 = tpu.memref_squeeze %dma_wait3A_186 : memref<1x128x64xbf16, #tpu.memory_space<vmem>> -> memref<128x64xbf16, #tpu.memory_space<vmem>>
      %dma_wait3A_188 = arith.constant 0 : i32
      %dma_wait3A_189 = tpu.memref_slice %arg7[%run_scoped3A_103, %dma_wait3A_188] : memref<80x128xi32, #tpu.memory_space<vmem>> -> memref<1x128xi32, #tpu.memory_space<vmem>>
      %dma_wait3A_190 = tpu.memref_squeeze %dma_wait3A_189 : memref<1x128xi32, #tpu.memory_space<vmem>> -> memref<128xi32, #tpu.memory_space<vmem>>
      %dma_wait3A_191 = arith.constant 0 : i32
      %dma_wait3A_192 = arith.constant 0 : i32
      %dma_wait3A_193 = tpu.memref_slice %arg9[%dma_wait3A_191, %dma_wait3A_192] : memref<10240x64xbf16, #tpu.memory_space<vmem_shared>> -> memref<10240x64xbf16, #tpu.memory_space<vmem_shared>>
      tpu.wait_indirect_dma semaphore(%run_scoped3A_173 : memref<!tpu.dma_semaphore, #tpu.memory_space<semaphore_mem>>) src(%dma_wait3A_187 : memref<128x64xbf16, #tpu.memory_space<vmem>>) dst(%dma_wait3A_193 : memref<10240x64xbf16, #tpu.memory_space<vmem_shared>>)
      tpu.yield
    }) : () -> ()
    %dma_wait3A_104 = arith.constant 76 : i32
    %dma_wait3A_105 = arith.constant 1 : i32
    %dma_wait3A_106 = arith.constant 1 : i32
    %dma_wait3A_107 = arith.constant 0 : i32
    %dma_wait3A_108 = arith.constant 0 : i32
    %dma_wait3A_109 = tpu.memref_slice %arg8[%dma_wait3A_105, %dma_wait3A_107, %dma_wait3A_108] : memref<5x128x64xbf16, #tpu.memory_space<vmem>> -> memref<1x128x64xbf16, #tpu.memory_space<vmem>>
    %dma_wait3A_110 = tpu.memref_squeeze %dma_wait3A_109 : memref<1x128x64xbf16, #tpu.memory_space<vmem>> -> memref<128x64xbf16, #tpu.memory_space<vmem>>
    %dma_wait3A_111 = arith.constant 0 : i32
    %dma_wait3A_112 = tpu.memref_slice %arg6[%dma_wait3A_104, %dma_wait3A_111] : memref<80x128xi32, #tpu.memory_space<vmem>> -> memref<1x128xi32, #tpu.memory_space<vmem>>
    %dma_wait3A_113 = tpu.memref_squeeze %dma_wait3A_112 : memref<1x128xi32, #tpu.memory_space<vmem>> -> memref<128xi32, #tpu.memory_space<vmem>>
    %dma_wait3A_114 = arith.constant 0 : i32
    %dma_wait3A_115 = arith.constant 0 : i32
    %dma_wait3A_116 = tpu.memref_slice %arg2[%dma_wait3A_114, %dma_wait3A_115] : memref<10000x64xbf16, #tpu.memory_space<hbm>> -> memref<10000x64xbf16, #tpu.memory_space<hbm>>
    %dma_wait3A_117 = tpu.memref_slice %arg10[%dma_wait3A_106] : memref<5x!tpu.dma_semaphore, #tpu.memory_space<semaphore_mem>> -> memref<1x!tpu.dma_semaphore, #tpu.memory_space<semaphore_mem>>
    %dma_wait3A_118 = tpu.memref_squeeze %dma_wait3A_117 : memref<1x!tpu.dma_semaphore, #tpu.memory_space<semaphore_mem>> -> memref<!tpu.dma_semaphore, #tpu.memory_space<semaphore_mem>>
    tpu.wait_indirect_dma semaphore(%dma_wait3A_118 : memref<!tpu.dma_semaphore, #tpu.memory_space<semaphore_mem>>) src(%dma_wait3A_116 : memref<10000x64xbf16, #tpu.memory_space<hbm>>) dst(%dma_wait3A_110 : memref<128x64xbf16, #tpu.memory_space<vmem>>)
    %run_scoped3A_119 = arith.constant 1 : i32
    %run_scoped3A_120 = arith.constant 76 : i32
    "tpu.region"() ({
      %run_scoped3A_173 = tpu.sem_alloc : memref<!tpu.dma_semaphore, #tpu.memory_space<semaphore_mem>>
      %dma_start3A_174 = arith.constant 0 : i32
      %dma_start3A_175 = arith.constant 0 : i32
      %dma_start3A_176 = tpu.memref_slice %arg8[%run_scoped3A_119, %dma_start3A_174, %dma_start3A_175] : memref<5x128x64xbf16, #tpu.memory_space<vmem>> -> memref<1x128x64xbf16, #tpu.memory_space<vmem>>
      %dma_start3A_177 = tpu.memref_squeeze %dma_start3A_176 : memref<1x128x64xbf16, #tpu.memory_space<vmem>> -> memref<128x64xbf16, #tpu.memory_space<vmem>>
      %dma_start3A_178 = arith.constant 0 : i32
      %dma_start3A_179 = tpu.memref_slice %arg7[%run_scoped3A_120, %dma_start3A_178] : memref<80x128xi32, #tpu.memory_space<vmem>> -> memref<1x128xi32, #tpu.memory_space<vmem>>
      %dma_start3A_180 = tpu.memref_squeeze %dma_start3A_179 : memref<1x128xi32, #tpu.memory_space<vmem>> -> memref<128xi32, #tpu.memory_space<vmem>>
      %dma_start3A_181 = arith.constant 0 : i32
      %dma_start3A_182 = arith.constant 0 : i32
      %dma_start3A_183 = tpu.memref_slice %arg9[%dma_start3A_181, %dma_start3A_182] : memref<10240x64xbf16, #tpu.memory_space<vmem_shared>> -> memref<10240x64xbf16, #tpu.memory_space<vmem_shared>>
      tpu.enqueue_indirect_dma source(%dma_start3A_177 : memref<128x64xbf16, #tpu.memory_space<vmem>>) target(%dma_start3A_183 : memref<10240x64xbf16, #tpu.memory_space<vmem_shared>>) offsets(%dma_start3A_180 : memref<128xi32, #tpu.memory_space<vmem>>) semaphore(%run_scoped3A_173 : memref<!tpu.dma_semaphore, #tpu.memory_space<semaphore_mem>>) {add = true}
      %dma_wait3A_184 = arith.constant 0 : i32
      %dma_wait3A_185 = arith.constant 0 : i32
      %dma_wait3A_186 = tpu.memref_slice %arg8[%run_scoped3A_119, %dma_wait3A_184, %dma_wait3A_185] : memref<5x128x64xbf16, #tpu.memory_space<vmem>> -> memref<1x128x64xbf16, #tpu.memory_space<vmem>>
      %dma_wait3A_187 = tpu.memref_squeeze %dma_wait3A_186 : memref<1x128x64xbf16, #tpu.memory_space<vmem>> -> memref<128x64xbf16, #tpu.memory_space<vmem>>
      %dma_wait3A_188 = arith.constant 0 : i32
      %dma_wait3A_189 = tpu.memref_slice %arg7[%run_scoped3A_120, %dma_wait3A_188] : memref<80x128xi32, #tpu.memory_space<vmem>> -> memref<1x128xi32, #tpu.memory_space<vmem>>
      %dma_wait3A_190 = tpu.memref_squeeze %dma_wait3A_189 : memref<1x128xi32, #tpu.memory_space<vmem>> -> memref<128xi32, #tpu.memory_space<vmem>>
      %dma_wait3A_191 = arith.constant 0 : i32
      %dma_wait3A_192 = arith.constant 0 : i32
      %dma_wait3A_193 = tpu.memref_slice %arg9[%dma_wait3A_191, %dma_wait3A_192] : memref<10240x64xbf16, #tpu.memory_space<vmem_shared>> -> memref<10240x64xbf16, #tpu.memory_space<vmem_shared>>
      tpu.wait_indirect_dma semaphore(%run_scoped3A_173 : memref<!tpu.dma_semaphore, #tpu.memory_space<semaphore_mem>>) src(%dma_wait3A_187 : memref<128x64xbf16, #tpu.memory_space<vmem>>) dst(%dma_wait3A_193 : memref<10240x64xbf16, #tpu.memory_space<vmem_shared>>)
      tpu.yield
    }) : () -> ()
    %dma_wait3A_121 = arith.constant 77 : i32
    %dma_wait3A_122 = arith.constant 2 : i32
    %dma_wait3A_123 = arith.constant 2 : i32
    %dma_wait3A_124 = arith.constant 0 : i32
    %dma_wait3A_125 = arith.constant 0 : i32
    %dma_wait3A_126 = tpu.memref_slice %arg8[%dma_wait3A_122, %dma_wait3A_124, %dma_wait3A_125] : memref<5x128x64xbf16, #tpu.memory_space<vmem>> -> memref<1x128x64xbf16, #tpu.memory_space<vmem>>
    %dma_wait3A_127 = tpu.memref_squeeze %dma_wait3A_126 : memref<1x128x64xbf16, #tpu.memory_space<vmem>> -> memref<128x64xbf16, #tpu.memory_space<vmem>>
    %dma_wait3A_128 = arith.constant 0 : i32
    %dma_wait3A_129 = tpu.memref_slice %arg6[%dma_wait3A_121, %dma_wait3A_128] : memref<80x128xi32, #tpu.memory_space<vmem>> -> memref<1x128xi32, #tpu.memory_space<vmem>>
    %dma_wait3A_130 = tpu.memref_squeeze %dma_wait3A_129 : memref<1x128xi32, #tpu.memory_space<vmem>> -> memref<128xi32, #tpu.memory_space<vmem>>
    %dma_wait3A_131 = arith.constant 0 : i32
    %dma_wait3A_132 = arith.constant 0 : i32
    %dma_wait3A_133 = tpu.memref_slice %arg2[%dma_wait3A_131, %dma_wait3A_132] : memref<10000x64xbf16, #tpu.memory_space<hbm>> -> memref<10000x64xbf16, #tpu.memory_space<hbm>>
    %dma_wait3A_134 = tpu.memref_slice %arg10[%dma_wait3A_123] : memref<5x!tpu.dma_semaphore, #tpu.memory_space<semaphore_mem>> -> memref<1x!tpu.dma_semaphore, #tpu.memory_space<semaphore_mem>>
    %dma_wait3A_135 = tpu.memref_squeeze %dma_wait3A_134 : memref<1x!tpu.dma_semaphore, #tpu.memory_space<semaphore_mem>> -> memref<!tpu.dma_semaphore, #tpu.memory_space<semaphore_mem>>
    tpu.wait_indirect_dma semaphore(%dma_wait3A_135 : memref<!tpu.dma_semaphore, #tpu.memory_space<semaphore_mem>>) src(%dma_wait3A_133 : memref<10000x64xbf16, #tpu.memory_space<hbm>>) dst(%dma_wait3A_127 : memref<128x64xbf16, #tpu.memory_space<vmem>>)
    %run_scoped3A_136 = arith.constant 2 : i32
    %run_scoped3A_137 = arith.constant 77 : i32
    "tpu.region"() ({
      %run_scoped3A_173 = tpu.sem_alloc : memref<!tpu.dma_semaphore, #tpu.memory_space<semaphore_mem>>
      %dma_start3A_174 = arith.constant 0 : i32
      %dma_start3A_175 = arith.constant 0 : i32
      %dma_start3A_176 = tpu.memref_slice %arg8[%run_scoped3A_136, %dma_start3A_174, %dma_start3A_175] : memref<5x128x64xbf16, #tpu.memory_space<vmem>> -> memref<1x128x64xbf16, #tpu.memory_space<vmem>>
      %dma_start3A_177 = tpu.memref_squeeze %dma_start3A_176 : memref<1x128x64xbf16, #tpu.memory_space<vmem>> -> memref<128x64xbf16, #tpu.memory_space<vmem>>
      %dma_start3A_178 = arith.constant 0 : i32
      %dma_start3A_179 = tpu.memref_slice %arg7[%run_scoped3A_137, %dma_start3A_178] : memref<80x128xi32, #tpu.memory_space<vmem>> -> memref<1x128xi32, #tpu.memory_space<vmem>>
      %dma_start3A_180 = tpu.memref_squeeze %dma_start3A_179 : memref<1x128xi32, #tpu.memory_space<vmem>> -> memref<128xi32, #tpu.memory_space<vmem>>
      %dma_start3A_181 = arith.constant 0 : i32
      %dma_start3A_182 = arith.constant 0 : i32
      %dma_start3A_183 = tpu.memref_slice %arg9[%dma_start3A_181, %dma_start3A_182] : memref<10240x64xbf16, #tpu.memory_space<vmem_shared>> -> memref<10240x64xbf16, #tpu.memory_space<vmem_shared>>
      tpu.enqueue_indirect_dma source(%dma_start3A_177 : memref<128x64xbf16, #tpu.memory_space<vmem>>) target(%dma_start3A_183 : memref<10240x64xbf16, #tpu.memory_space<vmem_shared>>) offsets(%dma_start3A_180 : memref<128xi32, #tpu.memory_space<vmem>>) semaphore(%run_scoped3A_173 : memref<!tpu.dma_semaphore, #tpu.memory_space<semaphore_mem>>) {add = true}
      %dma_wait3A_184 = arith.constant 0 : i32
      %dma_wait3A_185 = arith.constant 0 : i32
      %dma_wait3A_186 = tpu.memref_slice %arg8[%run_scoped3A_136, %dma_wait3A_184, %dma_wait3A_185] : memref<5x128x64xbf16, #tpu.memory_space<vmem>> -> memref<1x128x64xbf16, #tpu.memory_space<vmem>>
      %dma_wait3A_187 = tpu.memref_squeeze %dma_wait3A_186 : memref<1x128x64xbf16, #tpu.memory_space<vmem>> -> memref<128x64xbf16, #tpu.memory_space<vmem>>
      %dma_wait3A_188 = arith.constant 0 : i32
      %dma_wait3A_189 = tpu.memref_slice %arg7[%run_scoped3A_137, %dma_wait3A_188] : memref<80x128xi32, #tpu.memory_space<vmem>> -> memref<1x128xi32, #tpu.memory_space<vmem>>
      %dma_wait3A_190 = tpu.memref_squeeze %dma_wait3A_189 : memref<1x128xi32, #tpu.memory_space<vmem>> -> memref<128xi32, #tpu.memory_space<vmem>>
      %dma_wait3A_191 = arith.constant 0 : i32
      %dma_wait3A_192 = arith.constant 0 : i32
      %dma_wait3A_193 = tpu.memref_slice %arg9[%dma_wait3A_191, %dma_wait3A_192] : memref<10240x64xbf16, #tpu.memory_space<vmem_shared>> -> memref<10240x64xbf16, #tpu.memory_space<vmem_shared>>
      tpu.wait_indirect_dma semaphore(%run_scoped3A_173 : memref<!tpu.dma_semaphore, #tpu.memory_space<semaphore_mem>>) src(%dma_wait3A_187 : memref<128x64xbf16, #tpu.memory_space<vmem>>) dst(%dma_wait3A_193 : memref<10240x64xbf16, #tpu.memory_space<vmem_shared>>)
      tpu.yield
    }) : () -> ()
    %dma_wait3A_138 = arith.constant 78 : i32
    %dma_wait3A_139 = arith.constant 3 : i32
    %dma_wait3A_140 = arith.constant 3 : i32
    %dma_wait3A_141 = arith.constant 0 : i32
    %dma_wait3A_142 = arith.constant 0 : i32
    %dma_wait3A_143 = tpu.memref_slice %arg8[%dma_wait3A_139, %dma_wait3A_141, %dma_wait3A_142] : memref<5x128x64xbf16, #tpu.memory_space<vmem>> -> memref<1x128x64xbf16, #tpu.memory_space<vmem>>
    %dma_wait3A_144 = tpu.memref_squeeze %dma_wait3A_143 : memref<1x128x64xbf16, #tpu.memory_space<vmem>> -> memref<128x64xbf16, #tpu.memory_space<vmem>>
    %dma_wait3A_145 = arith.constant 0 : i32
    %dma_wait3A_146 = tpu.memref_slice %arg6[%dma_wait3A_138, %dma_wait3A_145] : memref<80x128xi32, #tpu.memory_space<vmem>> -> memref<1x128xi32, #tpu.memory_space<vmem>>
    %dma_wait3A_147 = tpu.memref_squeeze %dma_wait3A_146 : memref<1x128xi32, #tpu.memory_space<vmem>> -> memref<128xi32, #tpu.memory_space<vmem>>
    %dma_wait3A_148 = arith.constant 0 : i32
    %dma_wait3A_149 = arith.constant 0 : i32
    %dma_wait3A_150 = tpu.memref_slice %arg2[%dma_wait3A_148, %dma_wait3A_149] : memref<10000x64xbf16, #tpu.memory_space<hbm>> -> memref<10000x64xbf16, #tpu.memory_space<hbm>>
    %dma_wait3A_151 = tpu.memref_slice %arg10[%dma_wait3A_140] : memref<5x!tpu.dma_semaphore, #tpu.memory_space<semaphore_mem>> -> memref<1x!tpu.dma_semaphore, #tpu.memory_space<semaphore_mem>>
    %dma_wait3A_152 = tpu.memref_squeeze %dma_wait3A_151 : memref<1x!tpu.dma_semaphore, #tpu.memory_space<semaphore_mem>> -> memref<!tpu.dma_semaphore, #tpu.memory_space<semaphore_mem>>
    tpu.wait_indirect_dma semaphore(%dma_wait3A_152 : memref<!tpu.dma_semaphore, #tpu.memory_space<semaphore_mem>>) src(%dma_wait3A_150 : memref<10000x64xbf16, #tpu.memory_space<hbm>>) dst(%dma_wait3A_144 : memref<128x64xbf16, #tpu.memory_space<vmem>>)
    %run_scoped3A_153 = arith.constant 3 : i32
    %run_scoped3A_154 = arith.constant 78 : i32
    "tpu.region"() ({
      %run_scoped3A_173 = tpu.sem_alloc : memref<!tpu.dma_semaphore, #tpu.memory_space<semaphore_mem>>
      %dma_start3A_174 = arith.constant 0 : i32
      %dma_start3A_175 = arith.constant 0 : i32
      %dma_start3A_176 = tpu.memref_slice %arg8[%run_scoped3A_153, %dma_start3A_174, %dma_start3A_175] : memref<5x128x64xbf16, #tpu.memory_space<vmem>> -> memref<1x128x64xbf16, #tpu.memory_space<vmem>>
      %dma_start3A_177 = tpu.memref_squeeze %dma_start3A_176 : memref<1x128x64xbf16, #tpu.memory_space<vmem>> -> memref<128x64xbf16, #tpu.memory_space<vmem>>
      %dma_start3A_178 = arith.constant 0 : i32
      %dma_start3A_179 = tpu.memref_slice %arg7[%run_scoped3A_154, %dma_start3A_178] : memref<80x128xi32, #tpu.memory_space<vmem>> -> memref<1x128xi32, #tpu.memory_space<vmem>>
      %dma_start3A_180 = tpu.memref_squeeze %dma_start3A_179 : memref<1x128xi32, #tpu.memory_space<vmem>> -> memref<128xi32, #tpu.memory_space<vmem>>
      %dma_start3A_181 = arith.constant 0 : i32
      %dma_start3A_182 = arith.constant 0 : i32
      %dma_start3A_183 = tpu.memref_slice %arg9[%dma_start3A_181, %dma_start3A_182] : memref<10240x64xbf16, #tpu.memory_space<vmem_shared>> -> memref<10240x64xbf16, #tpu.memory_space<vmem_shared>>
      tpu.enqueue_indirect_dma source(%dma_start3A_177 : memref<128x64xbf16, #tpu.memory_space<vmem>>) target(%dma_start3A_183 : memref<10240x64xbf16, #tpu.memory_space<vmem_shared>>) offsets(%dma_start3A_180 : memref<128xi32, #tpu.memory_space<vmem>>) semaphore(%run_scoped3A_173 : memref<!tpu.dma_semaphore, #tpu.memory_space<semaphore_mem>>) {add = true}
      %dma_wait3A_184 = arith.constant 0 : i32
      %dma_wait3A_185 = arith.constant 0 : i32
      %dma_wait3A_186 = tpu.memref_slice %arg8[%run_scoped3A_153, %dma_wait3A_184, %dma_wait3A_185] : memref<5x128x64xbf16, #tpu.memory_space<vmem>> -> memref<1x128x64xbf16, #tpu.memory_space<vmem>>
      %dma_wait3A_187 = tpu.memref_squeeze %dma_wait3A_186 : memref<1x128x64xbf16, #tpu.memory_space<vmem>> -> memref<128x64xbf16, #tpu.memory_space<vmem>>
      %dma_wait3A_188 = arith.constant 0 : i32
      %dma_wait3A_189 = tpu.memref_slice %arg7[%run_scoped3A_154, %dma_wait3A_188] : memref<80x128xi32, #tpu.memory_space<vmem>> -> memref<1x128xi32, #tpu.memory_space<vmem>>
      %dma_wait3A_190 = tpu.memref_squeeze %dma_wait3A_189 : memref<1x128xi32, #tpu.memory_space<vmem>> -> memref<128xi32, #tpu.memory_space<vmem>>
      %dma_wait3A_191 = arith.constant 0 : i32
      %dma_wait3A_192 = arith.constant 0 : i32
      %dma_wait3A_193 = tpu.memref_slice %arg9[%dma_wait3A_191, %dma_wait3A_192] : memref<10240x64xbf16, #tpu.memory_space<vmem_shared>> -> memref<10240x64xbf16, #tpu.memory_space<vmem_shared>>
      tpu.wait_indirect_dma semaphore(%run_scoped3A_173 : memref<!tpu.dma_semaphore, #tpu.memory_space<semaphore_mem>>) src(%dma_wait3A_187 : memref<128x64xbf16, #tpu.memory_space<vmem>>) dst(%dma_wait3A_193 : memref<10240x64xbf16, #tpu.memory_space<vmem_shared>>)
      tpu.yield
    }) : () -> ()
    %dma_wait3A_155 = arith.constant 79 : i32
    %dma_wait3A_156 = arith.constant 4 : i32
    %dma_wait3A_157 = arith.constant 4 : i32
    %dma_wait3A_158 = arith.constant 0 : i32
    %dma_wait3A_159 = arith.constant 0 : i32
    %dma_wait3A_160 = tpu.memref_slice %arg8[%dma_wait3A_156, %dma_wait3A_158, %dma_wait3A_159] : memref<5x128x64xbf16, #tpu.memory_space<vmem>> -> memref<1x128x64xbf16, #tpu.memory_space<vmem>>
    %dma_wait3A_161 = tpu.memref_squeeze %dma_wait3A_160 : memref<1x128x64xbf16, #tpu.memory_space<vmem>> -> memref<128x64xbf16, #tpu.memory_space<vmem>>
    %dma_wait3A_162 = arith.constant 0 : i32
    %dma_wait3A_163 = tpu.memref_slice %arg6[%dma_wait3A_155, %dma_wait3A_162] : memref<80x128xi32, #tpu.memory_space<vmem>> -> memref<1x128xi32, #tpu.memory_space<vmem>>
    %dma_wait3A_164 = tpu.memref_squeeze %dma_wait3A_163 : memref<1x128xi32, #tpu.memory_space<vmem>> -> memref<128xi32, #tpu.memory_space<vmem>>
    %dma_wait3A_165 = arith.constant 0 : i32
    %dma_wait3A_166 = arith.constant 0 : i32
    %dma_wait3A_167 = tpu.memref_slice %arg2[%dma_wait3A_165, %dma_wait3A_166] : memref<10000x64xbf16, #tpu.memory_space<hbm>> -> memref<10000x64xbf16, #tpu.memory_space<hbm>>
    %dma_wait3A_168 = tpu.memref_slice %arg10[%dma_wait3A_157] : memref<5x!tpu.dma_semaphore, #tpu.memory_space<semaphore_mem>> -> memref<1x!tpu.dma_semaphore, #tpu.memory_space<semaphore_mem>>
    %dma_wait3A_169 = tpu.memref_squeeze %dma_wait3A_168 : memref<1x!tpu.dma_semaphore, #tpu.memory_space<semaphore_mem>> -> memref<!tpu.dma_semaphore, #tpu.memory_space<semaphore_mem>>
    tpu.wait_indirect_dma semaphore(%dma_wait3A_169 : memref<!tpu.dma_semaphore, #tpu.memory_space<semaphore_mem>>) src(%dma_wait3A_167 : memref<10000x64xbf16, #tpu.memory_space<hbm>>) dst(%dma_wait3A_161 : memref<128x64xbf16, #tpu.memory_space<vmem>>)
    %run_scoped3A_170 = arith.constant 4 : i32
    %run_scoped3A_171 = arith.constant 79 : i32
    "tpu.region"() ({
      %run_scoped3A_173 = tpu.sem_alloc : memref<!tpu.dma_semaphore, #tpu.memory_space<semaphore_mem>>
      %dma_start3A_174 = arith.constant 0 : i32
      %dma_start3A_175 = arith.constant 0 : i32
      %dma_start3A_176 = tpu.memref_slice %arg8[%run_scoped3A_170, %dma_start3A_174, %dma_start3A_175] : memref<5x128x64xbf16, #tpu.memory_space<vmem>> -> memref<1x128x64xbf16, #tpu.memory_space<vmem>>
      %dma_start3A_177 = tpu.memref_squeeze %dma_start3A_176 : memref<1x128x64xbf16, #tpu.memory_space<vmem>> -> memref<128x64xbf16, #tpu.memory_space<vmem>>
      %dma_start3A_178 = arith.constant 0 : i32
      %dma_start3A_179 = tpu.memref_slice %arg7[%run_scoped3A_171, %dma_start3A_178] : memref<80x128xi32, #tpu.memory_space<vmem>> -> memref<1x128xi32, #tpu.memory_space<vmem>>
      %dma_start3A_180 = tpu.memref_squeeze %dma_start3A_179 : memref<1x128xi32, #tpu.memory_space<vmem>> -> memref<128xi32, #tpu.memory_space<vmem>>
      %dma_start3A_181 = arith.constant 0 : i32
      %dma_start3A_182 = arith.constant 0 : i32
      %dma_start3A_183 = tpu.memref_slice %arg9[%dma_start3A_181, %dma_start3A_182] : memref<10240x64xbf16, #tpu.memory_space<vmem_shared>> -> memref<10240x64xbf16, #tpu.memory_space<vmem_shared>>
      tpu.enqueue_indirect_dma source(%dma_start3A_177 : memref<128x64xbf16, #tpu.memory_space<vmem>>) target(%dma_start3A_183 : memref<10240x64xbf16, #tpu.memory_space<vmem_shared>>) offsets(%dma_start3A_180 : memref<128xi32, #tpu.memory_space<vmem>>) semaphore(%run_scoped3A_173 : memref<!tpu.dma_semaphore, #tpu.memory_space<semaphore_mem>>) {add = true}
      %dma_wait3A_184 = arith.constant 0 : i32
      %dma_wait3A_185 = arith.constant 0 : i32
      %dma_wait3A_186 = tpu.memref_slice %arg8[%run_scoped3A_170, %dma_wait3A_184, %dma_wait3A_185] : memref<5x128x64xbf16, #tpu.memory_space<vmem>> -> memref<1x128x64xbf16, #tpu.memory_space<vmem>>
      %dma_wait3A_187 = tpu.memref_squeeze %dma_wait3A_186 : memref<1x128x64xbf16, #tpu.memory_space<vmem>> -> memref<128x64xbf16, #tpu.memory_space<vmem>>
      %dma_wait3A_188 = arith.constant 0 : i32
      %dma_wait3A_189 = tpu.memref_slice %arg7[%run_scoped3A_171, %dma_wait3A_188] : memref<80x128xi32, #tpu.memory_space<vmem>> -> memref<1x128xi32, #tpu.memory_space<vmem>>
      %dma_wait3A_190 = tpu.memref_squeeze %dma_wait3A_189 : memref<1x128xi32, #tpu.memory_space<vmem>> -> memref<128xi32, #tpu.memory_space<vmem>>
      %dma_wait3A_191 = arith.constant 0 : i32
      %dma_wait3A_192 = arith.constant 0 : i32
      %dma_wait3A_193 = tpu.memref_slice %arg9[%dma_wait3A_191, %dma_wait3A_192] : memref<10240x64xbf16, #tpu.memory_space<vmem_shared>> -> memref<10240x64xbf16, #tpu.memory_space<vmem_shared>>
      tpu.wait_indirect_dma semaphore(%run_scoped3A_173 : memref<!tpu.dma_semaphore, #tpu.memory_space<semaphore_mem>>) src(%dma_wait3A_187 : memref<128x64xbf16, #tpu.memory_space<vmem>>) dst(%dma_wait3A_193 : memref<10240x64xbf16, #tpu.memory_space<vmem_shared>>)
      tpu.yield
    }) : () -> ()
    %barrier3A_172 = arith.constant 0 : index
    tpu.barrier barrier_id(%barrier3A_172)
    "tpu.region"() ({
      %run_scoped3A_173 = tpu.sem_alloc : memref<!tpu.dma_semaphore, #tpu.memory_space<semaphore_mem>>
      %dma_start3A_174 = arith.constant 0 : i32
      %dma_start3A_175 = tpu.memref_slice %arg5[%arg0, %multiple_of3A, %dma_start3A_174] : memref<2x10240x64xbf16, #tpu.memory_space<hbm>> -> memref<1x640x64xbf16, #tpu.memory_space<hbm>>
      %dma_start3A_176 = tpu.memref_squeeze %dma_start3A_175 : memref<1x640x64xbf16, #tpu.memory_space<hbm>> -> memref<640x64xbf16, #tpu.memory_space<hbm>>
      %dma_start3A_177 = arith.constant 0 : i32
      %dma_start3A_178 = tpu.memref_slice %arg9[%multiple_of3A, %dma_start3A_177] : memref<10240x64xbf16, #tpu.memory_space<vmem_shared>> -> memref<640x64xbf16, #tpu.memory_space<vmem_shared>>
      tpu.enqueue_dma source(%dma_start3A_178 : memref<640x64xbf16, #tpu.memory_space<vmem_shared>>) target(%dma_start3A_176 : memref<640x64xbf16, #tpu.memory_space<hbm>>) target_semaphore(%run_scoped3A_173 : memref<!tpu.dma_semaphore, #tpu.memory_space<semaphore_mem>>)
      %dma_wait3A_179 = arith.constant 0 : i32
      %dma_wait3A_180 = tpu.memref_slice %arg5[%arg0, %multiple_of3A, %dma_wait3A_179] : memref<2x10240x64xbf16, #tpu.memory_space<hbm>> -> memref<1x640x64xbf16, #tpu.memory_space<hbm>>
      %dma_wait3A_181 = tpu.memref_squeeze %dma_wait3A_180 : memref<1x640x64xbf16, #tpu.memory_space<hbm>> -> memref<640x64xbf16, #tpu.memory_space<hbm>>
      %dma_wait3A_182 = arith.constant 0 : i32
      %dma_wait3A_183 = tpu.memref_slice %arg9[%multiple_of3A, %dma_wait3A_182] : memref<10240x64xbf16, #tpu.memory_space<vmem_shared>> -> memref<640x64xbf16, #tpu.memory_space<vmem_shared>>
      tpu.wait_dma2 semaphore(%run_scoped3A_173 : memref<!tpu.dma_semaphore, #tpu.memory_space<semaphore_mem>>) src(%dma_wait3A_183 : memref<640x64xbf16, #tpu.memory_space<vmem_shared>>) dst(%dma_wait3A_181 : memref<640x64xbf16, #tpu.memory_space<hbm>>)
      tpu.yield
    }) : () -> ()
    return
  }
}

#map = affine_map<(d0, d1) -> (0, 0)>
#map1 = affine_map<(d0, d1) -> (0, 0, 0)>
module attributes {stable_mosaic.version = 14 : i64} {
  func.func @sc_segsum(%arg0: i32, %arg1: i32, %arg2: memref<10000x64xbf16, #tpu.memory_space<hbm>>, %arg3: memref<2x2560x128xi32, #tpu.memory_space<hbm>>, %arg4: memref<10240x64xbf16, #tpu.memory_space<hbm>>, %arg5: memref<2x10240x64xbf16, #tpu.memory_space<hbm>>, %arg6: memref<80x128xi32, #tpu.memory_space<vmem>>, %arg7: memref<80x128xi32, #tpu.memory_space<vmem>>, %arg8: memref<5x128x64xbf16, #tpu.memory_space<vmem>>, %arg9: memref<10240x64xbf16, #tpu.memory_space<vmem_shared>>, %arg10: memref<5x!tpu.dma_semaphore, #tpu.memory_space<semaphore_mem>>) attributes {dimension_semantics = [#tpu.dimension_semantics<core_parallel>, #tpu.dimension_semantics<subcore_parallel>], iteration_bounds = array<i64: 2, 16>, scalar_prefetch = 0 : i64, scratch_operands = 5 : i64, tpu.core_type = #tpu.core_type<sc_vector_subcore>, window_params = [{transform_indices = #map}, {transform_indices = #map1}, {transform_indices = #map}, {transform_indices = #map1}]} {
    %mul3A = arith.constant 2 : i32
    %mul3A_0 = arith.muli %arg1, %mul3A : i32
    %add3A = arith.addi %mul3A_0, %arg0 : i32
    %mul3A_1 = arith.constant 640 : i32
    %mul3A_2 = arith.muli %arg1, %mul3A_1 : i32
    %multiple_of3A = tpu.assume_multiple %mul3A_2, 8 : i32
    %mul3A_3 = arith.constant 80 : i32
    %mul3A_4 = arith.muli %add3A, %mul3A_3 : i32
    %run_scoped3A = arith.constant 0 : i32
    "tpu.region"() ({
      %run_scoped3A_173 = tpu.sem_alloc : memref<!tpu.dma_semaphore, #tpu.memory_space<semaphore_mem>>
      %dma_start3A_174 = arith.constant 0 : i32
      %dma_start3A_175 = tpu.memref_slice %arg3[%run_scoped3A, %mul3A_4, %dma_start3A_174] : memref<2x2560x128xi32, #tpu.memory_space<hbm>> -> memref<1x80x128xi32, #tpu.memory_space<hbm>>
      %dma_start3A_176 = tpu.memref_squeeze %dma_start3A_175 : memref<1x80x128xi32, #tpu.memory_space<hbm>> -> memref<80x128xi32, #tpu.memory_space<hbm>>
      %dma_start3A_177 = arith.constant 0 : i32
      %dma_start3A_178 = tpu.memref_slice %arg3[%run_scoped3A, %mul3A_4, %dma_start3A_177] : memref<2x2560x128xi32, #tpu.memory_space<hbm>> -> memref<1x80x128xi32, #tpu.memory_space<hbm>>
      %dma_start3A_179 = tpu.memref_squeeze %dma_start3A_178 : memref<1x80x128xi32, #tpu.memory_space<hbm>> -> memref<80x128xi32, #tpu.memory_space<hbm>>
      tpu.enqueue_dma source(%dma_start3A_179 : memref<80x128xi32, #tpu.memory_space<hbm>>) target(%arg6 : memref<80x128xi32, #tpu.memory_space<vmem>>) target_semaphore(%run_scoped3A_173 : memref<!tpu.dma_semaphore, #tpu.memory_space<semaphore_mem>>)
      %dma_wait3A_180 = arith.constant 0 : i32
      %dma_wait3A_181 = tpu.memref_slice %arg3[%run_scoped3A, %mul3A_4, %dma_wait3A_180] : memref<2x2560x128xi32, #tpu.memory_space<hbm>> -> memref<1x80x128xi32, #tpu.memory_space<hbm>>
      %dma_wait3A_182 = tpu.memref_squeeze %dma_wait3A_181 : memref<1x80x128xi32, #tpu.memory_space<hbm>> -> memref<80x128xi32, #tpu.memory_space<hbm>>
      %dma_wait3A_183 = arith.constant 0 : i32
      %dma_wait3A_184 = tpu.memref_slice %arg3[%run_scoped3A, %mul3A_4, %dma_wait3A_183] : memref<2x2560x128xi32, #tpu.memory_space<hbm>> -> memref<1x80x128xi32, #tpu.memory_space<hbm>>
      %dma_wait3A_185 = tpu.memref_squeeze %dma_wait3A_184 : memref<1x80x128xi32, #tpu.memory_space<hbm>> -> memref<80x128xi32, #tpu.memory_space<hbm>>
      tpu.wait_dma2 semaphore(%run_scoped3A_173 : memref<!tpu.dma_semaphore, #tpu.memory_space<semaphore_mem>>) src(%dma_wait3A_185 : memref<80x128xi32, #tpu.memory_space<hbm>>) dst(%arg6 : memref<80x128xi32, #tpu.memory_space<vmem>>)
      tpu.yield
    }) : () -> ()
    %mul3A_5 = arith.constant 80 : i32
    %mul3A_6 = arith.muli %add3A, %mul3A_5 : i32
    %run_scoped3A_7 = arith.constant 1 : i32
    "tpu.region"() ({
      %run_scoped3A_173 = tpu.sem_alloc : memref<!tpu.dma_semaphore, #tpu.memory_space<semaphore_mem>>
      %dma_start3A_174 = arith.constant 0 : i32
      %dma_start3A_175 = tpu.memref_slice %arg3[%run_scoped3A_7, %mul3A_6, %dma_start3A_174] : memref<2x2560x128xi32, #tpu.memory_space<hbm>> -> memref<1x80x128xi32, #tpu.memory_space<hbm>>
      %dma_start3A_176 = tpu.memref_squeeze %dma_start3A_175 : memref<1x80x128xi32, #tpu.memory_space<hbm>> -> memref<80x128xi32, #tpu.memory_space<hbm>>
      %dma_start3A_177 = arith.constant 0 : i32
      %dma_start3A_178 = tpu.memref_slice %arg3[%run_scoped3A_7, %mul3A_6, %dma_start3A_177] : memref<2x2560x128xi32, #tpu.memory_space<hbm>> -> memref<1x80x128xi32, #tpu.memory_space<hbm>>
      %dma_start3A_179 = tpu.memref_squeeze %dma_start3A_178 : memref<1x80x128xi32, #tpu.memory_space<hbm>> -> memref<80x128xi32, #tpu.memory_space<hbm>>
      tpu.enqueue_dma source(%dma_start3A_179 : memref<80x128xi32, #tpu.memory_space<hbm>>) target(%arg7 : memref<80x128xi32, #tpu.memory_space<vmem>>) target_semaphore(%run_scoped3A_173 : memref<!tpu.dma_semaphore, #tpu.memory_space<semaphore_mem>>)
      %dma_wait3A_180 = arith.constant 0 : i32
      %dma_wait3A_181 = tpu.memref_slice %arg3[%run_scoped3A_7, %mul3A_6, %dma_wait3A_180] : memref<2x2560x128xi32, #tpu.memory_space<hbm>> -> memref<1x80x128xi32, #tpu.memory_space<hbm>>
      %dma_wait3A_182 = tpu.memref_squeeze %dma_wait3A_181 : memref<1x80x128xi32, #tpu.memory_space<hbm>> -> memref<80x128xi32, #tpu.memory_space<hbm>>
      %dma_wait3A_183 = arith.constant 0 : i32
      %dma_wait3A_184 = tpu.memref_slice %arg3[%run_scoped3A_7, %mul3A_6, %dma_wait3A_183] : memref<2x2560x128xi32, #tpu.memory_space<hbm>> -> memref<1x80x128xi32, #tpu.memory_space<hbm>>
      %dma_wait3A_185 = tpu.memref_squeeze %dma_wait3A_184 : memref<1x80x128xi32, #tpu.memory_space<hbm>> -> memref<80x128xi32, #tpu.memory_space<hbm>>
      tpu.wait_dma2 semaphore(%run_scoped3A_173 : memref<!tpu.dma_semaphore, #tpu.memory_space<semaphore_mem>>) src(%dma_wait3A_185 : memref<80x128xi32, #tpu.memory_space<hbm>>) dst(%arg7 : memref<80x128xi32, #tpu.memory_space<vmem>>)
      tpu.yield
    }) : () -> ()
    "tpu.region"() ({
      %run_scoped3A_173 = tpu.sem_alloc : memref<!tpu.dma_semaphore, #tpu.memory_space<semaphore_mem>>
      %dma_start3A_174 = arith.constant 0 : i32
      %dma_start3A_175 = tpu.memref_slice %arg9[%multiple_of3A, %dma_start3A_174] : memref<10240x64xbf16, #tpu.memory_space<vmem_shared>> -> memref<640x64xbf16, #tpu.memory_space<vmem_shared>>
      %dma_start3A_176 = arith.constant 0 : i32
      %dma_start3A_177 = tpu.memref_slice %arg4[%multiple_of3A, %dma_start3A_176] : memref<10240x64xbf16, #tpu.memory_space<hbm>> -> memref<640x64xbf16, #tpu.memory_space<hbm>>
      tpu.enqueue_dma source(%dma_start3A_177 : memref<640x64xbf16, #tpu.memory_space<hbm>>) target(%dma_start3A_175 : memref<640x64xbf16, #tpu.memory_space<vmem_shared>>) target_semaphore(%run_scoped3A_173 : memref<!tpu.dma_semaphore, #tpu.memory_space<semaphore_mem>>)
      %dma_wait3A_178 = arith.constant 0 : i32
      %dma_wait3A_179 = tpu.memref_slice %arg9[%multiple_of3A, %dma_wait3A_178] : memref<10240x64xbf16, #tpu.memory_space<vmem_shared>> -> memref<640x64xbf16, #tpu.memory_space<vmem_shared>>
      %dma_wait3A_180 = arith.constant 0 : i32
      %dma_wait3A_181 = tpu.memref_slice %arg4[%multiple_of3A, %dma_wait3A_180] : memref<10240x64xbf16, #tpu.memory_space<hbm>> -> memref<640x64xbf16, #tpu.memory_space<hbm>>
      tpu.wait_dma2 semaphore(%run_scoped3A_173 : memref<!tpu.dma_semaphore, #tpu.memory_space<semaphore_mem>>) src(%dma_wait3A_181 : memref<640x64xbf16, #tpu.memory_space<hbm>>) dst(%dma_wait3A_179 : memref<640x64xbf16, #tpu.memory_space<vmem_shared>>)
      tpu.yield
    }) : () -> ()
    %barrier3A = arith.constant 0 : index
    tpu.barrier barrier_id(%barrier3A)
    %dma_start3A = arith.constant 0 : i32
    %dma_start3A_8 = arith.constant 0 : i32
    %dma_start3A_9 = arith.constant 0 : i32
    %dma_start3A_10 = arith.constant 0 : i32
    %dma_start3A_11 = arith.constant 0 : i32
    %dma_start3A_12 = tpu.memref_slice %arg8[%dma_start3A_8, %dma_start3A_10, %dma_start3A_11] : memref<5x128x64xbf16, #tpu.memory_space<vmem>> -> memref<1x128x64xbf16, #tpu.memory_space<vmem>>
    %dma_start3A_13 = tpu.memref_squeeze %dma_start3A_12 : memref<1x128x64xbf16, #tpu.memory_space<vmem>> -> memref<128x64xbf16, #tpu.memory_space<vmem>>
    %dma_start3A_14 = arith.constant 0 : i32
    %dma_start3A_15 = tpu.memref_slice %arg6[%dma_start3A, %dma_start3A_14] : memref<80x128xi32, #tpu.memory_space<vmem>> -> memref<1x128xi32, #tpu.memory_space<vmem>>
    %dma_start3A_16 = tpu.memref_squeeze %dma_start3A_15 : memref<1x128xi32, #tpu.memory_space<vmem>> -> memref<128xi32, #tpu.memory_space<vmem>>
    %dma_start3A_17 = arith.constant 0 : i32
    %dma_start3A_18 = arith.constant 0 : i32
    %dma_start3A_19 = tpu.memref_slice %arg2[%dma_start3A_17, %dma_start3A_18] : memref<10000x64xbf16, #tpu.memory_space<hbm>> -> memref<10000x64xbf16, #tpu.memory_space<hbm>>
    %dma_start3A_20 = tpu.memref_slice %arg10[%dma_start3A_9] : memref<5x!tpu.dma_semaphore, #tpu.memory_space<semaphore_mem>> -> memref<1x!tpu.dma_semaphore, #tpu.memory_space<semaphore_mem>>
    %dma_start3A_21 = tpu.memref_squeeze %dma_start3A_20 : memref<1x!tpu.dma_semaphore, #tpu.memory_space<semaphore_mem>> -> memref<!tpu.dma_semaphore, #tpu.memory_space<semaphore_mem>>
    tpu.enqueue_indirect_dma source(%dma_start3A_19 : memref<10000x64xbf16, #tpu.memory_space<hbm>>) target(%dma_start3A_13 : memref<128x64xbf16, #tpu.memory_space<vmem>>) offsets(%dma_start3A_16 : memref<128xi32, #tpu.memory_space<vmem>>) semaphore(%dma_start3A_21 : memref<!tpu.dma_semaphore, #tpu.memory_space<semaphore_mem>>)
    %dma_start3A_22 = arith.constant 1 : i32
    %dma_start3A_23 = arith.constant 1 : i32
    %dma_start3A_24 = arith.constant 1 : i32
    %dma_start3A_25 = arith.constant 0 : i32
    %dma_start3A_26 = arith.constant 0 : i32
    %dma_start3A_27 = tpu.memref_slice %arg8[%dma_start3A_23, %dma_start3A_25, %dma_start3A_26] : memref<5x128x64xbf16, #tpu.memory_space<vmem>> -> memref<1x128x64xbf16, #tpu.memory_space<vmem>>
    %dma_start3A_28 = tpu.memref_squeeze %dma_start3A_27 : memref<1x128x64xbf16, #tpu.memory_space<vmem>> -> memref<128x64xbf16, #tpu.memory_space<vmem>>
    %dma_start3A_29 = arith.constant 0 : i32
    %dma_start3A_30 = tpu.memref_slice %arg6[%dma_start3A_22, %dma_start3A_29] : memref<80x128xi32, #tpu.memory_space<vmem>> -> memref<1x128xi32, #tpu.memory_space<vmem>>
    %dma_start3A_31 = tpu.memref_squeeze %dma_start3A_30 : memref<1x128xi32, #tpu.memory_space<vmem>> -> memref<128xi32, #tpu.memory_space<vmem>>
    %dma_start3A_32 = arith.constant 0 : i32
    %dma_start3A_33 = arith.constant 0 : i32
    %dma_start3A_34 = tpu.memref_slice %arg2[%dma_start3A_32, %dma_start3A_33] : memref<10000x64xbf16, #tpu.memory_space<hbm>> -> memref<10000x64xbf16, #tpu.memory_space<hbm>>
    %dma_start3A_35 = tpu.memref_slice %arg10[%dma_start3A_24] : memref<5x!tpu.dma_semaphore, #tpu.memory_space<semaphore_mem>> -> memref<1x!tpu.dma_semaphore, #tpu.memory_space<semaphore_mem>>
    %dma_start3A_36 = tpu.memref_squeeze %dma_start3A_35 : memref<1x!tpu.dma_semaphore, #tpu.memory_space<semaphore_mem>> -> memref<!tpu.dma_semaphore, #tpu.memory_space<semaphore_mem>>
    tpu.enqueue_indirect_dma source(%dma_start3A_34 : memref<10000x64xbf16, #tpu.memory_space<hbm>>) target(%dma_start3A_28 : memref<128x64xbf16, #tpu.memory_space<vmem>>) offsets(%dma_start3A_31 : memref<128xi32, #tpu.memory_space<vmem>>) semaphore(%dma_start3A_36 : memref<!tpu.dma_semaphore, #tpu.memory_space<semaphore_mem>>)
    %dma_start3A_37 = arith.constant 2 : i32
    %dma_start3A_38 = arith.constant 2 : i32
    %dma_start3A_39 = arith.constant 2 : i32
    %dma_start3A_40 = arith.constant 0 : i32
    %dma_start3A_41 = arith.constant 0 : i32
    %dma_start3A_42 = tpu.memref_slice %arg8[%dma_start3A_38, %dma_start3A_40, %dma_start3A_41] : memref<5x128x64xbf16, #tpu.memory_space<vmem>> -> memref<1x128x64xbf16, #tpu.memory_space<vmem>>
    %dma_start3A_43 = tpu.memref_squeeze %dma_start3A_42 : memref<1x128x64xbf16, #tpu.memory_space<vmem>> -> memref<128x64xbf16, #tpu.memory_space<vmem>>
    %dma_start3A_44 = arith.constant 0 : i32
    %dma_start3A_45 = tpu.memref_slice %arg6[%dma_start3A_37, %dma_start3A_44] : memref<80x128xi32, #tpu.memory_space<vmem>> -> memref<1x128xi32, #tpu.memory_space<vmem>>
    %dma_start3A_46 = tpu.memref_squeeze %dma_start3A_45 : memref<1x128xi32, #tpu.memory_space<vmem>> -> memref<128xi32, #tpu.memory_space<vmem>>
    %dma_start3A_47 = arith.constant 0 : i32
    %dma_start3A_48 = arith.constant 0 : i32
    %dma_start3A_49 = tpu.memref_slice %arg2[%dma_start3A_47, %dma_start3A_48] : memref<10000x64xbf16, #tpu.memory_space<hbm>> -> memref<10000x64xbf16, #tpu.memory_space<hbm>>
    %dma_start3A_50 = tpu.memref_slice %arg10[%dma_start3A_39] : memref<5x!tpu.dma_semaphore, #tpu.memory_space<semaphore_mem>> -> memref<1x!tpu.dma_semaphore, #tpu.memory_space<semaphore_mem>>
    %dma_start3A_51 = tpu.memref_squeeze %dma_start3A_50 : memref<1x!tpu.dma_semaphore, #tpu.memory_space<semaphore_mem>> -> memref<!tpu.dma_semaphore, #tpu.memory_space<semaphore_mem>>
    tpu.enqueue_indirect_dma source(%dma_start3A_49 : memref<10000x64xbf16, #tpu.memory_space<hbm>>) target(%dma_start3A_43 : memref<128x64xbf16, #tpu.memory_space<vmem>>) offsets(%dma_start3A_46 : memref<128xi32, #tpu.memory_space<vmem>>) semaphore(%dma_start3A_51 : memref<!tpu.dma_semaphore, #tpu.memory_space<semaphore_mem>>)
    %dma_start3A_52 = arith.constant 3 : i32
    %dma_start3A_53 = arith.constant 3 : i32
    %dma_start3A_54 = arith.constant 3 : i32
    %dma_start3A_55 = arith.constant 0 : i32
    %dma_start3A_56 = arith.constant 0 : i32
    %dma_start3A_57 = tpu.memref_slice %arg8[%dma_start3A_53, %dma_start3A_55, %dma_start3A_56] : memref<5x128x64xbf16, #tpu.memory_space<vmem>> -> memref<1x128x64xbf16, #tpu.memory_space<vmem>>
    %dma_start3A_58 = tpu.memref_squeeze %dma_start3A_57 : memref<1x128x64xbf16, #tpu.memory_space<vmem>> -> memref<128x64xbf16, #tpu.memory_space<vmem>>
    %dma_start3A_59 = arith.constant 0 : i32
    %dma_start3A_60 = tpu.memref_slice %arg6[%dma_start3A_52, %dma_start3A_59] : memref<80x128xi32, #tpu.memory_space<vmem>> -> memref<1x128xi32, #tpu.memory_space<vmem>>
    %dma_start3A_61 = tpu.memref_squeeze %dma_start3A_60 : memref<1x128xi32, #tpu.memory_space<vmem>> -> memref<128xi32, #tpu.memory_space<vmem>>
    %dma_start3A_62 = arith.constant 0 : i32
    %dma_start3A_63 = arith.constant 0 : i32
    %dma_start3A_64 = tpu.memref_slice %arg2[%dma_start3A_62, %dma_start3A_63] : memref<10000x64xbf16, #tpu.memory_space<hbm>> -> memref<10000x64xbf16, #tpu.memory_space<hbm>>
    %dma_start3A_65 = tpu.memref_slice %arg10[%dma_start3A_54] : memref<5x!tpu.dma_semaphore, #tpu.memory_space<semaphore_mem>> -> memref<1x!tpu.dma_semaphore, #tpu.memory_space<semaphore_mem>>
    %dma_start3A_66 = tpu.memref_squeeze %dma_start3A_65 : memref<1x!tpu.dma_semaphore, #tpu.memory_space<semaphore_mem>> -> memref<!tpu.dma_semaphore, #tpu.memory_space<semaphore_mem>>
    tpu.enqueue_indirect_dma source(%dma_start3A_64 : memref<10000x64xbf16, #tpu.memory_space<hbm>>) target(%dma_start3A_58 : memref<128x64xbf16, #tpu.memory_space<vmem>>) offsets(%dma_start3A_61 : memref<128xi32, #tpu.memory_space<vmem>>) semaphore(%dma_start3A_66 : memref<!tpu.dma_semaphore, #tpu.memory_space<semaphore_mem>>)
    %dma_start3A_67 = arith.constant 4 : i32
    %dma_start3A_68 = arith.constant 4 : i32
    %dma_start3A_69 = arith.constant 4 : i32
    %dma_start3A_70 = arith.constant 0 : i32
    %dma_start3A_71 = arith.constant 0 : i32
    %dma_start3A_72 = tpu.memref_slice %arg8[%dma_start3A_68, %dma_start3A_70, %dma_start3A_71] : memref<5x128x64xbf16, #tpu.memory_space<vmem>> -> memref<1x128x64xbf16, #tpu.memory_space<vmem>>
    %dma_start3A_73 = tpu.memref_squeeze %dma_start3A_72 : memref<1x128x64xbf16, #tpu.memory_space<vmem>> -> memref<128x64xbf16, #tpu.memory_space<vmem>>
    %dma_start3A_74 = arith.constant 0 : i32
    %dma_start3A_75 = tpu.memref_slice %arg6[%dma_start3A_67, %dma_start3A_74] : memref<80x128xi32, #tpu.memory_space<vmem>> -> memref<1x128xi32, #tpu.memory_space<vmem>>
    %dma_start3A_76 = tpu.memref_squeeze %dma_start3A_75 : memref<1x128xi32, #tpu.memory_space<vmem>> -> memref<128xi32, #tpu.memory_space<vmem>>
    %dma_start3A_77 = arith.constant 0 : i32
    %dma_start3A_78 = arith.constant 0 : i32
    %dma_start3A_79 = tpu.memref_slice %arg2[%dma_start3A_77, %dma_start3A_78] : memref<10000x64xbf16, #tpu.memory_space<hbm>> -> memref<10000x64xbf16, #tpu.memory_space<hbm>>
    %dma_start3A_80 = tpu.memref_slice %arg10[%dma_start3A_69] : memref<5x!tpu.dma_semaphore, #tpu.memory_space<semaphore_mem>> -> memref<1x!tpu.dma_semaphore, #tpu.memory_space<semaphore_mem>>
    %dma_start3A_81 = tpu.memref_squeeze %dma_start3A_80 : memref<1x!tpu.dma_semaphore, #tpu.memory_space<semaphore_mem>> -> memref<!tpu.dma_semaphore, #tpu.memory_space<semaphore_mem>>
    tpu.enqueue_indirect_dma source(%dma_start3A_79 : memref<10000x64xbf16, #tpu.memory_space<hbm>>) target(%dma_start3A_73 : memref<128x64xbf16, #tpu.memory_space<vmem>>) offsets(%dma_start3A_76 : memref<128xi32, #tpu.memory_space<vmem>>) semaphore(%dma_start3A_81 : memref<!tpu.dma_semaphore, #tpu.memory_space<semaphore_mem>>)
    %scan3A = arith.constant 0 : i32
    %scan3A_82 = arith.constant 1 : i32
    %scan3A_83 = arith.constant 15 : i32
    %scan3A_84 = arith.addi %scan3A_82, %scan3A_83 : i32
    %scan3A_85 = arith.constant 1 : i32
    %scan3A_86 = scf.for %scan3A_173 = %scan3A_82 to %scan3A_84 step %scan3A_85 iter_args(%scan3A_174 = %scan3A) -> (i32)  : i32 {
      %sub3A = arith.constant 1 : i32
      %sub3A_175 = arith.subi %scan3A_173, %sub3A : i32
      %mul3A_176 = arith.constant 5 : i32
      %mul3A_177 = arith.muli %sub3A_175, %mul3A_176 : i32
      %add3A_178 = arith.constant 0 : i32
      %add3A_179 = arith.addi %mul3A_177, %add3A_178 : i32
      %dma_wait3A_180 = arith.constant 0 : i32
      %dma_wait3A_181 = arith.constant 0 : i32
      %dma_wait3A_182 = arith.constant 0 : i32
      %dma_wait3A_183 = arith.constant 0 : i32
      %dma_wait3A_184 = tpu.memref_slice %arg8[%dma_wait3A_180, %dma_wait3A_182, %dma_wait3A_183] : memref<5x128x64xbf16, #tpu.memory_space<vmem>> -> memref<1x128x64xbf16, #tpu.memory_space<vmem>>
      %dma_wait3A_185 = tpu.memref_squeeze %dma_wait3A_184 : memref<1x128x64xbf16, #tpu.memory_space<vmem>> -> memref<128x64xbf16, #tpu.memory_space<vmem>>
      %dma_wait3A_186 = arith.constant 0 : i32
      %dma_wait3A_187 = tpu.memref_slice %arg6[%add3A_179, %dma_wait3A_186] : memref<80x128xi32, #tpu.memory_space<vmem>> -> memref<1x128xi32, #tpu.memory_space<vmem>>
      %dma_wait3A_188 = tpu.memref_squeeze %dma_wait3A_187 : memref<1x128xi32, #tpu.memory_space<vmem>> -> memref<128xi32, #tpu.memory_space<vmem>>
      %dma_wait3A_189 = arith.constant 0 : i32
      %dma_wait3A_190 = arith.constant 0 : i32
      %dma_wait3A_191 = tpu.memref_slice %arg2[%dma_wait3A_189, %dma_wait3A_190] : memref<10000x64xbf16, #tpu.memory_space<hbm>> -> memref<10000x64xbf16, #tpu.memory_space<hbm>>
      %dma_wait3A_192 = tpu.memref_slice %arg10[%dma_wait3A_181] : memref<5x!tpu.dma_semaphore, #tpu.memory_space<semaphore_mem>> -> memref<1x!tpu.dma_semaphore, #tpu.memory_space<semaphore_mem>>
      %dma_wait3A_193 = tpu.memref_squeeze %dma_wait3A_192 : memref<1x!tpu.dma_semaphore, #tpu.memory_space<semaphore_mem>> -> memref<!tpu.dma_semaphore, #tpu.memory_space<semaphore_mem>>
      tpu.wait_indirect_dma semaphore(%dma_wait3A_193 : memref<!tpu.dma_semaphore, #tpu.memory_space<semaphore_mem>>) src(%dma_wait3A_191 : memref<10000x64xbf16, #tpu.memory_space<hbm>>) dst(%dma_wait3A_185 : memref<128x64xbf16, #tpu.memory_space<vmem>>)
      %mul3A_194 = arith.constant 5 : i32
      %mul3A_195 = arith.muli %sub3A_175, %mul3A_194 : i32
      %add3A_196 = arith.constant 0 : i32
      %add3A_197 = arith.addi %mul3A_195, %add3A_196 : i32
      %run_scoped3A_198 = arith.constant 0 : i32
      "tpu.region"() ({
        %run_scoped3A_390 = tpu.sem_alloc : memref<!tpu.dma_semaphore, #tpu.memory_space<semaphore_mem>>
        %dma_start3A_391 = arith.constant 0 : i32
        %dma_start3A_392 = arith.constant 0 : i32
        %dma_start3A_393 = tpu.memref_slice %arg8[%run_scoped3A_198, %dma_start3A_391, %dma_start3A_392] : memref<5x128x64xbf16, #tpu.memory_space<vmem>> -> memref<1x128x64xbf16, #tpu.memory_space<vmem>>
        %dma_start3A_394 = tpu.memref_squeeze %dma_start3A_393 : memref<1x128x64xbf16, #tpu.memory_space<vmem>> -> memref<128x64xbf16, #tpu.memory_space<vmem>>
        %dma_start3A_395 = arith.constant 0 : i32
        %dma_start3A_396 = tpu.memref_slice %arg7[%add3A_197, %dma_start3A_395] : memref<80x128xi32, #tpu.memory_space<vmem>> -> memref<1x128xi32, #tpu.memory_space<vmem>>
        %dma_start3A_397 = tpu.memref_squeeze %dma_start3A_396 : memref<1x128xi32, #tpu.memory_space<vmem>> -> memref<128xi32, #tpu.memory_space<vmem>>
        %dma_start3A_398 = arith.constant 0 : i32
        %dma_start3A_399 = arith.constant 0 : i32
        %dma_start3A_400 = tpu.memref_slice %arg9[%dma_start3A_398, %dma_start3A_399] : memref<10240x64xbf16, #tpu.memory_space<vmem_shared>> -> memref<10240x64xbf16, #tpu.memory_space<vmem_shared>>
        tpu.enqueue_indirect_dma source(%dma_start3A_394 : memref<128x64xbf16, #tpu.memory_space<vmem>>) target(%dma_start3A_400 : memref<10240x64xbf16, #tpu.memory_space<vmem_shared>>) offsets(%dma_start3A_397 : memref<128xi32, #tpu.memory_space<vmem>>) semaphore(%run_scoped3A_390 : memref<!tpu.dma_semaphore, #tpu.memory_space<semaphore_mem>>) {add = true}
        %dma_wait3A_401 = arith.constant 0 : i32
        %dma_wait3A_402 = arith.constant 0 : i32
        %dma_wait3A_403 = tpu.memref_slice %arg8[%run_scoped3A_198, %dma_wait3A_401, %dma_wait3A_402] : memref<5x128x64xbf16, #tpu.memory_space<vmem>> -> memref<1x128x64xbf16, #tpu.memory_space<vmem>>
        %dma_wait3A_404 = tpu.memref_squeeze %dma_wait3A_403 : memref<1x128x64xbf16, #tpu.memory_space<vmem>> -> memref<128x64xbf16, #tpu.memory_space<vmem>>
        %dma_wait3A_405 = arith.constant 0 : i32
        %dma_wait3A_406 = tpu.memref_slice %arg7[%add3A_197, %dma_wait3A_405] : memref<80x128xi32, #tpu.memory_space<vmem>> -> memref<1x128xi32, #tpu.memory_space<vmem>>
        %dma_wait3A_407 = tpu.memref_squeeze %dma_wait3A_406 : memref<1x128xi32, #tpu.memory_space<vmem>> -> memref<128xi32, #tpu.memory_space<vmem>>
        %dma_wait3A_408 = arith.constant 0 : i32
        %dma_wait3A_409 = arith.constant 0 : i32
        %dma_wait3A_410 = tpu.memref_slice %arg9[%dma_wait3A_408, %dma_wait3A_409] : memref<10240x64xbf16, #tpu.memory_space<vmem_shared>> -> memref<10240x64xbf16, #tpu.memory_space<vmem_shared>>
        tpu.wait_indirect_dma semaphore(%run_scoped3A_390 : memref<!tpu.dma_semaphore, #tpu.memory_space<semaphore_mem>>) src(%dma_wait3A_404 : memref<128x64xbf16, #tpu.memory_space<vmem>>) dst(%dma_wait3A_410 : memref<10240x64xbf16, #tpu.memory_space<vmem_shared>>)
        tpu.yield
      }) : () -> ()
      %mul3A_199 = arith.constant 5 : i32
      %mul3A_200 = arith.muli %scan3A_173, %mul3A_199 : i32
      %add3A_201 = arith.constant 0 : i32
      %add3A_202 = arith.addi %mul3A_200, %add3A_201 : i32
      %dma_start3A_203 = arith.constant 0 : i32
      %dma_start3A_204 = arith.constant 0 : i32
      %dma_start3A_205 = arith.constant 0 : i32
      %dma_start3A_206 = arith.constant 0 : i32
      %dma_start3A_207 = tpu.memref_slice %arg8[%dma_start3A_203, %dma_start3A_205, %dma_start3A_206] : memref<5x128x64xbf16, #tpu.memory_space<vmem>> -> memref<1x128x64xbf16, #tpu.memory_space<vmem>>
      %dma_start3A_208 = tpu.memref_squeeze %dma_start3A_207 : memref<1x128x64xbf16, #tpu.memory_space<vmem>> -> memref<128x64xbf16, #tpu.memory_space<vmem>>
      %dma_start3A_209 = arith.constant 0 : i32
      %dma_start3A_210 = tpu.memref_slice %arg6[%add3A_202, %dma_start3A_209] : memref<80x128xi32, #tpu.memory_space<vmem>> -> memref<1x128xi32, #tpu.memory_space<vmem>>
      %dma_start3A_211 = tpu.memref_squeeze %dma_start3A_210 : memref<1x128xi32, #tpu.memory_space<vmem>> -> memref<128xi32, #tpu.memory_space<vmem>>
      %dma_start3A_212 = arith.constant 0 : i32
      %dma_start3A_213 = arith.constant 0 : i32
      %dma_start3A_214 = tpu.memref_slice %arg2[%dma_start3A_212, %dma_start3A_213] : memref<10000x64xbf16, #tpu.memory_space<hbm>> -> memref<10000x64xbf16, #tpu.memory_space<hbm>>
      %dma_start3A_215 = tpu.memref_slice %arg10[%dma_start3A_204] : memref<5x!tpu.dma_semaphore, #tpu.memory_space<semaphore_mem>> -> memref<1x!tpu.dma_semaphore, #tpu.memory_space<semaphore_mem>>
      %dma_start3A_216 = tpu.memref_squeeze %dma_start3A_215 : memref<1x!tpu.dma_semaphore, #tpu.memory_space<semaphore_mem>> -> memref<!tpu.dma_semaphore, #tpu.memory_space<semaphore_mem>>
      tpu.enqueue_indirect_dma source(%dma_start3A_214 : memref<10000x64xbf16, #tpu.memory_space<hbm>>) target(%dma_start3A_208 : memref<128x64xbf16, #tpu.memory_space<vmem>>) offsets(%dma_start3A_211 : memref<128xi32, #tpu.memory_space<vmem>>) semaphore(%dma_start3A_216 : memref<!tpu.dma_semaphore, #tpu.memory_space<semaphore_mem>>)
      %sub3A_217 = arith.constant 1 : i32
      %sub3A_218 = arith.subi %scan3A_173, %sub3A_217 : i32
      %mul3A_219 = arith.constant 5 : i32
      %mul3A_220 = arith.muli %sub3A_218, %mul3A_219 : i32
      %add3A_221 = arith.constant 1 : i32
      %add3A_222 = arith.addi %mul3A_220, %add3A_221 : i32
      %dma_wait3A_223 = arith.constant 1 : i32
      %dma_wait3A_224 = arith.constant 1 : i32
      %dma_wait3A_225 = arith.constant 0 : i32
      %dma_wait3A_226 = arith.constant 0 : i32
      %dma_wait3A_227 = tpu.memref_slice %arg8[%dma_wait3A_223, %dma_wait3A_225, %dma_wait3A_226] : memref<5x128x64xbf16, #tpu.memory_space<vmem>> -> memref<1x128x64xbf16, #tpu.memory_space<vmem>>
      %dma_wait3A_228 = tpu.memref_squeeze %dma_wait3A_227 : memref<1x128x64xbf16, #tpu.memory_space<vmem>> -> memref<128x64xbf16, #tpu.memory_space<vmem>>
      %dma_wait3A_229 = arith.constant 0 : i32
      %dma_wait3A_230 = tpu.memref_slice %arg6[%add3A_222, %dma_wait3A_229] : memref<80x128xi32, #tpu.memory_space<vmem>> -> memref<1x128xi32, #tpu.memory_space<vmem>>
      %dma_wait3A_231 = tpu.memref_squeeze %dma_wait3A_230 : memref<1x128xi32, #tpu.memory_space<vmem>> -> memref<128xi32, #tpu.memory_space<vmem>>
      %dma_wait3A_232 = arith.constant 0 : i32
      %dma_wait3A_233 = arith.constant 0 : i32
      %dma_wait3A_234 = tpu.memref_slice %arg2[%dma_wait3A_232, %dma_wait3A_233] : memref<10000x64xbf16, #tpu.memory_space<hbm>> -> memref<10000x64xbf16, #tpu.memory_space<hbm>>
      %dma_wait3A_235 = tpu.memref_slice %arg10[%dma_wait3A_224] : memref<5x!tpu.dma_semaphore, #tpu.memory_space<semaphore_mem>> -> memref<1x!tpu.dma_semaphore, #tpu.memory_space<semaphore_mem>>
      %dma_wait3A_236 = tpu.memref_squeeze %dma_wait3A_235 : memref<1x!tpu.dma_semaphore, #tpu.memory_space<semaphore_mem>> -> memref<!tpu.dma_semaphore, #tpu.memory_space<semaphore_mem>>
      tpu.wait_indirect_dma semaphore(%dma_wait3A_236 : memref<!tpu.dma_semaphore, #tpu.memory_space<semaphore_mem>>) src(%dma_wait3A_234 : memref<10000x64xbf16, #tpu.memory_space<hbm>>) dst(%dma_wait3A_228 : memref<128x64xbf16, #tpu.memory_space<vmem>>)
      %mul3A_237 = arith.constant 5 : i32
      %mul3A_238 = arith.muli %sub3A_218, %mul3A_237 : i32
      %add3A_239 = arith.constant 1 : i32
      %add3A_240 = arith.addi %mul3A_238, %add3A_239 : i32
      %run_scoped3A_241 = arith.constant 1 : i32
      "tpu.region"() ({
        %run_scoped3A_390 = tpu.sem_alloc : memref<!tpu.dma_semaphore, #tpu.memory_space<semaphore_mem>>
        %dma_start3A_391 = arith.constant 0 : i32
        %dma_start3A_392 = arith.constant 0 : i32
        %dma_start3A_393 = tpu.memref_slice %arg8[%run_scoped3A_241, %dma_start3A_391, %dma_start3A_392] : memref<5x128x64xbf16, #tpu.memory_space<vmem>> -> memref<1x128x64xbf16, #tpu.memory_space<vmem>>
        %dma_start3A_394 = tpu.memref_squeeze %dma_start3A_393 : memref<1x128x64xbf16, #tpu.memory_space<vmem>> -> memref<128x64xbf16, #tpu.memory_space<vmem>>
        %dma_start3A_395 = arith.constant 0 : i32
        %dma_start3A_396 = tpu.memref_slice %arg7[%add3A_240, %dma_start3A_395] : memref<80x128xi32, #tpu.memory_space<vmem>> -> memref<1x128xi32, #tpu.memory_space<vmem>>
        %dma_start3A_397 = tpu.memref_squeeze %dma_start3A_396 : memref<1x128xi32, #tpu.memory_space<vmem>> -> memref<128xi32, #tpu.memory_space<vmem>>
        %dma_start3A_398 = arith.constant 0 : i32
        %dma_start3A_399 = arith.constant 0 : i32
        %dma_start3A_400 = tpu.memref_slice %arg9[%dma_start3A_398, %dma_start3A_399] : memref<10240x64xbf16, #tpu.memory_space<vmem_shared>> -> memref<10240x64xbf16, #tpu.memory_space<vmem_shared>>
        tpu.enqueue_indirect_dma source(%dma_start3A_394 : memref<128x64xbf16, #tpu.memory_space<vmem>>) target(%dma_start3A_400 : memref<10240x64xbf16, #tpu.memory_space<vmem_shared>>) offsets(%dma_start3A_397 : memref<128xi32, #tpu.memory_space<vmem>>) semaphore(%run_scoped3A_390 : memref<!tpu.dma_semaphore, #tpu.memory_space<semaphore_mem>>) {add = true}
        %dma_wait3A_401 = arith.constant 0 : i32
        %dma_wait3A_402 = arith.constant 0 : i32
        %dma_wait3A_403 = tpu.memref_slice %arg8[%run_scoped3A_241, %dma_wait3A_401, %dma_wait3A_402] : memref<5x128x64xbf16, #tpu.memory_space<vmem>> -> memref<1x128x64xbf16, #tpu.memory_space<vmem>>
        %dma_wait3A_404 = tpu.memref_squeeze %dma_wait3A_403 : memref<1x128x64xbf16, #tpu.memory_space<vmem>> -> memref<128x64xbf16, #tpu.memory_space<vmem>>
        %dma_wait3A_405 = arith.constant 0 : i32
        %dma_wait3A_406 = tpu.memref_slice %arg7[%add3A_240, %dma_wait3A_405] : memref<80x128xi32, #tpu.memory_space<vmem>> -> memref<1x128xi32, #tpu.memory_space<vmem>>
        %dma_wait3A_407 = tpu.memref_squeeze %dma_wait3A_406 : memref<1x128xi32, #tpu.memory_space<vmem>> -> memref<128xi32, #tpu.memory_space<vmem>>
        %dma_wait3A_408 = arith.constant 0 : i32
        %dma_wait3A_409 = arith.constant 0 : i32
        %dma_wait3A_410 = tpu.memref_slice %arg9[%dma_wait3A_408, %dma_wait3A_409] : memref<10240x64xbf16, #tpu.memory_space<vmem_shared>> -> memref<10240x64xbf16, #tpu.memory_space<vmem_shared>>
        tpu.wait_indirect_dma semaphore(%run_scoped3A_390 : memref<!tpu.dma_semaphore, #tpu.memory_space<semaphore_mem>>) src(%dma_wait3A_404 : memref<128x64xbf16, #tpu.memory_space<vmem>>) dst(%dma_wait3A_410 : memref<10240x64xbf16, #tpu.memory_space<vmem_shared>>)
        tpu.yield
      }) : () -> ()
      %mul3A_242 = arith.constant 5 : i32
      %mul3A_243 = arith.muli %scan3A_173, %mul3A_242 : i32
      %add3A_244 = arith.constant 1 : i32
      %add3A_245 = arith.addi %mul3A_243, %add3A_244 : i32
      %dma_start3A_246 = arith.constant 1 : i32
      %dma_start3A_247 = arith.constant 1 : i32
      %dma_start3A_248 = arith.constant 0 : i32
      %dma_start3A_249 = arith.constant 0 : i32
      %dma_start3A_250 = tpu.memref_slice %arg8[%dma_start3A_246, %dma_start3A_248, %dma_start3A_249] : memref<5x128x64xbf16, #tpu.memory_space<vmem>> -> memref<1x128x64xbf16, #tpu.memory_space<vmem>>
      %dma_start3A_251 = tpu.memref_squeeze %dma_start3A_250 : memref<1x128x64xbf16, #tpu.memory_space<vmem>> -> memref<128x64xbf16, #tpu.memory_space<vmem>>
      %dma_start3A_252 = arith.constant 0 : i32
      %dma_start3A_253 = tpu.memref_slice %arg6[%add3A_245, %dma_start3A_252] : memref<80x128xi32, #tpu.memory_space<vmem>> -> memref<1x128xi32, #tpu.memory_space<vmem>>
      %dma_start3A_254 = tpu.memref_squeeze %dma_start3A_253 : memref<1x128xi32, #tpu.memory_space<vmem>> -> memref<128xi32, #tpu.memory_space<vmem>>
      %dma_start3A_255 = arith.constant 0 : i32
      %dma_start3A_256 = arith.constant 0 : i32
      %dma_start3A_257 = tpu.memref_slice %arg2[%dma_start3A_255, %dma_start3A_256] : memref<10000x64xbf16, #tpu.memory_space<hbm>> -> memref<10000x64xbf16, #tpu.memory_space<hbm>>
      %dma_start3A_258 = tpu.memref_slice %arg10[%dma_start3A_247] : memref<5x!tpu.dma_semaphore, #tpu.memory_space<semaphore_mem>> -> memref<1x!tpu.dma_semaphore, #tpu.memory_space<semaphore_mem>>
      %dma_start3A_259 = tpu.memref_squeeze %dma_start3A_258 : memref<1x!tpu.dma_semaphore, #tpu.memory_space<semaphore_mem>> -> memref<!tpu.dma_semaphore, #tpu.memory_space<semaphore_mem>>
      tpu.enqueue_indirect_dma source(%dma_start3A_257 : memref<10000x64xbf16, #tpu.memory_space<hbm>>) target(%dma_start3A_251 : memref<128x64xbf16, #tpu.memory_space<vmem>>) offsets(%dma_start3A_254 : memref<128xi32, #tpu.memory_space<vmem>>) semaphore(%dma_start3A_259 : memref<!tpu.dma_semaphore, #tpu.memory_space<semaphore_mem>>)
      %sub3A_260 = arith.constant 1 : i32
      %sub3A_261 = arith.subi %scan3A_173, %sub3A_260 : i32
      %mul3A_262 = arith.constant 5 : i32
      %mul3A_263 = arith.muli %sub3A_261, %mul3A_262 : i32
      %add3A_264 = arith.constant 2 : i32
      %add3A_265 = arith.addi %mul3A_263, %add3A_264 : i32
      %dma_wait3A_266 = arith.constant 2 : i32
      %dma_wait3A_267 = arith.constant 2 : i32
      %dma_wait3A_268 = arith.constant 0 : i32
      %dma_wait3A_269 = arith.constant 0 : i32
      %dma_wait3A_270 = tpu.memref_slice %arg8[%dma_wait3A_266, %dma_wait3A_268, %dma_wait3A_269] : memref<5x128x64xbf16, #tpu.memory_space<vmem>> -> memref<1x128x64xbf16, #tpu.memory_space<vmem>>
      %dma_wait3A_271 = tpu.memref_squeeze %dma_wait3A_270 : memref<1x128x64xbf16, #tpu.memory_space<vmem>> -> memref<128x64xbf16, #tpu.memory_space<vmem>>
      %dma_wait3A_272 = arith.constant 0 : i32
      %dma_wait3A_273 = tpu.memref_slice %arg6[%add3A_265, %dma_wait3A_272] : memref<80x128xi32, #tpu.memory_space<vmem>> -> memref<1x128xi32, #tpu.memory_space<vmem>>
      %dma_wait3A_274 = tpu.memref_squeeze %dma_wait3A_273 : memref<1x128xi32, #tpu.memory_space<vmem>> -> memref<128xi32, #tpu.memory_space<vmem>>
      %dma_wait3A_275 = arith.constant 0 : i32
      %dma_wait3A_276 = arith.constant 0 : i32
      %dma_wait3A_277 = tpu.memref_slice %arg2[%dma_wait3A_275, %dma_wait3A_276] : memref<10000x64xbf16, #tpu.memory_space<hbm>> -> memref<10000x64xbf16, #tpu.memory_space<hbm>>
      %dma_wait3A_278 = tpu.memref_slice %arg10[%dma_wait3A_267] : memref<5x!tpu.dma_semaphore, #tpu.memory_space<semaphore_mem>> -> memref<1x!tpu.dma_semaphore, #tpu.memory_space<semaphore_mem>>
      %dma_wait3A_279 = tpu.memref_squeeze %dma_wait3A_278 : memref<1x!tpu.dma_semaphore, #tpu.memory_space<semaphore_mem>> -> memref<!tpu.dma_semaphore, #tpu.memory_space<semaphore_mem>>
      tpu.wait_indirect_dma semaphore(%dma_wait3A_279 : memref<!tpu.dma_semaphore, #tpu.memory_space<semaphore_mem>>) src(%dma_wait3A_277 : memref<10000x64xbf16, #tpu.memory_space<hbm>>) dst(%dma_wait3A_271 : memref<128x64xbf16, #tpu.memory_space<vmem>>)
      %mul3A_280 = arith.constant 5 : i32
      %mul3A_281 = arith.muli %sub3A_261, %mul3A_280 : i32
      %add3A_282 = arith.constant 2 : i32
      %add3A_283 = arith.addi %mul3A_281, %add3A_282 : i32
      %run_scoped3A_284 = arith.constant 2 : i32
      "tpu.region"() ({
        %run_scoped3A_390 = tpu.sem_alloc : memref<!tpu.dma_semaphore, #tpu.memory_space<semaphore_mem>>
        %dma_start3A_391 = arith.constant 0 : i32
        %dma_start3A_392 = arith.constant 0 : i32
        %dma_start3A_393 = tpu.memref_slice %arg8[%run_scoped3A_284, %dma_start3A_391, %dma_start3A_392] : memref<5x128x64xbf16, #tpu.memory_space<vmem>> -> memref<1x128x64xbf16, #tpu.memory_space<vmem>>
        %dma_start3A_394 = tpu.memref_squeeze %dma_start3A_393 : memref<1x128x64xbf16, #tpu.memory_space<vmem>> -> memref<128x64xbf16, #tpu.memory_space<vmem>>
        %dma_start3A_395 = arith.constant 0 : i32
        %dma_start3A_396 = tpu.memref_slice %arg7[%add3A_283, %dma_start3A_395] : memref<80x128xi32, #tpu.memory_space<vmem>> -> memref<1x128xi32, #tpu.memory_space<vmem>>
        %dma_start3A_397 = tpu.memref_squeeze %dma_start3A_396 : memref<1x128xi32, #tpu.memory_space<vmem>> -> memref<128xi32, #tpu.memory_space<vmem>>
        %dma_start3A_398 = arith.constant 0 : i32
        %dma_start3A_399 = arith.constant 0 : i32
        %dma_start3A_400 = tpu.memref_slice %arg9[%dma_start3A_398, %dma_start3A_399] : memref<10240x64xbf16, #tpu.memory_space<vmem_shared>> -> memref<10240x64xbf16, #tpu.memory_space<vmem_shared>>
        tpu.enqueue_indirect_dma source(%dma_start3A_394 : memref<128x64xbf16, #tpu.memory_space<vmem>>) target(%dma_start3A_400 : memref<10240x64xbf16, #tpu.memory_space<vmem_shared>>) offsets(%dma_start3A_397 : memref<128xi32, #tpu.memory_space<vmem>>) semaphore(%run_scoped3A_390 : memref<!tpu.dma_semaphore, #tpu.memory_space<semaphore_mem>>) {add = true}
        %dma_wait3A_401 = arith.constant 0 : i32
        %dma_wait3A_402 = arith.constant 0 : i32
        %dma_wait3A_403 = tpu.memref_slice %arg8[%run_scoped3A_284, %dma_wait3A_401, %dma_wait3A_402] : memref<5x128x64xbf16, #tpu.memory_space<vmem>> -> memref<1x128x64xbf16, #tpu.memory_space<vmem>>
        %dma_wait3A_404 = tpu.memref_squeeze %dma_wait3A_403 : memref<1x128x64xbf16, #tpu.memory_space<vmem>> -> memref<128x64xbf16, #tpu.memory_space<vmem>>
        %dma_wait3A_405 = arith.constant 0 : i32
        %dma_wait3A_406 = tpu.memref_slice %arg7[%add3A_283, %dma_wait3A_405] : memref<80x128xi32, #tpu.memory_space<vmem>> -> memref<1x128xi32, #tpu.memory_space<vmem>>
        %dma_wait3A_407 = tpu.memref_squeeze %dma_wait3A_406 : memref<1x128xi32, #tpu.memory_space<vmem>> -> memref<128xi32, #tpu.memory_space<vmem>>
        %dma_wait3A_408 = arith.constant 0 : i32
        %dma_wait3A_409 = arith.constant 0 : i32
        %dma_wait3A_410 = tpu.memref_slice %arg9[%dma_wait3A_408, %dma_wait3A_409] : memref<10240x64xbf16, #tpu.memory_space<vmem_shared>> -> memref<10240x64xbf16, #tpu.memory_space<vmem_shared>>
        tpu.wait_indirect_dma semaphore(%run_scoped3A_390 : memref<!tpu.dma_semaphore, #tpu.memory_space<semaphore_mem>>) src(%dma_wait3A_404 : memref<128x64xbf16, #tpu.memory_space<vmem>>) dst(%dma_wait3A_410 : memref<10240x64xbf16, #tpu.memory_space<vmem_shared>>)
        tpu.yield
      }) : () -> ()
      %mul3A_285 = arith.constant 5 : i32
      %mul3A_286 = arith.muli %scan3A_173, %mul3A_285 : i32
      %add3A_287 = arith.constant 2 : i32
      %add3A_288 = arith.addi %mul3A_286, %add3A_287 : i32
      %dma_start3A_289 = arith.constant 2 : i32
      %dma_start3A_290 = arith.constant 2 : i32
      %dma_start3A_291 = arith.constant 0 : i32
      %dma_start3A_292 = arith.constant 0 : i32
      %dma_start3A_293 = tpu.memref_slice %arg8[%dma_start3A_289, %dma_start3A_291, %dma_start3A_292] : memref<5x128x64xbf16, #tpu.memory_space<vmem>> -> memref<1x128x64xbf16, #tpu.memory_space<vmem>>
      %dma_start3A_294 = tpu.memref_squeeze %dma_start3A_293 : memref<1x128x64xbf16, #tpu.memory_space<vmem>> -> memref<128x64xbf16, #tpu.memory_space<vmem>>
      %dma_start3A_295 = arith.constant 0 : i32
      %dma_start3A_296 = tpu.memref_slice %arg6[%add3A_288, %dma_start3A_295] : memref<80x128xi32, #tpu.memory_space<vmem>> -> memref<1x128xi32, #tpu.memory_space<vmem>>
      %dma_start3A_297 = tpu.memref_squeeze %dma_start3A_296 : memref<1x128xi32, #tpu.memory_space<vmem>> -> memref<128xi32, #tpu.memory_space<vmem>>
      %dma_start3A_298 = arith.constant 0 : i32
      %dma_start3A_299 = arith.constant 0 : i32
      %dma_start3A_300 = tpu.memref_slice %arg2[%dma_start3A_298, %dma_start3A_299] : memref<10000x64xbf16, #tpu.memory_space<hbm>> -> memref<10000x64xbf16, #tpu.memory_space<hbm>>
      %dma_start3A_301 = tpu.memref_slice %arg10[%dma_start3A_290] : memref<5x!tpu.dma_semaphore, #tpu.memory_space<semaphore_mem>> -> memref<1x!tpu.dma_semaphore, #tpu.memory_space<semaphore_mem>>
      %dma_start3A_302 = tpu.memref_squeeze %dma_start3A_301 : memref<1x!tpu.dma_semaphore, #tpu.memory_space<semaphore_mem>> -> memref<!tpu.dma_semaphore, #tpu.memory_space<semaphore_mem>>
      tpu.enqueue_indirect_dma source(%dma_start3A_300 : memref<10000x64xbf16, #tpu.memory_space<hbm>>) target(%dma_start3A_294 : memref<128x64xbf16, #tpu.memory_space<vmem>>) offsets(%dma_start3A_297 : memref<128xi32, #tpu.memory_space<vmem>>) semaphore(%dma_start3A_302 : memref<!tpu.dma_semaphore, #tpu.memory_space<semaphore_mem>>)
      %sub3A_303 = arith.constant 1 : i32
      %sub3A_304 = arith.subi %scan3A_173, %sub3A_303 : i32
      %mul3A_305 = arith.constant 5 : i32
      %mul3A_306 = arith.muli %sub3A_304, %mul3A_305 : i32
      %add3A_307 = arith.constant 3 : i32
      %add3A_308 = arith.addi %mul3A_306, %add3A_307 : i32
      %dma_wait3A_309 = arith.constant 3 : i32
      %dma_wait3A_310 = arith.constant 3 : i32
      %dma_wait3A_311 = arith.constant 0 : i32
      %dma_wait3A_312 = arith.constant 0 : i32
      %dma_wait3A_313 = tpu.memref_slice %arg8[%dma_wait3A_309, %dma_wait3A_311, %dma_wait3A_312] : memref<5x128x64xbf16, #tpu.memory_space<vmem>> -> memref<1x128x64xbf16, #tpu.memory_space<vmem>>
      %dma_wait3A_314 = tpu.memref_squeeze %dma_wait3A_313 : memref<1x128x64xbf16, #tpu.memory_space<vmem>> -> memref<128x64xbf16, #tpu.memory_space<vmem>>
      %dma_wait3A_315 = arith.constant 0 : i32
      %dma_wait3A_316 = tpu.memref_slice %arg6[%add3A_308, %dma_wait3A_315] : memref<80x128xi32, #tpu.memory_space<vmem>> -> memref<1x128xi32, #tpu.memory_space<vmem>>
      %dma_wait3A_317 = tpu.memref_squeeze %dma_wait3A_316 : memref<1x128xi32, #tpu.memory_space<vmem>> -> memref<128xi32, #tpu.memory_space<vmem>>
      %dma_wait3A_318 = arith.constant 0 : i32
      %dma_wait3A_319 = arith.constant 0 : i32
      %dma_wait3A_320 = tpu.memref_slice %arg2[%dma_wait3A_318, %dma_wait3A_319] : memref<10000x64xbf16, #tpu.memory_space<hbm>> -> memref<10000x64xbf16, #tpu.memory_space<hbm>>
      %dma_wait3A_321 = tpu.memref_slice %arg10[%dma_wait3A_310] : memref<5x!tpu.dma_semaphore, #tpu.memory_space<semaphore_mem>> -> memref<1x!tpu.dma_semaphore, #tpu.memory_space<semaphore_mem>>
      %dma_wait3A_322 = tpu.memref_squeeze %dma_wait3A_321 : memref<1x!tpu.dma_semaphore, #tpu.memory_space<semaphore_mem>> -> memref<!tpu.dma_semaphore, #tpu.memory_space<semaphore_mem>>
      tpu.wait_indirect_dma semaphore(%dma_wait3A_322 : memref<!tpu.dma_semaphore, #tpu.memory_space<semaphore_mem>>) src(%dma_wait3A_320 : memref<10000x64xbf16, #tpu.memory_space<hbm>>) dst(%dma_wait3A_314 : memref<128x64xbf16, #tpu.memory_space<vmem>>)
      %mul3A_323 = arith.constant 5 : i32
      %mul3A_324 = arith.muli %sub3A_304, %mul3A_323 : i32
      %add3A_325 = arith.constant 3 : i32
      %add3A_326 = arith.addi %mul3A_324, %add3A_325 : i32
      %run_scoped3A_327 = arith.constant 3 : i32
      "tpu.region"() ({
        %run_scoped3A_390 = tpu.sem_alloc : memref<!tpu.dma_semaphore, #tpu.memory_space<semaphore_mem>>
        %dma_start3A_391 = arith.constant 0 : i32
        %dma_start3A_392 = arith.constant 0 : i32
        %dma_start3A_393 = tpu.memref_slice %arg8[%run_scoped3A_327, %dma_start3A_391, %dma_start3A_392] : memref<5x128x64xbf16, #tpu.memory_space<vmem>> -> memref<1x128x64xbf16, #tpu.memory_space<vmem>>
        %dma_start3A_394 = tpu.memref_squeeze %dma_start3A_393 : memref<1x128x64xbf16, #tpu.memory_space<vmem>> -> memref<128x64xbf16, #tpu.memory_space<vmem>>
        %dma_start3A_395 = arith.constant 0 : i32
        %dma_start3A_396 = tpu.memref_slice %arg7[%add3A_326, %dma_start3A_395] : memref<80x128xi32, #tpu.memory_space<vmem>> -> memref<1x128xi32, #tpu.memory_space<vmem>>
        %dma_start3A_397 = tpu.memref_squeeze %dma_start3A_396 : memref<1x128xi32, #tpu.memory_space<vmem>> -> memref<128xi32, #tpu.memory_space<vmem>>
        %dma_start3A_398 = arith.constant 0 : i32
        %dma_start3A_399 = arith.constant 0 : i32
        %dma_start3A_400 = tpu.memref_slice %arg9[%dma_start3A_398, %dma_start3A_399] : memref<10240x64xbf16, #tpu.memory_space<vmem_shared>> -> memref<10240x64xbf16, #tpu.memory_space<vmem_shared>>
        tpu.enqueue_indirect_dma source(%dma_start3A_394 : memref<128x64xbf16, #tpu.memory_space<vmem>>) target(%dma_start3A_400 : memref<10240x64xbf16, #tpu.memory_space<vmem_shared>>) offsets(%dma_start3A_397 : memref<128xi32, #tpu.memory_space<vmem>>) semaphore(%run_scoped3A_390 : memref<!tpu.dma_semaphore, #tpu.memory_space<semaphore_mem>>) {add = true}
        %dma_wait3A_401 = arith.constant 0 : i32
        %dma_wait3A_402 = arith.constant 0 : i32
        %dma_wait3A_403 = tpu.memref_slice %arg8[%run_scoped3A_327, %dma_wait3A_401, %dma_wait3A_402] : memref<5x128x64xbf16, #tpu.memory_space<vmem>> -> memref<1x128x64xbf16, #tpu.memory_space<vmem>>
        %dma_wait3A_404 = tpu.memref_squeeze %dma_wait3A_403 : memref<1x128x64xbf16, #tpu.memory_space<vmem>> -> memref<128x64xbf16, #tpu.memory_space<vmem>>
        %dma_wait3A_405 = arith.constant 0 : i32
        %dma_wait3A_406 = tpu.memref_slice %arg7[%add3A_326, %dma_wait3A_405] : memref<80x128xi32, #tpu.memory_space<vmem>> -> memref<1x128xi32, #tpu.memory_space<vmem>>
        %dma_wait3A_407 = tpu.memref_squeeze %dma_wait3A_406 : memref<1x128xi32, #tpu.memory_space<vmem>> -> memref<128xi32, #tpu.memory_space<vmem>>
        %dma_wait3A_408 = arith.constant 0 : i32
        %dma_wait3A_409 = arith.constant 0 : i32
        %dma_wait3A_410 = tpu.memref_slice %arg9[%dma_wait3A_408, %dma_wait3A_409] : memref<10240x64xbf16, #tpu.memory_space<vmem_shared>> -> memref<10240x64xbf16, #tpu.memory_space<vmem_shared>>
        tpu.wait_indirect_dma semaphore(%run_scoped3A_390 : memref<!tpu.dma_semaphore, #tpu.memory_space<semaphore_mem>>) src(%dma_wait3A_404 : memref<128x64xbf16, #tpu.memory_space<vmem>>) dst(%dma_wait3A_410 : memref<10240x64xbf16, #tpu.memory_space<vmem_shared>>)
        tpu.yield
      }) : () -> ()
      %mul3A_328 = arith.constant 5 : i32
      %mul3A_329 = arith.muli %scan3A_173, %mul3A_328 : i32
      %add3A_330 = arith.constant 3 : i32
      %add3A_331 = arith.addi %mul3A_329, %add3A_330 : i32
      %dma_start3A_332 = arith.constant 3 : i32
      %dma_start3A_333 = arith.constant 3 : i32
      %dma_start3A_334 = arith.constant 0 : i32
      %dma_start3A_335 = arith.constant 0 : i32
      %dma_start3A_336 = tpu.memref_slice %arg8[%dma_start3A_332, %dma_start3A_334, %dma_start3A_335] : memref<5x128x64xbf16, #tpu.memory_space<vmem>> -> memref<1x128x64xbf16, #tpu.memory_space<vmem>>
      %dma_start3A_337 = tpu.memref_squeeze %dma_start3A_336 : memref<1x128x64xbf16, #tpu.memory_space<vmem>> -> memref<128x64xbf16, #tpu.memory_space<vmem>>
      %dma_start3A_338 = arith.constant 0 : i32
      %dma_start3A_339 = tpu.memref_slice %arg6[%add3A_331, %dma_start3A_338] : memref<80x128xi32, #tpu.memory_space<vmem>> -> memref<1x128xi32, #tpu.memory_space<vmem>>
      %dma_start3A_340 = tpu.memref_squeeze %dma_start3A_339 : memref<1x128xi32, #tpu.memory_space<vmem>> -> memref<128xi32, #tpu.memory_space<vmem>>
      %dma_start3A_341 = arith.constant 0 : i32
      %dma_start3A_342 = arith.constant 0 : i32
      %dma_start3A_343 = tpu.memref_slice %arg2[%dma_start3A_341, %dma_start3A_342] : memref<10000x64xbf16, #tpu.memory_space<hbm>> -> memref<10000x64xbf16, #tpu.memory_space<hbm>>
      %dma_start3A_344 = tpu.memref_slice %arg10[%dma_start3A_333] : memref<5x!tpu.dma_semaphore, #tpu.memory_space<semaphore_mem>> -> memref<1x!tpu.dma_semaphore, #tpu.memory_space<semaphore_mem>>
      %dma_start3A_345 = tpu.memref_squeeze %dma_start3A_344 : memref<1x!tpu.dma_semaphore, #tpu.memory_space<semaphore_mem>> -> memref<!tpu.dma_semaphore, #tpu.memory_space<semaphore_mem>>
      tpu.enqueue_indirect_dma source(%dma_start3A_343 : memref<10000x64xbf16, #tpu.memory_space<hbm>>) target(%dma_start3A_337 : memref<128x64xbf16, #tpu.memory_space<vmem>>) offsets(%dma_start3A_340 : memref<128xi32, #tpu.memory_space<vmem>>) semaphore(%dma_start3A_345 : memref<!tpu.dma_semaphore, #tpu.memory_space<semaphore_mem>>)
      %sub3A_346 = arith.constant 1 : i32
      %sub3A_347 = arith.subi %scan3A_173, %sub3A_346 : i32
      %mul3A_348 = arith.constant 5 : i32
      %mul3A_349 = arith.muli %sub3A_347, %mul3A_348 : i32
      %add3A_350 = arith.constant 4 : i32
      %add3A_351 = arith.addi %mul3A_349, %add3A_350 : i32
      %dma_wait3A_352 = arith.constant 4 : i32
      %dma_wait3A_353 = arith.constant 4 : i32
      %dma_wait3A_354 = arith.constant 0 : i32
      %dma_wait3A_355 = arith.constant 0 : i32
      %dma_wait3A_356 = tpu.memref_slice %arg8[%dma_wait3A_352, %dma_wait3A_354, %dma_wait3A_355] : memref<5x128x64xbf16, #tpu.memory_space<vmem>> -> memref<1x128x64xbf16, #tpu.memory_space<vmem>>
      %dma_wait3A_357 = tpu.memref_squeeze %dma_wait3A_356 : memref<1x128x64xbf16, #tpu.memory_space<vmem>> -> memref<128x64xbf16, #tpu.memory_space<vmem>>
      %dma_wait3A_358 = arith.constant 0 : i32
      %dma_wait3A_359 = tpu.memref_slice %arg6[%add3A_351, %dma_wait3A_358] : memref<80x128xi32, #tpu.memory_space<vmem>> -> memref<1x128xi32, #tpu.memory_space<vmem>>
      %dma_wait3A_360 = tpu.memref_squeeze %dma_wait3A_359 : memref<1x128xi32, #tpu.memory_space<vmem>> -> memref<128xi32, #tpu.memory_space<vmem>>
      %dma_wait3A_361 = arith.constant 0 : i32
      %dma_wait3A_362 = arith.constant 0 : i32
      %dma_wait3A_363 = tpu.memref_slice %arg2[%dma_wait3A_361, %dma_wait3A_362] : memref<10000x64xbf16, #tpu.memory_space<hbm>> -> memref<10000x64xbf16, #tpu.memory_space<hbm>>
      %dma_wait3A_364 = tpu.memref_slice %arg10[%dma_wait3A_353] : memref<5x!tpu.dma_semaphore, #tpu.memory_space<semaphore_mem>> -> memref<1x!tpu.dma_semaphore, #tpu.memory_space<semaphore_mem>>
      %dma_wait3A_365 = tpu.memref_squeeze %dma_wait3A_364 : memref<1x!tpu.dma_semaphore, #tpu.memory_space<semaphore_mem>> -> memref<!tpu.dma_semaphore, #tpu.memory_space<semaphore_mem>>
      tpu.wait_indirect_dma semaphore(%dma_wait3A_365 : memref<!tpu.dma_semaphore, #tpu.memory_space<semaphore_mem>>) src(%dma_wait3A_363 : memref<10000x64xbf16, #tpu.memory_space<hbm>>) dst(%dma_wait3A_357 : memref<128x64xbf16, #tpu.memory_space<vmem>>)
      %mul3A_366 = arith.constant 5 : i32
      %mul3A_367 = arith.muli %sub3A_347, %mul3A_366 : i32
      %add3A_368 = arith.constant 4 : i32
      %add3A_369 = arith.addi %mul3A_367, %add3A_368 : i32
      %run_scoped3A_370 = arith.constant 4 : i32
      "tpu.region"() ({
        %run_scoped3A_390 = tpu.sem_alloc : memref<!tpu.dma_semaphore, #tpu.memory_space<semaphore_mem>>
        %dma_start3A_391 = arith.constant 0 : i32
        %dma_start3A_392 = arith.constant 0 : i32
        %dma_start3A_393 = tpu.memref_slice %arg8[%run_scoped3A_370, %dma_start3A_391, %dma_start3A_392] : memref<5x128x64xbf16, #tpu.memory_space<vmem>> -> memref<1x128x64xbf16, #tpu.memory_space<vmem>>
        %dma_start3A_394 = tpu.memref_squeeze %dma_start3A_393 : memref<1x128x64xbf16, #tpu.memory_space<vmem>> -> memref<128x64xbf16, #tpu.memory_space<vmem>>
        %dma_start3A_395 = arith.constant 0 : i32
        %dma_start3A_396 = tpu.memref_slice %arg7[%add3A_369, %dma_start3A_395] : memref<80x128xi32, #tpu.memory_space<vmem>> -> memref<1x128xi32, #tpu.memory_space<vmem>>
        %dma_start3A_397 = tpu.memref_squeeze %dma_start3A_396 : memref<1x128xi32, #tpu.memory_space<vmem>> -> memref<128xi32, #tpu.memory_space<vmem>>
        %dma_start3A_398 = arith.constant 0 : i32
        %dma_start3A_399 = arith.constant 0 : i32
        %dma_start3A_400 = tpu.memref_slice %arg9[%dma_start3A_398, %dma_start3A_399] : memref<10240x64xbf16, #tpu.memory_space<vmem_shared>> -> memref<10240x64xbf16, #tpu.memory_space<vmem_shared>>
        tpu.enqueue_indirect_dma source(%dma_start3A_394 : memref<128x64xbf16, #tpu.memory_space<vmem>>) target(%dma_start3A_400 : memref<10240x64xbf16, #tpu.memory_space<vmem_shared>>) offsets(%dma_start3A_397 : memref<128xi32, #tpu.memory_space<vmem>>) semaphore(%run_scoped3A_390 : memref<!tpu.dma_semaphore, #tpu.memory_space<semaphore_mem>>) {add = true}
        %dma_wait3A_401 = arith.constant 0 : i32
        %dma_wait3A_402 = arith.constant 0 : i32
        %dma_wait3A_403 = tpu.memref_slice %arg8[%run_scoped3A_370, %dma_wait3A_401, %dma_wait3A_402] : memref<5x128x64xbf16, #tpu.memory_space<vmem>> -> memref<1x128x64xbf16, #tpu.memory_space<vmem>>
        %dma_wait3A_404 = tpu.memref_squeeze %dma_wait3A_403 : memref<1x128x64xbf16, #tpu.memory_space<vmem>> -> memref<128x64xbf16, #tpu.memory_space<vmem>>
        %dma_wait3A_405 = arith.constant 0 : i32
        %dma_wait3A_406 = tpu.memref_slice %arg7[%add3A_369, %dma_wait3A_405] : memref<80x128xi32, #tpu.memory_space<vmem>> -> memref<1x128xi32, #tpu.memory_space<vmem>>
        %dma_wait3A_407 = tpu.memref_squeeze %dma_wait3A_406 : memref<1x128xi32, #tpu.memory_space<vmem>> -> memref<128xi32, #tpu.memory_space<vmem>>
        %dma_wait3A_408 = arith.constant 0 : i32
        %dma_wait3A_409 = arith.constant 0 : i32
        %dma_wait3A_410 = tpu.memref_slice %arg9[%dma_wait3A_408, %dma_wait3A_409] : memref<10240x64xbf16, #tpu.memory_space<vmem_shared>> -> memref<10240x64xbf16, #tpu.memory_space<vmem_shared>>
        tpu.wait_indirect_dma semaphore(%run_scoped3A_390 : memref<!tpu.dma_semaphore, #tpu.memory_space<semaphore_mem>>) src(%dma_wait3A_404 : memref<128x64xbf16, #tpu.memory_space<vmem>>) dst(%dma_wait3A_410 : memref<10240x64xbf16, #tpu.memory_space<vmem_shared>>)
        tpu.yield
      }) : () -> ()
      %mul3A_371 = arith.constant 5 : i32
      %mul3A_372 = arith.muli %scan3A_173, %mul3A_371 : i32
      %add3A_373 = arith.constant 4 : i32
      %add3A_374 = arith.addi %mul3A_372, %add3A_373 : i32
      %dma_start3A_375 = arith.constant 4 : i32
      %dma_start3A_376 = arith.constant 4 : i32
      %dma_start3A_377 = arith.constant 0 : i32
      %dma_start3A_378 = arith.constant 0 : i32
      %dma_start3A_379 = tpu.memref_slice %arg8[%dma_start3A_375, %dma_start3A_377, %dma_start3A_378] : memref<5x128x64xbf16, #tpu.memory_space<vmem>> -> memref<1x128x64xbf16, #tpu.memory_space<vmem>>
      %dma_start3A_380 = tpu.memref_squeeze %dma_start3A_379 : memref<1x128x64xbf16, #tpu.memory_space<vmem>> -> memref<128x64xbf16, #tpu.memory_space<vmem>>
      %dma_start3A_381 = arith.constant 0 : i32
      %dma_start3A_382 = tpu.memref_slice %arg6[%add3A_374, %dma_start3A_381] : memref<80x128xi32, #tpu.memory_space<vmem>> -> memref<1x128xi32, #tpu.memory_space<vmem>>
      %dma_start3A_383 = tpu.memref_squeeze %dma_start3A_382 : memref<1x128xi32, #tpu.memory_space<vmem>> -> memref<128xi32, #tpu.memory_space<vmem>>
      %dma_start3A_384 = arith.constant 0 : i32
      %dma_start3A_385 = arith.constant 0 : i32
      %dma_start3A_386 = tpu.memref_slice %arg2[%dma_start3A_384, %dma_start3A_385] : memref<10000x64xbf16, #tpu.memory_space<hbm>> -> memref<10000x64xbf16, #tpu.memory_space<hbm>>
      %dma_start3A_387 = tpu.memref_slice %arg10[%dma_start3A_376] : memref<5x!tpu.dma_semaphore, #tpu.memory_space<semaphore_mem>> -> memref<1x!tpu.dma_semaphore, #tpu.memory_space<semaphore_mem>>
      %dma_start3A_388 = tpu.memref_squeeze %dma_start3A_387 : memref<1x!tpu.dma_semaphore, #tpu.memory_space<semaphore_mem>> -> memref<!tpu.dma_semaphore, #tpu.memory_space<semaphore_mem>>
      tpu.enqueue_indirect_dma source(%dma_start3A_386 : memref<10000x64xbf16, #tpu.memory_space<hbm>>) target(%dma_start3A_380 : memref<128x64xbf16, #tpu.memory_space<vmem>>) offsets(%dma_start3A_383 : memref<128xi32, #tpu.memory_space<vmem>>) semaphore(%dma_start3A_388 : memref<!tpu.dma_semaphore, #tpu.memory_space<semaphore_mem>>)
      %scan3A_389 = arith.constant 0 : i32
      scf.yield %scan3A_389 : i32
    }
    %scan3A_87 = arith.constant 15 : i32
    %dma_wait3A = arith.constant 75 : i32
    %dma_wait3A_88 = arith.constant 0 : i32
    %dma_wait3A_89 = arith.constant 0 : i32
    %dma_wait3A_90 = arith.constant 0 : i32
    %dma_wait3A_91 = arith.constant 0 : i32
    %dma_wait3A_92 = tpu.memref_slice %arg8[%dma_wait3A_88, %dma_wait3A_90, %dma_wait3A_91] : memref<5x128x64xbf16, #tpu.memory_space<vmem>> -> memref<1x128x64xbf16, #tpu.memory_space<vmem>>
    %dma_wait3A_93 = tpu.memref_squeeze %dma_wait3A_92 : memref<1x128x64xbf16, #tpu.memory_space<vmem>> -> memref<128x64xbf16, #tpu.memory_space<vmem>>
    %dma_wait3A_94 = arith.constant 0 : i32
    %dma_wait3A_95 = tpu.memref_slice %arg6[%dma_wait3A, %dma_wait3A_94] : memref<80x128xi32, #tpu.memory_space<vmem>> -> memref<1x128xi32, #tpu.memory_space<vmem>>
    %dma_wait3A_96 = tpu.memref_squeeze %dma_wait3A_95 : memref<1x128xi32, #tpu.memory_space<vmem>> -> memref<128xi32, #tpu.memory_space<vmem>>
    %dma_wait3A_97 = arith.constant 0 : i32
    %dma_wait3A_98 = arith.constant 0 : i32
    %dma_wait3A_99 = tpu.memref_slice %arg2[%dma_wait3A_97, %dma_wait3A_98] : memref<10000x64xbf16, #tpu.memory_space<hbm>> -> memref<10000x64xbf16, #tpu.memory_space<hbm>>
    %dma_wait3A_100 = tpu.memref_slice %arg10[%dma_wait3A_89] : memref<5x!tpu.dma_semaphore, #tpu.memory_space<semaphore_mem>> -> memref<1x!tpu.dma_semaphore, #tpu.memory_space<semaphore_mem>>
    %dma_wait3A_101 = tpu.memref_squeeze %dma_wait3A_100 : memref<1x!tpu.dma_semaphore, #tpu.memory_space<semaphore_mem>> -> memref<!tpu.dma_semaphore, #tpu.memory_space<semaphore_mem>>
    tpu.wait_indirect_dma semaphore(%dma_wait3A_101 : memref<!tpu.dma_semaphore, #tpu.memory_space<semaphore_mem>>) src(%dma_wait3A_99 : memref<10000x64xbf16, #tpu.memory_space<hbm>>) dst(%dma_wait3A_93 : memref<128x64xbf16, #tpu.memory_space<vmem>>)
    %run_scoped3A_102 = arith.constant 0 : i32
    %run_scoped3A_103 = arith.constant 75 : i32
    "tpu.region"() ({
      %run_scoped3A_173 = tpu.sem_alloc : memref<!tpu.dma_semaphore, #tpu.memory_space<semaphore_mem>>
      %dma_start3A_174 = arith.constant 0 : i32
      %dma_start3A_175 = arith.constant 0 : i32
      %dma_start3A_176 = tpu.memref_slice %arg8[%run_scoped3A_102, %dma_start3A_174, %dma_start3A_175] : memref<5x128x64xbf16, #tpu.memory_space<vmem>> -> memref<1x128x64xbf16, #tpu.memory_space<vmem>>
      %dma_start3A_177 = tpu.memref_squeeze %dma_start3A_176 : memref<1x128x64xbf16, #tpu.memory_space<vmem>> -> memref<128x64xbf16, #tpu.memory_space<vmem>>
      %dma_start3A_178 = arith.constant 0 : i32
      %dma_start3A_179 = tpu.memref_slice %arg7[%run_scoped3A_103, %dma_start3A_178] : memref<80x128xi32, #tpu.memory_space<vmem>> -> memref<1x128xi32, #tpu.memory_space<vmem>>
      %dma_start3A_180 = tpu.memref_squeeze %dma_start3A_179 : memref<1x128xi32, #tpu.memory_space<vmem>> -> memref<128xi32, #tpu.memory_space<vmem>>
      %dma_start3A_181 = arith.constant 0 : i32
      %dma_start3A_182 = arith.constant 0 : i32
      %dma_start3A_183 = tpu.memref_slice %arg9[%dma_start3A_181, %dma_start3A_182] : memref<10240x64xbf16, #tpu.memory_space<vmem_shared>> -> memref<10240x64xbf16, #tpu.memory_space<vmem_shared>>
      tpu.enqueue_indirect_dma source(%dma_start3A_177 : memref<128x64xbf16, #tpu.memory_space<vmem>>) target(%dma_start3A_183 : memref<10240x64xbf16, #tpu.memory_space<vmem_shared>>) offsets(%dma_start3A_180 : memref<128xi32, #tpu.memory_space<vmem>>) semaphore(%run_scoped3A_173 : memref<!tpu.dma_semaphore, #tpu.memory_space<semaphore_mem>>) {add = true}
      %dma_wait3A_184 = arith.constant 0 : i32
      %dma_wait3A_185 = arith.constant 0 : i32
      %dma_wait3A_186 = tpu.memref_slice %arg8[%run_scoped3A_102, %dma_wait3A_184, %dma_wait3A_185] : memref<5x128x64xbf16, #tpu.memory_space<vmem>> -> memref<1x128x64xbf16, #tpu.memory_space<vmem>>
      %dma_wait3A_187 = tpu.memref_squeeze %dma_wait3A_186 : memref<1x128x64xbf16, #tpu.memory_space<vmem>> -> memref<128x64xbf16, #tpu.memory_space<vmem>>
      %dma_wait3A_188 = arith.constant 0 : i32
      %dma_wait3A_189 = tpu.memref_slice %arg7[%run_scoped3A_103, %dma_wait3A_188] : memref<80x128xi32, #tpu.memory_space<vmem>> -> memref<1x128xi32, #tpu.memory_space<vmem>>
      %dma_wait3A_190 = tpu.memref_squeeze %dma_wait3A_189 : memref<1x128xi32, #tpu.memory_space<vmem>> -> memref<128xi32, #tpu.memory_space<vmem>>
      %dma_wait3A_191 = arith.constant 0 : i32
      %dma_wait3A_192 = arith.constant 0 : i32
      %dma_wait3A_193 = tpu.memref_slice %arg9[%dma_wait3A_191, %dma_wait3A_192] : memref<10240x64xbf16, #tpu.memory_space<vmem_shared>> -> memref<10240x64xbf16, #tpu.memory_space<vmem_shared>>
      tpu.wait_indirect_dma semaphore(%run_scoped3A_173 : memref<!tpu.dma_semaphore, #tpu.memory_space<semaphore_mem>>) src(%dma_wait3A_187 : memref<128x64xbf16, #tpu.memory_space<vmem>>) dst(%dma_wait3A_193 : memref<10240x64xbf16, #tpu.memory_space<vmem_shared>>)
      tpu.yield
    }) : () -> ()
    %dma_wait3A_104 = arith.constant 76 : i32
    %dma_wait3A_105 = arith.constant 1 : i32
    %dma_wait3A_106 = arith.constant 1 : i32
    %dma_wait3A_107 = arith.constant 0 : i32
    %dma_wait3A_108 = arith.constant 0 : i32
    %dma_wait3A_109 = tpu.memref_slice %arg8[%dma_wait3A_105, %dma_wait3A_107, %dma_wait3A_108] : memref<5x128x64xbf16, #tpu.memory_space<vmem>> -> memref<1x128x64xbf16, #tpu.memory_space<vmem>>
    %dma_wait3A_110 = tpu.memref_squeeze %dma_wait3A_109 : memref<1x128x64xbf16, #tpu.memory_space<vmem>> -> memref<128x64xbf16, #tpu.memory_space<vmem>>
    %dma_wait3A_111 = arith.constant 0 : i32
    %dma_wait3A_112 = tpu.memref_slice %arg6[%dma_wait3A_104, %dma_wait3A_111] : memref<80x128xi32, #tpu.memory_space<vmem>> -> memref<1x128xi32, #tpu.memory_space<vmem>>
    %dma_wait3A_113 = tpu.memref_squeeze %dma_wait3A_112 : memref<1x128xi32, #tpu.memory_space<vmem>> -> memref<128xi32, #tpu.memory_space<vmem>>
    %dma_wait3A_114 = arith.constant 0 : i32
    %dma_wait3A_115 = arith.constant 0 : i32
    %dma_wait3A_116 = tpu.memref_slice %arg2[%dma_wait3A_114, %dma_wait3A_115] : memref<10000x64xbf16, #tpu.memory_space<hbm>> -> memref<10000x64xbf16, #tpu.memory_space<hbm>>
    %dma_wait3A_117 = tpu.memref_slice %arg10[%dma_wait3A_106] : memref<5x!tpu.dma_semaphore, #tpu.memory_space<semaphore_mem>> -> memref<1x!tpu.dma_semaphore, #tpu.memory_space<semaphore_mem>>
    %dma_wait3A_118 = tpu.memref_squeeze %dma_wait3A_117 : memref<1x!tpu.dma_semaphore, #tpu.memory_space<semaphore_mem>> -> memref<!tpu.dma_semaphore, #tpu.memory_space<semaphore_mem>>
    tpu.wait_indirect_dma semaphore(%dma_wait3A_118 : memref<!tpu.dma_semaphore, #tpu.memory_space<semaphore_mem>>) src(%dma_wait3A_116 : memref<10000x64xbf16, #tpu.memory_space<hbm>>) dst(%dma_wait3A_110 : memref<128x64xbf16, #tpu.memory_space<vmem>>)
    %run_scoped3A_119 = arith.constant 1 : i32
    %run_scoped3A_120 = arith.constant 76 : i32
    "tpu.region"() ({
      %run_scoped3A_173 = tpu.sem_alloc : memref<!tpu.dma_semaphore, #tpu.memory_space<semaphore_mem>>
      %dma_start3A_174 = arith.constant 0 : i32
      %dma_start3A_175 = arith.constant 0 : i32
      %dma_start3A_176 = tpu.memref_slice %arg8[%run_scoped3A_119, %dma_start3A_174, %dma_start3A_175] : memref<5x128x64xbf16, #tpu.memory_space<vmem>> -> memref<1x128x64xbf16, #tpu.memory_space<vmem>>
      %dma_start3A_177 = tpu.memref_squeeze %dma_start3A_176 : memref<1x128x64xbf16, #tpu.memory_space<vmem>> -> memref<128x64xbf16, #tpu.memory_space<vmem>>
      %dma_start3A_178 = arith.constant 0 : i32
      %dma_start3A_179 = tpu.memref_slice %arg7[%run_scoped3A_120, %dma_start3A_178] : memref<80x128xi32, #tpu.memory_space<vmem>> -> memref<1x128xi32, #tpu.memory_space<vmem>>
      %dma_start3A_180 = tpu.memref_squeeze %dma_start3A_179 : memref<1x128xi32, #tpu.memory_space<vmem>> -> memref<128xi32, #tpu.memory_space<vmem>>
      %dma_start3A_181 = arith.constant 0 : i32
      %dma_start3A_182 = arith.constant 0 : i32
      %dma_start3A_183 = tpu.memref_slice %arg9[%dma_start3A_181, %dma_start3A_182] : memref<10240x64xbf16, #tpu.memory_space<vmem_shared>> -> memref<10240x64xbf16, #tpu.memory_space<vmem_shared>>
      tpu.enqueue_indirect_dma source(%dma_start3A_177 : memref<128x64xbf16, #tpu.memory_space<vmem>>) target(%dma_start3A_183 : memref<10240x64xbf16, #tpu.memory_space<vmem_shared>>) offsets(%dma_start3A_180 : memref<128xi32, #tpu.memory_space<vmem>>) semaphore(%run_scoped3A_173 : memref<!tpu.dma_semaphore, #tpu.memory_space<semaphore_mem>>) {add = true}
      %dma_wait3A_184 = arith.constant 0 : i32
      %dma_wait3A_185 = arith.constant 0 : i32
      %dma_wait3A_186 = tpu.memref_slice %arg8[%run_scoped3A_119, %dma_wait3A_184, %dma_wait3A_185] : memref<5x128x64xbf16, #tpu.memory_space<vmem>> -> memref<1x128x64xbf16, #tpu.memory_space<vmem>>
      %dma_wait3A_187 = tpu.memref_squeeze %dma_wait3A_186 : memref<1x128x64xbf16, #tpu.memory_space<vmem>> -> memref<128x64xbf16, #tpu.memory_space<vmem>>
      %dma_wait3A_188 = arith.constant 0 : i32
      %dma_wait3A_189 = tpu.memref_slice %arg7[%run_scoped3A_120, %dma_wait3A_188] : memref<80x128xi32, #tpu.memory_space<vmem>> -> memref<1x128xi32, #tpu.memory_space<vmem>>
      %dma_wait3A_190 = tpu.memref_squeeze %dma_wait3A_189 : memref<1x128xi32, #tpu.memory_space<vmem>> -> memref<128xi32, #tpu.memory_space<vmem>>
      %dma_wait3A_191 = arith.constant 0 : i32
      %dma_wait3A_192 = arith.constant 0 : i32
      %dma_wait3A_193 = tpu.memref_slice %arg9[%dma_wait3A_191, %dma_wait3A_192] : memref<10240x64xbf16, #tpu.memory_space<vmem_shared>> -> memref<10240x64xbf16, #tpu.memory_space<vmem_shared>>
      tpu.wait_indirect_dma semaphore(%run_scoped3A_173 : memref<!tpu.dma_semaphore, #tpu.memory_space<semaphore_mem>>) src(%dma_wait3A_187 : memref<128x64xbf16, #tpu.memory_space<vmem>>) dst(%dma_wait3A_193 : memref<10240x64xbf16, #tpu.memory_space<vmem_shared>>)
      tpu.yield
    }) : () -> ()
    %dma_wait3A_121 = arith.constant 77 : i32
    %dma_wait3A_122 = arith.constant 2 : i32
    %dma_wait3A_123 = arith.constant 2 : i32
    %dma_wait3A_124 = arith.constant 0 : i32
    %dma_wait3A_125 = arith.constant 0 : i32
    %dma_wait3A_126 = tpu.memref_slice %arg8[%dma_wait3A_122, %dma_wait3A_124, %dma_wait3A_125] : memref<5x128x64xbf16, #tpu.memory_space<vmem>> -> memref<1x128x64xbf16, #tpu.memory_space<vmem>>
    %dma_wait3A_127 = tpu.memref_squeeze %dma_wait3A_126 : memref<1x128x64xbf16, #tpu.memory_space<vmem>> -> memref<128x64xbf16, #tpu.memory_space<vmem>>
    %dma_wait3A_128 = arith.constant 0 : i32
    %dma_wait3A_129 = tpu.memref_slice %arg6[%dma_wait3A_121, %dma_wait3A_128] : memref<80x128xi32, #tpu.memory_space<vmem>> -> memref<1x128xi32, #tpu.memory_space<vmem>>
    %dma_wait3A_130 = tpu.memref_squeeze %dma_wait3A_129 : memref<1x128xi32, #tpu.memory_space<vmem>> -> memref<128xi32, #tpu.memory_space<vmem>>
    %dma_wait3A_131 = arith.constant 0 : i32
    %dma_wait3A_132 = arith.constant 0 : i32
    %dma_wait3A_133 = tpu.memref_slice %arg2[%dma_wait3A_131, %dma_wait3A_132] : memref<10000x64xbf16, #tpu.memory_space<hbm>> -> memref<10000x64xbf16, #tpu.memory_space<hbm>>
    %dma_wait3A_134 = tpu.memref_slice %arg10[%dma_wait3A_123] : memref<5x!tpu.dma_semaphore, #tpu.memory_space<semaphore_mem>> -> memref<1x!tpu.dma_semaphore, #tpu.memory_space<semaphore_mem>>
    %dma_wait3A_135 = tpu.memref_squeeze %dma_wait3A_134 : memref<1x!tpu.dma_semaphore, #tpu.memory_space<semaphore_mem>> -> memref<!tpu.dma_semaphore, #tpu.memory_space<semaphore_mem>>
    tpu.wait_indirect_dma semaphore(%dma_wait3A_135 : memref<!tpu.dma_semaphore, #tpu.memory_space<semaphore_mem>>) src(%dma_wait3A_133 : memref<10000x64xbf16, #tpu.memory_space<hbm>>) dst(%dma_wait3A_127 : memref<128x64xbf16, #tpu.memory_space<vmem>>)
    %run_scoped3A_136 = arith.constant 2 : i32
    %run_scoped3A_137 = arith.constant 77 : i32
    "tpu.region"() ({
      %run_scoped3A_173 = tpu.sem_alloc : memref<!tpu.dma_semaphore, #tpu.memory_space<semaphore_mem>>
      %dma_start3A_174 = arith.constant 0 : i32
      %dma_start3A_175 = arith.constant 0 : i32
      %dma_start3A_176 = tpu.memref_slice %arg8[%run_scoped3A_136, %dma_start3A_174, %dma_start3A_175] : memref<5x128x64xbf16, #tpu.memory_space<vmem>> -> memref<1x128x64xbf16, #tpu.memory_space<vmem>>
      %dma_start3A_177 = tpu.memref_squeeze %dma_start3A_176 : memref<1x128x64xbf16, #tpu.memory_space<vmem>> -> memref<128x64xbf16, #tpu.memory_space<vmem>>
      %dma_start3A_178 = arith.constant 0 : i32
      %dma_start3A_179 = tpu.memref_slice %arg7[%run_scoped3A_137, %dma_start3A_178] : memref<80x128xi32, #tpu.memory_space<vmem>> -> memref<1x128xi32, #tpu.memory_space<vmem>>
      %dma_start3A_180 = tpu.memref_squeeze %dma_start3A_179 : memref<1x128xi32, #tpu.memory_space<vmem>> -> memref<128xi32, #tpu.memory_space<vmem>>
      %dma_start3A_181 = arith.constant 0 : i32
      %dma_start3A_182 = arith.constant 0 : i32
      %dma_start3A_183 = tpu.memref_slice %arg9[%dma_start3A_181, %dma_start3A_182] : memref<10240x64xbf16, #tpu.memory_space<vmem_shared>> -> memref<10240x64xbf16, #tpu.memory_space<vmem_shared>>
      tpu.enqueue_indirect_dma source(%dma_start3A_177 : memref<128x64xbf16, #tpu.memory_space<vmem>>) target(%dma_start3A_183 : memref<10240x64xbf16, #tpu.memory_space<vmem_shared>>) offsets(%dma_start3A_180 : memref<128xi32, #tpu.memory_space<vmem>>) semaphore(%run_scoped3A_173 : memref<!tpu.dma_semaphore, #tpu.memory_space<semaphore_mem>>) {add = true}
      %dma_wait3A_184 = arith.constant 0 : i32
      %dma_wait3A_185 = arith.constant 0 : i32
      %dma_wait3A_186 = tpu.memref_slice %arg8[%run_scoped3A_136, %dma_wait3A_184, %dma_wait3A_185] : memref<5x128x64xbf16, #tpu.memory_space<vmem>> -> memref<1x128x64xbf16, #tpu.memory_space<vmem>>
      %dma_wait3A_187 = tpu.memref_squeeze %dma_wait3A_186 : memref<1x128x64xbf16, #tpu.memory_space<vmem>> -> memref<128x64xbf16, #tpu.memory_space<vmem>>
      %dma_wait3A_188 = arith.constant 0 : i32
      %dma_wait3A_189 = tpu.memref_slice %arg7[%run_scoped3A_137, %dma_wait3A_188] : memref<80x128xi32, #tpu.memory_space<vmem>> -> memref<1x128xi32, #tpu.memory_space<vmem>>
      %dma_wait3A_190 = tpu.memref_squeeze %dma_wait3A_189 : memref<1x128xi32, #tpu.memory_space<vmem>> -> memref<128xi32, #tpu.memory_space<vmem>>
      %dma_wait3A_191 = arith.constant 0 : i32
      %dma_wait3A_192 = arith.constant 0 : i32
      %dma_wait3A_193 = tpu.memref_slice %arg9[%dma_wait3A_191, %dma_wait3A_192] : memref<10240x64xbf16, #tpu.memory_space<vmem_shared>> -> memref<10240x64xbf16, #tpu.memory_space<vmem_shared>>
      tpu.wait_indirect_dma semaphore(%run_scoped3A_173 : memref<!tpu.dma_semaphore, #tpu.memory_space<semaphore_mem>>) src(%dma_wait3A_187 : memref<128x64xbf16, #tpu.memory_space<vmem>>) dst(%dma_wait3A_193 : memref<10240x64xbf16, #tpu.memory_space<vmem_shared>>)
      tpu.yield
    }) : () -> ()
    %dma_wait3A_138 = arith.constant 78 : i32
    %dma_wait3A_139 = arith.constant 3 : i32
    %dma_wait3A_140 = arith.constant 3 : i32
    %dma_wait3A_141 = arith.constant 0 : i32
    %dma_wait3A_142 = arith.constant 0 : i32
    %dma_wait3A_143 = tpu.memref_slice %arg8[%dma_wait3A_139, %dma_wait3A_141, %dma_wait3A_142] : memref<5x128x64xbf16, #tpu.memory_space<vmem>> -> memref<1x128x64xbf16, #tpu.memory_space<vmem>>
    %dma_wait3A_144 = tpu.memref_squeeze %dma_wait3A_143 : memref<1x128x64xbf16, #tpu.memory_space<vmem>> -> memref<128x64xbf16, #tpu.memory_space<vmem>>
    %dma_wait3A_145 = arith.constant 0 : i32
    %dma_wait3A_146 = tpu.memref_slice %arg6[%dma_wait3A_138, %dma_wait3A_145] : memref<80x128xi32, #tpu.memory_space<vmem>> -> memref<1x128xi32, #tpu.memory_space<vmem>>
    %dma_wait3A_147 = tpu.memref_squeeze %dma_wait3A_146 : memref<1x128xi32, #tpu.memory_space<vmem>> -> memref<128xi32, #tpu.memory_space<vmem>>
    %dma_wait3A_148 = arith.constant 0 : i32
    %dma_wait3A_149 = arith.constant 0 : i32
    %dma_wait3A_150 = tpu.memref_slice %arg2[%dma_wait3A_148, %dma_wait3A_149] : memref<10000x64xbf16, #tpu.memory_space<hbm>> -> memref<10000x64xbf16, #tpu.memory_space<hbm>>
    %dma_wait3A_151 = tpu.memref_slice %arg10[%dma_wait3A_140] : memref<5x!tpu.dma_semaphore, #tpu.memory_space<semaphore_mem>> -> memref<1x!tpu.dma_semaphore, #tpu.memory_space<semaphore_mem>>
    %dma_wait3A_152 = tpu.memref_squeeze %dma_wait3A_151 : memref<1x!tpu.dma_semaphore, #tpu.memory_space<semaphore_mem>> -> memref<!tpu.dma_semaphore, #tpu.memory_space<semaphore_mem>>
    tpu.wait_indirect_dma semaphore(%dma_wait3A_152 : memref<!tpu.dma_semaphore, #tpu.memory_space<semaphore_mem>>) src(%dma_wait3A_150 : memref<10000x64xbf16, #tpu.memory_space<hbm>>) dst(%dma_wait3A_144 : memref<128x64xbf16, #tpu.memory_space<vmem>>)
    %run_scoped3A_153 = arith.constant 3 : i32
    %run_scoped3A_154 = arith.constant 78 : i32
    "tpu.region"() ({
      %run_scoped3A_173 = tpu.sem_alloc : memref<!tpu.dma_semaphore, #tpu.memory_space<semaphore_mem>>
      %dma_start3A_174 = arith.constant 0 : i32
      %dma_start3A_175 = arith.constant 0 : i32
      %dma_start3A_176 = tpu.memref_slice %arg8[%run_scoped3A_153, %dma_start3A_174, %dma_start3A_175] : memref<5x128x64xbf16, #tpu.memory_space<vmem>> -> memref<1x128x64xbf16, #tpu.memory_space<vmem>>
      %dma_start3A_177 = tpu.memref_squeeze %dma_start3A_176 : memref<1x128x64xbf16, #tpu.memory_space<vmem>> -> memref<128x64xbf16, #tpu.memory_space<vmem>>
      %dma_start3A_178 = arith.constant 0 : i32
      %dma_start3A_179 = tpu.memref_slice %arg7[%run_scoped3A_154, %dma_start3A_178] : memref<80x128xi32, #tpu.memory_space<vmem>> -> memref<1x128xi32, #tpu.memory_space<vmem>>
      %dma_start3A_180 = tpu.memref_squeeze %dma_start3A_179 : memref<1x128xi32, #tpu.memory_space<vmem>> -> memref<128xi32, #tpu.memory_space<vmem>>
      %dma_start3A_181 = arith.constant 0 : i32
      %dma_start3A_182 = arith.constant 0 : i32
      %dma_start3A_183 = tpu.memref_slice %arg9[%dma_start3A_181, %dma_start3A_182] : memref<10240x64xbf16, #tpu.memory_space<vmem_shared>> -> memref<10240x64xbf16, #tpu.memory_space<vmem_shared>>
      tpu.enqueue_indirect_dma source(%dma_start3A_177 : memref<128x64xbf16, #tpu.memory_space<vmem>>) target(%dma_start3A_183 : memref<10240x64xbf16, #tpu.memory_space<vmem_shared>>) offsets(%dma_start3A_180 : memref<128xi32, #tpu.memory_space<vmem>>) semaphore(%run_scoped3A_173 : memref<!tpu.dma_semaphore, #tpu.memory_space<semaphore_mem>>) {add = true}
      %dma_wait3A_184 = arith.constant 0 : i32
      %dma_wait3A_185 = arith.constant 0 : i32
      %dma_wait3A_186 = tpu.memref_slice %arg8[%run_scoped3A_153, %dma_wait3A_184, %dma_wait3A_185] : memref<5x128x64xbf16, #tpu.memory_space<vmem>> -> memref<1x128x64xbf16, #tpu.memory_space<vmem>>
      %dma_wait3A_187 = tpu.memref_squeeze %dma_wait3A_186 : memref<1x128x64xbf16, #tpu.memory_space<vmem>> -> memref<128x64xbf16, #tpu.memory_space<vmem>>
      %dma_wait3A_188 = arith.constant 0 : i32
      %dma_wait3A_189 = tpu.memref_slice %arg7[%run_scoped3A_154, %dma_wait3A_188] : memref<80x128xi32, #tpu.memory_space<vmem>> -> memref<1x128xi32, #tpu.memory_space<vmem>>
      %dma_wait3A_190 = tpu.memref_squeeze %dma_wait3A_189 : memref<1x128xi32, #tpu.memory_space<vmem>> -> memref<128xi32, #tpu.memory_space<vmem>>
      %dma_wait3A_191 = arith.constant 0 : i32
      %dma_wait3A_192 = arith.constant 0 : i32
      %dma_wait3A_193 = tpu.memref_slice %arg9[%dma_wait3A_191, %dma_wait3A_192] : memref<10240x64xbf16, #tpu.memory_space<vmem_shared>> -> memref<10240x64xbf16, #tpu.memory_space<vmem_shared>>
      tpu.wait_indirect_dma semaphore(%run_scoped3A_173 : memref<!tpu.dma_semaphore, #tpu.memory_space<semaphore_mem>>) src(%dma_wait3A_187 : memref<128x64xbf16, #tpu.memory_space<vmem>>) dst(%dma_wait3A_193 : memref<10240x64xbf16, #tpu.memory_space<vmem_shared>>)
      tpu.yield
    }) : () -> ()
    %dma_wait3A_155 = arith.constant 79 : i32
    %dma_wait3A_156 = arith.constant 4 : i32
    %dma_wait3A_157 = arith.constant 4 : i32
    %dma_wait3A_158 = arith.constant 0 : i32
    %dma_wait3A_159 = arith.constant 0 : i32
    %dma_wait3A_160 = tpu.memref_slice %arg8[%dma_wait3A_156, %dma_wait3A_158, %dma_wait3A_159] : memref<5x128x64xbf16, #tpu.memory_space<vmem>> -> memref<1x128x64xbf16, #tpu.memory_space<vmem>>
    %dma_wait3A_161 = tpu.memref_squeeze %dma_wait3A_160 : memref<1x128x64xbf16, #tpu.memory_space<vmem>> -> memref<128x64xbf16, #tpu.memory_space<vmem>>
    %dma_wait3A_162 = arith.constant 0 : i32
    %dma_wait3A_163 = tpu.memref_slice %arg6[%dma_wait3A_155, %dma_wait3A_162] : memref<80x128xi32, #tpu.memory_space<vmem>> -> memref<1x128xi32, #tpu.memory_space<vmem>>
    %dma_wait3A_164 = tpu.memref_squeeze %dma_wait3A_163 : memref<1x128xi32, #tpu.memory_space<vmem>> -> memref<128xi32, #tpu.memory_space<vmem>>
    %dma_wait3A_165 = arith.constant 0 : i32
    %dma_wait3A_166 = arith.constant 0 : i32
    %dma_wait3A_167 = tpu.memref_slice %arg2[%dma_wait3A_165, %dma_wait3A_166] : memref<10000x64xbf16, #tpu.memory_space<hbm>> -> memref<10000x64xbf16, #tpu.memory_space<hbm>>
    %dma_wait3A_168 = tpu.memref_slice %arg10[%dma_wait3A_157] : memref<5x!tpu.dma_semaphore, #tpu.memory_space<semaphore_mem>> -> memref<1x!tpu.dma_semaphore, #tpu.memory_space<semaphore_mem>>
    %dma_wait3A_169 = tpu.memref_squeeze %dma_wait3A_168 : memref<1x!tpu.dma_semaphore, #tpu.memory_space<semaphore_mem>> -> memref<!tpu.dma_semaphore, #tpu.memory_space<semaphore_mem>>
    tpu.wait_indirect_dma semaphore(%dma_wait3A_169 : memref<!tpu.dma_semaphore, #tpu.memory_space<semaphore_mem>>) src(%dma_wait3A_167 : memref<10000x64xbf16, #tpu.memory_space<hbm>>) dst(%dma_wait3A_161 : memref<128x64xbf16, #tpu.memory_space<vmem>>)
    %run_scoped3A_170 = arith.constant 4 : i32
    %run_scoped3A_171 = arith.constant 79 : i32
    "tpu.region"() ({
      %run_scoped3A_173 = tpu.sem_alloc : memref<!tpu.dma_semaphore, #tpu.memory_space<semaphore_mem>>
      %dma_start3A_174 = arith.constant 0 : i32
      %dma_start3A_175 = arith.constant 0 : i32
      %dma_start3A_176 = tpu.memref_slice %arg8[%run_scoped3A_170, %dma_start3A_174, %dma_start3A_175] : memref<5x128x64xbf16, #tpu.memory_space<vmem>> -> memref<1x128x64xbf16, #tpu.memory_space<vmem>>
      %dma_start3A_177 = tpu.memref_squeeze %dma_start3A_176 : memref<1x128x64xbf16, #tpu.memory_space<vmem>> -> memref<128x64xbf16, #tpu.memory_space<vmem>>
      %dma_start3A_178 = arith.constant 0 : i32
      %dma_start3A_179 = tpu.memref_slice %arg7[%run_scoped3A_171, %dma_start3A_178] : memref<80x128xi32, #tpu.memory_space<vmem>> -> memref<1x128xi32, #tpu.memory_space<vmem>>
      %dma_start3A_180 = tpu.memref_squeeze %dma_start3A_179 : memref<1x128xi32, #tpu.memory_space<vmem>> -> memref<128xi32, #tpu.memory_space<vmem>>
      %dma_start3A_181 = arith.constant 0 : i32
      %dma_start3A_182 = arith.constant 0 : i32
      %dma_start3A_183 = tpu.memref_slice %arg9[%dma_start3A_181, %dma_start3A_182] : memref<10240x64xbf16, #tpu.memory_space<vmem_shared>> -> memref<10240x64xbf16, #tpu.memory_space<vmem_shared>>
      tpu.enqueue_indirect_dma source(%dma_start3A_177 : memref<128x64xbf16, #tpu.memory_space<vmem>>) target(%dma_start3A_183 : memref<10240x64xbf16, #tpu.memory_space<vmem_shared>>) offsets(%dma_start3A_180 : memref<128xi32, #tpu.memory_space<vmem>>) semaphore(%run_scoped3A_173 : memref<!tpu.dma_semaphore, #tpu.memory_space<semaphore_mem>>) {add = true}
      %dma_wait3A_184 = arith.constant 0 : i32
      %dma_wait3A_185 = arith.constant 0 : i32
      %dma_wait3A_186 = tpu.memref_slice %arg8[%run_scoped3A_170, %dma_wait3A_184, %dma_wait3A_185] : memref<5x128x64xbf16, #tpu.memory_space<vmem>> -> memref<1x128x64xbf16, #tpu.memory_space<vmem>>
      %dma_wait3A_187 = tpu.memref_squeeze %dma_wait3A_186 : memref<1x128x64xbf16, #tpu.memory_space<vmem>> -> memref<128x64xbf16, #tpu.memory_space<vmem>>
      %dma_wait3A_188 = arith.constant 0 : i32
      %dma_wait3A_189 = tpu.memref_slice %arg7[%run_scoped3A_171, %dma_wait3A_188] : memref<80x128xi32, #tpu.memory_space<vmem>> -> memref<1x128xi32, #tpu.memory_space<vmem>>
      %dma_wait3A_190 = tpu.memref_squeeze %dma_wait3A_189 : memref<1x128xi32, #tpu.memory_space<vmem>> -> memref<128xi32, #tpu.memory_space<vmem>>
      %dma_wait3A_191 = arith.constant 0 : i32
      %dma_wait3A_192 = arith.constant 0 : i32
      %dma_wait3A_193 = tpu.memref_slice %arg9[%dma_wait3A_191, %dma_wait3A_192] : memref<10240x64xbf16, #tpu.memory_space<vmem_shared>> -> memref<10240x64xbf16, #tpu.memory_space<vmem_shared>>
      tpu.wait_indirect_dma semaphore(%run_scoped3A_173 : memref<!tpu.dma_semaphore, #tpu.memory_space<semaphore_mem>>) src(%dma_wait3A_187 : memref<128x64xbf16, #tpu.memory_space<vmem>>) dst(%dma_wait3A_193 : memref<10240x64xbf16, #tpu.memory_space<vmem_shared>>)
      tpu.yield
    }) : () -> ()
    %barrier3A_172 = arith.constant 0 : index
    tpu.barrier barrier_id(%barrier3A_172)
    "tpu.region"() ({
      %run_scoped3A_173 = tpu.sem_alloc : memref<!tpu.dma_semaphore, #tpu.memory_space<semaphore_mem>>
      %dma_start3A_174 = arith.constant 0 : i32
      %dma_start3A_175 = tpu.memref_slice %arg5[%arg0, %multiple_of3A, %dma_start3A_174] : memref<2x10240x64xbf16, #tpu.memory_space<hbm>> -> memref<1x640x64xbf16, #tpu.memory_space<hbm>>
      %dma_start3A_176 = tpu.memref_squeeze %dma_start3A_175 : memref<1x640x64xbf16, #tpu.memory_space<hbm>> -> memref<640x64xbf16, #tpu.memory_space<hbm>>
      %dma_start3A_177 = arith.constant 0 : i32
      %dma_start3A_178 = tpu.memref_slice %arg9[%multiple_of3A, %dma_start3A_177] : memref<10240x64xbf16, #tpu.memory_space<vmem_shared>> -> memref<640x64xbf16, #tpu.memory_space<vmem_shared>>
      tpu.enqueue_dma source(%dma_start3A_178 : memref<640x64xbf16, #tpu.memory_space<vmem_shared>>) target(%dma_start3A_176 : memref<640x64xbf16, #tpu.memory_space<hbm>>) target_semaphore(%run_scoped3A_173 : memref<!tpu.dma_semaphore, #tpu.memory_space<semaphore_mem>>)
      %dma_wait3A_179 = arith.constant 0 : i32
      %dma_wait3A_180 = tpu.memref_slice %arg5[%arg0, %multiple_of3A, %dma_wait3A_179] : memref<2x10240x64xbf16, #tpu.memory_space<hbm>> -> memref<1x640x64xbf16, #tpu.memory_space<hbm>>
      %dma_wait3A_181 = tpu.memref_squeeze %dma_wait3A_180 : memref<1x640x64xbf16, #tpu.memory_space<hbm>> -> memref<640x64xbf16, #tpu.memory_space<hbm>>
      %dma_wait3A_182 = arith.constant 0 : i32
      %dma_wait3A_183 = tpu.memref_slice %arg9[%multiple_of3A, %dma_wait3A_182] : memref<10240x64xbf16, #tpu.memory_space<vmem_shared>> -> memref<640x64xbf16, #tpu.memory_space<vmem_shared>>
      tpu.wait_dma2 semaphore(%run_scoped3A_173 : memref<!tpu.dma_semaphore, #tpu.memory_space<semaphore_mem>>) src(%dma_wait3A_183 : memref<640x64xbf16, #tpu.memory_space<vmem_shared>>) dst(%dma_wait3A_181 : memref<640x64xbf16, #tpu.memory_space<hbm>>)
      tpu.yield
    }) : () -> ()
    return
  }
}

#map = affine_map<(d0, d1) -> (0, 0)>
#map1 = affine_map<(d0, d1) -> (0, 0, 0)>
module attributes {stable_mosaic.version = 14 : i64} {
  func.func @sc_segsum(%arg0: i32, %arg1: i32, %arg2: memref<10000x64xbf16, #tpu.memory_space<hbm>>, %arg3: memref<2x2560x128xi32, #tpu.memory_space<hbm>>, %arg4: memref<10240x64xbf16, #tpu.memory_space<hbm>>, %arg5: memref<2x10240x64xbf16, #tpu.memory_space<hbm>>, %arg6: memref<80x128xi32, #tpu.memory_space<vmem>>, %arg7: memref<80x128xi32, #tpu.memory_space<vmem>>, %arg8: memref<5x128x64xbf16, #tpu.memory_space<vmem>>, %arg9: memref<10240x64xbf16, #tpu.memory_space<vmem_shared>>, %arg10: memref<5x!tpu.dma_semaphore, #tpu.memory_space<semaphore_mem>>) attributes {dimension_semantics = [#tpu.dimension_semantics<core_parallel>, #tpu.dimension_semantics<subcore_parallel>], iteration_bounds = array<i64: 2, 16>, scalar_prefetch = 0 : i64, scratch_operands = 5 : i64, tpu.core_type = #tpu.core_type<sc_vector_subcore>, window_params = [{transform_indices = #map}, {transform_indices = #map1}, {transform_indices = #map}, {transform_indices = #map1}]} {
    %mul3A = arith.constant 2 : i32
    %mul3A_0 = arith.muli %arg1, %mul3A : i32
    %add3A = arith.addi %mul3A_0, %arg0 : i32
    %mul3A_1 = arith.constant 640 : i32
    %mul3A_2 = arith.muli %arg1, %mul3A_1 : i32
    %multiple_of3A = tpu.assume_multiple %mul3A_2, 8 : i32
    %mul3A_3 = arith.constant 80 : i32
    %mul3A_4 = arith.muli %add3A, %mul3A_3 : i32
    %run_scoped3A = arith.constant 0 : i32
    "tpu.region"() ({
      %run_scoped3A_173 = tpu.sem_alloc : memref<!tpu.dma_semaphore, #tpu.memory_space<semaphore_mem>>
      %dma_start3A_174 = arith.constant 0 : i32
      %dma_start3A_175 = tpu.memref_slice %arg3[%run_scoped3A, %mul3A_4, %dma_start3A_174] : memref<2x2560x128xi32, #tpu.memory_space<hbm>> -> memref<1x80x128xi32, #tpu.memory_space<hbm>>
      %dma_start3A_176 = tpu.memref_squeeze %dma_start3A_175 : memref<1x80x128xi32, #tpu.memory_space<hbm>> -> memref<80x128xi32, #tpu.memory_space<hbm>>
      %dma_start3A_177 = arith.constant 0 : i32
      %dma_start3A_178 = tpu.memref_slice %arg3[%run_scoped3A, %mul3A_4, %dma_start3A_177] : memref<2x2560x128xi32, #tpu.memory_space<hbm>> -> memref<1x80x128xi32, #tpu.memory_space<hbm>>
      %dma_start3A_179 = tpu.memref_squeeze %dma_start3A_178 : memref<1x80x128xi32, #tpu.memory_space<hbm>> -> memref<80x128xi32, #tpu.memory_space<hbm>>
      tpu.enqueue_dma source(%dma_start3A_179 : memref<80x128xi32, #tpu.memory_space<hbm>>) target(%arg6 : memref<80x128xi32, #tpu.memory_space<vmem>>) target_semaphore(%run_scoped3A_173 : memref<!tpu.dma_semaphore, #tpu.memory_space<semaphore_mem>>)
      %dma_wait3A_180 = arith.constant 0 : i32
      %dma_wait3A_181 = tpu.memref_slice %arg3[%run_scoped3A, %mul3A_4, %dma_wait3A_180] : memref<2x2560x128xi32, #tpu.memory_space<hbm>> -> memref<1x80x128xi32, #tpu.memory_space<hbm>>
      %dma_wait3A_182 = tpu.memref_squeeze %dma_wait3A_181 : memref<1x80x128xi32, #tpu.memory_space<hbm>> -> memref<80x128xi32, #tpu.memory_space<hbm>>
      %dma_wait3A_183 = arith.constant 0 : i32
      %dma_wait3A_184 = tpu.memref_slice %arg3[%run_scoped3A, %mul3A_4, %dma_wait3A_183] : memref<2x2560x128xi32, #tpu.memory_space<hbm>> -> memref<1x80x128xi32, #tpu.memory_space<hbm>>
      %dma_wait3A_185 = tpu.memref_squeeze %dma_wait3A_184 : memref<1x80x128xi32, #tpu.memory_space<hbm>> -> memref<80x128xi32, #tpu.memory_space<hbm>>
      tpu.wait_dma2 semaphore(%run_scoped3A_173 : memref<!tpu.dma_semaphore, #tpu.memory_space<semaphore_mem>>) src(%dma_wait3A_185 : memref<80x128xi32, #tpu.memory_space<hbm>>) dst(%arg6 : memref<80x128xi32, #tpu.memory_space<vmem>>)
      tpu.yield
    }) : () -> ()
    %mul3A_5 = arith.constant 80 : i32
    %mul3A_6 = arith.muli %add3A, %mul3A_5 : i32
    %run_scoped3A_7 = arith.constant 1 : i32
    "tpu.region"() ({
      %run_scoped3A_173 = tpu.sem_alloc : memref<!tpu.dma_semaphore, #tpu.memory_space<semaphore_mem>>
      %dma_start3A_174 = arith.constant 0 : i32
      %dma_start3A_175 = tpu.memref_slice %arg3[%run_scoped3A_7, %mul3A_6, %dma_start3A_174] : memref<2x2560x128xi32, #tpu.memory_space<hbm>> -> memref<1x80x128xi32, #tpu.memory_space<hbm>>
      %dma_start3A_176 = tpu.memref_squeeze %dma_start3A_175 : memref<1x80x128xi32, #tpu.memory_space<hbm>> -> memref<80x128xi32, #tpu.memory_space<hbm>>
      %dma_start3A_177 = arith.constant 0 : i32
      %dma_start3A_178 = tpu.memref_slice %arg3[%run_scoped3A_7, %mul3A_6, %dma_start3A_177] : memref<2x2560x128xi32, #tpu.memory_space<hbm>> -> memref<1x80x128xi32, #tpu.memory_space<hbm>>
      %dma_start3A_179 = tpu.memref_squeeze %dma_start3A_178 : memref<1x80x128xi32, #tpu.memory_space<hbm>> -> memref<80x128xi32, #tpu.memory_space<hbm>>
      tpu.enqueue_dma source(%dma_start3A_179 : memref<80x128xi32, #tpu.memory_space<hbm>>) target(%arg7 : memref<80x128xi32, #tpu.memory_space<vmem>>) target_semaphore(%run_scoped3A_173 : memref<!tpu.dma_semaphore, #tpu.memory_space<semaphore_mem>>)
      %dma_wait3A_180 = arith.constant 0 : i32
      %dma_wait3A_181 = tpu.memref_slice %arg3[%run_scoped3A_7, %mul3A_6, %dma_wait3A_180] : memref<2x2560x128xi32, #tpu.memory_space<hbm>> -> memref<1x80x128xi32, #tpu.memory_space<hbm>>
      %dma_wait3A_182 = tpu.memref_squeeze %dma_wait3A_181 : memref<1x80x128xi32, #tpu.memory_space<hbm>> -> memref<80x128xi32, #tpu.memory_space<hbm>>
      %dma_wait3A_183 = arith.constant 0 : i32
      %dma_wait3A_184 = tpu.memref_slice %arg3[%run_scoped3A_7, %mul3A_6, %dma_wait3A_183] : memref<2x2560x128xi32, #tpu.memory_space<hbm>> -> memref<1x80x128xi32, #tpu.memory_space<hbm>>
      %dma_wait3A_185 = tpu.memref_squeeze %dma_wait3A_184 : memref<1x80x128xi32, #tpu.memory_space<hbm>> -> memref<80x128xi32, #tpu.memory_space<hbm>>
      tpu.wait_dma2 semaphore(%run_scoped3A_173 : memref<!tpu.dma_semaphore, #tpu.memory_space<semaphore_mem>>) src(%dma_wait3A_185 : memref<80x128xi32, #tpu.memory_space<hbm>>) dst(%arg7 : memref<80x128xi32, #tpu.memory_space<vmem>>)
      tpu.yield
    }) : () -> ()
    "tpu.region"() ({
      %run_scoped3A_173 = tpu.sem_alloc : memref<!tpu.dma_semaphore, #tpu.memory_space<semaphore_mem>>
      %dma_start3A_174 = arith.constant 0 : i32
      %dma_start3A_175 = tpu.memref_slice %arg9[%multiple_of3A, %dma_start3A_174] : memref<10240x64xbf16, #tpu.memory_space<vmem_shared>> -> memref<640x64xbf16, #tpu.memory_space<vmem_shared>>
      %dma_start3A_176 = arith.constant 0 : i32
      %dma_start3A_177 = tpu.memref_slice %arg4[%multiple_of3A, %dma_start3A_176] : memref<10240x64xbf16, #tpu.memory_space<hbm>> -> memref<640x64xbf16, #tpu.memory_space<hbm>>
      tpu.enqueue_dma source(%dma_start3A_177 : memref<640x64xbf16, #tpu.memory_space<hbm>>) target(%dma_start3A_175 : memref<640x64xbf16, #tpu.memory_space<vmem_shared>>) target_semaphore(%run_scoped3A_173 : memref<!tpu.dma_semaphore, #tpu.memory_space<semaphore_mem>>)
      %dma_wait3A_178 = arith.constant 0 : i32
      %dma_wait3A_179 = tpu.memref_slice %arg9[%multiple_of3A, %dma_wait3A_178] : memref<10240x64xbf16, #tpu.memory_space<vmem_shared>> -> memref<640x64xbf16, #tpu.memory_space<vmem_shared>>
      %dma_wait3A_180 = arith.constant 0 : i32
      %dma_wait3A_181 = tpu.memref_slice %arg4[%multiple_of3A, %dma_wait3A_180] : memref<10240x64xbf16, #tpu.memory_space<hbm>> -> memref<640x64xbf16, #tpu.memory_space<hbm>>
      tpu.wait_dma2 semaphore(%run_scoped3A_173 : memref<!tpu.dma_semaphore, #tpu.memory_space<semaphore_mem>>) src(%dma_wait3A_181 : memref<640x64xbf16, #tpu.memory_space<hbm>>) dst(%dma_wait3A_179 : memref<640x64xbf16, #tpu.memory_space<vmem_shared>>)
      tpu.yield
    }) : () -> ()
    %barrier3A = arith.constant 0 : index
    tpu.barrier barrier_id(%barrier3A)
    %dma_start3A = arith.constant 0 : i32
    %dma_start3A_8 = arith.constant 0 : i32
    %dma_start3A_9 = arith.constant 0 : i32
    %dma_start3A_10 = arith.constant 0 : i32
    %dma_start3A_11 = arith.constant 0 : i32
    %dma_start3A_12 = tpu.memref_slice %arg8[%dma_start3A_8, %dma_start3A_10, %dma_start3A_11] : memref<5x128x64xbf16, #tpu.memory_space<vmem>> -> memref<1x128x64xbf16, #tpu.memory_space<vmem>>
    %dma_start3A_13 = tpu.memref_squeeze %dma_start3A_12 : memref<1x128x64xbf16, #tpu.memory_space<vmem>> -> memref<128x64xbf16, #tpu.memory_space<vmem>>
    %dma_start3A_14 = arith.constant 0 : i32
    %dma_start3A_15 = tpu.memref_slice %arg6[%dma_start3A, %dma_start3A_14] : memref<80x128xi32, #tpu.memory_space<vmem>> -> memref<1x128xi32, #tpu.memory_space<vmem>>
    %dma_start3A_16 = tpu.memref_squeeze %dma_start3A_15 : memref<1x128xi32, #tpu.memory_space<vmem>> -> memref<128xi32, #tpu.memory_space<vmem>>
    %dma_start3A_17 = arith.constant 0 : i32
    %dma_start3A_18 = arith.constant 0 : i32
    %dma_start3A_19 = tpu.memref_slice %arg2[%dma_start3A_17, %dma_start3A_18] : memref<10000x64xbf16, #tpu.memory_space<hbm>> -> memref<10000x64xbf16, #tpu.memory_space<hbm>>
    %dma_start3A_20 = tpu.memref_slice %arg10[%dma_start3A_9] : memref<5x!tpu.dma_semaphore, #tpu.memory_space<semaphore_mem>> -> memref<1x!tpu.dma_semaphore, #tpu.memory_space<semaphore_mem>>
    %dma_start3A_21 = tpu.memref_squeeze %dma_start3A_20 : memref<1x!tpu.dma_semaphore, #tpu.memory_space<semaphore_mem>> -> memref<!tpu.dma_semaphore, #tpu.memory_space<semaphore_mem>>
    tpu.enqueue_indirect_dma source(%dma_start3A_19 : memref<10000x64xbf16, #tpu.memory_space<hbm>>) target(%dma_start3A_13 : memref<128x64xbf16, #tpu.memory_space<vmem>>) offsets(%dma_start3A_16 : memref<128xi32, #tpu.memory_space<vmem>>) semaphore(%dma_start3A_21 : memref<!tpu.dma_semaphore, #tpu.memory_space<semaphore_mem>>)
    %dma_start3A_22 = arith.constant 1 : i32
    %dma_start3A_23 = arith.constant 1 : i32
    %dma_start3A_24 = arith.constant 1 : i32
    %dma_start3A_25 = arith.constant 0 : i32
    %dma_start3A_26 = arith.constant 0 : i32
    %dma_start3A_27 = tpu.memref_slice %arg8[%dma_start3A_23, %dma_start3A_25, %dma_start3A_26] : memref<5x128x64xbf16, #tpu.memory_space<vmem>> -> memref<1x128x64xbf16, #tpu.memory_space<vmem>>
    %dma_start3A_28 = tpu.memref_squeeze %dma_start3A_27 : memref<1x128x64xbf16, #tpu.memory_space<vmem>> -> memref<128x64xbf16, #tpu.memory_space<vmem>>
    %dma_start3A_29 = arith.constant 0 : i32
    %dma_start3A_30 = tpu.memref_slice %arg6[%dma_start3A_22, %dma_start3A_29] : memref<80x128xi32, #tpu.memory_space<vmem>> -> memref<1x128xi32, #tpu.memory_space<vmem>>
    %dma_start3A_31 = tpu.memref_squeeze %dma_start3A_30 : memref<1x128xi32, #tpu.memory_space<vmem>> -> memref<128xi32, #tpu.memory_space<vmem>>
    %dma_start3A_32 = arith.constant 0 : i32
    %dma_start3A_33 = arith.constant 0 : i32
    %dma_start3A_34 = tpu.memref_slice %arg2[%dma_start3A_32, %dma_start3A_33] : memref<10000x64xbf16, #tpu.memory_space<hbm>> -> memref<10000x64xbf16, #tpu.memory_space<hbm>>
    %dma_start3A_35 = tpu.memref_slice %arg10[%dma_start3A_24] : memref<5x!tpu.dma_semaphore, #tpu.memory_space<semaphore_mem>> -> memref<1x!tpu.dma_semaphore, #tpu.memory_space<semaphore_mem>>
    %dma_start3A_36 = tpu.memref_squeeze %dma_start3A_35 : memref<1x!tpu.dma_semaphore, #tpu.memory_space<semaphore_mem>> -> memref<!tpu.dma_semaphore, #tpu.memory_space<semaphore_mem>>
    tpu.enqueue_indirect_dma source(%dma_start3A_34 : memref<10000x64xbf16, #tpu.memory_space<hbm>>) target(%dma_start3A_28 : memref<128x64xbf16, #tpu.memory_space<vmem>>) offsets(%dma_start3A_31 : memref<128xi32, #tpu.memory_space<vmem>>) semaphore(%dma_start3A_36 : memref<!tpu.dma_semaphore, #tpu.memory_space<semaphore_mem>>)
    %dma_start3A_37 = arith.constant 2 : i32
    %dma_start3A_38 = arith.constant 2 : i32
    %dma_start3A_39 = arith.constant 2 : i32
    %dma_start3A_40 = arith.constant 0 : i32
    %dma_start3A_41 = arith.constant 0 : i32
    %dma_start3A_42 = tpu.memref_slice %arg8[%dma_start3A_38, %dma_start3A_40, %dma_start3A_41] : memref<5x128x64xbf16, #tpu.memory_space<vmem>> -> memref<1x128x64xbf16, #tpu.memory_space<vmem>>
    %dma_start3A_43 = tpu.memref_squeeze %dma_start3A_42 : memref<1x128x64xbf16, #tpu.memory_space<vmem>> -> memref<128x64xbf16, #tpu.memory_space<vmem>>
    %dma_start3A_44 = arith.constant 0 : i32
    %dma_start3A_45 = tpu.memref_slice %arg6[%dma_start3A_37, %dma_start3A_44] : memref<80x128xi32, #tpu.memory_space<vmem>> -> memref<1x128xi32, #tpu.memory_space<vmem>>
    %dma_start3A_46 = tpu.memref_squeeze %dma_start3A_45 : memref<1x128xi32, #tpu.memory_space<vmem>> -> memref<128xi32, #tpu.memory_space<vmem>>
    %dma_start3A_47 = arith.constant 0 : i32
    %dma_start3A_48 = arith.constant 0 : i32
    %dma_start3A_49 = tpu.memref_slice %arg2[%dma_start3A_47, %dma_start3A_48] : memref<10000x64xbf16, #tpu.memory_space<hbm>> -> memref<10000x64xbf16, #tpu.memory_space<hbm>>
    %dma_start3A_50 = tpu.memref_slice %arg10[%dma_start3A_39] : memref<5x!tpu.dma_semaphore, #tpu.memory_space<semaphore_mem>> -> memref<1x!tpu.dma_semaphore, #tpu.memory_space<semaphore_mem>>
    %dma_start3A_51 = tpu.memref_squeeze %dma_start3A_50 : memref<1x!tpu.dma_semaphore, #tpu.memory_space<semaphore_mem>> -> memref<!tpu.dma_semaphore, #tpu.memory_space<semaphore_mem>>
    tpu.enqueue_indirect_dma source(%dma_start3A_49 : memref<10000x64xbf16, #tpu.memory_space<hbm>>) target(%dma_start3A_43 : memref<128x64xbf16, #tpu.memory_space<vmem>>) offsets(%dma_start3A_46 : memref<128xi32, #tpu.memory_space<vmem>>) semaphore(%dma_start3A_51 : memref<!tpu.dma_semaphore, #tpu.memory_space<semaphore_mem>>)
    %dma_start3A_52 = arith.constant 3 : i32
    %dma_start3A_53 = arith.constant 3 : i32
    %dma_start3A_54 = arith.constant 3 : i32
    %dma_start3A_55 = arith.constant 0 : i32
    %dma_start3A_56 = arith.constant 0 : i32
    %dma_start3A_57 = tpu.memref_slice %arg8[%dma_start3A_53, %dma_start3A_55, %dma_start3A_56] : memref<5x128x64xbf16, #tpu.memory_space<vmem>> -> memref<1x128x64xbf16, #tpu.memory_space<vmem>>
    %dma_start3A_58 = tpu.memref_squeeze %dma_start3A_57 : memref<1x128x64xbf16, #tpu.memory_space<vmem>> -> memref<128x64xbf16, #tpu.memory_space<vmem>>
    %dma_start3A_59 = arith.constant 0 : i32
    %dma_start3A_60 = tpu.memref_slice %arg6[%dma_start3A_52, %dma_start3A_59] : memref<80x128xi32, #tpu.memory_space<vmem>> -> memref<1x128xi32, #tpu.memory_space<vmem>>
    %dma_start3A_61 = tpu.memref_squeeze %dma_start3A_60 : memref<1x128xi32, #tpu.memory_space<vmem>> -> memref<128xi32, #tpu.memory_space<vmem>>
    %dma_start3A_62 = arith.constant 0 : i32
    %dma_start3A_63 = arith.constant 0 : i32
    %dma_start3A_64 = tpu.memref_slice %arg2[%dma_start3A_62, %dma_start3A_63] : memref<10000x64xbf16, #tpu.memory_space<hbm>> -> memref<10000x64xbf16, #tpu.memory_space<hbm>>
    %dma_start3A_65 = tpu.memref_slice %arg10[%dma_start3A_54] : memref<5x!tpu.dma_semaphore, #tpu.memory_space<semaphore_mem>> -> memref<1x!tpu.dma_semaphore, #tpu.memory_space<semaphore_mem>>
    %dma_start3A_66 = tpu.memref_squeeze %dma_start3A_65 : memref<1x!tpu.dma_semaphore, #tpu.memory_space<semaphore_mem>> -> memref<!tpu.dma_semaphore, #tpu.memory_space<semaphore_mem>>
    tpu.enqueue_indirect_dma source(%dma_start3A_64 : memref<10000x64xbf16, #tpu.memory_space<hbm>>) target(%dma_start3A_58 : memref<128x64xbf16, #tpu.memory_space<vmem>>) offsets(%dma_start3A_61 : memref<128xi32, #tpu.memory_space<vmem>>) semaphore(%dma_start3A_66 : memref<!tpu.dma_semaphore, #tpu.memory_space<semaphore_mem>>)
    %dma_start3A_67 = arith.constant 4 : i32
    %dma_start3A_68 = arith.constant 4 : i32
    %dma_start3A_69 = arith.constant 4 : i32
    %dma_start3A_70 = arith.constant 0 : i32
    %dma_start3A_71 = arith.constant 0 : i32
    %dma_start3A_72 = tpu.memref_slice %arg8[%dma_start3A_68, %dma_start3A_70, %dma_start3A_71] : memref<5x128x64xbf16, #tpu.memory_space<vmem>> -> memref<1x128x64xbf16, #tpu.memory_space<vmem>>
    %dma_start3A_73 = tpu.memref_squeeze %dma_start3A_72 : memref<1x128x64xbf16, #tpu.memory_space<vmem>> -> memref<128x64xbf16, #tpu.memory_space<vmem>>
    %dma_start3A_74 = arith.constant 0 : i32
    %dma_start3A_75 = tpu.memref_slice %arg6[%dma_start3A_67, %dma_start3A_74] : memref<80x128xi32, #tpu.memory_space<vmem>> -> memref<1x128xi32, #tpu.memory_space<vmem>>
    %dma_start3A_76 = tpu.memref_squeeze %dma_start3A_75 : memref<1x128xi32, #tpu.memory_space<vmem>> -> memref<128xi32, #tpu.memory_space<vmem>>
    %dma_start3A_77 = arith.constant 0 : i32
    %dma_start3A_78 = arith.constant 0 : i32
    %dma_start3A_79 = tpu.memref_slice %arg2[%dma_start3A_77, %dma_start3A_78] : memref<10000x64xbf16, #tpu.memory_space<hbm>> -> memref<10000x64xbf16, #tpu.memory_space<hbm>>
    %dma_start3A_80 = tpu.memref_slice %arg10[%dma_start3A_69] : memref<5x!tpu.dma_semaphore, #tpu.memory_space<semaphore_mem>> -> memref<1x!tpu.dma_semaphore, #tpu.memory_space<semaphore_mem>>
    %dma_start3A_81 = tpu.memref_squeeze %dma_start3A_80 : memref<1x!tpu.dma_semaphore, #tpu.memory_space<semaphore_mem>> -> memref<!tpu.dma_semaphore, #tpu.memory_space<semaphore_mem>>
    tpu.enqueue_indirect_dma source(%dma_start3A_79 : memref<10000x64xbf16, #tpu.memory_space<hbm>>) target(%dma_start3A_73 : memref<128x64xbf16, #tpu.memory_space<vmem>>) offsets(%dma_start3A_76 : memref<128xi32, #tpu.memory_space<vmem>>) semaphore(%dma_start3A_81 : memref<!tpu.dma_semaphore, #tpu.memory_space<semaphore_mem>>)
    %scan3A = arith.constant 0 : i32
    %scan3A_82 = arith.constant 1 : i32
    %scan3A_83 = arith.constant 15 : i32
    %scan3A_84 = arith.addi %scan3A_82, %scan3A_83 : i32
    %scan3A_85 = arith.constant 1 : i32
    %scan3A_86 = scf.for %scan3A_173 = %scan3A_82 to %scan3A_84 step %scan3A_85 iter_args(%scan3A_174 = %scan3A) -> (i32)  : i32 {
      %sub3A = arith.constant 1 : i32
      %sub3A_175 = arith.subi %scan3A_173, %sub3A : i32
      %mul3A_176 = arith.constant 5 : i32
      %mul3A_177 = arith.muli %sub3A_175, %mul3A_176 : i32
      %add3A_178 = arith.constant 0 : i32
      %add3A_179 = arith.addi %mul3A_177, %add3A_178 : i32
      %dma_wait3A_180 = arith.constant 0 : i32
      %dma_wait3A_181 = arith.constant 0 : i32
      %dma_wait3A_182 = arith.constant 0 : i32
      %dma_wait3A_183 = arith.constant 0 : i32
      %dma_wait3A_184 = tpu.memref_slice %arg8[%dma_wait3A_180, %dma_wait3A_182, %dma_wait3A_183] : memref<5x128x64xbf16, #tpu.memory_space<vmem>> -> memref<1x128x64xbf16, #tpu.memory_space<vmem>>
      %dma_wait3A_185 = tpu.memref_squeeze %dma_wait3A_184 : memref<1x128x64xbf16, #tpu.memory_space<vmem>> -> memref<128x64xbf16, #tpu.memory_space<vmem>>
      %dma_wait3A_186 = arith.constant 0 : i32
      %dma_wait3A_187 = tpu.memref_slice %arg6[%add3A_179, %dma_wait3A_186] : memref<80x128xi32, #tpu.memory_space<vmem>> -> memref<1x128xi32, #tpu.memory_space<vmem>>
      %dma_wait3A_188 = tpu.memref_squeeze %dma_wait3A_187 : memref<1x128xi32, #tpu.memory_space<vmem>> -> memref<128xi32, #tpu.memory_space<vmem>>
      %dma_wait3A_189 = arith.constant 0 : i32
      %dma_wait3A_190 = arith.constant 0 : i32
      %dma_wait3A_191 = tpu.memref_slice %arg2[%dma_wait3A_189, %dma_wait3A_190] : memref<10000x64xbf16, #tpu.memory_space<hbm>> -> memref<10000x64xbf16, #tpu.memory_space<hbm>>
      %dma_wait3A_192 = tpu.memref_slice %arg10[%dma_wait3A_181] : memref<5x!tpu.dma_semaphore, #tpu.memory_space<semaphore_mem>> -> memref<1x!tpu.dma_semaphore, #tpu.memory_space<semaphore_mem>>
      %dma_wait3A_193 = tpu.memref_squeeze %dma_wait3A_192 : memref<1x!tpu.dma_semaphore, #tpu.memory_space<semaphore_mem>> -> memref<!tpu.dma_semaphore, #tpu.memory_space<semaphore_mem>>
      tpu.wait_indirect_dma semaphore(%dma_wait3A_193 : memref<!tpu.dma_semaphore, #tpu.memory_space<semaphore_mem>>) src(%dma_wait3A_191 : memref<10000x64xbf16, #tpu.memory_space<hbm>>) dst(%dma_wait3A_185 : memref<128x64xbf16, #tpu.memory_space<vmem>>)
      %mul3A_194 = arith.constant 5 : i32
      %mul3A_195 = arith.muli %sub3A_175, %mul3A_194 : i32
      %add3A_196 = arith.constant 0 : i32
      %add3A_197 = arith.addi %mul3A_195, %add3A_196 : i32
      %run_scoped3A_198 = arith.constant 0 : i32
      "tpu.region"() ({
        %run_scoped3A_390 = tpu.sem_alloc : memref<!tpu.dma_semaphore, #tpu.memory_space<semaphore_mem>>
        %dma_start3A_391 = arith.constant 0 : i32
        %dma_start3A_392 = arith.constant 0 : i32
        %dma_start3A_393 = tpu.memref_slice %arg8[%run_scoped3A_198, %dma_start3A_391, %dma_start3A_392] : memref<5x128x64xbf16, #tpu.memory_space<vmem>> -> memref<1x128x64xbf16, #tpu.memory_space<vmem>>
        %dma_start3A_394 = tpu.memref_squeeze %dma_start3A_393 : memref<1x128x64xbf16, #tpu.memory_space<vmem>> -> memref<128x64xbf16, #tpu.memory_space<vmem>>
        %dma_start3A_395 = arith.constant 0 : i32
        %dma_start3A_396 = tpu.memref_slice %arg7[%add3A_197, %dma_start3A_395] : memref<80x128xi32, #tpu.memory_space<vmem>> -> memref<1x128xi32, #tpu.memory_space<vmem>>
        %dma_start3A_397 = tpu.memref_squeeze %dma_start3A_396 : memref<1x128xi32, #tpu.memory_space<vmem>> -> memref<128xi32, #tpu.memory_space<vmem>>
        %dma_start3A_398 = arith.constant 0 : i32
        %dma_start3A_399 = arith.constant 0 : i32
        %dma_start3A_400 = tpu.memref_slice %arg9[%dma_start3A_398, %dma_start3A_399] : memref<10240x64xbf16, #tpu.memory_space<vmem_shared>> -> memref<10240x64xbf16, #tpu.memory_space<vmem_shared>>
        tpu.enqueue_indirect_dma source(%dma_start3A_394 : memref<128x64xbf16, #tpu.memory_space<vmem>>) target(%dma_start3A_400 : memref<10240x64xbf16, #tpu.memory_space<vmem_shared>>) offsets(%dma_start3A_397 : memref<128xi32, #tpu.memory_space<vmem>>) semaphore(%run_scoped3A_390 : memref<!tpu.dma_semaphore, #tpu.memory_space<semaphore_mem>>) {add = true}
        %dma_wait3A_401 = arith.constant 0 : i32
        %dma_wait3A_402 = arith.constant 0 : i32
        %dma_wait3A_403 = tpu.memref_slice %arg8[%run_scoped3A_198, %dma_wait3A_401, %dma_wait3A_402] : memref<5x128x64xbf16, #tpu.memory_space<vmem>> -> memref<1x128x64xbf16, #tpu.memory_space<vmem>>
        %dma_wait3A_404 = tpu.memref_squeeze %dma_wait3A_403 : memref<1x128x64xbf16, #tpu.memory_space<vmem>> -> memref<128x64xbf16, #tpu.memory_space<vmem>>
        %dma_wait3A_405 = arith.constant 0 : i32
        %dma_wait3A_406 = tpu.memref_slice %arg7[%add3A_197, %dma_wait3A_405] : memref<80x128xi32, #tpu.memory_space<vmem>> -> memref<1x128xi32, #tpu.memory_space<vmem>>
        %dma_wait3A_407 = tpu.memref_squeeze %dma_wait3A_406 : memref<1x128xi32, #tpu.memory_space<vmem>> -> memref<128xi32, #tpu.memory_space<vmem>>
        %dma_wait3A_408 = arith.constant 0 : i32
        %dma_wait3A_409 = arith.constant 0 : i32
        %dma_wait3A_410 = tpu.memref_slice %arg9[%dma_wait3A_408, %dma_wait3A_409] : memref<10240x64xbf16, #tpu.memory_space<vmem_shared>> -> memref<10240x64xbf16, #tpu.memory_space<vmem_shared>>
        tpu.wait_indirect_dma semaphore(%run_scoped3A_390 : memref<!tpu.dma_semaphore, #tpu.memory_space<semaphore_mem>>) src(%dma_wait3A_404 : memref<128x64xbf16, #tpu.memory_space<vmem>>) dst(%dma_wait3A_410 : memref<10240x64xbf16, #tpu.memory_space<vmem_shared>>)
        tpu.yield
      }) : () -> ()
      %mul3A_199 = arith.constant 5 : i32
      %mul3A_200 = arith.muli %scan3A_173, %mul3A_199 : i32
      %add3A_201 = arith.constant 0 : i32
      %add3A_202 = arith.addi %mul3A_200, %add3A_201 : i32
      %dma_start3A_203 = arith.constant 0 : i32
      %dma_start3A_204 = arith.constant 0 : i32
      %dma_start3A_205 = arith.constant 0 : i32
      %dma_start3A_206 = arith.constant 0 : i32
      %dma_start3A_207 = tpu.memref_slice %arg8[%dma_start3A_203, %dma_start3A_205, %dma_start3A_206] : memref<5x128x64xbf16, #tpu.memory_space<vmem>> -> memref<1x128x64xbf16, #tpu.memory_space<vmem>>
      %dma_start3A_208 = tpu.memref_squeeze %dma_start3A_207 : memref<1x128x64xbf16, #tpu.memory_space<vmem>> -> memref<128x64xbf16, #tpu.memory_space<vmem>>
      %dma_start3A_209 = arith.constant 0 : i32
      %dma_start3A_210 = tpu.memref_slice %arg6[%add3A_202, %dma_start3A_209] : memref<80x128xi32, #tpu.memory_space<vmem>> -> memref<1x128xi32, #tpu.memory_space<vmem>>
      %dma_start3A_211 = tpu.memref_squeeze %dma_start3A_210 : memref<1x128xi32, #tpu.memory_space<vmem>> -> memref<128xi32, #tpu.memory_space<vmem>>
      %dma_start3A_212 = arith.constant 0 : i32
      %dma_start3A_213 = arith.constant 0 : i32
      %dma_start3A_214 = tpu.memref_slice %arg2[%dma_start3A_212, %dma_start3A_213] : memref<10000x64xbf16, #tpu.memory_space<hbm>> -> memref<10000x64xbf16, #tpu.memory_space<hbm>>
      %dma_start3A_215 = tpu.memref_slice %arg10[%dma_start3A_204] : memref<5x!tpu.dma_semaphore, #tpu.memory_space<semaphore_mem>> -> memref<1x!tpu.dma_semaphore, #tpu.memory_space<semaphore_mem>>
      %dma_start3A_216 = tpu.memref_squeeze %dma_start3A_215 : memref<1x!tpu.dma_semaphore, #tpu.memory_space<semaphore_mem>> -> memref<!tpu.dma_semaphore, #tpu.memory_space<semaphore_mem>>
      tpu.enqueue_indirect_dma source(%dma_start3A_214 : memref<10000x64xbf16, #tpu.memory_space<hbm>>) target(%dma_start3A_208 : memref<128x64xbf16, #tpu.memory_space<vmem>>) offsets(%dma_start3A_211 : memref<128xi32, #tpu.memory_space<vmem>>) semaphore(%dma_start3A_216 : memref<!tpu.dma_semaphore, #tpu.memory_space<semaphore_mem>>)
      %sub3A_217 = arith.constant 1 : i32
      %sub3A_218 = arith.subi %scan3A_173, %sub3A_217 : i32
      %mul3A_219 = arith.constant 5 : i32
      %mul3A_220 = arith.muli %sub3A_218, %mul3A_219 : i32
      %add3A_221 = arith.constant 1 : i32
      %add3A_222 = arith.addi %mul3A_220, %add3A_221 : i32
      %dma_wait3A_223 = arith.constant 1 : i32
      %dma_wait3A_224 = arith.constant 1 : i32
      %dma_wait3A_225 = arith.constant 0 : i32
      %dma_wait3A_226 = arith.constant 0 : i32
      %dma_wait3A_227 = tpu.memref_slice %arg8[%dma_wait3A_223, %dma_wait3A_225, %dma_wait3A_226] : memref<5x128x64xbf16, #tpu.memory_space<vmem>> -> memref<1x128x64xbf16, #tpu.memory_space<vmem>>
      %dma_wait3A_228 = tpu.memref_squeeze %dma_wait3A_227 : memref<1x128x64xbf16, #tpu.memory_space<vmem>> -> memref<128x64xbf16, #tpu.memory_space<vmem>>
      %dma_wait3A_229 = arith.constant 0 : i32
      %dma_wait3A_230 = tpu.memref_slice %arg6[%add3A_222, %dma_wait3A_229] : memref<80x128xi32, #tpu.memory_space<vmem>> -> memref<1x128xi32, #tpu.memory_space<vmem>>
      %dma_wait3A_231 = tpu.memref_squeeze %dma_wait3A_230 : memref<1x128xi32, #tpu.memory_space<vmem>> -> memref<128xi32, #tpu.memory_space<vmem>>
      %dma_wait3A_232 = arith.constant 0 : i32
      %dma_wait3A_233 = arith.constant 0 : i32
      %dma_wait3A_234 = tpu.memref_slice %arg2[%dma_wait3A_232, %dma_wait3A_233] : memref<10000x64xbf16, #tpu.memory_space<hbm>> -> memref<10000x64xbf16, #tpu.memory_space<hbm>>
      %dma_wait3A_235 = tpu.memref_slice %arg10[%dma_wait3A_224] : memref<5x!tpu.dma_semaphore, #tpu.memory_space<semaphore_mem>> -> memref<1x!tpu.dma_semaphore, #tpu.memory_space<semaphore_mem>>
      %dma_wait3A_236 = tpu.memref_squeeze %dma_wait3A_235 : memref<1x!tpu.dma_semaphore, #tpu.memory_space<semaphore_mem>> -> memref<!tpu.dma_semaphore, #tpu.memory_space<semaphore_mem>>
      tpu.wait_indirect_dma semaphore(%dma_wait3A_236 : memref<!tpu.dma_semaphore, #tpu.memory_space<semaphore_mem>>) src(%dma_wait3A_234 : memref<10000x64xbf16, #tpu.memory_space<hbm>>) dst(%dma_wait3A_228 : memref<128x64xbf16, #tpu.memory_space<vmem>>)
      %mul3A_237 = arith.constant 5 : i32
      %mul3A_238 = arith.muli %sub3A_218, %mul3A_237 : i32
      %add3A_239 = arith.constant 1 : i32
      %add3A_240 = arith.addi %mul3A_238, %add3A_239 : i32
      %run_scoped3A_241 = arith.constant 1 : i32
      "tpu.region"() ({
        %run_scoped3A_390 = tpu.sem_alloc : memref<!tpu.dma_semaphore, #tpu.memory_space<semaphore_mem>>
        %dma_start3A_391 = arith.constant 0 : i32
        %dma_start3A_392 = arith.constant 0 : i32
        %dma_start3A_393 = tpu.memref_slice %arg8[%run_scoped3A_241, %dma_start3A_391, %dma_start3A_392] : memref<5x128x64xbf16, #tpu.memory_space<vmem>> -> memref<1x128x64xbf16, #tpu.memory_space<vmem>>
        %dma_start3A_394 = tpu.memref_squeeze %dma_start3A_393 : memref<1x128x64xbf16, #tpu.memory_space<vmem>> -> memref<128x64xbf16, #tpu.memory_space<vmem>>
        %dma_start3A_395 = arith.constant 0 : i32
        %dma_start3A_396 = tpu.memref_slice %arg7[%add3A_240, %dma_start3A_395] : memref<80x128xi32, #tpu.memory_space<vmem>> -> memref<1x128xi32, #tpu.memory_space<vmem>>
        %dma_start3A_397 = tpu.memref_squeeze %dma_start3A_396 : memref<1x128xi32, #tpu.memory_space<vmem>> -> memref<128xi32, #tpu.memory_space<vmem>>
        %dma_start3A_398 = arith.constant 0 : i32
        %dma_start3A_399 = arith.constant 0 : i32
        %dma_start3A_400 = tpu.memref_slice %arg9[%dma_start3A_398, %dma_start3A_399] : memref<10240x64xbf16, #tpu.memory_space<vmem_shared>> -> memref<10240x64xbf16, #tpu.memory_space<vmem_shared>>
        tpu.enqueue_indirect_dma source(%dma_start3A_394 : memref<128x64xbf16, #tpu.memory_space<vmem>>) target(%dma_start3A_400 : memref<10240x64xbf16, #tpu.memory_space<vmem_shared>>) offsets(%dma_start3A_397 : memref<128xi32, #tpu.memory_space<vmem>>) semaphore(%run_scoped3A_390 : memref<!tpu.dma_semaphore, #tpu.memory_space<semaphore_mem>>) {add = true}
        %dma_wait3A_401 = arith.constant 0 : i32
        %dma_wait3A_402 = arith.constant 0 : i32
        %dma_wait3A_403 = tpu.memref_slice %arg8[%run_scoped3A_241, %dma_wait3A_401, %dma_wait3A_402] : memref<5x128x64xbf16, #tpu.memory_space<vmem>> -> memref<1x128x64xbf16, #tpu.memory_space<vmem>>
        %dma_wait3A_404 = tpu.memref_squeeze %dma_wait3A_403 : memref<1x128x64xbf16, #tpu.memory_space<vmem>> -> memref<128x64xbf16, #tpu.memory_space<vmem>>
        %dma_wait3A_405 = arith.constant 0 : i32
        %dma_wait3A_406 = tpu.memref_slice %arg7[%add3A_240, %dma_wait3A_405] : memref<80x128xi32, #tpu.memory_space<vmem>> -> memref<1x128xi32, #tpu.memory_space<vmem>>
        %dma_wait3A_407 = tpu.memref_squeeze %dma_wait3A_406 : memref<1x128xi32, #tpu.memory_space<vmem>> -> memref<128xi32, #tpu.memory_space<vmem>>
        %dma_wait3A_408 = arith.constant 0 : i32
        %dma_wait3A_409 = arith.constant 0 : i32
        %dma_wait3A_410 = tpu.memref_slice %arg9[%dma_wait3A_408, %dma_wait3A_409] : memref<10240x64xbf16, #tpu.memory_space<vmem_shared>> -> memref<10240x64xbf16, #tpu.memory_space<vmem_shared>>
        tpu.wait_indirect_dma semaphore(%run_scoped3A_390 : memref<!tpu.dma_semaphore, #tpu.memory_space<semaphore_mem>>) src(%dma_wait3A_404 : memref<128x64xbf16, #tpu.memory_space<vmem>>) dst(%dma_wait3A_410 : memref<10240x64xbf16, #tpu.memory_space<vmem_shared>>)
        tpu.yield
      }) : () -> ()
      %mul3A_242 = arith.constant 5 : i32
      %mul3A_243 = arith.muli %scan3A_173, %mul3A_242 : i32
      %add3A_244 = arith.constant 1 : i32
      %add3A_245 = arith.addi %mul3A_243, %add3A_244 : i32
      %dma_start3A_246 = arith.constant 1 : i32
      %dma_start3A_247 = arith.constant 1 : i32
      %dma_start3A_248 = arith.constant 0 : i32
      %dma_start3A_249 = arith.constant 0 : i32
      %dma_start3A_250 = tpu.memref_slice %arg8[%dma_start3A_246, %dma_start3A_248, %dma_start3A_249] : memref<5x128x64xbf16, #tpu.memory_space<vmem>> -> memref<1x128x64xbf16, #tpu.memory_space<vmem>>
      %dma_start3A_251 = tpu.memref_squeeze %dma_start3A_250 : memref<1x128x64xbf16, #tpu.memory_space<vmem>> -> memref<128x64xbf16, #tpu.memory_space<vmem>>
      %dma_start3A_252 = arith.constant 0 : i32
      %dma_start3A_253 = tpu.memref_slice %arg6[%add3A_245, %dma_start3A_252] : memref<80x128xi32, #tpu.memory_space<vmem>> -> memref<1x128xi32, #tpu.memory_space<vmem>>
      %dma_start3A_254 = tpu.memref_squeeze %dma_start3A_253 : memref<1x128xi32, #tpu.memory_space<vmem>> -> memref<128xi32, #tpu.memory_space<vmem>>
      %dma_start3A_255 = arith.constant 0 : i32
      %dma_start3A_256 = arith.constant 0 : i32
      %dma_start3A_257 = tpu.memref_slice %arg2[%dma_start3A_255, %dma_start3A_256] : memref<10000x64xbf16, #tpu.memory_space<hbm>> -> memref<10000x64xbf16, #tpu.memory_space<hbm>>
      %dma_start3A_258 = tpu.memref_slice %arg10[%dma_start3A_247] : memref<5x!tpu.dma_semaphore, #tpu.memory_space<semaphore_mem>> -> memref<1x!tpu.dma_semaphore, #tpu.memory_space<semaphore_mem>>
      %dma_start3A_259 = tpu.memref_squeeze %dma_start3A_258 : memref<1x!tpu.dma_semaphore, #tpu.memory_space<semaphore_mem>> -> memref<!tpu.dma_semaphore, #tpu.memory_space<semaphore_mem>>
      tpu.enqueue_indirect_dma source(%dma_start3A_257 : memref<10000x64xbf16, #tpu.memory_space<hbm>>) target(%dma_start3A_251 : memref<128x64xbf16, #tpu.memory_space<vmem>>) offsets(%dma_start3A_254 : memref<128xi32, #tpu.memory_space<vmem>>) semaphore(%dma_start3A_259 : memref<!tpu.dma_semaphore, #tpu.memory_space<semaphore_mem>>)
      %sub3A_260 = arith.constant 1 : i32
      %sub3A_261 = arith.subi %scan3A_173, %sub3A_260 : i32
      %mul3A_262 = arith.constant 5 : i32
      %mul3A_263 = arith.muli %sub3A_261, %mul3A_262 : i32
      %add3A_264 = arith.constant 2 : i32
      %add3A_265 = arith.addi %mul3A_263, %add3A_264 : i32
      %dma_wait3A_266 = arith.constant 2 : i32
      %dma_wait3A_267 = arith.constant 2 : i32
      %dma_wait3A_268 = arith.constant 0 : i32
      %dma_wait3A_269 = arith.constant 0 : i32
      %dma_wait3A_270 = tpu.memref_slice %arg8[%dma_wait3A_266, %dma_wait3A_268, %dma_wait3A_269] : memref<5x128x64xbf16, #tpu.memory_space<vmem>> -> memref<1x128x64xbf16, #tpu.memory_space<vmem>>
      %dma_wait3A_271 = tpu.memref_squeeze %dma_wait3A_270 : memref<1x128x64xbf16, #tpu.memory_space<vmem>> -> memref<128x64xbf16, #tpu.memory_space<vmem>>
      %dma_wait3A_272 = arith.constant 0 : i32
      %dma_wait3A_273 = tpu.memref_slice %arg6[%add3A_265, %dma_wait3A_272] : memref<80x128xi32, #tpu.memory_space<vmem>> -> memref<1x128xi32, #tpu.memory_space<vmem>>
      %dma_wait3A_274 = tpu.memref_squeeze %dma_wait3A_273 : memref<1x128xi32, #tpu.memory_space<vmem>> -> memref<128xi32, #tpu.memory_space<vmem>>
      %dma_wait3A_275 = arith.constant 0 : i32
      %dma_wait3A_276 = arith.constant 0 : i32
      %dma_wait3A_277 = tpu.memref_slice %arg2[%dma_wait3A_275, %dma_wait3A_276] : memref<10000x64xbf16, #tpu.memory_space<hbm>> -> memref<10000x64xbf16, #tpu.memory_space<hbm>>
      %dma_wait3A_278 = tpu.memref_slice %arg10[%dma_wait3A_267] : memref<5x!tpu.dma_semaphore, #tpu.memory_space<semaphore_mem>> -> memref<1x!tpu.dma_semaphore, #tpu.memory_space<semaphore_mem>>
      %dma_wait3A_279 = tpu.memref_squeeze %dma_wait3A_278 : memref<1x!tpu.dma_semaphore, #tpu.memory_space<semaphore_mem>> -> memref<!tpu.dma_semaphore, #tpu.memory_space<semaphore_mem>>
      tpu.wait_indirect_dma semaphore(%dma_wait3A_279 : memref<!tpu.dma_semaphore, #tpu.memory_space<semaphore_mem>>) src(%dma_wait3A_277 : memref<10000x64xbf16, #tpu.memory_space<hbm>>) dst(%dma_wait3A_271 : memref<128x64xbf16, #tpu.memory_space<vmem>>)
      %mul3A_280 = arith.constant 5 : i32
      %mul3A_281 = arith.muli %sub3A_261, %mul3A_280 : i32
      %add3A_282 = arith.constant 2 : i32
      %add3A_283 = arith.addi %mul3A_281, %add3A_282 : i32
      %run_scoped3A_284 = arith.constant 2 : i32
      "tpu.region"() ({
        %run_scoped3A_390 = tpu.sem_alloc : memref<!tpu.dma_semaphore, #tpu.memory_space<semaphore_mem>>
        %dma_start3A_391 = arith.constant 0 : i32
        %dma_start3A_392 = arith.constant 0 : i32
        %dma_start3A_393 = tpu.memref_slice %arg8[%run_scoped3A_284, %dma_start3A_391, %dma_start3A_392] : memref<5x128x64xbf16, #tpu.memory_space<vmem>> -> memref<1x128x64xbf16, #tpu.memory_space<vmem>>
        %dma_start3A_394 = tpu.memref_squeeze %dma_start3A_393 : memref<1x128x64xbf16, #tpu.memory_space<vmem>> -> memref<128x64xbf16, #tpu.memory_space<vmem>>
        %dma_start3A_395 = arith.constant 0 : i32
        %dma_start3A_396 = tpu.memref_slice %arg7[%add3A_283, %dma_start3A_395] : memref<80x128xi32, #tpu.memory_space<vmem>> -> memref<1x128xi32, #tpu.memory_space<vmem>>
        %dma_start3A_397 = tpu.memref_squeeze %dma_start3A_396 : memref<1x128xi32, #tpu.memory_space<vmem>> -> memref<128xi32, #tpu.memory_space<vmem>>
        %dma_start3A_398 = arith.constant 0 : i32
        %dma_start3A_399 = arith.constant 0 : i32
        %dma_start3A_400 = tpu.memref_slice %arg9[%dma_start3A_398, %dma_start3A_399] : memref<10240x64xbf16, #tpu.memory_space<vmem_shared>> -> memref<10240x64xbf16, #tpu.memory_space<vmem_shared>>
        tpu.enqueue_indirect_dma source(%dma_start3A_394 : memref<128x64xbf16, #tpu.memory_space<vmem>>) target(%dma_start3A_400 : memref<10240x64xbf16, #tpu.memory_space<vmem_shared>>) offsets(%dma_start3A_397 : memref<128xi32, #tpu.memory_space<vmem>>) semaphore(%run_scoped3A_390 : memref<!tpu.dma_semaphore, #tpu.memory_space<semaphore_mem>>) {add = true}
        %dma_wait3A_401 = arith.constant 0 : i32
        %dma_wait3A_402 = arith.constant 0 : i32
        %dma_wait3A_403 = tpu.memref_slice %arg8[%run_scoped3A_284, %dma_wait3A_401, %dma_wait3A_402] : memref<5x128x64xbf16, #tpu.memory_space<vmem>> -> memref<1x128x64xbf16, #tpu.memory_space<vmem>>
        %dma_wait3A_404 = tpu.memref_squeeze %dma_wait3A_403 : memref<1x128x64xbf16, #tpu.memory_space<vmem>> -> memref<128x64xbf16, #tpu.memory_space<vmem>>
        %dma_wait3A_405 = arith.constant 0 : i32
        %dma_wait3A_406 = tpu.memref_slice %arg7[%add3A_283, %dma_wait3A_405] : memref<80x128xi32, #tpu.memory_space<vmem>> -> memref<1x128xi32, #tpu.memory_space<vmem>>
        %dma_wait3A_407 = tpu.memref_squeeze %dma_wait3A_406 : memref<1x128xi32, #tpu.memory_space<vmem>> -> memref<128xi32, #tpu.memory_space<vmem>>
        %dma_wait3A_408 = arith.constant 0 : i32
        %dma_wait3A_409 = arith.constant 0 : i32
        %dma_wait3A_410 = tpu.memref_slice %arg9[%dma_wait3A_408, %dma_wait3A_409] : memref<10240x64xbf16, #tpu.memory_space<vmem_shared>> -> memref<10240x64xbf16, #tpu.memory_space<vmem_shared>>
        tpu.wait_indirect_dma semaphore(%run_scoped3A_390 : memref<!tpu.dma_semaphore, #tpu.memory_space<semaphore_mem>>) src(%dma_wait3A_404 : memref<128x64xbf16, #tpu.memory_space<vmem>>) dst(%dma_wait3A_410 : memref<10240x64xbf16, #tpu.memory_space<vmem_shared>>)
        tpu.yield
      }) : () -> ()
      %mul3A_285 = arith.constant 5 : i32
      %mul3A_286 = arith.muli %scan3A_173, %mul3A_285 : i32
      %add3A_287 = arith.constant 2 : i32
      %add3A_288 = arith.addi %mul3A_286, %add3A_287 : i32
      %dma_start3A_289 = arith.constant 2 : i32
      %dma_start3A_290 = arith.constant 2 : i32
      %dma_start3A_291 = arith.constant 0 : i32
      %dma_start3A_292 = arith.constant 0 : i32
      %dma_start3A_293 = tpu.memref_slice %arg8[%dma_start3A_289, %dma_start3A_291, %dma_start3A_292] : memref<5x128x64xbf16, #tpu.memory_space<vmem>> -> memref<1x128x64xbf16, #tpu.memory_space<vmem>>
      %dma_start3A_294 = tpu.memref_squeeze %dma_start3A_293 : memref<1x128x64xbf16, #tpu.memory_space<vmem>> -> memref<128x64xbf16, #tpu.memory_space<vmem>>
      %dma_start3A_295 = arith.constant 0 : i32
      %dma_start3A_296 = tpu.memref_slice %arg6[%add3A_288, %dma_start3A_295] : memref<80x128xi32, #tpu.memory_space<vmem>> -> memref<1x128xi32, #tpu.memory_space<vmem>>
      %dma_start3A_297 = tpu.memref_squeeze %dma_start3A_296 : memref<1x128xi32, #tpu.memory_space<vmem>> -> memref<128xi32, #tpu.memory_space<vmem>>
      %dma_start3A_298 = arith.constant 0 : i32
      %dma_start3A_299 = arith.constant 0 : i32
      %dma_start3A_300 = tpu.memref_slice %arg2[%dma_start3A_298, %dma_start3A_299] : memref<10000x64xbf16, #tpu.memory_space<hbm>> -> memref<10000x64xbf16, #tpu.memory_space<hbm>>
      %dma_start3A_301 = tpu.memref_slice %arg10[%dma_start3A_290] : memref<5x!tpu.dma_semaphore, #tpu.memory_space<semaphore_mem>> -> memref<1x!tpu.dma_semaphore, #tpu.memory_space<semaphore_mem>>
      %dma_start3A_302 = tpu.memref_squeeze %dma_start3A_301 : memref<1x!tpu.dma_semaphore, #tpu.memory_space<semaphore_mem>> -> memref<!tpu.dma_semaphore, #tpu.memory_space<semaphore_mem>>
      tpu.enqueue_indirect_dma source(%dma_start3A_300 : memref<10000x64xbf16, #tpu.memory_space<hbm>>) target(%dma_start3A_294 : memref<128x64xbf16, #tpu.memory_space<vmem>>) offsets(%dma_start3A_297 : memref<128xi32, #tpu.memory_space<vmem>>) semaphore(%dma_start3A_302 : memref<!tpu.dma_semaphore, #tpu.memory_space<semaphore_mem>>)
      %sub3A_303 = arith.constant 1 : i32
      %sub3A_304 = arith.subi %scan3A_173, %sub3A_303 : i32
      %mul3A_305 = arith.constant 5 : i32
      %mul3A_306 = arith.muli %sub3A_304, %mul3A_305 : i32
      %add3A_307 = arith.constant 3 : i32
      %add3A_308 = arith.addi %mul3A_306, %add3A_307 : i32
      %dma_wait3A_309 = arith.constant 3 : i32
      %dma_wait3A_310 = arith.constant 3 : i32
      %dma_wait3A_311 = arith.constant 0 : i32
      %dma_wait3A_312 = arith.constant 0 : i32
      %dma_wait3A_313 = tpu.memref_slice %arg8[%dma_wait3A_309, %dma_wait3A_311, %dma_wait3A_312] : memref<5x128x64xbf16, #tpu.memory_space<vmem>> -> memref<1x128x64xbf16, #tpu.memory_space<vmem>>
      %dma_wait3A_314 = tpu.memref_squeeze %dma_wait3A_313 : memref<1x128x64xbf16, #tpu.memory_space<vmem>> -> memref<128x64xbf16, #tpu.memory_space<vmem>>
      %dma_wait3A_315 = arith.constant 0 : i32
      %dma_wait3A_316 = tpu.memref_slice %arg6[%add3A_308, %dma_wait3A_315] : memref<80x128xi32, #tpu.memory_space<vmem>> -> memref<1x128xi32, #tpu.memory_space<vmem>>
      %dma_wait3A_317 = tpu.memref_squeeze %dma_wait3A_316 : memref<1x128xi32, #tpu.memory_space<vmem>> -> memref<128xi32, #tpu.memory_space<vmem>>
      %dma_wait3A_318 = arith.constant 0 : i32
      %dma_wait3A_319 = arith.constant 0 : i32
      %dma_wait3A_320 = tpu.memref_slice %arg2[%dma_wait3A_318, %dma_wait3A_319] : memref<10000x64xbf16, #tpu.memory_space<hbm>> -> memref<10000x64xbf16, #tpu.memory_space<hbm>>
      %dma_wait3A_321 = tpu.memref_slice %arg10[%dma_wait3A_310] : memref<5x!tpu.dma_semaphore, #tpu.memory_space<semaphore_mem>> -> memref<1x!tpu.dma_semaphore, #tpu.memory_space<semaphore_mem>>
      %dma_wait3A_322 = tpu.memref_squeeze %dma_wait3A_321 : memref<1x!tpu.dma_semaphore, #tpu.memory_space<semaphore_mem>> -> memref<!tpu.dma_semaphore, #tpu.memory_space<semaphore_mem>>
      tpu.wait_indirect_dma semaphore(%dma_wait3A_322 : memref<!tpu.dma_semaphore, #tpu.memory_space<semaphore_mem>>) src(%dma_wait3A_320 : memref<10000x64xbf16, #tpu.memory_space<hbm>>) dst(%dma_wait3A_314 : memref<128x64xbf16, #tpu.memory_space<vmem>>)
      %mul3A_323 = arith.constant 5 : i32
      %mul3A_324 = arith.muli %sub3A_304, %mul3A_323 : i32
      %add3A_325 = arith.constant 3 : i32
      %add3A_326 = arith.addi %mul3A_324, %add3A_325 : i32
      %run_scoped3A_327 = arith.constant 3 : i32
      "tpu.region"() ({
        %run_scoped3A_390 = tpu.sem_alloc : memref<!tpu.dma_semaphore, #tpu.memory_space<semaphore_mem>>
        %dma_start3A_391 = arith.constant 0 : i32
        %dma_start3A_392 = arith.constant 0 : i32
        %dma_start3A_393 = tpu.memref_slice %arg8[%run_scoped3A_327, %dma_start3A_391, %dma_start3A_392] : memref<5x128x64xbf16, #tpu.memory_space<vmem>> -> memref<1x128x64xbf16, #tpu.memory_space<vmem>>
        %dma_start3A_394 = tpu.memref_squeeze %dma_start3A_393 : memref<1x128x64xbf16, #tpu.memory_space<vmem>> -> memref<128x64xbf16, #tpu.memory_space<vmem>>
        %dma_start3A_395 = arith.constant 0 : i32
        %dma_start3A_396 = tpu.memref_slice %arg7[%add3A_326, %dma_start3A_395] : memref<80x128xi32, #tpu.memory_space<vmem>> -> memref<1x128xi32, #tpu.memory_space<vmem>>
        %dma_start3A_397 = tpu.memref_squeeze %dma_start3A_396 : memref<1x128xi32, #tpu.memory_space<vmem>> -> memref<128xi32, #tpu.memory_space<vmem>>
        %dma_start3A_398 = arith.constant 0 : i32
        %dma_start3A_399 = arith.constant 0 : i32
        %dma_start3A_400 = tpu.memref_slice %arg9[%dma_start3A_398, %dma_start3A_399] : memref<10240x64xbf16, #tpu.memory_space<vmem_shared>> -> memref<10240x64xbf16, #tpu.memory_space<vmem_shared>>
        tpu.enqueue_indirect_dma source(%dma_start3A_394 : memref<128x64xbf16, #tpu.memory_space<vmem>>) target(%dma_start3A_400 : memref<10240x64xbf16, #tpu.memory_space<vmem_shared>>) offsets(%dma_start3A_397 : memref<128xi32, #tpu.memory_space<vmem>>) semaphore(%run_scoped3A_390 : memref<!tpu.dma_semaphore, #tpu.memory_space<semaphore_mem>>) {add = true}
        %dma_wait3A_401 = arith.constant 0 : i32
        %dma_wait3A_402 = arith.constant 0 : i32
        %dma_wait3A_403 = tpu.memref_slice %arg8[%run_scoped3A_327, %dma_wait3A_401, %dma_wait3A_402] : memref<5x128x64xbf16, #tpu.memory_space<vmem>> -> memref<1x128x64xbf16, #tpu.memory_space<vmem>>
        %dma_wait3A_404 = tpu.memref_squeeze %dma_wait3A_403 : memref<1x128x64xbf16, #tpu.memory_space<vmem>> -> memref<128x64xbf16, #tpu.memory_space<vmem>>
        %dma_wait3A_405 = arith.constant 0 : i32
        %dma_wait3A_406 = tpu.memref_slice %arg7[%add3A_326, %dma_wait3A_405] : memref<80x128xi32, #tpu.memory_space<vmem>> -> memref<1x128xi32, #tpu.memory_space<vmem>>
        %dma_wait3A_407 = tpu.memref_squeeze %dma_wait3A_406 : memref<1x128xi32, #tpu.memory_space<vmem>> -> memref<128xi32, #tpu.memory_space<vmem>>
        %dma_wait3A_408 = arith.constant 0 : i32
        %dma_wait3A_409 = arith.constant 0 : i32
        %dma_wait3A_410 = tpu.memref_slice %arg9[%dma_wait3A_408, %dma_wait3A_409] : memref<10240x64xbf16, #tpu.memory_space<vmem_shared>> -> memref<10240x64xbf16, #tpu.memory_space<vmem_shared>>
        tpu.wait_indirect_dma semaphore(%run_scoped3A_390 : memref<!tpu.dma_semaphore, #tpu.memory_space<semaphore_mem>>) src(%dma_wait3A_404 : memref<128x64xbf16, #tpu.memory_space<vmem>>) dst(%dma_wait3A_410 : memref<10240x64xbf16, #tpu.memory_space<vmem_shared>>)
        tpu.yield
      }) : () -> ()
      %mul3A_328 = arith.constant 5 : i32
      %mul3A_329 = arith.muli %scan3A_173, %mul3A_328 : i32
      %add3A_330 = arith.constant 3 : i32
      %add3A_331 = arith.addi %mul3A_329, %add3A_330 : i32
      %dma_start3A_332 = arith.constant 3 : i32
      %dma_start3A_333 = arith.constant 3 : i32
      %dma_start3A_334 = arith.constant 0 : i32
      %dma_start3A_335 = arith.constant 0 : i32
      %dma_start3A_336 = tpu.memref_slice %arg8[%dma_start3A_332, %dma_start3A_334, %dma_start3A_335] : memref<5x128x64xbf16, #tpu.memory_space<vmem>> -> memref<1x128x64xbf16, #tpu.memory_space<vmem>>
      %dma_start3A_337 = tpu.memref_squeeze %dma_start3A_336 : memref<1x128x64xbf16, #tpu.memory_space<vmem>> -> memref<128x64xbf16, #tpu.memory_space<vmem>>
      %dma_start3A_338 = arith.constant 0 : i32
      %dma_start3A_339 = tpu.memref_slice %arg6[%add3A_331, %dma_start3A_338] : memref<80x128xi32, #tpu.memory_space<vmem>> -> memref<1x128xi32, #tpu.memory_space<vmem>>
      %dma_start3A_340 = tpu.memref_squeeze %dma_start3A_339 : memref<1x128xi32, #tpu.memory_space<vmem>> -> memref<128xi32, #tpu.memory_space<vmem>>
      %dma_start3A_341 = arith.constant 0 : i32
      %dma_start3A_342 = arith.constant 0 : i32
      %dma_start3A_343 = tpu.memref_slice %arg2[%dma_start3A_341, %dma_start3A_342] : memref<10000x64xbf16, #tpu.memory_space<hbm>> -> memref<10000x64xbf16, #tpu.memory_space<hbm>>
      %dma_start3A_344 = tpu.memref_slice %arg10[%dma_start3A_333] : memref<5x!tpu.dma_semaphore, #tpu.memory_space<semaphore_mem>> -> memref<1x!tpu.dma_semaphore, #tpu.memory_space<semaphore_mem>>
      %dma_start3A_345 = tpu.memref_squeeze %dma_start3A_344 : memref<1x!tpu.dma_semaphore, #tpu.memory_space<semaphore_mem>> -> memref<!tpu.dma_semaphore, #tpu.memory_space<semaphore_mem>>
      tpu.enqueue_indirect_dma source(%dma_start3A_343 : memref<10000x64xbf16, #tpu.memory_space<hbm>>) target(%dma_start3A_337 : memref<128x64xbf16, #tpu.memory_space<vmem>>) offsets(%dma_start3A_340 : memref<128xi32, #tpu.memory_space<vmem>>) semaphore(%dma_start3A_345 : memref<!tpu.dma_semaphore, #tpu.memory_space<semaphore_mem>>)
      %sub3A_346 = arith.constant 1 : i32
      %sub3A_347 = arith.subi %scan3A_173, %sub3A_346 : i32
      %mul3A_348 = arith.constant 5 : i32
      %mul3A_349 = arith.muli %sub3A_347, %mul3A_348 : i32
      %add3A_350 = arith.constant 4 : i32
      %add3A_351 = arith.addi %mul3A_349, %add3A_350 : i32
      %dma_wait3A_352 = arith.constant 4 : i32
      %dma_wait3A_353 = arith.constant 4 : i32
      %dma_wait3A_354 = arith.constant 0 : i32
      %dma_wait3A_355 = arith.constant 0 : i32
      %dma_wait3A_356 = tpu.memref_slice %arg8[%dma_wait3A_352, %dma_wait3A_354, %dma_wait3A_355] : memref<5x128x64xbf16, #tpu.memory_space<vmem>> -> memref<1x128x64xbf16, #tpu.memory_space<vmem>>
      %dma_wait3A_357 = tpu.memref_squeeze %dma_wait3A_356 : memref<1x128x64xbf16, #tpu.memory_space<vmem>> -> memref<128x64xbf16, #tpu.memory_space<vmem>>
      %dma_wait3A_358 = arith.constant 0 : i32
      %dma_wait3A_359 = tpu.memref_slice %arg6[%add3A_351, %dma_wait3A_358] : memref<80x128xi32, #tpu.memory_space<vmem>> -> memref<1x128xi32, #tpu.memory_space<vmem>>
      %dma_wait3A_360 = tpu.memref_squeeze %dma_wait3A_359 : memref<1x128xi32, #tpu.memory_space<vmem>> -> memref<128xi32, #tpu.memory_space<vmem>>
      %dma_wait3A_361 = arith.constant 0 : i32
      %dma_wait3A_362 = arith.constant 0 : i32
      %dma_wait3A_363 = tpu.memref_slice %arg2[%dma_wait3A_361, %dma_wait3A_362] : memref<10000x64xbf16, #tpu.memory_space<hbm>> -> memref<10000x64xbf16, #tpu.memory_space<hbm>>
      %dma_wait3A_364 = tpu.memref_slice %arg10[%dma_wait3A_353] : memref<5x!tpu.dma_semaphore, #tpu.memory_space<semaphore_mem>> -> memref<1x!tpu.dma_semaphore, #tpu.memory_space<semaphore_mem>>
      %dma_wait3A_365 = tpu.memref_squeeze %dma_wait3A_364 : memref<1x!tpu.dma_semaphore, #tpu.memory_space<semaphore_mem>> -> memref<!tpu.dma_semaphore, #tpu.memory_space<semaphore_mem>>
      tpu.wait_indirect_dma semaphore(%dma_wait3A_365 : memref<!tpu.dma_semaphore, #tpu.memory_space<semaphore_mem>>) src(%dma_wait3A_363 : memref<10000x64xbf16, #tpu.memory_space<hbm>>) dst(%dma_wait3A_357 : memref<128x64xbf16, #tpu.memory_space<vmem>>)
      %mul3A_366 = arith.constant 5 : i32
      %mul3A_367 = arith.muli %sub3A_347, %mul3A_366 : i32
      %add3A_368 = arith.constant 4 : i32
      %add3A_369 = arith.addi %mul3A_367, %add3A_368 : i32
      %run_scoped3A_370 = arith.constant 4 : i32
      "tpu.region"() ({
        %run_scoped3A_390 = tpu.sem_alloc : memref<!tpu.dma_semaphore, #tpu.memory_space<semaphore_mem>>
        %dma_start3A_391 = arith.constant 0 : i32
        %dma_start3A_392 = arith.constant 0 : i32
        %dma_start3A_393 = tpu.memref_slice %arg8[%run_scoped3A_370, %dma_start3A_391, %dma_start3A_392] : memref<5x128x64xbf16, #tpu.memory_space<vmem>> -> memref<1x128x64xbf16, #tpu.memory_space<vmem>>
        %dma_start3A_394 = tpu.memref_squeeze %dma_start3A_393 : memref<1x128x64xbf16, #tpu.memory_space<vmem>> -> memref<128x64xbf16, #tpu.memory_space<vmem>>
        %dma_start3A_395 = arith.constant 0 : i32
        %dma_start3A_396 = tpu.memref_slice %arg7[%add3A_369, %dma_start3A_395] : memref<80x128xi32, #tpu.memory_space<vmem>> -> memref<1x128xi32, #tpu.memory_space<vmem>>
        %dma_start3A_397 = tpu.memref_squeeze %dma_start3A_396 : memref<1x128xi32, #tpu.memory_space<vmem>> -> memref<128xi32, #tpu.memory_space<vmem>>
        %dma_start3A_398 = arith.constant 0 : i32
        %dma_start3A_399 = arith.constant 0 : i32
        %dma_start3A_400 = tpu.memref_slice %arg9[%dma_start3A_398, %dma_start3A_399] : memref<10240x64xbf16, #tpu.memory_space<vmem_shared>> -> memref<10240x64xbf16, #tpu.memory_space<vmem_shared>>
        tpu.enqueue_indirect_dma source(%dma_start3A_394 : memref<128x64xbf16, #tpu.memory_space<vmem>>) target(%dma_start3A_400 : memref<10240x64xbf16, #tpu.memory_space<vmem_shared>>) offsets(%dma_start3A_397 : memref<128xi32, #tpu.memory_space<vmem>>) semaphore(%run_scoped3A_390 : memref<!tpu.dma_semaphore, #tpu.memory_space<semaphore_mem>>) {add = true}
        %dma_wait3A_401 = arith.constant 0 : i32
        %dma_wait3A_402 = arith.constant 0 : i32
        %dma_wait3A_403 = tpu.memref_slice %arg8[%run_scoped3A_370, %dma_wait3A_401, %dma_wait3A_402] : memref<5x128x64xbf16, #tpu.memory_space<vmem>> -> memref<1x128x64xbf16, #tpu.memory_space<vmem>>
        %dma_wait3A_404 = tpu.memref_squeeze %dma_wait3A_403 : memref<1x128x64xbf16, #tpu.memory_space<vmem>> -> memref<128x64xbf16, #tpu.memory_space<vmem>>
        %dma_wait3A_405 = arith.constant 0 : i32
        %dma_wait3A_406 = tpu.memref_slice %arg7[%add3A_369, %dma_wait3A_405] : memref<80x128xi32, #tpu.memory_space<vmem>> -> memref<1x128xi32, #tpu.memory_space<vmem>>
        %dma_wait3A_407 = tpu.memref_squeeze %dma_wait3A_406 : memref<1x128xi32, #tpu.memory_space<vmem>> -> memref<128xi32, #tpu.memory_space<vmem>>
        %dma_wait3A_408 = arith.constant 0 : i32
        %dma_wait3A_409 = arith.constant 0 : i32
        %dma_wait3A_410 = tpu.memref_slice %arg9[%dma_wait3A_408, %dma_wait3A_409] : memref<10240x64xbf16, #tpu.memory_space<vmem_shared>> -> memref<10240x64xbf16, #tpu.memory_space<vmem_shared>>
        tpu.wait_indirect_dma semaphore(%run_scoped3A_390 : memref<!tpu.dma_semaphore, #tpu.memory_space<semaphore_mem>>) src(%dma_wait3A_404 : memref<128x64xbf16, #tpu.memory_space<vmem>>) dst(%dma_wait3A_410 : memref<10240x64xbf16, #tpu.memory_space<vmem_shared>>)
        tpu.yield
      }) : () -> ()
      %mul3A_371 = arith.constant 5 : i32
      %mul3A_372 = arith.muli %scan3A_173, %mul3A_371 : i32
      %add3A_373 = arith.constant 4 : i32
      %add3A_374 = arith.addi %mul3A_372, %add3A_373 : i32
      %dma_start3A_375 = arith.constant 4 : i32
      %dma_start3A_376 = arith.constant 4 : i32
      %dma_start3A_377 = arith.constant 0 : i32
      %dma_start3A_378 = arith.constant 0 : i32
      %dma_start3A_379 = tpu.memref_slice %arg8[%dma_start3A_375, %dma_start3A_377, %dma_start3A_378] : memref<5x128x64xbf16, #tpu.memory_space<vmem>> -> memref<1x128x64xbf16, #tpu.memory_space<vmem>>
      %dma_start3A_380 = tpu.memref_squeeze %dma_start3A_379 : memref<1x128x64xbf16, #tpu.memory_space<vmem>> -> memref<128x64xbf16, #tpu.memory_space<vmem>>
      %dma_start3A_381 = arith.constant 0 : i32
      %dma_start3A_382 = tpu.memref_slice %arg6[%add3A_374, %dma_start3A_381] : memref<80x128xi32, #tpu.memory_space<vmem>> -> memref<1x128xi32, #tpu.memory_space<vmem>>
      %dma_start3A_383 = tpu.memref_squeeze %dma_start3A_382 : memref<1x128xi32, #tpu.memory_space<vmem>> -> memref<128xi32, #tpu.memory_space<vmem>>
      %dma_start3A_384 = arith.constant 0 : i32
      %dma_start3A_385 = arith.constant 0 : i32
      %dma_start3A_386 = tpu.memref_slice %arg2[%dma_start3A_384, %dma_start3A_385] : memref<10000x64xbf16, #tpu.memory_space<hbm>> -> memref<10000x64xbf16, #tpu.memory_space<hbm>>
      %dma_start3A_387 = tpu.memref_slice %arg10[%dma_start3A_376] : memref<5x!tpu.dma_semaphore, #tpu.memory_space<semaphore_mem>> -> memref<1x!tpu.dma_semaphore, #tpu.memory_space<semaphore_mem>>
      %dma_start3A_388 = tpu.memref_squeeze %dma_start3A_387 : memref<1x!tpu.dma_semaphore, #tpu.memory_space<semaphore_mem>> -> memref<!tpu.dma_semaphore, #tpu.memory_space<semaphore_mem>>
      tpu.enqueue_indirect_dma source(%dma_start3A_386 : memref<10000x64xbf16, #tpu.memory_space<hbm>>) target(%dma_start3A_380 : memref<128x64xbf16, #tpu.memory_space<vmem>>) offsets(%dma_start3A_383 : memref<128xi32, #tpu.memory_space<vmem>>) semaphore(%dma_start3A_388 : memref<!tpu.dma_semaphore, #tpu.memory_space<semaphore_mem>>)
      %scan3A_389 = arith.constant 0 : i32
      scf.yield %scan3A_389 : i32
    }
    %scan3A_87 = arith.constant 15 : i32
    %dma_wait3A = arith.constant 75 : i32
    %dma_wait3A_88 = arith.constant 0 : i32
    %dma_wait3A_89 = arith.constant 0 : i32
    %dma_wait3A_90 = arith.constant 0 : i32
    %dma_wait3A_91 = arith.constant 0 : i32
    %dma_wait3A_92 = tpu.memref_slice %arg8[%dma_wait3A_88, %dma_wait3A_90, %dma_wait3A_91] : memref<5x128x64xbf16, #tpu.memory_space<vmem>> -> memref<1x128x64xbf16, #tpu.memory_space<vmem>>
    %dma_wait3A_93 = tpu.memref_squeeze %dma_wait3A_92 : memref<1x128x64xbf16, #tpu.memory_space<vmem>> -> memref<128x64xbf16, #tpu.memory_space<vmem>>
    %dma_wait3A_94 = arith.constant 0 : i32
    %dma_wait3A_95 = tpu.memref_slice %arg6[%dma_wait3A, %dma_wait3A_94] : memref<80x128xi32, #tpu.memory_space<vmem>> -> memref<1x128xi32, #tpu.memory_space<vmem>>
    %dma_wait3A_96 = tpu.memref_squeeze %dma_wait3A_95 : memref<1x128xi32, #tpu.memory_space<vmem>> -> memref<128xi32, #tpu.memory_space<vmem>>
    %dma_wait3A_97 = arith.constant 0 : i32
    %dma_wait3A_98 = arith.constant 0 : i32
    %dma_wait3A_99 = tpu.memref_slice %arg2[%dma_wait3A_97, %dma_wait3A_98] : memref<10000x64xbf16, #tpu.memory_space<hbm>> -> memref<10000x64xbf16, #tpu.memory_space<hbm>>
    %dma_wait3A_100 = tpu.memref_slice %arg10[%dma_wait3A_89] : memref<5x!tpu.dma_semaphore, #tpu.memory_space<semaphore_mem>> -> memref<1x!tpu.dma_semaphore, #tpu.memory_space<semaphore_mem>>
    %dma_wait3A_101 = tpu.memref_squeeze %dma_wait3A_100 : memref<1x!tpu.dma_semaphore, #tpu.memory_space<semaphore_mem>> -> memref<!tpu.dma_semaphore, #tpu.memory_space<semaphore_mem>>
    tpu.wait_indirect_dma semaphore(%dma_wait3A_101 : memref<!tpu.dma_semaphore, #tpu.memory_space<semaphore_mem>>) src(%dma_wait3A_99 : memref<10000x64xbf16, #tpu.memory_space<hbm>>) dst(%dma_wait3A_93 : memref<128x64xbf16, #tpu.memory_space<vmem>>)
    %run_scoped3A_102 = arith.constant 0 : i32
    %run_scoped3A_103 = arith.constant 75 : i32
    "tpu.region"() ({
      %run_scoped3A_173 = tpu.sem_alloc : memref<!tpu.dma_semaphore, #tpu.memory_space<semaphore_mem>>
      %dma_start3A_174 = arith.constant 0 : i32
      %dma_start3A_175 = arith.constant 0 : i32
      %dma_start3A_176 = tpu.memref_slice %arg8[%run_scoped3A_102, %dma_start3A_174, %dma_start3A_175] : memref<5x128x64xbf16, #tpu.memory_space<vmem>> -> memref<1x128x64xbf16, #tpu.memory_space<vmem>>
      %dma_start3A_177 = tpu.memref_squeeze %dma_start3A_176 : memref<1x128x64xbf16, #tpu.memory_space<vmem>> -> memref<128x64xbf16, #tpu.memory_space<vmem>>
      %dma_start3A_178 = arith.constant 0 : i32
      %dma_start3A_179 = tpu.memref_slice %arg7[%run_scoped3A_103, %dma_start3A_178] : memref<80x128xi32, #tpu.memory_space<vmem>> -> memref<1x128xi32, #tpu.memory_space<vmem>>
      %dma_start3A_180 = tpu.memref_squeeze %dma_start3A_179 : memref<1x128xi32, #tpu.memory_space<vmem>> -> memref<128xi32, #tpu.memory_space<vmem>>
      %dma_start3A_181 = arith.constant 0 : i32
      %dma_start3A_182 = arith.constant 0 : i32
      %dma_start3A_183 = tpu.memref_slice %arg9[%dma_start3A_181, %dma_start3A_182] : memref<10240x64xbf16, #tpu.memory_space<vmem_shared>> -> memref<10240x64xbf16, #tpu.memory_space<vmem_shared>>
      tpu.enqueue_indirect_dma source(%dma_start3A_177 : memref<128x64xbf16, #tpu.memory_space<vmem>>) target(%dma_start3A_183 : memref<10240x64xbf16, #tpu.memory_space<vmem_shared>>) offsets(%dma_start3A_180 : memref<128xi32, #tpu.memory_space<vmem>>) semaphore(%run_scoped3A_173 : memref<!tpu.dma_semaphore, #tpu.memory_space<semaphore_mem>>) {add = true}
      %dma_wait3A_184 = arith.constant 0 : i32
      %dma_wait3A_185 = arith.constant 0 : i32
      %dma_wait3A_186 = tpu.memref_slice %arg8[%run_scoped3A_102, %dma_wait3A_184, %dma_wait3A_185] : memref<5x128x64xbf16, #tpu.memory_space<vmem>> -> memref<1x128x64xbf16, #tpu.memory_space<vmem>>
      %dma_wait3A_187 = tpu.memref_squeeze %dma_wait3A_186 : memref<1x128x64xbf16, #tpu.memory_space<vmem>> -> memref<128x64xbf16, #tpu.memory_space<vmem>>
      %dma_wait3A_188 = arith.constant 0 : i32
      %dma_wait3A_189 = tpu.memref_slice %arg7[%run_scoped3A_103, %dma_wait3A_188] : memref<80x128xi32, #tpu.memory_space<vmem>> -> memref<1x128xi32, #tpu.memory_space<vmem>>
      %dma_wait3A_190 = tpu.memref_squeeze %dma_wait3A_189 : memref<1x128xi32, #tpu.memory_space<vmem>> -> memref<128xi32, #tpu.memory_space<vmem>>
      %dma_wait3A_191 = arith.constant 0 : i32
      %dma_wait3A_192 = arith.constant 0 : i32
      %dma_wait3A_193 = tpu.memref_slice %arg9[%dma_wait3A_191, %dma_wait3A_192] : memref<10240x64xbf16, #tpu.memory_space<vmem_shared>> -> memref<10240x64xbf16, #tpu.memory_space<vmem_shared>>
      tpu.wait_indirect_dma semaphore(%run_scoped3A_173 : memref<!tpu.dma_semaphore, #tpu.memory_space<semaphore_mem>>) src(%dma_wait3A_187 : memref<128x64xbf16, #tpu.memory_space<vmem>>) dst(%dma_wait3A_193 : memref<10240x64xbf16, #tpu.memory_space<vmem_shared>>)
      tpu.yield
    }) : () -> ()
    %dma_wait3A_104 = arith.constant 76 : i32
    %dma_wait3A_105 = arith.constant 1 : i32
    %dma_wait3A_106 = arith.constant 1 : i32
    %dma_wait3A_107 = arith.constant 0 : i32
    %dma_wait3A_108 = arith.constant 0 : i32
    %dma_wait3A_109 = tpu.memref_slice %arg8[%dma_wait3A_105, %dma_wait3A_107, %dma_wait3A_108] : memref<5x128x64xbf16, #tpu.memory_space<vmem>> -> memref<1x128x64xbf16, #tpu.memory_space<vmem>>
    %dma_wait3A_110 = tpu.memref_squeeze %dma_wait3A_109 : memref<1x128x64xbf16, #tpu.memory_space<vmem>> -> memref<128x64xbf16, #tpu.memory_space<vmem>>
    %dma_wait3A_111 = arith.constant 0 : i32
    %dma_wait3A_112 = tpu.memref_slice %arg6[%dma_wait3A_104, %dma_wait3A_111] : memref<80x128xi32, #tpu.memory_space<vmem>> -> memref<1x128xi32, #tpu.memory_space<vmem>>
    %dma_wait3A_113 = tpu.memref_squeeze %dma_wait3A_112 : memref<1x128xi32, #tpu.memory_space<vmem>> -> memref<128xi32, #tpu.memory_space<vmem>>
    %dma_wait3A_114 = arith.constant 0 : i32
    %dma_wait3A_115 = arith.constant 0 : i32
    %dma_wait3A_116 = tpu.memref_slice %arg2[%dma_wait3A_114, %dma_wait3A_115] : memref<10000x64xbf16, #tpu.memory_space<hbm>> -> memref<10000x64xbf16, #tpu.memory_space<hbm>>
    %dma_wait3A_117 = tpu.memref_slice %arg10[%dma_wait3A_106] : memref<5x!tpu.dma_semaphore, #tpu.memory_space<semaphore_mem>> -> memref<1x!tpu.dma_semaphore, #tpu.memory_space<semaphore_mem>>
    %dma_wait3A_118 = tpu.memref_squeeze %dma_wait3A_117 : memref<1x!tpu.dma_semaphore, #tpu.memory_space<semaphore_mem>> -> memref<!tpu.dma_semaphore, #tpu.memory_space<semaphore_mem>>
    tpu.wait_indirect_dma semaphore(%dma_wait3A_118 : memref<!tpu.dma_semaphore, #tpu.memory_space<semaphore_mem>>) src(%dma_wait3A_116 : memref<10000x64xbf16, #tpu.memory_space<hbm>>) dst(%dma_wait3A_110 : memref<128x64xbf16, #tpu.memory_space<vmem>>)
    %run_scoped3A_119 = arith.constant 1 : i32
    %run_scoped3A_120 = arith.constant 76 : i32
    "tpu.region"() ({
      %run_scoped3A_173 = tpu.sem_alloc : memref<!tpu.dma_semaphore, #tpu.memory_space<semaphore_mem>>
      %dma_start3A_174 = arith.constant 0 : i32
      %dma_start3A_175 = arith.constant 0 : i32
      %dma_start3A_176 = tpu.memref_slice %arg8[%run_scoped3A_119, %dma_start3A_174, %dma_start3A_175] : memref<5x128x64xbf16, #tpu.memory_space<vmem>> -> memref<1x128x64xbf16, #tpu.memory_space<vmem>>
      %dma_start3A_177 = tpu.memref_squeeze %dma_start3A_176 : memref<1x128x64xbf16, #tpu.memory_space<vmem>> -> memref<128x64xbf16, #tpu.memory_space<vmem>>
      %dma_start3A_178 = arith.constant 0 : i32
      %dma_start3A_179 = tpu.memref_slice %arg7[%run_scoped3A_120, %dma_start3A_178] : memref<80x128xi32, #tpu.memory_space<vmem>> -> memref<1x128xi32, #tpu.memory_space<vmem>>
      %dma_start3A_180 = tpu.memref_squeeze %dma_start3A_179 : memref<1x128xi32, #tpu.memory_space<vmem>> -> memref<128xi32, #tpu.memory_space<vmem>>
      %dma_start3A_181 = arith.constant 0 : i32
      %dma_start3A_182 = arith.constant 0 : i32
      %dma_start3A_183 = tpu.memref_slice %arg9[%dma_start3A_181, %dma_start3A_182] : memref<10240x64xbf16, #tpu.memory_space<vmem_shared>> -> memref<10240x64xbf16, #tpu.memory_space<vmem_shared>>
      tpu.enqueue_indirect_dma source(%dma_start3A_177 : memref<128x64xbf16, #tpu.memory_space<vmem>>) target(%dma_start3A_183 : memref<10240x64xbf16, #tpu.memory_space<vmem_shared>>) offsets(%dma_start3A_180 : memref<128xi32, #tpu.memory_space<vmem>>) semaphore(%run_scoped3A_173 : memref<!tpu.dma_semaphore, #tpu.memory_space<semaphore_mem>>) {add = true}
      %dma_wait3A_184 = arith.constant 0 : i32
      %dma_wait3A_185 = arith.constant 0 : i32
      %dma_wait3A_186 = tpu.memref_slice %arg8[%run_scoped3A_119, %dma_wait3A_184, %dma_wait3A_185] : memref<5x128x64xbf16, #tpu.memory_space<vmem>> -> memref<1x128x64xbf16, #tpu.memory_space<vmem>>
      %dma_wait3A_187 = tpu.memref_squeeze %dma_wait3A_186 : memref<1x128x64xbf16, #tpu.memory_space<vmem>> -> memref<128x64xbf16, #tpu.memory_space<vmem>>
      %dma_wait3A_188 = arith.constant 0 : i32
      %dma_wait3A_189 = tpu.memref_slice %arg7[%run_scoped3A_120, %dma_wait3A_188] : memref<80x128xi32, #tpu.memory_space<vmem>> -> memref<1x128xi32, #tpu.memory_space<vmem>>
      %dma_wait3A_190 = tpu.memref_squeeze %dma_wait3A_189 : memref<1x128xi32, #tpu.memory_space<vmem>> -> memref<128xi32, #tpu.memory_space<vmem>>
      %dma_wait3A_191 = arith.constant 0 : i32
      %dma_wait3A_192 = arith.constant 0 : i32
      %dma_wait3A_193 = tpu.memref_slice %arg9[%dma_wait3A_191, %dma_wait3A_192] : memref<10240x64xbf16, #tpu.memory_space<vmem_shared>> -> memref<10240x64xbf16, #tpu.memory_space<vmem_shared>>
      tpu.wait_indirect_dma semaphore(%run_scoped3A_173 : memref<!tpu.dma_semaphore, #tpu.memory_space<semaphore_mem>>) src(%dma_wait3A_187 : memref<128x64xbf16, #tpu.memory_space<vmem>>) dst(%dma_wait3A_193 : memref<10240x64xbf16, #tpu.memory_space<vmem_shared>>)
      tpu.yield
    }) : () -> ()
    %dma_wait3A_121 = arith.constant 77 : i32
    %dma_wait3A_122 = arith.constant 2 : i32
    %dma_wait3A_123 = arith.constant 2 : i32
    %dma_wait3A_124 = arith.constant 0 : i32
    %dma_wait3A_125 = arith.constant 0 : i32
    %dma_wait3A_126 = tpu.memref_slice %arg8[%dma_wait3A_122, %dma_wait3A_124, %dma_wait3A_125] : memref<5x128x64xbf16, #tpu.memory_space<vmem>> -> memref<1x128x64xbf16, #tpu.memory_space<vmem>>
    %dma_wait3A_127 = tpu.memref_squeeze %dma_wait3A_126 : memref<1x128x64xbf16, #tpu.memory_space<vmem>> -> memref<128x64xbf16, #tpu.memory_space<vmem>>
    %dma_wait3A_128 = arith.constant 0 : i32
    %dma_wait3A_129 = tpu.memref_slice %arg6[%dma_wait3A_121, %dma_wait3A_128] : memref<80x128xi32, #tpu.memory_space<vmem>> -> memref<1x128xi32, #tpu.memory_space<vmem>>
    %dma_wait3A_130 = tpu.memref_squeeze %dma_wait3A_129 : memref<1x128xi32, #tpu.memory_space<vmem>> -> memref<128xi32, #tpu.memory_space<vmem>>
    %dma_wait3A_131 = arith.constant 0 : i32
    %dma_wait3A_132 = arith.constant 0 : i32
    %dma_wait3A_133 = tpu.memref_slice %arg2[%dma_wait3A_131, %dma_wait3A_132] : memref<10000x64xbf16, #tpu.memory_space<hbm>> -> memref<10000x64xbf16, #tpu.memory_space<hbm>>
    %dma_wait3A_134 = tpu.memref_slice %arg10[%dma_wait3A_123] : memref<5x!tpu.dma_semaphore, #tpu.memory_space<semaphore_mem>> -> memref<1x!tpu.dma_semaphore, #tpu.memory_space<semaphore_mem>>
    %dma_wait3A_135 = tpu.memref_squeeze %dma_wait3A_134 : memref<1x!tpu.dma_semaphore, #tpu.memory_space<semaphore_mem>> -> memref<!tpu.dma_semaphore, #tpu.memory_space<semaphore_mem>>
    tpu.wait_indirect_dma semaphore(%dma_wait3A_135 : memref<!tpu.dma_semaphore, #tpu.memory_space<semaphore_mem>>) src(%dma_wait3A_133 : memref<10000x64xbf16, #tpu.memory_space<hbm>>) dst(%dma_wait3A_127 : memref<128x64xbf16, #tpu.memory_space<vmem>>)
    %run_scoped3A_136 = arith.constant 2 : i32
    %run_scoped3A_137 = arith.constant 77 : i32
    "tpu.region"() ({
      %run_scoped3A_173 = tpu.sem_alloc : memref<!tpu.dma_semaphore, #tpu.memory_space<semaphore_mem>>
      %dma_start3A_174 = arith.constant 0 : i32
      %dma_start3A_175 = arith.constant 0 : i32
      %dma_start3A_176 = tpu.memref_slice %arg8[%run_scoped3A_136, %dma_start3A_174, %dma_start3A_175] : memref<5x128x64xbf16, #tpu.memory_space<vmem>> -> memref<1x128x64xbf16, #tpu.memory_space<vmem>>
      %dma_start3A_177 = tpu.memref_squeeze %dma_start3A_176 : memref<1x128x64xbf16, #tpu.memory_space<vmem>> -> memref<128x64xbf16, #tpu.memory_space<vmem>>
      %dma_start3A_178 = arith.constant 0 : i32
      %dma_start3A_179 = tpu.memref_slice %arg7[%run_scoped3A_137, %dma_start3A_178] : memref<80x128xi32, #tpu.memory_space<vmem>> -> memref<1x128xi32, #tpu.memory_space<vmem>>
      %dma_start3A_180 = tpu.memref_squeeze %dma_start3A_179 : memref<1x128xi32, #tpu.memory_space<vmem>> -> memref<128xi32, #tpu.memory_space<vmem>>
      %dma_start3A_181 = arith.constant 0 : i32
      %dma_start3A_182 = arith.constant 0 : i32
      %dma_start3A_183 = tpu.memref_slice %arg9[%dma_start3A_181, %dma_start3A_182] : memref<10240x64xbf16, #tpu.memory_space<vmem_shared>> -> memref<10240x64xbf16, #tpu.memory_space<vmem_shared>>
      tpu.enqueue_indirect_dma source(%dma_start3A_177 : memref<128x64xbf16, #tpu.memory_space<vmem>>) target(%dma_start3A_183 : memref<10240x64xbf16, #tpu.memory_space<vmem_shared>>) offsets(%dma_start3A_180 : memref<128xi32, #tpu.memory_space<vmem>>) semaphore(%run_scoped3A_173 : memref<!tpu.dma_semaphore, #tpu.memory_space<semaphore_mem>>) {add = true}
      %dma_wait3A_184 = arith.constant 0 : i32
      %dma_wait3A_185 = arith.constant 0 : i32
      %dma_wait3A_186 = tpu.memref_slice %arg8[%run_scoped3A_136, %dma_wait3A_184, %dma_wait3A_185] : memref<5x128x64xbf16, #tpu.memory_space<vmem>> -> memref<1x128x64xbf16, #tpu.memory_space<vmem>>
      %dma_wait3A_187 = tpu.memref_squeeze %dma_wait3A_186 : memref<1x128x64xbf16, #tpu.memory_space<vmem>> -> memref<128x64xbf16, #tpu.memory_space<vmem>>
      %dma_wait3A_188 = arith.constant 0 : i32
      %dma_wait3A_189 = tpu.memref_slice %arg7[%run_scoped3A_137, %dma_wait3A_188] : memref<80x128xi32, #tpu.memory_space<vmem>> -> memref<1x128xi32, #tpu.memory_space<vmem>>
      %dma_wait3A_190 = tpu.memref_squeeze %dma_wait3A_189 : memref<1x128xi32, #tpu.memory_space<vmem>> -> memref<128xi32, #tpu.memory_space<vmem>>
      %dma_wait3A_191 = arith.constant 0 : i32
      %dma_wait3A_192 = arith.constant 0 : i32
      %dma_wait3A_193 = tpu.memref_slice %arg9[%dma_wait3A_191, %dma_wait3A_192] : memref<10240x64xbf16, #tpu.memory_space<vmem_shared>> -> memref<10240x64xbf16, #tpu.memory_space<vmem_shared>>
      tpu.wait_indirect_dma semaphore(%run_scoped3A_173 : memref<!tpu.dma_semaphore, #tpu.memory_space<semaphore_mem>>) src(%dma_wait3A_187 : memref<128x64xbf16, #tpu.memory_space<vmem>>) dst(%dma_wait3A_193 : memref<10240x64xbf16, #tpu.memory_space<vmem_shared>>)
      tpu.yield
    }) : () -> ()
    %dma_wait3A_138 = arith.constant 78 : i32
    %dma_wait3A_139 = arith.constant 3 : i32
    %dma_wait3A_140 = arith.constant 3 : i32
    %dma_wait3A_141 = arith.constant 0 : i32
    %dma_wait3A_142 = arith.constant 0 : i32
    %dma_wait3A_143 = tpu.memref_slice %arg8[%dma_wait3A_139, %dma_wait3A_141, %dma_wait3A_142] : memref<5x128x64xbf16, #tpu.memory_space<vmem>> -> memref<1x128x64xbf16, #tpu.memory_space<vmem>>
    %dma_wait3A_144 = tpu.memref_squeeze %dma_wait3A_143 : memref<1x128x64xbf16, #tpu.memory_space<vmem>> -> memref<128x64xbf16, #tpu.memory_space<vmem>>
    %dma_wait3A_145 = arith.constant 0 : i32
    %dma_wait3A_146 = tpu.memref_slice %arg6[%dma_wait3A_138, %dma_wait3A_145] : memref<80x128xi32, #tpu.memory_space<vmem>> -> memref<1x128xi32, #tpu.memory_space<vmem>>
    %dma_wait3A_147 = tpu.memref_squeeze %dma_wait3A_146 : memref<1x128xi32, #tpu.memory_space<vmem>> -> memref<128xi32, #tpu.memory_space<vmem>>
    %dma_wait3A_148 = arith.constant 0 : i32
    %dma_wait3A_149 = arith.constant 0 : i32
    %dma_wait3A_150 = tpu.memref_slice %arg2[%dma_wait3A_148, %dma_wait3A_149] : memref<10000x64xbf16, #tpu.memory_space<hbm>> -> memref<10000x64xbf16, #tpu.memory_space<hbm>>
    %dma_wait3A_151 = tpu.memref_slice %arg10[%dma_wait3A_140] : memref<5x!tpu.dma_semaphore, #tpu.memory_space<semaphore_mem>> -> memref<1x!tpu.dma_semaphore, #tpu.memory_space<semaphore_mem>>
    %dma_wait3A_152 = tpu.memref_squeeze %dma_wait3A_151 : memref<1x!tpu.dma_semaphore, #tpu.memory_space<semaphore_mem>> -> memref<!tpu.dma_semaphore, #tpu.memory_space<semaphore_mem>>
    tpu.wait_indirect_dma semaphore(%dma_wait3A_152 : memref<!tpu.dma_semaphore, #tpu.memory_space<semaphore_mem>>) src(%dma_wait3A_150 : memref<10000x64xbf16, #tpu.memory_space<hbm>>) dst(%dma_wait3A_144 : memref<128x64xbf16, #tpu.memory_space<vmem>>)
    %run_scoped3A_153 = arith.constant 3 : i32
    %run_scoped3A_154 = arith.constant 78 : i32
    "tpu.region"() ({
      %run_scoped3A_173 = tpu.sem_alloc : memref<!tpu.dma_semaphore, #tpu.memory_space<semaphore_mem>>
      %dma_start3A_174 = arith.constant 0 : i32
      %dma_start3A_175 = arith.constant 0 : i32
      %dma_start3A_176 = tpu.memref_slice %arg8[%run_scoped3A_153, %dma_start3A_174, %dma_start3A_175] : memref<5x128x64xbf16, #tpu.memory_space<vmem>> -> memref<1x128x64xbf16, #tpu.memory_space<vmem>>
      %dma_start3A_177 = tpu.memref_squeeze %dma_start3A_176 : memref<1x128x64xbf16, #tpu.memory_space<vmem>> -> memref<128x64xbf16, #tpu.memory_space<vmem>>
      %dma_start3A_178 = arith.constant 0 : i32
      %dma_start3A_179 = tpu.memref_slice %arg7[%run_scoped3A_154, %dma_start3A_178] : memref<80x128xi32, #tpu.memory_space<vmem>> -> memref<1x128xi32, #tpu.memory_space<vmem>>
      %dma_start3A_180 = tpu.memref_squeeze %dma_start3A_179 : memref<1x128xi32, #tpu.memory_space<vmem>> -> memref<128xi32, #tpu.memory_space<vmem>>
      %dma_start3A_181 = arith.constant 0 : i32
      %dma_start3A_182 = arith.constant 0 : i32
      %dma_start3A_183 = tpu.memref_slice %arg9[%dma_start3A_181, %dma_start3A_182] : memref<10240x64xbf16, #tpu.memory_space<vmem_shared>> -> memref<10240x64xbf16, #tpu.memory_space<vmem_shared>>
      tpu.enqueue_indirect_dma source(%dma_start3A_177 : memref<128x64xbf16, #tpu.memory_space<vmem>>) target(%dma_start3A_183 : memref<10240x64xbf16, #tpu.memory_space<vmem_shared>>) offsets(%dma_start3A_180 : memref<128xi32, #tpu.memory_space<vmem>>) semaphore(%run_scoped3A_173 : memref<!tpu.dma_semaphore, #tpu.memory_space<semaphore_mem>>) {add = true}
      %dma_wait3A_184 = arith.constant 0 : i32
      %dma_wait3A_185 = arith.constant 0 : i32
      %dma_wait3A_186 = tpu.memref_slice %arg8[%run_scoped3A_153, %dma_wait3A_184, %dma_wait3A_185] : memref<5x128x64xbf16, #tpu.memory_space<vmem>> -> memref<1x128x64xbf16, #tpu.memory_space<vmem>>
      %dma_wait3A_187 = tpu.memref_squeeze %dma_wait3A_186 : memref<1x128x64xbf16, #tpu.memory_space<vmem>> -> memref<128x64xbf16, #tpu.memory_space<vmem>>
      %dma_wait3A_188 = arith.constant 0 : i32
      %dma_wait3A_189 = tpu.memref_slice %arg7[%run_scoped3A_154, %dma_wait3A_188] : memref<80x128xi32, #tpu.memory_space<vmem>> -> memref<1x128xi32, #tpu.memory_space<vmem>>
      %dma_wait3A_190 = tpu.memref_squeeze %dma_wait3A_189 : memref<1x128xi32, #tpu.memory_space<vmem>> -> memref<128xi32, #tpu.memory_space<vmem>>
      %dma_wait3A_191 = arith.constant 0 : i32
      %dma_wait3A_192 = arith.constant 0 : i32
      %dma_wait3A_193 = tpu.memref_slice %arg9[%dma_wait3A_191, %dma_wait3A_192] : memref<10240x64xbf16, #tpu.memory_space<vmem_shared>> -> memref<10240x64xbf16, #tpu.memory_space<vmem_shared>>
      tpu.wait_indirect_dma semaphore(%run_scoped3A_173 : memref<!tpu.dma_semaphore, #tpu.memory_space<semaphore_mem>>) src(%dma_wait3A_187 : memref<128x64xbf16, #tpu.memory_space<vmem>>) dst(%dma_wait3A_193 : memref<10240x64xbf16, #tpu.memory_space<vmem_shared>>)
      tpu.yield
    }) : () -> ()
    %dma_wait3A_155 = arith.constant 79 : i32
    %dma_wait3A_156 = arith.constant 4 : i32
    %dma_wait3A_157 = arith.constant 4 : i32
    %dma_wait3A_158 = arith.constant 0 : i32
    %dma_wait3A_159 = arith.constant 0 : i32
    %dma_wait3A_160 = tpu.memref_slice %arg8[%dma_wait3A_156, %dma_wait3A_158, %dma_wait3A_159] : memref<5x128x64xbf16, #tpu.memory_space<vmem>> -> memref<1x128x64xbf16, #tpu.memory_space<vmem>>
    %dma_wait3A_161 = tpu.memref_squeeze %dma_wait3A_160 : memref<1x128x64xbf16, #tpu.memory_space<vmem>> -> memref<128x64xbf16, #tpu.memory_space<vmem>>
    %dma_wait3A_162 = arith.constant 0 : i32
    %dma_wait3A_163 = tpu.memref_slice %arg6[%dma_wait3A_155, %dma_wait3A_162] : memref<80x128xi32, #tpu.memory_space<vmem>> -> memref<1x128xi32, #tpu.memory_space<vmem>>
    %dma_wait3A_164 = tpu.memref_squeeze %dma_wait3A_163 : memref<1x128xi32, #tpu.memory_space<vmem>> -> memref<128xi32, #tpu.memory_space<vmem>>
    %dma_wait3A_165 = arith.constant 0 : i32
    %dma_wait3A_166 = arith.constant 0 : i32
    %dma_wait3A_167 = tpu.memref_slice %arg2[%dma_wait3A_165, %dma_wait3A_166] : memref<10000x64xbf16, #tpu.memory_space<hbm>> -> memref<10000x64xbf16, #tpu.memory_space<hbm>>
    %dma_wait3A_168 = tpu.memref_slice %arg10[%dma_wait3A_157] : memref<5x!tpu.dma_semaphore, #tpu.memory_space<semaphore_mem>> -> memref<1x!tpu.dma_semaphore, #tpu.memory_space<semaphore_mem>>
    %dma_wait3A_169 = tpu.memref_squeeze %dma_wait3A_168 : memref<1x!tpu.dma_semaphore, #tpu.memory_space<semaphore_mem>> -> memref<!tpu.dma_semaphore, #tpu.memory_space<semaphore_mem>>
    tpu.wait_indirect_dma semaphore(%dma_wait3A_169 : memref<!tpu.dma_semaphore, #tpu.memory_space<semaphore_mem>>) src(%dma_wait3A_167 : memref<10000x64xbf16, #tpu.memory_space<hbm>>) dst(%dma_wait3A_161 : memref<128x64xbf16, #tpu.memory_space<vmem>>)
    %run_scoped3A_170 = arith.constant 4 : i32
    %run_scoped3A_171 = arith.constant 79 : i32
    "tpu.region"() ({
      %run_scoped3A_173 = tpu.sem_alloc : memref<!tpu.dma_semaphore, #tpu.memory_space<semaphore_mem>>
      %dma_start3A_174 = arith.constant 0 : i32
      %dma_start3A_175 = arith.constant 0 : i32
      %dma_start3A_176 = tpu.memref_slice %arg8[%run_scoped3A_170, %dma_start3A_174, %dma_start3A_175] : memref<5x128x64xbf16, #tpu.memory_space<vmem>> -> memref<1x128x64xbf16, #tpu.memory_space<vmem>>
      %dma_start3A_177 = tpu.memref_squeeze %dma_start3A_176 : memref<1x128x64xbf16, #tpu.memory_space<vmem>> -> memref<128x64xbf16, #tpu.memory_space<vmem>>
      %dma_start3A_178 = arith.constant 0 : i32
      %dma_start3A_179 = tpu.memref_slice %arg7[%run_scoped3A_171, %dma_start3A_178] : memref<80x128xi32, #tpu.memory_space<vmem>> -> memref<1x128xi32, #tpu.memory_space<vmem>>
      %dma_start3A_180 = tpu.memref_squeeze %dma_start3A_179 : memref<1x128xi32, #tpu.memory_space<vmem>> -> memref<128xi32, #tpu.memory_space<vmem>>
      %dma_start3A_181 = arith.constant 0 : i32
      %dma_start3A_182 = arith.constant 0 : i32
      %dma_start3A_183 = tpu.memref_slice %arg9[%dma_start3A_181, %dma_start3A_182] : memref<10240x64xbf16, #tpu.memory_space<vmem_shared>> -> memref<10240x64xbf16, #tpu.memory_space<vmem_shared>>
      tpu.enqueue_indirect_dma source(%dma_start3A_177 : memref<128x64xbf16, #tpu.memory_space<vmem>>) target(%dma_start3A_183 : memref<10240x64xbf16, #tpu.memory_space<vmem_shared>>) offsets(%dma_start3A_180 : memref<128xi32, #tpu.memory_space<vmem>>) semaphore(%run_scoped3A_173 : memref<!tpu.dma_semaphore, #tpu.memory_space<semaphore_mem>>) {add = true}
      %dma_wait3A_184 = arith.constant 0 : i32
      %dma_wait3A_185 = arith.constant 0 : i32
      %dma_wait3A_186 = tpu.memref_slice %arg8[%run_scoped3A_170, %dma_wait3A_184, %dma_wait3A_185] : memref<5x128x64xbf16, #tpu.memory_space<vmem>> -> memref<1x128x64xbf16, #tpu.memory_space<vmem>>
      %dma_wait3A_187 = tpu.memref_squeeze %dma_wait3A_186 : memref<1x128x64xbf16, #tpu.memory_space<vmem>> -> memref<128x64xbf16, #tpu.memory_space<vmem>>
      %dma_wait3A_188 = arith.constant 0 : i32
      %dma_wait3A_189 = tpu.memref_slice %arg7[%run_scoped3A_171, %dma_wait3A_188] : memref<80x128xi32, #tpu.memory_space<vmem>> -> memref<1x128xi32, #tpu.memory_space<vmem>>
      %dma_wait3A_190 = tpu.memref_squeeze %dma_wait3A_189 : memref<1x128xi32, #tpu.memory_space<vmem>> -> memref<128xi32, #tpu.memory_space<vmem>>
      %dma_wait3A_191 = arith.constant 0 : i32
      %dma_wait3A_192 = arith.constant 0 : i32
      %dma_wait3A_193 = tpu.memref_slice %arg9[%dma_wait3A_191, %dma_wait3A_192] : memref<10240x64xbf16, #tpu.memory_space<vmem_shared>> -> memref<10240x64xbf16, #tpu.memory_space<vmem_shared>>
      tpu.wait_indirect_dma semaphore(%run_scoped3A_173 : memref<!tpu.dma_semaphore, #tpu.memory_space<semaphore_mem>>) src(%dma_wait3A_187 : memref<128x64xbf16, #tpu.memory_space<vmem>>) dst(%dma_wait3A_193 : memref<10240x64xbf16, #tpu.memory_space<vmem_shared>>)
      tpu.yield
    }) : () -> ()
    %barrier3A_172 = arith.constant 0 : index
    tpu.barrier barrier_id(%barrier3A_172)
    "tpu.region"() ({
      %run_scoped3A_173 = tpu.sem_alloc : memref<!tpu.dma_semaphore, #tpu.memory_space<semaphore_mem>>
      %dma_start3A_174 = arith.constant 0 : i32
      %dma_start3A_175 = tpu.memref_slice %arg5[%arg0, %multiple_of3A, %dma_start3A_174] : memref<2x10240x64xbf16, #tpu.memory_space<hbm>> -> memref<1x640x64xbf16, #tpu.memory_space<hbm>>
      %dma_start3A_176 = tpu.memref_squeeze %dma_start3A_175 : memref<1x640x64xbf16, #tpu.memory_space<hbm>> -> memref<640x64xbf16, #tpu.memory_space<hbm>>
      %dma_start3A_177 = arith.constant 0 : i32
      %dma_start3A_178 = tpu.memref_slice %arg9[%multiple_of3A, %dma_start3A_177] : memref<10240x64xbf16, #tpu.memory_space<vmem_shared>> -> memref<640x64xbf16, #tpu.memory_space<vmem_shared>>
      tpu.enqueue_dma source(%dma_start3A_178 : memref<640x64xbf16, #tpu.memory_space<vmem_shared>>) target(%dma_start3A_176 : memref<640x64xbf16, #tpu.memory_space<hbm>>) target_semaphore(%run_scoped3A_173 : memref<!tpu.dma_semaphore, #tpu.memory_space<semaphore_mem>>)
      %dma_wait3A_179 = arith.constant 0 : i32
      %dma_wait3A_180 = tpu.memref_slice %arg5[%arg0, %multiple_of3A, %dma_wait3A_179] : memref<2x10240x64xbf16, #tpu.memory_space<hbm>> -> memref<1x640x64xbf16, #tpu.memory_space<hbm>>
      %dma_wait3A_181 = tpu.memref_squeeze %dma_wait3A_180 : memref<1x640x64xbf16, #tpu.memory_space<hbm>> -> memref<640x64xbf16, #tpu.memory_space<hbm>>
      %dma_wait3A_182 = arith.constant 0 : i32
      %dma_wait3A_183 = tpu.memref_slice %arg9[%multiple_of3A, %dma_wait3A_182] : memref<10240x64xbf16, #tpu.memory_space<vmem_shared>> -> memref<640x64xbf16, #tpu.memory_space<vmem_shared>>
      tpu.wait_dma2 semaphore(%run_scoped3A_173 : memref<!tpu.dma_semaphore, #tpu.memory_space<semaphore_mem>>) src(%dma_wait3A_183 : memref<640x64xbf16, #tpu.memory_space<vmem_shared>>) dst(%dma_wait3A_181 : memref<640x64xbf16, #tpu.memory_space<hbm>>)
      tpu.yield
    }) : () -> ()
    return
  }
}

module attributes {stable_mosaic.version = 14 : i64} {
  func.func @_mm0_body(%arg0: memref<10000x128xf32, #tpu.memory_space<vmem>>, %arg1: memref<128x64xf32, #tpu.memory_space<vmem>>, %arg2: memref<2500x256xf32, #tpu.memory_space<vmem>>, %arg3: memref<2500x128xf32, #tpu.memory_space<vmem>>) attributes {dimension_semantics = [], scalar_prefetch = 0 : i64, scratch_operands = 0 : i64, tpu.core_type = #tpu.core_type<tc>} {
    %get3A = arith.constant 0 : index
    %get3A_0 = arith.constant 0 : index
    %get3A_1 = vector.load %arg0[%get3A, %get3A_0] : memref<10000x128xf32, #tpu.memory_space<vmem>>, vector<2500x128xf32>
    %get3A_2 = arith.constant 0 : index
    %get3A_3 = arith.constant 0 : index
    %get3A_4 = vector.load %arg1[%get3A_2, %get3A_3] : memref<128x64xf32, #tpu.memory_space<vmem>>, vector<128x64xf32>
    %dot_general3A = arith.constant dense<0.000000e+00> : vector<2500x64xf32>
    %dot_general3A_5 = tpu.matmul %get3A_1, %get3A_4, %dot_general3A {dimension_numbers = #tpu.dot_dimension_numbers<[1], [0], [0], [1], [0, 0, 1, 1], [], []>, transpose_lhs_hint = false} : vector<2500x128xf32>, vector<128x64xf32>, vector<2500x64xf32> -> vector<2500x64xf32>
    %get3A_6 = arith.constant 2500 : index
    %get3A_7 = arith.constant 0 : index
    %get3A_8 = vector.load %arg0[%get3A_6, %get3A_7] : memref<10000x128xf32, #tpu.memory_space<vmem>>, vector<2500x128xf32>
    %get3A_9 = arith.constant 0 : index
    %get3A_10 = arith.constant 0 : index
    %get3A_11 = vector.load %arg1[%get3A_9, %get3A_10] : memref<128x64xf32, #tpu.memory_space<vmem>>, vector<128x64xf32>
    %dot_general3A_12 = arith.constant dense<0.000000e+00> : vector<2500x64xf32>
    %dot_general3A_13 = tpu.matmul %get3A_8, %get3A_11, %dot_general3A_12 {dimension_numbers = #tpu.dot_dimension_numbers<[1], [0], [0], [1], [0, 0, 1, 1], [], []>, transpose_lhs_hint = false} : vector<2500x128xf32>, vector<128x64xf32>, vector<2500x64xf32> -> vector<2500x64xf32>
    %get3A_14 = arith.constant 5000 : index
    %get3A_15 = arith.constant 0 : index
    %get3A_16 = vector.load %arg0[%get3A_14, %get3A_15] : memref<10000x128xf32, #tpu.memory_space<vmem>>, vector<2500x128xf32>
    %get3A_17 = arith.constant 0 : index
    %get3A_18 = arith.constant 0 : index
    %get3A_19 = vector.load %arg1[%get3A_17, %get3A_18] : memref<128x64xf32, #tpu.memory_space<vmem>>, vector<128x64xf32>
    %dot_general3A_20 = arith.constant dense<0.000000e+00> : vector<2500x64xf32>
    %dot_general3A_21 = tpu.matmul %get3A_16, %get3A_19, %dot_general3A_20 {dimension_numbers = #tpu.dot_dimension_numbers<[1], [0], [0], [1], [0, 0, 1, 1], [], []>, transpose_lhs_hint = false} : vector<2500x128xf32>, vector<128x64xf32>, vector<2500x64xf32> -> vector<2500x64xf32>
    %get3A_22 = arith.constant 7500 : index
    %get3A_23 = arith.constant 0 : index
    %get3A_24 = vector.load %arg0[%get3A_22, %get3A_23] : memref<10000x128xf32, #tpu.memory_space<vmem>>, vector<2500x128xf32>
    %get3A_25 = arith.constant 0 : index
    %get3A_26 = arith.constant 0 : index
    %get3A_27 = vector.load %arg1[%get3A_25, %get3A_26] : memref<128x64xf32, #tpu.memory_space<vmem>>, vector<128x64xf32>
    %dot_general3A_28 = arith.constant dense<0.000000e+00> : vector<2500x64xf32>
    %dot_general3A_29 = tpu.matmul %get3A_24, %get3A_27, %dot_general3A_28 {dimension_numbers = #tpu.dot_dimension_numbers<[1], [0], [0], [1], [0, 0, 1, 1], [], []>, transpose_lhs_hint = false} : vector<2500x128xf32>, vector<128x64xf32>, vector<2500x64xf32> -> vector<2500x64xf32>
    %concatenate3A = tpu.concatenate %dot_general3A_5, %dot_general3A_13, %dot_general3A_21, %dot_general3A_29 in 1 : vector<2500x64xf32>, vector<2500x64xf32>, vector<2500x64xf32>, vector<2500x64xf32> -> vector<2500x256xf32>
    %swap3A = arith.constant 0 : index
    %swap3A_30 = arith.constant 0 : index
    %swap3A_31 = vector.load %arg2[%swap3A, %swap3A_30] : memref<2500x256xf32, #tpu.memory_space<vmem>>, vector<2500x256xf32>
    tpu.vector_store %arg2[%swap3A, %swap3A_30], %concatenate3A {strides = array<i32>} : memref<2500x256xf32, #tpu.memory_space<vmem>>, vector<2500x256xf32>,
    %slice3A = vector.extract_strided_slice %concatenate3A {offsets = [0, 0], sizes = [2500, 32], strides = [1, 1]} : vector<2500x256xf32> to vector<2500x32xf32>
    %slice3A_32 = vector.extract_strided_slice %concatenate3A {offsets = [0, 64], sizes = [2500, 32], strides = [1, 1]} : vector<2500x256xf32> to vector<2500x32xf32>
    %slice3A_33 = vector.extract_strided_slice %concatenate3A {offsets = [0, 128], sizes = [2500, 32], strides = [1, 1]} : vector<2500x256xf32> to vector<2500x32xf32>
    %slice3A_34 = vector.extract_strided_slice %concatenate3A {offsets = [0, 192], sizes = [2500, 32], strides = [1, 1]} : vector<2500x256xf32> to vector<2500x32xf32>
    %concatenate3A_35 = tpu.concatenate %slice3A, %slice3A_32, %slice3A_33, %slice3A_34 in 1 : vector<2500x32xf32>, vector<2500x32xf32>, vector<2500x32xf32>, vector<2500x32xf32> -> vector<2500x128xf32>
    %slice3A_36 = vector.extract_strided_slice %concatenate3A {offsets = [0, 32], sizes = [2500, 32], strides = [1, 1]} : vector<2500x256xf32> to vector<2500x32xf32>
    %slice3A_37 = vector.extract_strided_slice %concatenate3A {offsets = [0, 96], sizes = [2500, 32], strides = [1, 1]} : vector<2500x256xf32> to vector<2500x32xf32>
    %slice3A_38 = vector.extract_strided_slice %concatenate3A {offsets = [0, 160], sizes = [2500, 32], strides = [1, 1]} : vector<2500x256xf32> to vector<2500x32xf32>
    %slice3A_39 = vector.extract_strided_slice %concatenate3A {offsets = [0, 224], sizes = [2500, 32], strides = [1, 1]} : vector<2500x256xf32> to vector<2500x32xf32>
    %concatenate3A_40 = tpu.concatenate %slice3A_36, %slice3A_37, %slice3A_38, %slice3A_39 in 1 : vector<2500x32xf32>, vector<2500x32xf32>, vector<2500x32xf32>, vector<2500x32xf32> -> vector<2500x128xf32>
    %convert_element_type3A = arith.truncf %concatenate3A_35 : vector<2500x128xf32> to vector<2500x128xbf16>
    %bitcast_convert_type3A = tpu.bitcast %convert_element_type3A : vector<2500x128xbf16> -> vector<2500x128xi16>
    %convert_element_type3A_41 = arith.extui %bitcast_convert_type3A : vector<2500x128xi16> to vector<2500x128xi32>
    %convert_element_type3A_42 = arith.truncf %concatenate3A_40 : vector<2500x128xf32> to vector<2500x128xbf16>
    %bitcast_convert_type3A_43 = tpu.bitcast %convert_element_type3A_42 : vector<2500x128xbf16> -> vector<2500x128xi16>
    %convert_element_type3A_44 = arith.extui %bitcast_convert_type3A_43 : vector<2500x128xi16> to vector<2500x128xi32>
    %shift_left3A = arith.constant 16 : i32
    %shift_left3A_45 = vector.broadcast %shift_left3A : i32 to vector<2500x128xi32>
    %shift_left3A_46 = arith.shli %convert_element_type3A_44, %shift_left3A_45 : vector<2500x128xi32>
    %or3A = arith.ori %convert_element_type3A_41, %shift_left3A_46 : vector<2500x128xi32>
    %bitcast_convert_type3A_47 = tpu.bitcast %or3A : vector<2500x128xi32> -> vector<2500x128xf32>
    %swap3A_48 = arith.constant 0 : index
    %swap3A_49 = arith.constant 0 : index
    %swap3A_50 = vector.load %arg3[%swap3A_48, %swap3A_49] : memref<2500x128xf32, #tpu.memory_space<vmem>>, vector<2500x128xf32>
    tpu.vector_store %arg3[%swap3A_48, %swap3A_49], %bitcast_convert_type3A_47 {strides = array<i32>} : memref<2500x128xf32, #tpu.memory_space<vmem>>, vector<2500x128xf32>,
    return
  }
}

module attributes {stable_mosaic.version = 14 : i64} {
  func.func @_layer_body(%arg0: memref<2500x256xf32, #tpu.memory_space<vmem>>, %arg1: memref<2x2560x128xf32, #tpu.memory_space<vmem>>, %arg2: memref<1x1xf32, #tpu.memory_space<vmem>>, %arg3: memref<1x256xf32, #tpu.memory_space<vmem>>, %arg4: memref<256x256xf32, #tpu.memory_space<vmem>>, %arg5: memref<1x256xf32, #tpu.memory_space<vmem>>, %arg6: memref<256x256xf32, #tpu.memory_space<vmem>>, %arg7: memref<1x2500xi32, #tpu.memory_space<vmem>>, %arg8: memref<1x2500xi32, #tpu.memory_space<vmem>>, %arg9: memref<1x2500xi32, #tpu.memory_space<vmem>>, %arg10: memref<1x2500xi32, #tpu.memory_space<vmem>>, %arg11: memref<2500x256xf32, #tpu.memory_space<vmem>>, %arg12: memref<2500x128xf32, #tpu.memory_space<vmem>>, %arg13: memref<128x64xf32, #tpu.memory_space<vmem>>) attributes {dimension_semantics = [], scalar_prefetch = 0 : i64, scratch_operands = 0 : i64, tpu.core_type = #tpu.core_type<tc>} {
    %get3A = arith.constant 0 : index
    %get3A_0 = arith.constant 0 : index
    %get3A_1 = vector.load %arg2[%get3A, %get3A_0] : memref<1x1xf32, #tpu.memory_space<vmem>>, vector<1x1xf32>
    %get3A_2 = arith.constant 0 : index
    %get3A_3 = arith.constant 0 : index
    %get3A_4 = vector.load %arg0[%get3A_2, %get3A_3] : memref<2500x256xf32, #tpu.memory_space<vmem>>, vector<2500x256xf32>
    %mul3A = vector.broadcast %get3A_1 : vector<1x1xf32> to vector<2500x256xf32>
    %mul3A_5 = arith.mulf %mul3A, %get3A_4 : vector<2500x256xf32>
    %get3A_6 = arith.constant 0 : index
    %get3A_7 = arith.constant 0 : index
    %get3A_8 = arith.constant 0 : index
    %get3A_9 = vector.load %arg1[%get3A_6, %get3A_7, %get3A_8] : memref<2x2560x128xf32, #tpu.memory_space<vmem>>, vector<1x2500x128xf32>
    %get3A_10 = vector.shape_cast %get3A_9 : vector<1x2500x128xf32> to vector<2500x128xf32>
    %bitcast_convert_type3A = tpu.bitcast %get3A_10 : vector<2500x128xf32> -> vector<2500x128xi32>
    %convert_element_type3A = arith.trunci %bitcast_convert_type3A : vector<2500x128xi32> to vector<2500x128xi16>
    %bitcast_convert_type3A_11 = tpu.bitcast %convert_element_type3A : vector<2500x128xi16> -> vector<2500x128xbf16>
    %convert_element_type3A_12 = arith.extf %bitcast_convert_type3A_11 : vector<2500x128xbf16> to vector<2500x128xf32>
    %shift_right_logical3A = arith.constant 16 : i32
    %shift_right_logical3A_13 = vector.broadcast %shift_right_logical3A : i32 to vector<2500x128xi32>
    %shift_right_logical3A_14 = arith.shrui %bitcast_convert_type3A, %shift_right_logical3A_13 : vector<2500x128xi32>
    %convert_element_type3A_15 = arith.trunci %shift_right_logical3A_14 : vector<2500x128xi32> to vector<2500x128xi16>
    %bitcast_convert_type3A_16 = tpu.bitcast %convert_element_type3A_15 : vector<2500x128xi16> -> vector<2500x128xbf16>
    %convert_element_type3A_17 = arith.extf %bitcast_convert_type3A_16 : vector<2500x128xbf16> to vector<2500x128xf32>
    %get3A_18 = arith.constant 1 : index
    %get3A_19 = arith.constant 0 : index
    %get3A_20 = arith.constant 0 : index
    %get3A_21 = vector.load %arg1[%get3A_18, %get3A_19, %get3A_20] : memref<2x2560x128xf32, #tpu.memory_space<vmem>>, vector<1x2500x128xf32>
    %get3A_22 = vector.shape_cast %get3A_21 : vector<1x2500x128xf32> to vector<2500x128xf32>
    %bitcast_convert_type3A_23 = tpu.bitcast %get3A_22 : vector<2500x128xf32> -> vector<2500x128xi32>
    %convert_element_type3A_24 = arith.trunci %bitcast_convert_type3A_23 : vector<2500x128xi32> to vector<2500x128xi16>
    %bitcast_convert_type3A_25 = tpu.bitcast %convert_element_type3A_24 : vector<2500x128xi16> -> vector<2500x128xbf16>
    %convert_element_type3A_26 = arith.extf %bitcast_convert_type3A_25 : vector<2500x128xbf16> to vector<2500x128xf32>
    %shift_right_logical3A_27 = arith.constant 16 : i32
    %shift_right_logical3A_28 = vector.broadcast %shift_right_logical3A_27 : i32 to vector<2500x128xi32>
    %shift_right_logical3A_29 = arith.shrui %bitcast_convert_type3A_23, %shift_right_logical3A_28 : vector<2500x128xi32>
    %convert_element_type3A_30 = arith.trunci %shift_right_logical3A_29 : vector<2500x128xi32> to vector<2500x128xi16>
    %bitcast_convert_type3A_31 = tpu.bitcast %convert_element_type3A_30 : vector<2500x128xi16> -> vector<2500x128xbf16>
    %convert_element_type3A_32 = arith.extf %bitcast_convert_type3A_31 : vector<2500x128xbf16> to vector<2500x128xf32>
    %add3A = arith.addf %convert_element_type3A_12, %convert_element_type3A_26 : vector<2500x128xf32>
    %add3A_33 = arith.addf %convert_element_type3A_17, %convert_element_type3A_32 : vector<2500x128xf32>
    %slice3A = vector.extract_strided_slice %add3A {offsets = [0, 0], sizes = [2500, 32], strides = [1, 1]} : vector<2500x128xf32> to vector<2500x32xf32>
    %slice3A_34 = vector.extract_strided_slice %add3A_33 {offsets = [0, 0], sizes = [2500, 32], strides = [1, 1]} : vector<2500x128xf32> to vector<2500x32xf32>
    %concatenate3A = tpu.concatenate %slice3A, %slice3A_34 in 1 : vector<2500x32xf32>, vector<2500x32xf32> -> vector<2500x64xf32>
    %slice3A_35 = vector.extract_strided_slice %add3A {offsets = [0, 32], sizes = [2500, 32], strides = [1, 1]} : vector<2500x128xf32> to vector<2500x32xf32>
    %slice3A_36 = vector.extract_strided_slice %add3A_33 {offsets = [0, 32], sizes = [2500, 32], strides = [1, 1]} : vector<2500x128xf32> to vector<2500x32xf32>
    %concatenate3A_37 = tpu.concatenate %slice3A_35, %slice3A_36 in 1 : vector<2500x32xf32>, vector<2500x32xf32> -> vector<2500x64xf32>
    %slice3A_38 = vector.extract_strided_slice %add3A {offsets = [0, 64], sizes = [2500, 32], strides = [1, 1]} : vector<2500x128xf32> to vector<2500x32xf32>
    %slice3A_39 = vector.extract_strided_slice %add3A_33 {offsets = [0, 64], sizes = [2500, 32], strides = [1, 1]} : vector<2500x128xf32> to vector<2500x32xf32>
    %concatenate3A_40 = tpu.concatenate %slice3A_38, %slice3A_39 in 1 : vector<2500x32xf32>, vector<2500x32xf32> -> vector<2500x64xf32>
    %slice3A_41 = vector.extract_strided_slice %add3A {offsets = [0, 96], sizes = [2500, 32], strides = [1, 1]} : vector<2500x128xf32> to vector<2500x32xf32>
    %slice3A_42 = vector.extract_strided_slice %add3A_33 {offsets = [0, 96], sizes = [2500, 32], strides = [1, 1]} : vector<2500x128xf32> to vector<2500x32xf32>
    %concatenate3A_43 = tpu.concatenate %slice3A_41, %slice3A_42 in 1 : vector<2500x32xf32>, vector<2500x32xf32> -> vector<2500x64xf32>
    %concatenate3A_44 = tpu.concatenate %concatenate3A, %concatenate3A_37, %concatenate3A_40, %concatenate3A_43 in 1 : vector<2500x64xf32>, vector<2500x64xf32>, vector<2500x64xf32>, vector<2500x64xf32> -> vector<2500x256xf32>
    %add3A_45 = arith.addf %mul3A_5, %concatenate3A_44 : vector<2500x256xf32>
    %get3A_46 = arith.constant 0 : index
    %get3A_47 = arith.constant 0 : index
    %get3A_48 = vector.load %arg3[%get3A_46, %get3A_47] : memref<1x256xf32, #tpu.memory_space<vmem>>, vector<1x256xf32>
    %add3A_49 = vector.broadcast %get3A_48 : vector<1x256xf32> to vector<2500x256xf32>
    %add3A_50 = arith.addf %add3A_45, %add3A_49 : vector<2500x256xf32>
    %max3A = arith.constant 0.000000e+00 : f32
    %max3A_51 = vector.broadcast %max3A : f32 to vector<2500x256xf32>
    %max3A_52 = arith.maximumf %add3A_50, %max3A_51 : vector<2500x256xf32>
    %get3A_53 = arith.constant 0 : index
    %get3A_54 = arith.constant 0 : index
    %get3A_55 = vector.load %arg4[%get3A_53, %get3A_54] : memref<256x256xf32, #tpu.memory_space<vmem>>, vector<256x256xf32>
    %dot_general3A = arith.constant dense<0.000000e+00> : vector<2500x256xf32>
    %dot_general3A_56 = tpu.matmul %max3A_52, %get3A_55, %dot_general3A {dimension_numbers = #tpu.dot_dimension_numbers<[1], [0], [0], [1], [0, 0, 1, 1], [], []>, transpose_lhs_hint = false} : vector<2500x256xf32>, vector<256x256xf32>, vector<2500x256xf32> -> vector<2500x256xf32>
    %get3A_57 = arith.constant 0 : index
    %get3A_58 = arith.constant 0 : index
    %get3A_59 = vector.load %arg5[%get3A_57, %get3A_58] : memref<1x256xf32, #tpu.memory_space<vmem>>, vector<1x256xf32>
    %add3A_60 = vector.broadcast %get3A_59 : vector<1x256xf32> to vector<2500x256xf32>
    %add3A_61 = arith.addf %dot_general3A_56, %add3A_60 : vector<2500x256xf32>
    %max3A_62 = arith.constant 0.000000e+00 : f32
    %max3A_63 = vector.broadcast %max3A_62 : f32 to vector<2500x256xf32>
    %max3A_64 = arith.maximumf %add3A_61, %max3A_63 : vector<2500x256xf32>
    %get3A_65 = arith.constant 0 : index
    %get3A_66 = arith.constant 0 : index
    %get3A_67 = vector.load %arg6[%get3A_65, %get3A_66] : memref<256x256xf32, #tpu.memory_space<vmem>>, vector<256x256xf32>
    %dot_general3A_68 = arith.constant dense<0.000000e+00> : vector<2500x256xf32>
    %dot_general3A_69 = tpu.matmul %max3A_64, %get3A_67, %dot_general3A_68 {dimension_numbers = #tpu.dot_dimension_numbers<[1], [0], [0], [1], [0, 0, 1, 1], [], []>, transpose_lhs_hint = false} : vector<2500x256xf32>, vector<256x256xf32>, vector<2500x256xf32> -> vector<2500x256xf32>
    %swap3A = arith.constant 0 : index
    %swap3A_70 = arith.constant 0 : index
    %swap3A_71 = vector.load %arg11[%swap3A, %swap3A_70] : memref<2500x256xf32, #tpu.memory_space<vmem>>, vector<2500x256xf32>
    tpu.vector_store %arg11[%swap3A, %swap3A_70], %dot_general3A_69 {strides = array<i32>} : memref<2500x256xf32, #tpu.memory_space<vmem>>, vector<2500x256xf32>,
    %slice3A_72 = vector.extract_strided_slice %dot_general3A_69 {offsets = [0, 0], sizes = [2500, 32], strides = [1, 1]} : vector<2500x256xf32> to vector<2500x32xf32>
    %slice3A_73 = vector.extract_strided_slice %dot_general3A_69 {offsets = [0, 64], sizes = [2500, 32], strides = [1, 1]} : vector<2500x256xf32> to vector<2500x32xf32>
    %slice3A_74 = vector.extract_strided_slice %dot_general3A_69 {offsets = [0, 128], sizes = [2500, 32], strides = [1, 1]} : vector<2500x256xf32> to vector<2500x32xf32>
    %slice3A_75 = vector.extract_strided_slice %dot_general3A_69 {offsets = [0, 192], sizes = [2500, 32], strides = [1, 1]} : vector<2500x256xf32> to vector<2500x32xf32>
    %concatenate3A_76 = tpu.concatenate %slice3A_72, %slice3A_73, %slice3A_74, %slice3A_75 in 1 : vector<2500x32xf32>, vector<2500x32xf32>, vector<2500x32xf32>, vector<2500x32xf32> -> vector<2500x128xf32>
    %slice3A_77 = vector.extract_strided_slice %dot_general3A_69 {offsets = [0, 32], sizes = [2500, 32], strides = [1, 1]} : vector<2500x256xf32> to vector<2500x32xf32>
    %slice3A_78 = vector.extract_strided_slice %dot_general3A_69 {offsets = [0, 96], sizes = [2500, 32], strides = [1, 1]} : vector<2500x256xf32> to vector<2500x32xf32>
    %slice3A_79 = vector.extract_strided_slice %dot_general3A_69 {offsets = [0, 160], sizes = [2500, 32], strides = [1, 1]} : vector<2500x256xf32> to vector<2500x32xf32>
    %slice3A_80 = vector.extract_strided_slice %dot_general3A_69 {offsets = [0, 224], sizes = [2500, 32], strides = [1, 1]} : vector<2500x256xf32> to vector<2500x32xf32>
    %concatenate3A_81 = tpu.concatenate %slice3A_77, %slice3A_78, %slice3A_79, %slice3A_80 in 1 : vector<2500x32xf32>, vector<2500x32xf32>, vector<2500x32xf32>, vector<2500x32xf32> -> vector<2500x128xf32>
    %convert_element_type3A_82 = arith.truncf %concatenate3A_76 : vector<2500x128xf32> to vector<2500x128xbf16>
    %bitcast_convert_type3A_83 = tpu.bitcast %convert_element_type3A_82 : vector<2500x128xbf16> -> vector<2500x128xi16>
    %convert_element_type3A_84 = arith.extui %bitcast_convert_type3A_83 : vector<2500x128xi16> to vector<2500x128xi32>
    %convert_element_type3A_85 = arith.truncf %concatenate3A_81 : vector<2500x128xf32> to vector<2500x128xbf16>
    %bitcast_convert_type3A_86 = tpu.bitcast %convert_element_type3A_85 : vector<2500x128xbf16> -> vector<2500x128xi16>
    %convert_element_type3A_87 = arith.extui %bitcast_convert_type3A_86 : vector<2500x128xi16> to vector<2500x128xi32>
    %shift_left3A = arith.constant 16 : i32
    %shift_left3A_88 = vector.broadcast %shift_left3A : i32 to vector<2500x128xi32>
    %shift_left3A_89 = arith.shli %convert_element_type3A_87, %shift_left3A_88 : vector<2500x128xi32>
    %or3A = arith.ori %convert_element_type3A_84, %shift_left3A_89 : vector<2500x128xi32>
    %bitcast_convert_type3A_90 = tpu.bitcast %or3A : vector<2500x128xi32> -> vector<2500x128xf32>
    %swap3A_91 = arith.constant 0 : index
    %swap3A_92 = arith.constant 0 : index
    %swap3A_93 = vector.load %arg12[%swap3A_91, %swap3A_92] : memref<2500x128xf32, #tpu.memory_space<vmem>>, vector<2500x128xf32>
    tpu.vector_store %arg12[%swap3A_91, %swap3A_92], %bitcast_convert_type3A_90 {strides = array<i32>} : memref<2500x128xf32, #tpu.memory_space<vmem>>, vector<2500x128xf32>,
    %iota3A = tpu.iota {dimensions = array<i32: 0>} : vector<128x2500xi32>
    %get3A_94 = arith.constant 0 : index
    %get3A_95 = arith.constant 0 : index
    %get3A_96 = vector.load %arg7[%get3A_94, %get3A_95] : memref<1x2500xi32, #tpu.memory_space<vmem>>, vector<1x2500xi32>
    %eq3A = vector.broadcast %get3A_96 : vector<1x2500xi32> to vector<128x2500xi32>
    %eq3A_97 = arith.cmpi eq, %iota3A, %eq3A : vector<128x2500xi32>
    %convert_element_type3A_98 = arith.extui %eq3A_97 : vector<128x2500xi1> to vector<128x2500xi32>
    %convert_element_type3A_99 = arith.sitofp %convert_element_type3A_98 : vector<128x2500xi32> to vector<128x2500xf32>
    %dot_general3A_100 = arith.constant dense<0.000000e+00> : vector<128x256xf32>
    %dot_general3A_101 = tpu.matmul %convert_element_type3A_99, %max3A_64, %dot_general3A_100 {dimension_numbers = #tpu.dot_dimension_numbers<[1], [0], [0], [1], [0, 0, 1, 1], [], []>, transpose_lhs_hint = false} : vector<128x2500xf32>, vector<2500x256xf32>, vector<128x256xf32> -> vector<128x256xf32>
    %slice3A_102 = vector.extract_strided_slice %dot_general3A_101 {offsets = [0, 0], sizes = [128, 64], strides = [1, 1]} : vector<128x256xf32> to vector<128x64xf32>
    %get3A_103 = arith.constant 0 : index
    %get3A_104 = arith.constant 0 : index
    %get3A_105 = vector.load %arg8[%get3A_103, %get3A_104] : memref<1x2500xi32, #tpu.memory_space<vmem>>, vector<1x2500xi32>
    %eq3A_106 = vector.broadcast %get3A_105 : vector<1x2500xi32> to vector<128x2500xi32>
    %eq3A_107 = arith.cmpi eq, %iota3A, %eq3A_106 : vector<128x2500xi32>
    %convert_element_type3A_108 = arith.extui %eq3A_107 : vector<128x2500xi1> to vector<128x2500xi32>
    %convert_element_type3A_109 = arith.sitofp %convert_element_type3A_108 : vector<128x2500xi32> to vector<128x2500xf32>
    %dot_general3A_110 = arith.constant dense<0.000000e+00> : vector<128x256xf32>
    %dot_general3A_111 = tpu.matmul %convert_element_type3A_109, %max3A_64, %dot_general3A_110 {dimension_numbers = #tpu.dot_dimension_numbers<[1], [0], [0], [1], [0, 0, 1, 1], [], []>, transpose_lhs_hint = false} : vector<128x2500xf32>, vector<2500x256xf32>, vector<128x256xf32> -> vector<128x256xf32>
    %slice3A_112 = vector.extract_strided_slice %dot_general3A_111 {offsets = [0, 64], sizes = [128, 64], strides = [1, 1]} : vector<128x256xf32> to vector<128x64xf32>
    %add3A_113 = arith.addf %slice3A_102, %slice3A_112 : vector<128x64xf32>
    %get3A_114 = arith.constant 0 : index
    %get3A_115 = arith.constant 0 : index
    %get3A_116 = vector.load %arg9[%get3A_114, %get3A_115] : memref<1x2500xi32, #tpu.memory_space<vmem>>, vector<1x2500xi32>
    %eq3A_117 = vector.broadcast %get3A_116 : vector<1x2500xi32> to vector<128x2500xi32>
    %eq3A_118 = arith.cmpi eq, %iota3A, %eq3A_117 : vector<128x2500xi32>
    %convert_element_type3A_119 = arith.extui %eq3A_118 : vector<128x2500xi1> to vector<128x2500xi32>
    %convert_element_type3A_120 = arith.sitofp %convert_element_type3A_119 : vector<128x2500xi32> to vector<128x2500xf32>
    %dot_general3A_121 = arith.constant dense<0.000000e+00> : vector<128x256xf32>
    %dot_general3A_122 = tpu.matmul %convert_element_type3A_120, %max3A_64, %dot_general3A_121 {dimension_numbers = #tpu.dot_dimension_numbers<[1], [0], [0], [1], [0, 0, 1, 1], [], []>, transpose_lhs_hint = false} : vector<128x2500xf32>, vector<2500x256xf32>, vector<128x256xf32> -> vector<128x256xf32>
    %slice3A_123 = vector.extract_strided_slice %dot_general3A_122 {offsets = [0, 128], sizes = [128, 64], strides = [1, 1]} : vector<128x256xf32> to vector<128x64xf32>
    %add3A_124 = arith.addf %add3A_113, %slice3A_123 : vector<128x64xf32>
    %get3A_125 = arith.constant 0 : index
    %get3A_126 = arith.constant 0 : index
    %get3A_127 = vector.load %arg10[%get3A_125, %get3A_126] : memref<1x2500xi32, #tpu.memory_space<vmem>>, vector<1x2500xi32>
    %eq3A_128 = vector.broadcast %get3A_127 : vector<1x2500xi32> to vector<128x2500xi32>
    %eq3A_129 = arith.cmpi eq, %iota3A, %eq3A_128 : vector<128x2500xi32>
    %convert_element_type3A_130 = arith.extui %eq3A_129 : vector<128x2500xi1> to vector<128x2500xi32>
    %convert_element_type3A_131 = arith.sitofp %convert_element_type3A_130 : vector<128x2500xi32> to vector<128x2500xf32>
    %dot_general3A_132 = arith.constant dense<0.000000e+00> : vector<128x256xf32>
    %dot_general3A_133 = tpu.matmul %convert_element_type3A_131, %max3A_64, %dot_general3A_132 {dimension_numbers = #tpu.dot_dimension_numbers<[1], [0], [0], [1], [0, 0, 1, 1], [], []>, transpose_lhs_hint = false} : vector<128x2500xf32>, vector<2500x256xf32>, vector<128x256xf32> -> vector<128x256xf32>
    %slice3A_134 = vector.extract_strided_slice %dot_general3A_133 {offsets = [0, 192], sizes = [128, 64], strides = [1, 1]} : vector<128x256xf32> to vector<128x64xf32>
    %add3A_135 = arith.addf %add3A_124, %slice3A_134 : vector<128x64xf32>
    %swap3A_136 = arith.constant 0 : index
    %swap3A_137 = arith.constant 0 : index
    %swap3A_138 = vector.load %arg13[%swap3A_136, %swap3A_137] : memref<128x64xf32, #tpu.memory_space<vmem>>, vector<128x64xf32>
    tpu.vector_store %arg13[%swap3A_136, %swap3A_137], %add3A_135 {strides = array<i32>} : memref<128x64xf32, #tpu.memory_space<vmem>>, vector<128x64xf32>,
    return
  }
}

module attributes {stable_mosaic.version = 14 : i64} {
  func.func @_layer_last_body(%arg0: memref<2500x256xf32, #tpu.memory_space<vmem>>, %arg1: memref<2x2560x128xf32, #tpu.memory_space<vmem>>, %arg2: memref<1x1xf32, #tpu.memory_space<vmem>>, %arg3: memref<1x256xf32, #tpu.memory_space<vmem>>, %arg4: memref<256x256xf32, #tpu.memory_space<vmem>>, %arg5: memref<1x256xf32, #tpu.memory_space<vmem>>, %arg6: memref<1x2500xi32, #tpu.memory_space<vmem>>, %arg7: memref<1x2500xi32, #tpu.memory_space<vmem>>, %arg8: memref<1x2500xi32, #tpu.memory_space<vmem>>, %arg9: memref<1x2500xi32, #tpu.memory_space<vmem>>, %arg10: memref<128x64xf32, #tpu.memory_space<vmem>>) attributes {dimension_semantics = [], scalar_prefetch = 0 : i64, scratch_operands = 0 : i64, tpu.core_type = #tpu.core_type<tc>} {
    %get3A = arith.constant 0 : index
    %get3A_0 = arith.constant 0 : index
    %get3A_1 = vector.load %arg2[%get3A, %get3A_0] : memref<1x1xf32, #tpu.memory_space<vmem>>, vector<1x1xf32>
    %get3A_2 = arith.constant 0 : index
    %get3A_3 = arith.constant 0 : index
    %get3A_4 = vector.load %arg0[%get3A_2, %get3A_3] : memref<2500x256xf32, #tpu.memory_space<vmem>>, vector<2500x256xf32>
    %mul3A = vector.broadcast %get3A_1 : vector<1x1xf32> to vector<2500x256xf32>
    %mul3A_5 = arith.mulf %mul3A, %get3A_4 : vector<2500x256xf32>
    %get3A_6 = arith.constant 0 : index
    %get3A_7 = arith.constant 0 : index
    %get3A_8 = arith.constant 0 : index
    %get3A_9 = vector.load %arg1[%get3A_6, %get3A_7, %get3A_8] : memref<2x2560x128xf32, #tpu.memory_space<vmem>>, vector<1x2500x128xf32>
    %get3A_10 = vector.shape_cast %get3A_9 : vector<1x2500x128xf32> to vector<2500x128xf32>
    %bitcast_convert_type3A = tpu.bitcast %get3A_10 : vector<2500x128xf32> -> vector<2500x128xi32>
    %convert_element_type3A = arith.trunci %bitcast_convert_type3A : vector<2500x128xi32> to vector<2500x128xi16>
    %bitcast_convert_type3A_11 = tpu.bitcast %convert_element_type3A : vector<2500x128xi16> -> vector<2500x128xbf16>
    %convert_element_type3A_12 = arith.extf %bitcast_convert_type3A_11 : vector<2500x128xbf16> to vector<2500x128xf32>
    %shift_right_logical3A = arith.constant 16 : i32
    %shift_right_logical3A_13 = vector.broadcast %shift_right_logical3A : i32 to vector<2500x128xi32>
    %shift_right_logical3A_14 = arith.shrui %bitcast_convert_type3A, %shift_right_logical3A_13 : vector<2500x128xi32>
    %convert_element_type3A_15 = arith.trunci %shift_right_logical3A_14 : vector<2500x128xi32> to vector<2500x128xi16>
    %bitcast_convert_type3A_16 = tpu.bitcast %convert_element_type3A_15 : vector<2500x128xi16> -> vector<2500x128xbf16>
    %convert_element_type3A_17 = arith.extf %bitcast_convert_type3A_16 : vector<2500x128xbf16> to vector<2500x128xf32>
    %get3A_18 = arith.constant 1 : index
    %get3A_19 = arith.constant 0 : index
    %get3A_20 = arith.constant 0 : index
    %get3A_21 = vector.load %arg1[%get3A_18, %get3A_19, %get3A_20] : memref<2x2560x128xf32, #tpu.memory_space<vmem>>, vector<1x2500x128xf32>
    %get3A_22 = vector.shape_cast %get3A_21 : vector<1x2500x128xf32> to vector<2500x128xf32>
    %bitcast_convert_type3A_23 = tpu.bitcast %get3A_22 : vector<2500x128xf32> -> vector<2500x128xi32>
    %convert_element_type3A_24 = arith.trunci %bitcast_convert_type3A_23 : vector<2500x128xi32> to vector<2500x128xi16>
    %bitcast_convert_type3A_25 = tpu.bitcast %convert_element_type3A_24 : vector<2500x128xi16> -> vector<2500x128xbf16>
    %convert_element_type3A_26 = arith.extf %bitcast_convert_type3A_25 : vector<2500x128xbf16> to vector<2500x128xf32>
    %shift_right_logical3A_27 = arith.constant 16 : i32
    %shift_right_logical3A_28 = vector.broadcast %shift_right_logical3A_27 : i32 to vector<2500x128xi32>
    %shift_right_logical3A_29 = arith.shrui %bitcast_convert_type3A_23, %shift_right_logical3A_28 : vector<2500x128xi32>
    %convert_element_type3A_30 = arith.trunci %shift_right_logical3A_29 : vector<2500x128xi32> to vector<2500x128xi16>
    %bitcast_convert_type3A_31 = tpu.bitcast %convert_element_type3A_30 : vector<2500x128xi16> -> vector<2500x128xbf16>
    %convert_element_type3A_32 = arith.extf %bitcast_convert_type3A_31 : vector<2500x128xbf16> to vector<2500x128xf32>
    %add3A = arith.addf %convert_element_type3A_12, %convert_element_type3A_26 : vector<2500x128xf32>
    %add3A_33 = arith.addf %convert_element_type3A_17, %convert_element_type3A_32 : vector<2500x128xf32>
    %slice3A = vector.extract_strided_slice %add3A {offsets = [0, 0], sizes = [2500, 32], strides = [1, 1]} : vector<2500x128xf32> to vector<2500x32xf32>
    %slice3A_34 = vector.extract_strided_slice %add3A_33 {offsets = [0, 0], sizes = [2500, 32], strides = [1, 1]} : vector<2500x128xf32> to vector<2500x32xf32>
    %concatenate3A = tpu.concatenate %slice3A, %slice3A_34 in 1 : vector<2500x32xf32>, vector<2500x32xf32> -> vector<2500x64xf32>
    %slice3A_35 = vector.extract_strided_slice %add3A {offsets = [0, 32], sizes = [2500, 32], strides = [1, 1]} : vector<2500x128xf32> to vector<2500x32xf32>
    %slice3A_36 = vector.extract_strided_slice %add3A_33 {offsets = [0, 32], sizes = [2500, 32], strides = [1, 1]} : vector<2500x128xf32> to vector<2500x32xf32>
    %concatenate3A_37 = tpu.concatenate %slice3A_35, %slice3A_36 in 1 : vector<2500x32xf32>, vector<2500x32xf32> -> vector<2500x64xf32>
    %slice3A_38 = vector.extract_strided_slice %add3A {offsets = [0, 64], sizes = [2500, 32], strides = [1, 1]} : vector<2500x128xf32> to vector<2500x32xf32>
    %slice3A_39 = vector.extract_strided_slice %add3A_33 {offsets = [0, 64], sizes = [2500, 32], strides = [1, 1]} : vector<2500x128xf32> to vector<2500x32xf32>
    %concatenate3A_40 = tpu.concatenate %slice3A_38, %slice3A_39 in 1 : vector<2500x32xf32>, vector<2500x32xf32> -> vector<2500x64xf32>
    %slice3A_41 = vector.extract_strided_slice %add3A {offsets = [0, 96], sizes = [2500, 32], strides = [1, 1]} : vector<2500x128xf32> to vector<2500x32xf32>
    %slice3A_42 = vector.extract_strided_slice %add3A_33 {offsets = [0, 96], sizes = [2500, 32], strides = [1, 1]} : vector<2500x128xf32> to vector<2500x32xf32>
    %concatenate3A_43 = tpu.concatenate %slice3A_41, %slice3A_42 in 1 : vector<2500x32xf32>, vector<2500x32xf32> -> vector<2500x64xf32>
    %concatenate3A_44 = tpu.concatenate %concatenate3A, %concatenate3A_37, %concatenate3A_40, %concatenate3A_43 in 1 : vector<2500x64xf32>, vector<2500x64xf32>, vector<2500x64xf32>, vector<2500x64xf32> -> vector<2500x256xf32>
    %add3A_45 = arith.addf %mul3A_5, %concatenate3A_44 : vector<2500x256xf32>
    %get3A_46 = arith.constant 0 : index
    %get3A_47 = arith.constant 0 : index
    %get3A_48 = vector.load %arg3[%get3A_46, %get3A_47] : memref<1x256xf32, #tpu.memory_space<vmem>>, vector<1x256xf32>
    %add3A_49 = vector.broadcast %get3A_48 : vector<1x256xf32> to vector<2500x256xf32>
    %add3A_50 = arith.addf %add3A_45, %add3A_49 : vector<2500x256xf32>
    %max3A = arith.constant 0.000000e+00 : f32
    %max3A_51 = vector.broadcast %max3A : f32 to vector<2500x256xf32>
    %max3A_52 = arith.maximumf %add3A_50, %max3A_51 : vector<2500x256xf32>
    %get3A_53 = arith.constant 0 : index
    %get3A_54 = arith.constant 0 : index
    %get3A_55 = vector.load %arg4[%get3A_53, %get3A_54] : memref<256x256xf32, #tpu.memory_space<vmem>>, vector<256x256xf32>
    %dot_general3A = arith.constant dense<0.000000e+00> : vector<2500x256xf32>
    %dot_general3A_56 = tpu.matmul %max3A_52, %get3A_55, %dot_general3A {dimension_numbers = #tpu.dot_dimension_numbers<[1], [0], [0], [1], [0, 0, 1, 1], [], []>, transpose_lhs_hint = false} : vector<2500x256xf32>, vector<256x256xf32>, vector<2500x256xf32> -> vector<2500x256xf32>
    %get3A_57 = arith.constant 0 : index
    %get3A_58 = arith.constant 0 : index
    %get3A_59 = vector.load %arg5[%get3A_57, %get3A_58] : memref<1x256xf32, #tpu.memory_space<vmem>>, vector<1x256xf32>
    %add3A_60 = vector.broadcast %get3A_59 : vector<1x256xf32> to vector<2500x256xf32>
    %add3A_61 = arith.addf %dot_general3A_56, %add3A_60 : vector<2500x256xf32>
    %max3A_62 = arith.constant 0.000000e+00 : f32
    %max3A_63 = vector.broadcast %max3A_62 : f32 to vector<2500x256xf32>
    %max3A_64 = arith.maximumf %add3A_61, %max3A_63 : vector<2500x256xf32>
    %iota3A = tpu.iota {dimensions = array<i32: 0>} : vector<128x2500xi32>
    %get3A_65 = arith.constant 0 : index
    %get3A_66 = arith.constant 0 : index
    %get3A_67 = vector.load %arg6[%get3A_65, %get3A_66] : memref<1x2500xi32, #tpu.memory_space<vmem>>, vector<1x2500xi32>
    %eq3A = vector.broadcast %get3A_67 : vector<1x2500xi32> to vector<128x2500xi32>
    %eq3A_68 = arith.cmpi eq, %iota3A, %eq3A : vector<128x2500xi32>
    %convert_element_type3A_69 = arith.extui %eq3A_68 : vector<128x2500xi1> to vector<128x2500xi32>
    %convert_element_type3A_70 = arith.sitofp %convert_element_type3A_69 : vector<128x2500xi32> to vector<128x2500xf32>
    %dot_general3A_71 = arith.constant dense<0.000000e+00> : vector<128x256xf32>
    %dot_general3A_72 = tpu.matmul %convert_element_type3A_70, %max3A_64, %dot_general3A_71 {dimension_numbers = #tpu.dot_dimension_numbers<[1], [0], [0], [1], [0, 0, 1, 1], [], []>, transpose_lhs_hint = false} : vector<128x2500xf32>, vector<2500x256xf32>, vector<128x256xf32> -> vector<128x256xf32>
    %slice3A_73 = vector.extract_strided_slice %dot_general3A_72 {offsets = [0, 0], sizes = [128, 64], strides = [1, 1]} : vector<128x256xf32> to vector<128x64xf32>
    %get3A_74 = arith.constant 0 : index
    %get3A_75 = arith.constant 0 : index
    %get3A_76 = vector.load %arg7[%get3A_74, %get3A_75] : memref<1x2500xi32, #tpu.memory_space<vmem>>, vector<1x2500xi32>
    %eq3A_77 = vector.broadcast %get3A_76 : vector<1x2500xi32> to vector<128x2500xi32>
    %eq3A_78 = arith.cmpi eq, %iota3A, %eq3A_77 : vector<128x2500xi32>
    %convert_element_type3A_79 = arith.extui %eq3A_78 : vector<128x2500xi1> to vector<128x2500xi32>
    %convert_element_type3A_80 = arith.sitofp %convert_element_type3A_79 : vector<128x2500xi32> to vector<128x2500xf32>
    %dot_general3A_81 = arith.constant dense<0.000000e+00> : vector<128x256xf32>
    %dot_general3A_82 = tpu.matmul %convert_element_type3A_80, %max3A_64, %dot_general3A_81 {dimension_numbers = #tpu.dot_dimension_numbers<[1], [0], [0], [1], [0, 0, 1, 1], [], []>, transpose_lhs_hint = false} : vector<128x2500xf32>, vector<2500x256xf32>, vector<128x256xf32> -> vector<128x256xf32>
    %slice3A_83 = vector.extract_strided_slice %dot_general3A_82 {offsets = [0, 64], sizes = [128, 64], strides = [1, 1]} : vector<128x256xf32> to vector<128x64xf32>
    %add3A_84 = arith.addf %slice3A_73, %slice3A_83 : vector<128x64xf32>
    %get3A_85 = arith.constant 0 : index
    %get3A_86 = arith.constant 0 : index
    %get3A_87 = vector.load %arg8[%get3A_85, %get3A_86] : memref<1x2500xi32, #tpu.memory_space<vmem>>, vector<1x2500xi32>
    %eq3A_88 = vector.broadcast %get3A_87 : vector<1x2500xi32> to vector<128x2500xi32>
    %eq3A_89 = arith.cmpi eq, %iota3A, %eq3A_88 : vector<128x2500xi32>
    %convert_element_type3A_90 = arith.extui %eq3A_89 : vector<128x2500xi1> to vector<128x2500xi32>
    %convert_element_type3A_91 = arith.sitofp %convert_element_type3A_90 : vector<128x2500xi32> to vector<128x2500xf32>
    %dot_general3A_92 = arith.constant dense<0.000000e+00> : vector<128x256xf32>
    %dot_general3A_93 = tpu.matmul %convert_element_type3A_91, %max3A_64, %dot_general3A_92 {dimension_numbers = #tpu.dot_dimension_numbers<[1], [0], [0], [1], [0, 0, 1, 1], [], []>, transpose_lhs_hint = false} : vector<128x2500xf32>, vector<2500x256xf32>, vector<128x256xf32> -> vector<128x256xf32>
    %slice3A_94 = vector.extract_strided_slice %dot_general3A_93 {offsets = [0, 128], sizes = [128, 64], strides = [1, 1]} : vector<128x256xf32> to vector<128x64xf32>
    %add3A_95 = arith.addf %add3A_84, %slice3A_94 : vector<128x64xf32>
    %get3A_96 = arith.constant 0 : index
    %get3A_97 = arith.constant 0 : index
    %get3A_98 = vector.load %arg9[%get3A_96, %get3A_97] : memref<1x2500xi32, #tpu.memory_space<vmem>>, vector<1x2500xi32>
    %eq3A_99 = vector.broadcast %get3A_98 : vector<1x2500xi32> to vector<128x2500xi32>
    %eq3A_100 = arith.cmpi eq, %iota3A, %eq3A_99 : vector<128x2500xi32>
    %convert_element_type3A_101 = arith.extui %eq3A_100 : vector<128x2500xi1> to vector<128x2500xi32>
    %convert_element_type3A_102 = arith.sitofp %convert_element_type3A_101 : vector<128x2500xi32> to vector<128x2500xf32>
    %dot_general3A_103 = arith.constant dense<0.000000e+00> : vector<128x256xf32>
    %dot_general3A_104 = tpu.matmul %convert_element_type3A_102, %max3A_64, %dot_general3A_103 {dimension_numbers = #tpu.dot_dimension_numbers<[1], [0], [0], [1], [0, 0, 1, 1], [], []>, transpose_lhs_hint = false} : vector<128x2500xf32>, vector<2500x256xf32>, vector<128x256xf32> -> vector<128x256xf32>
    %slice3A_105 = vector.extract_strided_slice %dot_general3A_104 {offsets = [0, 192], sizes = [128, 64], strides = [1, 1]} : vector<128x256xf32> to vector<128x64xf32>
    %add3A_106 = arith.addf %add3A_95, %slice3A_105 : vector<128x64xf32>
    %swap3A = arith.constant 0 : index
    %swap3A_107 = arith.constant 0 : index
    %swap3A_108 = vector.load %arg10[%swap3A, %swap3A_107] : memref<128x64xf32, #tpu.memory_space<vmem>>, vector<128x64xf32>
    tpu.vector_store %arg10[%swap3A, %swap3A_107], %add3A_106 {strides = array<i32>} : memref<128x64xf32, #tpu.memory_space<vmem>>, vector<128x64xf32>,
    return
  }
}

</mosaic_0001>

<sc_bundles>
// kernel: kernel.12.cloned.1.call-start
scs
__scs_entry_jumppad:
0x0: {  	(pc) =	sbr.rel $0x88, $3  }
0x1: {  	(tag) =	ssettag $0x0;
	lr =	simm.s32 $0x1  }
0x2: {  	[smem:$0x3F90] =	sst lr;
	_ =	strace $0xD0000000  }
0x3: {  	_ = 	snop  }
0x4: {  	_ = 	snop  }
0x5: {  	_ = 	snop  }
0x6: {  	_ = 	snop  }
0x7: {  	_ = 	snop  }
__scs_overlays_trampoline_lowered:
0x8: {  	[smem:$0x3F9F] =	sst s0  }
0x9: {  	[smem:$0x3FA0] =	sst s1  }
0xa: {  	[smem:$0x3FA1] =	sst s2  }
0xb: {  	[smem:$0x3FA2] =	sst s3  }
0xc: {  	[smem:$0x3FA3] =	sst s4  }
0xd: {  	[smem:$0x3FA4] =	sst s5  }
0xe: {  	[smem:$0x3FA5] =	sst s6  }
0xf: {  	[smem:$0x3FA6] =	sst s7  }
0x10: {  	[smem:$0x3FA7] =	sst s8  }
0x11: {  	[smem:$0x3FA8] =	sst s9;
	s0 =	simm.s32 @!p0 $0x0  }
0x12: {  	s1 =	sld [smem:$0x3F8E];
	s0 =	simm.s32 @p0 $0x1  }
0x13: {  	[smem:$0x3FA9] =	sst s0;
	s0 =	simm.s32 @!p1 $0x0  }
0x14: {  	s2 =	sld [smem:$0x3F8D];
	s0 =	simm.s32 @p1 $0x1  }
0x15: {  	[smem:$0x3FAA] =	sst s0;
	s0 =	simm.s32 @!p2 $0x0  }
0x16: {  	s3 =	sld [smem:$0x3FDB];
	s0 =	simm.s32 @p2 $0x1  }
0x17: {  	s4 =	simm.s32 $0x1BF5;
	[smem:$0x3FAC] =	sst s0  }
0x18: {  	s0 =	sld [smem:$0x3F8F];
	_ =	swait.ge [sflag:s4], $0x0  }
0x19: {  	s7 =	sld [smem:$0x3F90]  }
0x1a: {  	s8 =	sadd.s32 $0xFFFFE003, lr  }
0x1b: {  	s9 =	sadd.s32 $0xFFFFFEF7, lr;
	s5 =	simm.s32 $0xFFFFFFFF;
	p2 =	slt.u32 s8, $0xFFFFF086  }
0x1c: {  	p1 =	slt.u32 s9, $0xF7A;
	s5 =	simm.s32 @!p2 $0x0  }
0x1d: {  	s5 =	simm.s32 @p1 $0x1;
	p0 =	seq.s32 s7, s2  }
0x1e: {  	s7 =	smul.u32 @!p0 $0xF7A, s2;
	p2 =	seq.s32 @!p0 s5, $0x0  }
0x1f: {  	s9 =	smul.u32 $0xF7A, s1;
	s8 =	simm.s32 @!p0 $0x1BF5;
	p2 =	por !p2, p0  }
0x20: {  	[sflag:s8] =	ssyncset.s32 @!p0 $0xFFFFF086;
	s6 =	sadd.s32 @!p0 s3, s7;
	s7 =	simm.s32 @!p0 $0x108  }
0x21: {  	s3 =	sadd.s32 s3, s9;
	s6 =	sadd.s32 @!p0 $0x88, s6;
	s7 =	simm.s32 @p2 $0x1082  }
0x22: {  	[simem:s7], [sflag:s8] =	dma.local @!p0 [hbm:s6], $0xF7A  }
0x23: {  	s9 =	sor.u32 $0xD0000000, s2;
	s6 =	simm.s32 $0x108;
	_ =	swait.ge @!p0 [sflag:s8], $0x0  }
0x24: {  	s3 =	sadd.s32 $0x88, s3;
	s6 =	simm.s32 @!p1 $0x1082;
	[sflag:s4] =	ssyncset.s32 $0xFFFFF086  }
0x25: {  	[simem:s6], [sflag:s4] =	dma.local [hbm:s3], $0xF7A  }
0x26: {  	[smem:$0x3F90] =	sst s1;
	(tag) =	ssettag s2;
	_ =	strace s9  }
0x27: {  	s1 =	sld [smem:$0x3FA0]  }
0x28: {  	s2 =	sld [smem:$0x3FA1]  }
0x29: {  	s4 =	sld [smem:$0x3FA3]  }
0x2a: {  	p0 =	seq.s32 s5, $0x0;
	s5 =	sld [smem:$0x3FA4]  }
0x2b: {  	s6 =	sld [smem:$0x3FA5]  }
0x2c: {  	s7 =	sld [smem:$0x3FA6]  }
0x2d: {  	s3 =	simm.s32 $0x108;
	s8 =	sld [smem:$0x3FA7]  }
0x2e: {  	s3 =	simm.s32 @!p0 $0x1082;
	s9 =	sld [smem:$0x3FA8]  }
0x2f: {  	lr =	sadd.s32 s0, s3;
	s0 =	sld [smem:$0x3F9F]  }
0x30: {  	s3 =	sld [smem:$0x3FA2]  }
0x31: {  	[smem:$0x3FAB] =	sst s10  }
0x32: {  	s10 =	sld [smem:$0x3FA9];
	_ =	sdelay $0x3  }
0x33: {  	p0 =	seq.s32 s10, $0x1;
	s10 =	sld [smem:$0x3FAB];
	_ =	sdelay $0x3  }
0x34: {  	[smem:$0x3FAB] =	sst s10  }
0x35: {  	s10 =	sld [smem:$0x3FAA];
	_ =	sdelay $0x3  }
0x36: {  	p1 =	seq.s32 s10, $0x1;
	s10 =	sld [smem:$0x3FAB];
	_ =	sdelay $0x3  }
0x37: {  	[smem:$0x3FAB] =	sst s10  }
0x38: {  	s10 =	sld [smem:$0x3FAC]  }
0x39: {  	_ = 	snop;
	(pc) =	sbr.ind lr, $3  }
0x3a: {  	_ = 	snop  }
0x3b: {  	_ = 	snop  }
0x3c: {  	p2 =	seq.s32 s10, $0x1;
	s10 =	sld [smem:$0x3FAB]  }
0x3d: {  	_ =	shalt  }
0x3e: {  	_ =	shalt  }
0x3f: {  	_ =	shalt  }
0x40: {  	_ =	shalt  }
0x41: {  	_ =	shalt  }
0x42: {  	_ =	shalt  }
0x43: {  	_ =	shalt  }
0x44: {  	_ =	shalt  }
0x45: {  	_ =	shalt  }
0x46: {  	_ =	shalt  }
0x47: {  	_ =	shalt  }
0x48: {  	_ =	shalt  }
0x49: {  	_ =	shalt  }
0x4a: {  	_ =	shalt  }
0x4b: {  	_ =	shalt  }
0x4c: {  	_ =	shalt  }
0x4d: {  	_ =	shalt  }
0x4e: {  	_ =	shalt  }
0x4f: {  	_ =	shalt  }
0x50: {  	_ =	shalt  }
0x51: {  	_ =	shalt  }
0x52: {  	_ =	shalt  }
0x53: {  	_ =	shalt  }
0x54: {  	_ =	shalt  }
0x55: {  	_ =	shalt  }
0x56: {  	_ =	shalt  }
0x57: {  	_ =	shalt  }
0x58: {  	_ =	shalt  }
0x59: {  	_ =	shalt  }
0x5a: {  	_ =	shalt  }
0x5b: {  	_ =	shalt  }
0x5c: {  	_ =	shalt  }
0x5d: {  	_ =	shalt  }
0x5e: {  	_ =	shalt  }
0x5f: {  	_ =	shalt  }
0x60: {  	_ =	shalt  }
0x61: {  	_ =	shalt  }
0x62: {  	_ =	shalt  }
0x63: {  	_ =	shalt  }
0x64: {  	_ =	shalt  }
0x65: {  	_ =	shalt  }
0x66: {  	_ =	shalt  }
0x67: {  	_ =	shalt  }
0x68: {  	_ =	shalt  }
0x69: {  	_ =	shalt  }
0x6a: {  	_ =	shalt  }
0x6b: {  	_ =	shalt  }
0x6c: {  	_ =	shalt  }
0x6d: {  	_ =	shalt  }
0x6e: {  	_ =	shalt  }
0x6f: {  	_ =	shalt  }
0x70: {  	_ =	shalt  }
0x71: {  	_ =	shalt  }
0x72: {  	_ =	shalt  }
0x73: {  	_ =	shalt  }
0x74: {  	_ =	shalt  }
0x75: {  	_ =	shalt  }
0x76: {  	_ =	shalt  }
0x77: {  	_ =	shalt  }
0x78: {  	_ =	shalt  }
0x79: {  	_ =	shalt  }
0x7a: {  	_ =	shalt  }
0x7b: {  	_ =	shalt  }
0x7c: {  	_ =	shalt  }
0x7d: {  	_ =	shalt  }
0x7e: {  	_ =	shalt  }
0x7f: {  	_ =	shalt  }
0x80: {  	_ =	shalt  }
0x81: {  	_ =	shalt  }
0x82: {  	_ =	shalt  }
0x83: {  	_ =	shalt  }
0x84: {  	_ =	shalt  }
0x85: {  	_ =	shalt  }
0x86: {  	_ =	shalt  }
0x87: {  	_ =	shalt  }
.Lfunc_end0:
.L_simem_size_0:
called_computation.1_lowered:
.L_overlay_start_0:
0x88: {  	s2 =	sld [smem:$0x3FD9]  }
0x89: {  	s3 =	sld [smem:$0x3FFE];
	_ =	sdelay $0x1  }
0x8a: {  	s1 =	srdreg.scid  }
0x8b: {  	s0 =	sand.u32 $0x1, s1  }
0x8c: {  	s16 =	sshll.u32 s0, $0xA;
	s2 =	sadd.s32 s3, s2  }
0x8d: {  	s2 =	sadd.s32 s2, s16  }
0x8e: {  	[smem:$0x3FB7] =	sst s2  }
0x8f: {  	_ = 	snop  }
0x90: {  	(tm) =	ssettm $0x1  }
0x91: {  	s17 =	sld [smem:$0x3FFB];
	_ =	sdelay $0x3  }
0x92: {  	_ =	strace s17  }
0x93: {  	s2 =	sld [smem:$0x3FFC];
	_ =	sdelay $0x3  }
0x94: {  	_ =	strace s2  }
0x95: {  	s2 =	sld [smem:$0x3FFD];
	_ =	sdelay $0x3  }
0x96: {  	_ =	strace s2  }
0x97: {  	_ =	strace $0x8FFFFFFF  }
0x98: {  	s18 =	sld [smem:$0x3FDB];
	_ =	sdelay $0x1  }
0x99: {  	s19 =	simm.s32 $_scs_section_size  }
0x9a: {  	s4 =	simm.s32 $_size__tile_overlayer_lowered;
	s5 =	simm.s32 $_tile_overlayer_lowered  }
0x9b: {  	s22 =	simm.s32 $0x1BFF;
	s21 =	sshll.u32 s5, $0x1;
	s2 =	sadd.s32 s19, s18  }
0x9c: {  	s6 =	simm.s32 $0x0;
	s20 =	sshll.u32 s4, $0x1;
	s4 =	sadd.s32 s21, s2  }
0x9d: {  	[timem:s6], [sflag:s22] =	dma.local [hbm:s4], s20  }
0x9e: {  	_ =	swait.ge [sflag:s22], s20  }
0x9f: {  	s3 =	ssub.s32 $0x0, s20;
	[sflag:s22] =	ssyncset.done $0x0  }
0xa0: {  	[sflag:s22] =	ssyncadd.s32 s3;
	_ =	sdelay $0x1  }
0xa1: {  	s23 =	simm.s32 $0x1B8B  }
0xa2: {  	_ =	swait.ge [sflag:s23], $0x1  }
0xa3: {  	[sflag:s23] =	ssyncset.done $0x0  }
0xa4: {  	s25 =	simm.s32 $0x1B8E;
	s24 =	sld [smem:$0x3FFE];
	[sflag:s23] =	ssyncadd.s32 $0xFFFFFFFF  }
0xa5: {  	s26 =	simm.s32 $execute0_lowered;
	[smem:$0x3FD2] =	sst s25  }
0xa6: {  	s4 =	sshll.u32 s26, $0x1;
	_ =	strace $0x80000049;
	[dreg:$0x1] =	wrdreg $0xFFFFFFFF  }
0xa7: {  	s28 =	simm.s32 $_size_execute0_lowered;
	s2 =	sadd.s32 s2, s4;
	[dreg:$0x0] =	wrdreg $0x0  }
0xa8: {  	s4 =	sshll.u32 s28, $0x1;
	[dreg:$0x2] =	wrdreg s2  }
0xa9: {  	[dreg:$0x3] =	wrdreg s4  }
0xaa: {  	[dreg:$0x4] =	wrdreg $0xC0  }
0xab: {  	_ =	task [dreg:s6], $0x5FFFF  }
0xac: {  	[dreg:$0x1] =	wrdreg $0xFFFFFFFF  }
0xad: {  	[dreg:$0x0] =	wrdreg $0x60  }
0xae: {  	[dreg:$0x2] =	wrdreg s24  }
0xaf: {  	[dreg:$0x3] =	wrdreg $0xA0000  }
0xb0: {  	[dreg:$0x4] =	wrdreg $0x9  }
0xb1: {  	_ =	task.clear_ibuf [dreg:s6], $0x5FFFF;
	_ =	strace $0x90000049  }
0xb2: {  	s29 =	simm.s32 $0x9;
	_ =	strace $0x8000004B  }
0xb3: {  	_ =	swait.ge [sflag:s29], $0x1  }
0xb4: {  	[sflag:s29] =	ssyncadd.s32 $0xFFFFFFFF  }
0xb5: {  	_ =	strace $0x9000004B  }
0xb6: {  	_ =	sfence  }
0xb7: {  	s30 =	sld [smem:$0x0];
	_ =	sdelay $0x2  }
0xb8: {  	s31 =	sshll.u32 s1, $0xD;
	s1 =	sshrl.u32 s1, $0x2  }
0xb9: {  	s3 =	sand.u32 $0x4000, s31;
	s1 =	sadd.s32 s1, s30  }
0xba: {  	s0 =	sor.u32 s3, s0;
	s1 =	sshll.u32 s1, $0x11  }
0xbb: {  	s0 =	sor.u32 s1, s0  }
0xbc: {  	s0 =	sadd.s32 $0x8F2B, s0  }
0xbd: {  	[sflag:s0] =	ssyncadd.remote.s32 $0x1  }
0xbe: {  	_ =	sfence.sel $0xFFFF  }
0xbf: {  	[dreg:$0x0] =	wrdreg $0xFFFFFFFF;
	(pc) =	sbr.abs _section_cstart, $3  }
0xc0: {  	[dreg:$0x1] =	wrdreg $0xFFFFFFFF  }
0xc1: {  	_ =	task.clear_ibuf [dreg:s6], $0x2FFFF;
	_ =	strace $0x9FFFFFFF  }
0xc2: {  	(tm) =	ssettm $0x7FFFFFFF  }
0xc3: {  	_ =	shalt  }
tec
execute0_lowered:
.L_overlay_start_1:
0x0: {  	(tag) =	ssettag $0x1  }
0x1: {  	s0 =	srdreg.scid;
	s5 =	rddreg [dreg:$0x0]  }
0x2: {  	s10 =	stileid.u32;
	s2 =	rddreg [dreg:$0x1]  }
0x3: {  	s3 =	simm.s32 $0x0;
	s14 =	simm.s32 $0x80;
	s15 =	simm.s32 $0x5000  }
0x4: {  	s16 =	simm.s32 $0x6000;
	s18 =	simm.s32 $0x7000;
	s20 =	simm.s32 $0x8000  }
0x5: {  	s22 =	simm.s32 $0x9000;
	s28 =	simm.s32 $0x5;
	s29 =	simm.s32 $0x4D80  }
0x6: {  	s30 =	simm.s32 $0x4E00;
	s31 =	simm.s32 $0x4E80;
	s11 =	simm.s32 $0x0  }
0x7: {  	s0 =	sand.u32 $0x1, s0;
	s1 =	sshll.u32 s10, $0x1;
	s6 =	smul.u32 $0xA000, s10  }
0x8: {  	[smem:$0x7FF] =	sst s3;
	s4 =	sadd.s32 $0x7C00, s5;
	s26 =	sshll.u32 s10, $0x6  }
0x9: {  	s10 =	simm.s32 $0x6;
	s1 =	sor.u32 s0, s1;
	s7 =	smul.u32 $0xA0000, s0  }
0xa: {  	_ =	strace $0x8000004A;
	s0 =	ssub.s32 $0x2, s0;
	s12 =	sor.u32 $0x1C06, s26  }
0xb: {  	s26 =	simm.s32 $0x4;
	s1 =	smul.u32 $0x2800, s1;
	s8 =	sshrl.u32 s6, $0x4  }
0xc: {  	s23 =	sshrl.u32 s0, $0x1;
	s24 =	sshrl.u32 s6, $0x1;
	s7 =	sadd.s32 s6, s7  }
0xd: {  	s8 =	sadd.s32 s8, s5;
	s0 =	ssub.s32 s0, s23;
	s25 =	sadd.s32 s24, s2  }
0xe: {  	s23 =	simm.s32 $0x1;
	s24 =	simm.s32 $0x2;
	s1 =	sshrl.u32 s1, $0x3  }
0xf: {  	s7 =	sshrl.u32 s7, $0x4;
	s13 =	sshrl.u32 s25, $0x3;
	s25 =	simm.s32 $0x3  }
0x10: {  	s1 =	sadd.s32 s1, s5;
	s9 =	sadd.s32 s7, s5;
	s7 =	sadd.s32 $0x39400, s8  }
0x11: {  	s5 =	sadd.s32 $0x25400, s1;
	s6 =	sadd.s32 $0x2F400, s1;
	s8 =	sadd.s32 $0x5E800, s9  }
0x12: {  	s9 =	smax.u32 s0, $0x1;
	s1 =	simm.s32 $0x4F00;
	s0 =	simm.s32 $0x4F80  }
.LBB2_1:
0x13: {  	[tilespmem:s3], [sflag:$0x6] =	stream.linear.gather [hbm4b:s5+s3], $0x2800, $0x38;
	[tilespmem:$0xF000] =	vst v63  }
0x14: {  	_ =	swait.ge [sflag:s10], $0x2800  }
0x15: {  	[sflag:s10] =	ssyncset.done $0x0  }
0x16: {  	s17 =	simm.s32 $0x2800;
	[sflag:s10] =	ssyncadd.s32 $0xFFFFD800  }
0x17: {  	[tilespmem:s17], [sflag:$0x6] =	stream.linear.gather [hbm4b:s6+s3], $0x2800, $0x38;
	[tilespmem:$0xF000] =	vst v63  }
0x18: {  	_ =	swait.ge [sflag:s10], $0x2800  }
0x19: {  	[sflag:s10] =	ssyncset.done $0x0  }
0x1a: {  	[sflag:s10] =	ssyncadd.s32 $0xFFFFD800  }
0x1b: {  	[spmem:s13], [sflag:s12] =	dma.local [hbm:s7], $0xA00  }
0x1c: {  	_ =	swait.ge [sflag:s10], $0xA00  }
0x1d: {  	[sflag:s10] =	ssyncset.done $0x0  }
0x1e: {  	[sflag:s10] =	ssyncadd.s32 $0xFFFFF600  }
0x1f: {  	[bflag:$0x0] =	sbarrier.arrive $0xFFFF  }
0x20: {  	[tilespmem:s15], [sflag:$0x1] =	stream.indirect.gather [hbm4b:s4+s14], $0x20, s3, s14, $0xb8;
	[tilespmem:$0xF000] =	vst v63  }
0x21: {  	_ = 	snop  }
0x22: {  	[tilespmem:s16], [sflag:$0x2] =	stream.indirect.gather [hbm4b:s4+s14], $0x20, s14, s14, $0xb8;
	[tilespmem:$0xF000] =	vst v63  }
0x23: {  	s19 =	simm.s32 $0x100  }
0x24: {  	[tilespmem:s18], [sflag:$0x3] =	stream.indirect.gather [hbm4b:s4+s14], $0x20, s19, s14, $0xb8;
	[tilespmem:$0xF000] =	vst v63  }
0x25: {  	s21 =	simm.s32 $0x180  }
0x26: {  	[tilespmem:s20], [sflag:$0x4] =	stream.indirect.gather [hbm4b:s4+s14], $0x20, s21, s14, $0xb8;
	[tilespmem:$0xF000] =	vst v63  }
0x27: {  	s19 =	simm.s32 $0x200  }
0x28: {  	[tilespmem:s22], [sflag:$0x5] =	stream.indirect.gather [hbm4b:s4+s14], $0x20, s19, s14, $0xb8;
	[tilespmem:$0xF000] =	vst v63  }
0x29: {  	_ =	swait.ge [sflag:s23], $0x1000  }
0x2a: {  	[sflag:s23] =	ssyncset.done $0x0  }
0x2b: {  	s21 =	simm.s32 $0x2800;
	[sflag:s23] =	ssyncadd.s32 $0xFFFFF000  }
0x2c: {  	[spmem:s2] =	stream.indirect.scatter.add.bf16 [tilespmem:s15], [sflag:$0x6], $0x20, s21, s14, $0xb8;
	[tilespmem:$0xF000] =	vst v63  }
0x2d: {  	_ =	swait.ge [sflag:s10], $0x1000  }
0x2e: {  	[sflag:s10] =	ssyncset.done $0x0  }
0x2f: {  	s19 =	simm.s32 $0x280;
	[sflag:s10] =	ssyncadd.s32 $0xFFFFF000  }
0x30: {  	[tilespmem:s15], [sflag:$0x1] =	stream.indirect.gather [hbm4b:s4+s14], $0x20, s19, s14, $0xb8;
	[tilespmem:$0xF000] =	vst v63  }
0x31: {  	_ =	swait.ge [sflag:s24], $0x1000  }
0x32: {  	[sflag:s24] =	ssyncset.done $0x0  }
0x33: {  	s21 =	simm.s32 $0x2880;
	[sflag:s24] =	ssyncadd.s32 $0xFFFFF000  }
0x34: {  	[spmem:s2] =	stream.indirect.scatter.add.bf16 [tilespmem:s16], [sflag:$0x6], $0x20, s21, s14, $0xb8;
	[tilespmem:$0xF000] =	vst v63  }
0x35: {  	_ =	swait.ge [sflag:s10], $0x1000  }
0x36: {  	[sflag:s10] =	ssyncset.done $0x0  }
0x37: {  	s19 =	simm.s32 $0x300;
	[sflag:s10] =	ssyncadd.s32 $0xFFFFF000  }
0x38: {  	[tilespmem:s16], [sflag:$0x2] =	stream.indirect.gather [hbm4b:s4+s14], $0x20, s19, s14, $0xb8;
	[tilespmem:$0xF000] =	vst v63  }
0x39: {  	_ =	swait.ge [sflag:s25], $0x1000  }
0x3a: {  	[sflag:s25] =	ssyncset.done $0x0  }
0x3b: {  	s21 =	simm.s32 $0x2900;
	[sflag:s25] =	ssyncadd.s32 $0xFFFFF000  }
0x3c: {  	[spmem:s2] =	stream.indirect.scatter.add.bf16 [tilespmem:s18], [sflag:$0x6], $0x20, s21, s14, $0xb8;
	[tilespmem:$0xF000] =	vst v63  }
0x3d: {  	_ =	swait.ge [sflag:s10], $0x1000  }
0x3e: {  	[sflag:s10] =	ssyncset.done $0x0  }
0x3f: {  	s19 =	simm.s32 $0x380;
	[sflag:s10] =	ssyncadd.s32 $0xFFFFF000  }
0x40: {  	[tilespmem:s18], [sflag:$0x3] =	stream.indirect.gather [hbm4b:s4+s14], $0x20, s19, s14, $0xb8;
	[tilespmem:$0xF000] =	vst v63  }
0x41: {  	_ =	swait.ge [sflag:s26], $0x1000  }
0x42: {  	[sflag:s26] =	ssyncset.done $0x0  }
0x43: {  	s21 =	simm.s32 $0x2980;
	[sflag:s26] =	ssyncadd.s32 $0xFFFFF000  }
0x44: {  	[spmem:s2] =	stream.indirect.scatter.add.bf16 [tilespmem:s20], [sflag:$0x6], $0x20, s21, s14, $0xb8;
	[tilespmem:$0xF000] =	vst v63  }
0x45: {  	_ =	swait.ge [sflag:s10], $0x1000  }
0x46: {  	[sflag:s10] =	ssyncset.done $0x0  }
0x47: {  	s19 =	simm.s32 $0x400;
	[sflag:s10] =	ssyncadd.s32 $0xFFFFF000  }
0x48: {  	[tilespmem:s20], [sflag:$0x4] =	stream.indirect.gather [hbm4b:s4+s14], $0x20, s19, s14, $0xb8;
	[tilespmem:$0xF000] =	vst v63  }
0x49: {  	_ =	swait.ge [sflag:s28], $0x1000  }
0x4a: {  	[sflag:s28] =	ssyncset.done $0x0  }
0x4b: {  	s21 =	simm.s32 $0x2A00;
	[sflag:s28] =	ssyncadd.s32 $0xFFFFF000  }
0x4c: {  	[spmem:s2] =	stream.indirect.scatter.add.bf16 [tilespmem:s22], [sflag:$0x6], $0x20, s21, s14, $0xb8;
	[tilespmem:$0xF000] =	vst v63  }
0x4d: {  	_ =	swait.ge [sflag:s10], $0x1000  }
0x4e: {  	[sflag:s10] =	ssyncset.done $0x0  }
0x4f: {  	s17 =	simm.s32 $0xA00;
	s19 =	simm.s32 $0x480;
	[sflag:s10] =	ssyncadd.s32 $0xFFFFF000  }
.LBB2_2:
0x50: {  	[tilespmem:s22], [sflag:$0x5] =	stream.indirect.gather [hbm4b:s4+s14], $0x20, s19, s14, $0xb8;
	[tilespmem:$0xF000] =	vst v63  }
0x51: {  	s19 =	smov.u32 s17  }
0x52: {  	p0 =	sne.s32 s17, $0x8C00;
	s17 =	sadd.s32 $0xA00, s17;
	_ =	swait.ge [sflag:s23], $0x1000  }
0x53: {  	s19 =	sshra.s32 s19, $0x2;
	[sflag:s23] =	ssyncset.done $0x0  }
0x54: {  	s21 =	sadd.s32 $0x2800, s19;
	[sflag:s23] =	ssyncadd.s32 $0xFFFFF000  }
0x55: {  	[spmem:s2] =	stream.indirect.scatter.add.bf16 [tilespmem:s15], [sflag:$0x6], $0x20, s21, s14, $0xb8;
	[tilespmem:$0xF000] =	vst v63  }
0x56: {  	_ =	swait.ge [sflag:s10], $0x1000  }
0x57: {  	[sflag:s10] =	ssyncset.done $0x0  }
0x58: {  	s21 =	sadd.s32 $0x280, s19;
	[sflag:s10] =	ssyncadd.s32 $0xFFFFF000  }
0x59: {  	[tilespmem:s15], [sflag:$0x1] =	stream.indirect.gather [hbm4b:s4+s14], $0x20, s21, s14, $0xb8;
	[tilespmem:$0xF000] =	vst v63  }
0x5a: {  	_ =	swait.ge [sflag:s24], $0x1000  }
0x5b: {  	[sflag:s24] =	ssyncset.done $0x0  }
0x5c: {  	s21 =	sadd.s32 $0x2880, s19;
	[sflag:s24] =	ssyncadd.s32 $0xFFFFF000  }
0x5d: {  	[spmem:s2] =	stream.indirect.scatter.add.bf16 [tilespmem:s16], [sflag:$0x6], $0x20, s21, s14, $0xb8;
	[tilespmem:$0xF000] =	vst v63  }
0x5e: {  	_ =	swait.ge [sflag:s10], $0x1000  }
0x5f: {  	[sflag:s10] =	ssyncset.done $0x0  }
0x60: {  	s21 =	sadd.s32 $0x300, s19;
	[sflag:s10] =	ssyncadd.s32 $0xFFFFF000  }
0x61: {  	[tilespmem:s16], [sflag:$0x2] =	stream.indirect.gather [hbm4b:s4+s14], $0x20, s21, s14, $0xb8;
	[tilespmem:$0xF000] =	vst v63  }
0x62: {  	_ =	swait.ge [sflag:s25], $0x1000  }
0x63: {  	[sflag:s25] =	ssyncset.done $0x0  }
0x64: {  	s21 =	sadd.s32 $0x2900, s19;
	[sflag:s25] =	ssyncadd.s32 $0xFFFFF000  }
0x65: {  	[spmem:s2] =	stream.indirect.scatter.add.bf16 [tilespmem:s18], [sflag:$0x6], $0x20, s21, s14, $0xb8;
	[tilespmem:$0xF000] =	vst v63  }
0x66: {  	_ =	swait.ge [sflag:s10], $0x1000  }
0x67: {  	[sflag:s10] =	ssyncset.done $0x0  }
0x68: {  	s21 =	sadd.s32 $0x380, s19;
	[sflag:s10] =	ssyncadd.s32 $0xFFFFF000  }
0x69: {  	[tilespmem:s18], [sflag:$0x3] =	stream.indirect.gather [hbm4b:s4+s14], $0x20, s21, s14, $0xb8;
	[tilespmem:$0xF000] =	vst v63  }
0x6a: {  	_ =	swait.ge [sflag:s26], $0x1000  }
0x6b: {  	[sflag:s26] =	ssyncset.done $0x0  }
0x6c: {  	s21 =	sadd.s32 $0x2980, s19;
	[sflag:s26] =	ssyncadd.s32 $0xFFFFF000  }
0x6d: {  	[spmem:s2] =	stream.indirect.scatter.add.bf16 [tilespmem:s20], [sflag:$0x6], $0x20, s21, s14, $0xb8;
	[tilespmem:$0xF000] =	vst v63  }
0x6e: {  	_ =	swait.ge [sflag:s10], $0x1000  }
0x6f: {  	[sflag:s10] =	ssyncset.done $0x0  }
0x70: {  	s21 =	sadd.s32 $0x400, s19;
	[sflag:s10] =	ssyncadd.s32 $0xFFFFF000  }
0x71: {  	[tilespmem:s20], [sflag:$0x4] =	stream.indirect.gather [hbm4b:s4+s14], $0x20, s21, s14, $0xb8;
	[tilespmem:$0xF000] =	vst v63  }
0x72: {  	_ =	swait.ge [sflag:s28], $0x1000  }
0x73: {  	[sflag:s28] =	ssyncset.done $0x0  }
.Ltmp0:
0x74: {  	s21 =	sadd.s32 $0x2A00, s19;
	[sflag:s28] =	ssyncadd.s32 $0xFFFFF000;
	(pc) =	sbr.rel @p0 .LBB2_2-.Ltmp0, $4  }
0x75: {  	[spmem:s2] =	stream.indirect.scatter.add.bf16 [tilespmem:s22], [sflag:$0x6], $0x20, s21, s14, $0xb8;
	[tilespmem:$0xF000] =	vst v63  }
0x76: {  	_ =	swait.ge [sflag:s10], $0x1000  }
0x77: {  	[sflag:s10] =	ssyncset.done $0x0  }
0x78: {  	s19 =	sadd.s32 $0x480, s19;
	[sflag:s10] =	ssyncadd.s32 $0xFFFFF000  }
0x79: {  	[tilespmem:s22], [sflag:$0x5] =	stream.indirect.gather [hbm4b:s4+s14], $0x20, s19, s14, $0xb8;
	[tilespmem:$0xF000] =	vst v63  }
0x7a: {  	_ =	swait.ge [sflag:s23], $0x1000  }
0x7b: {  	[sflag:s23] =	ssyncset.done $0x0  }
0x7c: {  	[sflag:s23] =	ssyncadd.s32 $0xFFFFF000  }
0x7d: {  	[spmem:s2] =	stream.indirect.scatter.add.bf16 [tilespmem:s15], [sflag:$0x6], $0x20, s29, s14, $0xb8;
	[tilespmem:$0xF000] =	vst v63  }
0x7e: {  	_ =	swait.ge [sflag:s10], $0x1000  }
0x7f: {  	[sflag:s10] =	ssyncset.done $0x0  }
0x80: {  	[sflag:s10] =	ssyncadd.s32 $0xFFFFF000  }
0x81: {  	_ =	swait.ge [sflag:s24], $0x1000  }
0x82: {  	[sflag:s24] =	ssyncset.done $0x0  }
0x83: {  	[sflag:s24] =	ssyncadd.s32 $0xFFFFF000  }
0x84: {  	[spmem:s2] =	stream.indirect.scatter.add.bf16 [tilespmem:s16], [sflag:$0x6], $0x20, s30, s14, $0xb8;
	[tilespmem:$0xF000] =	vst v63  }
0x85: {  	_ =	swait.ge [sflag:s10], $0x1000  }
0x86: {  	[sflag:s10] =	ssyncset.done $0x0  }
0x87: {  	[sflag:s10] =	ssyncadd.s32 $0xFFFFF000  }
0x88: {  	_ =	swait.ge [sflag:s25], $0x1000  }
0x89: {  	[sflag:s25] =	ssyncset.done $0x0  }
0x8a: {  	[sflag:s25] =	ssyncadd.s32 $0xFFFFF000  }
0x8b: {  	[spmem:s2] =	stream.indirect.scatter.add.bf16 [tilespmem:s18], [sflag:$0x6], $0x20, s31, s14, $0xb8;
	[tilespmem:$0xF000] =	vst v63  }
0x8c: {  	_ =	swait.ge [sflag:s10], $0x1000  }
0x8d: {  	[sflag:s10] =	ssyncset.done $0x0  }
0x8e: {  	[sflag:s10] =	ssyncadd.s32 $0xFFFFF000  }
0x8f: {  	_ =	swait.ge [sflag:s26], $0x1000  }
0x90: {  	[sflag:s26] =	ssyncset.done $0x0  }
0x91: {  	[sflag:s26] =	ssyncadd.s32 $0xFFFFF000  }
0x92: {  	[spmem:s2] =	stream.indirect.scatter.add.bf16 [tilespmem:s20], [sflag:$0x6], $0x20, s1, s14, $0xb8;
	[tilespmem:$0xF000] =	vst v63  }
0x93: {  	_ =	swait.ge [sflag:s10], $0x1000  }
0x94: {  	[sflag:s10] =	ssyncset.done $0x0  }
0x95: {  	[sflag:s10] =	ssyncadd.s32 $0xFFFFF000  }
0x96: {  	_ =	swait.ge [sflag:s28], $0x1000  }
0x97: {  	[sflag:s28] =	ssyncset.done $0x0  }
0x98: {  	[sflag:s28] =	ssyncadd.s32 $0xFFFFF000  }
0x99: {  	[spmem:s2] =	stream.indirect.scatter.add.bf16 [tilespmem:s22], [sflag:$0x6], $0x20, s0, s14, $0xb8;
	[tilespmem:$0xF000] =	vst v63  }
0x9a: {  	_ =	swait.ge [sflag:s10], $0x1000  }
0x9b: {  	s11 =	sadd.s32 $0x1, s11;
	[sflag:s10] =	ssyncset.done $0x0  }
0x9c: {  	p0 =	sne.s32 s11, s9;
	[sflag:s10] =	ssyncadd.s32 $0xFFFFF000  }
.Ltmp1:
0x9d: {  	[bflag:$0x0] =	sbarrier.arrive $0xFFFF;
	(pc) =	sbr.rel @p0 .LBB2_1-.Ltmp1, $4  }
0x9e: {  	[hbm:s8], [sflag:s12] =	dma.local [spmem:s13], $0xA00  }
0x9f: {  	_ =	swait.ge [sflag:s10], $0xA00  }
0xa0: {  	[sflag:s10] =	ssyncset.done $0x0  }
0xa1: {  	[sflag:s10] =	ssyncadd.s32 $0xFFFFF600  }
0xa2: {  	_ =	sfence.sel $0x180000  }
0xa3: {  	[bflag:$0x0] =	sbarrier.arrive $0xFFFF  }
0xa4: {  	_ =	strace $0x9000004A  }
0xa5: {  	s0 =	stileid.u32;
	[bflag:$0x2] =	sbarrier.arrive $0xFFFF  }
0xa6: {  	p0 =	sne.s32 s0, $0x0;
	s0 =	rddreg [dreg:$0x2]  }
0xa7: {  	s0 =	sadd.s32 @!p0 $0x100000, s0  }
0xa8: {  	[sflag:s0] =	ssyncadd.tile.s32 @!p0 $0x1;
	_ =	shalt  }
.Lfunc_end2:
_tile_overlayer_lowered:
.L_overlay_start_2:
0xa9: {  	(tag) =	ssettag $0x2  }
0xaa: {  	s0 =	rddreg [dreg:$0x0];
	s2 =	stileid.u32  }
0xab: {  	s1 =	rddreg [dreg:$0x1];
	p0 =	sne.s32 s2, $0x0  }
0xac: {  	s3 =	rddreg [dreg:$0x2];
	[bflag:$0x3] =	sbarrier.arrive $0xFFFF;
	s2 =	simm.s32 @!p0 $0x1C06  }
0xad: {  	[timem:s3], [sflag:s2] =	dma.local @!p0 [hbm:s0], s1  }
0xae: {  	s0 =	simm.s32 @!p0 $0x6  }
0xaf: {  	_ =	swait.ge @!p0 [sflag:s0], s1  }
0xb0: {  	s1 =	ssub.s32 @!p0 $0x0, s1;
	[sflag:s0] =	ssyncset.done @!p0 $0x0  }
0xb1: {  	[sflag:s0] =	ssyncadd.s32 @!p0 s1  }
0xb2: {  	[bflag:$0x3] =	sbarrier.arrive $0xFFFF  }
0xb3: {  	_ =	shalt  }

// kernel: kernel.15.cloned.1.call-start
scs
__scs_entry_jumppad:
0x0: {  	(pc) =	sbr.rel $0x88, $3  }
0x1: {  	(tag) =	ssettag $0x0;
	lr =	simm.s32 $0x1  }
0x2: {  	[smem:$0x3F90] =	sst lr;
	_ =	strace $0xD0000000  }
0x3: {  	_ = 	snop  }
0x4: {  	_ = 	snop  }
0x5: {  	_ = 	snop  }
0x6: {  	_ = 	snop  }
0x7: {  	_ = 	snop  }
__scs_overlays_trampoline_lowered:
0x8: {  	[smem:$0x3F9F] =	sst s0  }
0x9: {  	[smem:$0x3FA0] =	sst s1  }
0xa: {  	[smem:$0x3FA1] =	sst s2  }
0xb: {  	[smem:$0x3FA2] =	sst s3  }
0xc: {  	[smem:$0x3FA3] =	sst s4  }
0xd: {  	[smem:$0x3FA4] =	sst s5  }
0xe: {  	[smem:$0x3FA5] =	sst s6  }
0xf: {  	[smem:$0x3FA6] =	sst s7  }
0x10: {  	[smem:$0x3FA7] =	sst s8  }
0x11: {  	[smem:$0x3FA8] =	sst s9;
	s0 =	simm.s32 @!p0 $0x0  }
0x12: {  	s1 =	sld [smem:$0x3F8E];
	s0 =	simm.s32 @p0 $0x1  }
0x13: {  	[smem:$0x3FA9] =	sst s0;
	s0 =	simm.s32 @!p1 $0x0  }
0x14: {  	s2 =	sld [smem:$0x3F8D];
	s0 =	simm.s32 @p1 $0x1  }
0x15: {  	[smem:$0x3FAA] =	sst s0;
	s0 =	simm.s32 @!p2 $0x0  }
0x16: {  	s3 =	sld [smem:$0x3FDB];
	s0 =	simm.s32 @p2 $0x1  }
0x17: {  	s4 =	simm.s32 $0x1BF5;
	[smem:$0x3FAC] =	sst s0  }
0x18: {  	s0 =	sld [smem:$0x3F8F];
	_ =	swait.ge [sflag:s4], $0x0  }
0x19: {  	s7 =	sld [smem:$0x3F90]  }
0x1a: {  	s8 =	sadd.s32 $0xFFFFE003, lr  }
0x1b: {  	s9 =	sadd.s32 $0xFFFFFEF7, lr;
	s5 =	simm.s32 $0xFFFFFFFF;
	p2 =	slt.u32 s8, $0xFFFFF086  }
0x1c: {  	p1 =	slt.u32 s9, $0xF7A;
	s5 =	simm.s32 @!p2 $0x0  }
0x1d: {  	s5 =	simm.s32 @p1 $0x1;
	p0 =	seq.s32 s7, s2  }
0x1e: {  	s7 =	smul.u32 @!p0 $0xF7A, s2;
	p2 =	seq.s32 @!p0 s5, $0x0  }
0x1f: {  	s9 =	smul.u32 $0xF7A, s1;
	s8 =	simm.s32 @!p0 $0x1BF5;
	p2 =	por !p2, p0  }
0x20: {  	[sflag:s8] =	ssyncset.s32 @!p0 $0xFFFFF086;
	s6 =	sadd.s32 @!p0 s3, s7;
	s7 =	simm.s32 @!p0 $0x108  }
0x21: {  	s3 =	sadd.s32 s3, s9;
	s6 =	sadd.s32 @!p0 $0x88, s6;
	s7 =	simm.s32 @p2 $0x1082  }
0x22: {  	[simem:s7], [sflag:s8] =	dma.local @!p0 [hbm:s6], $0xF7A  }
0x23: {  	s9 =	sor.u32 $0xD0000000, s2;
	s6 =	simm.s32 $0x108;
	_ =	swait.ge @!p0 [sflag:s8], $0x0  }
0x24: {  	s3 =	sadd.s32 $0x88, s3;
	s6 =	simm.s32 @!p1 $0x1082;
	[sflag:s4] =	ssyncset.s32 $0xFFFFF086  }
0x25: {  	[simem:s6], [sflag:s4] =	dma.local [hbm:s3], $0xF7A  }
0x26: {  	[smem:$0x3F90] =	sst s1;
	(tag) =	ssettag s2;
	_ =	strace s9  }
0x27: {  	s1 =	sld [smem:$0x3FA0]  }
0x28: {  	s2 =	sld [smem:$0x3FA1]  }
0x29: {  	s4 =	sld [smem:$0x3FA3]  }
0x2a: {  	p0 =	seq.s32 s5, $0x0;
	s5 =	sld [smem:$0x3FA4]  }
0x2b: {  	s6 =	sld [smem:$0x3FA5]  }
0x2c: {  	s7 =	sld [smem:$0x3FA6]  }
0x2d: {  	s3 =	simm.s32 $0x108;
	s8 =	sld [smem:$0x3FA7]  }
0x2e: {  	s3 =	simm.s32 @!p0 $0x1082;
	s9 =	sld [smem:$0x3FA8]  }
0x2f: {  	lr =	sadd.s32 s0, s3;
	s0 =	sld [smem:$0x3F9F]  }
0x30: {  	s3 =	sld [smem:$0x3FA2]  }
0x31: {  	[smem:$0x3FAB] =	sst s10  }
0x32: {  	s10 =	sld [smem:$0x3FA9];
	_ =	sdelay $0x3  }
0x33: {  	p0 =	seq.s32 s10, $0x1;
	s10 =	sld [smem:$0x3FAB];
	_ =	sdelay $0x3  }
0x34: {  	[smem:$0x3FAB] =	sst s10  }
0x35: {  	s10 =	sld [smem:$0x3FAA];
	_ =	sdelay $0x3  }
0x36: {  	p1 =	seq.s32 s10, $0x1;
	s10 =	sld [smem:$0x3FAB];
	_ =	sdelay $0x3  }
0x37: {  	[smem:$0x3FAB] =	sst s10  }
0x38: {  	s10 =	sld [smem:$0x3FAC]  }
0x39: {  	_ = 	snop;
	(pc) =	sbr.ind lr, $3  }
0x3a: {  	_ = 	snop  }
0x3b: {  	_ = 	snop  }
0x3c: {  	p2 =	seq.s32 s10, $0x1;
	s10 =	sld [smem:$0x3FAB]  }
0x3d: {  	_ =	shalt  }
0x3e: {  	_ =	shalt  }
0x3f: {  	_ =	shalt  }
0x40: {  	_ =	shalt  }
0x41: {  	_ =	shalt  }
0x42: {  	_ =	shalt  }
0x43: {  	_ =	shalt  }
0x44: {  	_ =	shalt  }
0x45: {  	_ =	shalt  }
0x46: {  	_ =	shalt  }
0x47: {  	_ =	shalt  }
0x48: {  	_ =	shalt  }
0x49: {  	_ =	shalt  }
0x4a: {  	_ =	shalt  }
0x4b: {  	_ =	shalt  }
0x4c: {  	_ =	shalt  }
0x4d: {  	_ =	shalt  }
0x4e: {  	_ =	shalt  }
0x4f: {  	_ =	shalt  }
0x50: {  	_ =	shalt  }
0x51: {  	_ =	shalt  }
0x52: {  	_ =	shalt  }
0x53: {  	_ =	shalt  }
0x54: {  	_ =	shalt  }
0x55: {  	_ =	shalt  }
0x56: {  	_ =	shalt  }
0x57: {  	_ =	shalt  }
0x58: {  	_ =	shalt  }
0x59: {  	_ =	shalt  }
0x5a: {  	_ =	shalt  }
0x5b: {  	_ =	shalt  }
0x5c: {  	_ =	shalt  }
0x5d: {  	_ =	shalt  }
0x5e: {  	_ =	shalt  }
0x5f: {  	_ =	shalt  }
0x60: {  	_ =	shalt  }
0x61: {  	_ =	shalt  }
0x62: {  	_ =	shalt  }
0x63: {  	_ =	shalt  }
0x64: {  	_ =	shalt  }
0x65: {  	_ =	shalt  }
0x66: {  	_ =	shalt  }
0x67: {  	_ =	shalt  }
0x68: {  	_ =	shalt  }
0x69: {  	_ =	shalt  }
0x6a: {  	_ =	shalt  }
0x6b: {  	_ =	shalt  }
0x6c: {  	_ =	shalt  }
0x6d: {  	_ =	shalt  }
0x6e: {  	_ =	shalt  }
0x6f: {  	_ =	shalt  }
0x70: {  	_ =	shalt  }
0x71: {  	_ =	shalt  }
0x72: {  	_ =	shalt  }
0x73: {  	_ =	shalt  }
0x74: {  	_ =	shalt  }
0x75: {  	_ =	shalt  }
0x76: {  	_ =	shalt  }
0x77: {  	_ =	shalt  }
0x78: {  	_ =	shalt  }
0x79: {  	_ =	shalt  }
0x7a: {  	_ =	shalt  }
0x7b: {  	_ =	shalt  }
0x7c: {  	_ =	shalt  }
0x7d: {  	_ =	shalt  }
0x7e: {  	_ =	shalt  }
0x7f: {  	_ =	shalt  }
0x80: {  	_ =	shalt  }
0x81: {  	_ =	shalt  }
0x82: {  	_ =	shalt  }
0x83: {  	_ =	shalt  }
0x84: {  	_ =	shalt  }
0x85: {  	_ =	shalt  }
0x86: {  	_ =	shalt  }
0x87: {  	_ =	shalt  }
.Lfunc_end0:
.L_simem_size_0:
called_computation.2_lowered:
.L_overlay_start_0:
0x88: {  	s2 =	sld [smem:$0x3FD9]  }
0x89: {  	s3 =	sld [smem:$0x3FFE];
	_ =	sdelay $0x1  }
0x8a: {  	s1 =	srdreg.scid  }
0x8b: {  	s0 =	sand.u32 $0x1, s1  }
0x8c: {  	s16 =	sshll.u32 s0, $0xA;
	s2 =	sadd.s32 s3, s2  }
0x8d: {  	s2 =	sadd.s32 s2, s16  }
0x8e: {  	[smem:$0x3FB7] =	sst s2  }
0x8f: {  	_ = 	snop  }
0x90: {  	(tm) =	ssettm $0x1  }
0x91: {  	s17 =	sld [smem:$0x3FFB];
	_ =	sdelay $0x3  }
0x92: {  	_ =	strace s17  }
0x93: {  	s2 =	sld [smem:$0x3FFC];
	_ =	sdelay $0x3  }
0x94: {  	_ =	strace s2  }
0x95: {  	s2 =	sld [smem:$0x3FFD];
	_ =	sdelay $0x3  }
0x96: {  	_ =	strace s2  }
0x97: {  	_ =	strace $0x8FFFFFFF  }
0x98: {  	s18 =	sld [smem:$0x3FDB];
	_ =	sdelay $0x1  }
0x99: {  	s19 =	simm.s32 $_scs_section_size  }
0x9a: {  	s4 =	simm.s32 $_size__tile_overlayer_lowered;
	s5 =	simm.s32 $_tile_overlayer_lowered  }
0x9b: {  	s22 =	simm.s32 $0x1BFF;
	s21 =	sshll.u32 s5, $0x1;
	s2 =	sadd.s32 s19, s18  }
0x9c: {  	s6 =	simm.s32 $0x0;
	s20 =	sshll.u32 s4, $0x1;
	s4 =	sadd.s32 s21, s2  }
0x9d: {  	[timem:s6], [sflag:s22] =	dma.local [hbm:s4], s20  }
0x9e: {  	_ =	swait.ge [sflag:s22], s20  }
0x9f: {  	s3 =	ssub.s32 $0x0, s20;
	[sflag:s22] =	ssyncset.done $0x0  }
0xa0: {  	[sflag:s22] =	ssyncadd.s32 s3;
	_ =	sdelay $0x1  }
0xa1: {  	s23 =	simm.s32 $0x1B8B  }
0xa2: {  	_ =	swait.ge [sflag:s23], $0x1  }
0xa3: {  	[sflag:s23] =	ssyncset.done $0x0  }
0xa4: {  	s25 =	simm.s32 $0x1B8E;
	s24 =	sld [smem:$0x3FFE];
	[sflag:s23] =	ssyncadd.s32 $0xFFFFFFFF  }
0xa5: {  	s26 =	simm.s32 $execute0_lowered;
	[smem:$0x3FD2] =	sst s25  }
0xa6: {  	s4 =	sshll.u32 s26, $0x1;
	_ =	strace $0x8000004C;
	[dreg:$0x1] =	wrdreg $0xFFFFFFFF  }
0xa7: {  	s28 =	simm.s32 $_size_execute0_lowered;
	s2 =	sadd.s32 s2, s4;
	[dreg:$0x0] =	wrdreg $0x0  }
0xa8: {  	s4 =	sshll.u32 s28, $0x1;
	[dreg:$0x2] =	wrdreg s2  }
0xa9: {  	[dreg:$0x3] =	wrdreg s4  }
0xaa: {  	[dreg:$0x4] =	wrdreg $0xC0  }
0xab: {  	_ =	task [dreg:s6], $0x5FFFF  }
0xac: {  	[dreg:$0x1] =	wrdreg $0xFFFFFFFF  }
0xad: {  	[dreg:$0x0] =	wrdreg $0x60  }
0xae: {  	[dreg:$0x2] =	wrdreg s24  }
0xaf: {  	[dreg:$0x3] =	wrdreg $0xA0000  }
0xb0: {  	[dreg:$0x4] =	wrdreg $0x9  }
0xb1: {  	_ =	task.clear_ibuf [dreg:s6], $0x5FFFF;
	_ =	strace $0x9000004C  }
0xb2: {  	s29 =	simm.s32 $0x9;
	_ =	strace $0x8000004E  }
0xb3: {  	_ =	swait.ge [sflag:s29], $0x1  }
0xb4: {  	[sflag:s29] =	ssyncadd.s32 $0xFFFFFFFF  }
0xb5: {  	_ =	strace $0x9000004E  }
0xb6: {  	_ =	sfence  }
0xb7: {  	s30 =	sld [smem:$0x0];
	_ =	sdelay $0x2  }
0xb8: {  	s31 =	sshll.u32 s1, $0xD;
	s1 =	sshrl.u32 s1, $0x2  }
0xb9: {  	s3 =	sand.u32 $0x4000, s31;
	s1 =	sadd.s32 s1, s30  }
0xba: {  	s0 =	sor.u32 s3, s0;
	s1 =	sshll.u32 s1, $0x11  }
0xbb: {  	s0 =	sor.u32 s1, s0  }
0xbc: {  	s0 =	sadd.s32 $0x8F2B, s0  }
0xbd: {  	[sflag:s0] =	ssyncadd.remote.s32 $0x1  }
0xbe: {  	_ =	sfence.sel $0xFFFF  }
0xbf: {  	[dreg:$0x0] =	wrdreg $0xFFFFFFFF;
	(pc) =	sbr.abs _section_cstart, $3  }
0xc0: {  	[dreg:$0x1] =	wrdreg $0xFFFFFFFF  }
0xc1: {  	_ =	task.clear_ibuf [dreg:s6], $0x2FFFF;
	_ =	strace $0x9FFFFFFF  }
0xc2: {  	(tm) =	ssettm $0x7FFFFFFF  }
0xc3: {  	_ =	shalt  }
tec
execute0_lowered:
.L_overlay_start_1:
0x0: {  	(tag) =	ssettag $0x1  }
0x1: {  	s0 =	srdreg.scid;
	s5 =	rddreg [dreg:$0x0]  }
0x2: {  	s10 =	stileid.u32;
	s2 =	rddreg [dreg:$0x1]  }
0x3: {  	s3 =	simm.s32 $0x0;
	s14 =	simm.s32 $0x80;
	s15 =	simm.s32 $0x5000  }
0x4: {  	s16 =	simm.s32 $0x6000;
	s18 =	simm.s32 $0x7000;
	s20 =	simm.s32 $0x8000  }
0x5: {  	s22 =	simm.s32 $0x9000;
	s28 =	simm.s32 $0x5;
	s29 =	simm.s32 $0x4D80  }
0x6: {  	s30 =	simm.s32 $0x4E00;
	s31 =	simm.s32 $0x4E80;
	s11 =	simm.s32 $0x0  }
0x7: {  	s0 =	sand.u32 $0x1, s0;
	s1 =	sshll.u32 s10, $0x1;
	s6 =	smul.u32 $0xA000, s10  }
0x8: {  	[smem:$0x7FF] =	sst s3;
	s4 =	sadd.s32 $0x7A00, s5;
	s26 =	sshll.u32 s10, $0x6  }
0x9: {  	s10 =	simm.s32 $0x6;
	s1 =	sor.u32 s0, s1;
	s7 =	smul.u32 $0xA0000, s0  }
0xa: {  	_ =	strace $0x8000004D;
	s0 =	ssub.s32 $0x2, s0;
	s12 =	sor.u32 $0x1C06, s26  }
0xb: {  	s26 =	simm.s32 $0x4;
	s1 =	smul.u32 $0x2800, s1;
	s8 =	sshrl.u32 s6, $0x4  }
0xc: {  	s23 =	sshrl.u32 s0, $0x1;
	s24 =	sshrl.u32 s6, $0x1;
	s7 =	sadd.s32 s6, s7  }
0xd: {  	s8 =	sadd.s32 s8, s5;
	s0 =	ssub.s32 s0, s23;
	s25 =	sadd.s32 s24, s2  }
0xe: {  	s23 =	simm.s32 $0x1;
	s24 =	simm.s32 $0x2;
	s1 =	sshrl.u32 s1, $0x3  }
0xf: {  	s7 =	sshrl.u32 s7, $0x4;
	s13 =	sshrl.u32 s25, $0x3;
	s25 =	simm.s32 $0x3  }
0x10: {  	s1 =	sadd.s32 s1, s5;
	s9 =	sadd.s32 s7, s5;
	s7 =	sadd.s32 $0x39400, s8  }
0x11: {  	s5 =	sadd.s32 $0x25400, s1;
	s6 =	sadd.s32 $0x2F400, s1;
	s8 =	sadd.s32 $0x59000, s9  }
0x12: {  	s9 =	smax.u32 s0, $0x1;
	s1 =	simm.s32 $0x4F00;
	s0 =	simm.s32 $0x4F80  }
.LBB2_1:
0x13: {  	[tilespmem:s3], [sflag:$0x6] =	stream.linear.gather [hbm4b:s5+s3], $0x2800, $0x38;
	[tilespmem:$0xF000] =	vst v63  }
0x14: {  	_ =	swait.ge [sflag:s10], $0x2800  }
0x15: {  	[sflag:s10] =	ssyncset.done $0x0  }
0x16: {  	s17 =	simm.s32 $0x2800;
	[sflag:s10] =	ssyncadd.s32 $0xFFFFD800  }
0x17: {  	[tilespmem:s17], [sflag:$0x6] =	stream.linear.gather [hbm4b:s6+s3], $0x2800, $0x38;
	[tilespmem:$0xF000] =	vst v63  }
0x18: {  	_ =	swait.ge [sflag:s10], $0x2800  }
0x19: {  	[sflag:s10] =	ssyncset.done $0x0  }
0x1a: {  	[sflag:s10] =	ssyncadd.s32 $0xFFFFD800  }
0x1b: {  	[spmem:s13], [sflag:s12] =	dma.local [hbm:s7], $0xA00  }
0x1c: {  	_ =	swait.ge [sflag:s10], $0xA00  }
0x1d: {  	[sflag:s10] =	ssyncset.done $0x0  }
0x1e: {  	[sflag:s10] =	ssyncadd.s32 $0xFFFFF600  }
0x1f: {  	[bflag:$0x0] =	sbarrier.arrive $0xFFFF  }
0x20: {  	[tilespmem:s15], [sflag:$0x1] =	stream.indirect.gather [hbm4b:s4+s14], $0x20, s3, s14, $0xb8;
	[tilespmem:$0xF000] =	vst v63  }
0x21: {  	_ = 	snop  }
0x22: {  	[tilespmem:s16], [sflag:$0x2] =	stream.indirect.gather [hbm4b:s4+s14], $0x20, s14, s14, $0xb8;
	[tilespmem:$0xF000] =	vst v63  }
0x23: {  	s19 =	simm.s32 $0x100  }
0x24: {  	[tilespmem:s18], [sflag:$0x3] =	stream.indirect.gather [hbm4b:s4+s14], $0x20, s19, s14, $0xb8;
	[tilespmem:$0xF000] =	vst v63  }
0x25: {  	s21 =	simm.s32 $0x180  }
0x26: {  	[tilespmem:s20], [sflag:$0x4] =	stream.indirect.gather [hbm4b:s4+s14], $0x20, s21, s14, $0xb8;
	[tilespmem:$0xF000] =	vst v63  }
0x27: {  	s19 =	simm.s32 $0x200  }
0x28: {  	[tilespmem:s22], [sflag:$0x5] =	stream.indirect.gather [hbm4b:s4+s14], $0x20, s19, s14, $0xb8;
	[tilespmem:$0xF000] =	vst v63  }
0x29: {  	_ =	swait.ge [sflag:s23], $0x1000  }
0x2a: {  	[sflag:s23] =	ssyncset.done $0x0  }
0x2b: {  	s21 =	simm.s32 $0x2800;
	[sflag:s23] =	ssyncadd.s32 $0xFFFFF000  }
0x2c: {  	[spmem:s2] =	stream.indirect.scatter.add.bf16 [tilespmem:s15], [sflag:$0x6], $0x20, s21, s14, $0xb8;
	[tilespmem:$0xF000] =	vst v63  }
0x2d: {  	_ =	swait.ge [sflag:s10], $0x1000  }
0x2e: {  	[sflag:s10] =	ssyncset.done $0x0  }
0x2f: {  	s19 =	simm.s32 $0x280;
	[sflag:s10] =	ssyncadd.s32 $0xFFFFF000  }
0x30: {  	[tilespmem:s15], [sflag:$0x1] =	stream.indirect.gather [hbm4b:s4+s14], $0x20, s19, s14, $0xb8;
	[tilespmem:$0xF000] =	vst v63  }
0x31: {  	_ =	swait.ge [sflag:s24], $0x1000  }
0x32: {  	[sflag:s24] =	ssyncset.done $0x0  }
0x33: {  	s21 =	simm.s32 $0x2880;
	[sflag:s24] =	ssyncadd.s32 $0xFFFFF000  }
0x34: {  	[spmem:s2] =	stream.indirect.scatter.add.bf16 [tilespmem:s16], [sflag:$0x6], $0x20, s21, s14, $0xb8;
	[tilespmem:$0xF000] =	vst v63  }
0x35: {  	_ =	swait.ge [sflag:s10], $0x1000  }
0x36: {  	[sflag:s10] =	ssyncset.done $0x0  }
0x37: {  	s19 =	simm.s32 $0x300;
	[sflag:s10] =	ssyncadd.s32 $0xFFFFF000  }
0x38: {  	[tilespmem:s16], [sflag:$0x2] =	stream.indirect.gather [hbm4b:s4+s14], $0x20, s19, s14, $0xb8;
	[tilespmem:$0xF000] =	vst v63  }
0x39: {  	_ =	swait.ge [sflag:s25], $0x1000  }
0x3a: {  	[sflag:s25] =	ssyncset.done $0x0  }
0x3b: {  	s21 =	simm.s32 $0x2900;
	[sflag:s25] =	ssyncadd.s32 $0xFFFFF000  }
0x3c: {  	[spmem:s2] =	stream.indirect.scatter.add.bf16 [tilespmem:s18], [sflag:$0x6], $0x20, s21, s14, $0xb8;
	[tilespmem:$0xF000] =	vst v63  }
0x3d: {  	_ =	swait.ge [sflag:s10], $0x1000  }
0x3e: {  	[sflag:s10] =	ssyncset.done $0x0  }
0x3f: {  	s19 =	simm.s32 $0x380;
	[sflag:s10] =	ssyncadd.s32 $0xFFFFF000  }
0x40: {  	[tilespmem:s18], [sflag:$0x3] =	stream.indirect.gather [hbm4b:s4+s14], $0x20, s19, s14, $0xb8;
	[tilespmem:$0xF000] =	vst v63  }
0x41: {  	_ =	swait.ge [sflag:s26], $0x1000  }
0x42: {  	[sflag:s26] =	ssyncset.done $0x0  }
0x43: {  	s21 =	simm.s32 $0x2980;
	[sflag:s26] =	ssyncadd.s32 $0xFFFFF000  }
0x44: {  	[spmem:s2] =	stream.indirect.scatter.add.bf16 [tilespmem:s20], [sflag:$0x6], $0x20, s21, s14, $0xb8;
	[tilespmem:$0xF000] =	vst v63  }
0x45: {  	_ =	swait.ge [sflag:s10], $0x1000  }
0x46: {  	[sflag:s10] =	ssyncset.done $0x0  }
0x47: {  	s19 =	simm.s32 $0x400;
	[sflag:s10] =	ssyncadd.s32 $0xFFFFF000  }
0x48: {  	[tilespmem:s20], [sflag:$0x4] =	stream.indirect.gather [hbm4b:s4+s14], $0x20, s19, s14, $0xb8;
	[tilespmem:$0xF000] =	vst v63  }
0x49: {  	_ =	swait.ge [sflag:s28], $0x1000  }
0x4a: {  	[sflag:s28] =	ssyncset.done $0x0  }
0x4b: {  	s21 =	simm.s32 $0x2A00;
	[sflag:s28] =	ssyncadd.s32 $0xFFFFF000  }
0x4c: {  	[spmem:s2] =	stream.indirect.scatter.add.bf16 [tilespmem:s22], [sflag:$0x6], $0x20, s21, s14, $0xb8;
	[tilespmem:$0xF000] =	vst v63  }
0x4d: {  	_ =	swait.ge [sflag:s10], $0x1000  }
0x4e: {  	[sflag:s10] =	ssyncset.done $0x0  }
0x4f: {  	s17 =	simm.s32 $0xA00;
	s19 =	simm.s32 $0x480;
	[sflag:s10] =	ssyncadd.s32 $0xFFFFF000  }
.LBB2_2:
0x50: {  	[tilespmem:s22], [sflag:$0x5] =	stream.indirect.gather [hbm4b:s4+s14], $0x20, s19, s14, $0xb8;
	[tilespmem:$0xF000] =	vst v63  }
0x51: {  	s19 =	smov.u32 s17  }
0x52: {  	p0 =	sne.s32 s17, $0x8C00;
	s17 =	sadd.s32 $0xA00, s17;
	_ =	swait.ge [sflag:s23], $0x1000  }
0x53: {  	s19 =	sshra.s32 s19, $0x2;
	[sflag:s23] =	ssyncset.done $0x0  }
0x54: {  	s21 =	sadd.s32 $0x2800, s19;
	[sflag:s23] =	ssyncadd.s32 $0xFFFFF000  }
0x55: {  	[spmem:s2] =	stream.indirect.scatter.add.bf16 [tilespmem:s15], [sflag:$0x6], $0x20, s21, s14, $0xb8;
	[tilespmem:$0xF000] =	vst v63  }
0x56: {  	_ =	swait.ge [sflag:s10], $0x1000  }
0x57: {  	[sflag:s10] =	ssyncset.done $0x0  }
0x58: {  	s21 =	sadd.s32 $0x280, s19;
	[sflag:s10] =	ssyncadd.s32 $0xFFFFF000  }
0x59: {  	[tilespmem:s15], [sflag:$0x1] =	stream.indirect.gather [hbm4b:s4+s14], $0x20, s21, s14, $0xb8;
	[tilespmem:$0xF000] =	vst v63  }
0x5a: {  	_ =	swait.ge [sflag:s24], $0x1000  }
0x5b: {  	[sflag:s24] =	ssyncset.done $0x0  }
0x5c: {  	s21 =	sadd.s32 $0x2880, s19;
	[sflag:s24] =	ssyncadd.s32 $0xFFFFF000  }
0x5d: {  	[spmem:s2] =	stream.indirect.scatter.add.bf16 [tilespmem:s16], [sflag:$0x6], $0x20, s21, s14, $0xb8;
	[tilespmem:$0xF000] =	vst v63  }
0x5e: {  	_ =	swait.ge [sflag:s10], $0x1000  }
0x5f: {  	[sflag:s10] =	ssyncset.done $0x0  }
0x60: {  	s21 =	sadd.s32 $0x300, s19;
	[sflag:s10] =	ssyncadd.s32 $0xFFFFF000  }
0x61: {  	[tilespmem:s16], [sflag:$0x2] =	stream.indirect.gather [hbm4b:s4+s14], $0x20, s21, s14, $0xb8;
	[tilespmem:$0xF000] =	vst v63  }
0x62: {  	_ =	swait.ge [sflag:s25], $0x1000  }
0x63: {  	[sflag:s25] =	ssyncset.done $0x0  }
0x64: {  	s21 =	sadd.s32 $0x2900, s19;
	[sflag:s25] =	ssyncadd.s32 $0xFFFFF000  }
0x65: {  	[spmem:s2] =	stream.indirect.scatter.add.bf16 [tilespmem:s18], [sflag:$0x6], $0x20, s21, s14, $0xb8;
	[tilespmem:$0xF000] =	vst v63  }
0x66: {  	_ =	swait.ge [sflag:s10], $0x1000  }
0x67: {  	[sflag:s10] =	ssyncset.done $0x0  }
0x68: {  	s21 =	sadd.s32 $0x380, s19;
	[sflag:s10] =	ssyncadd.s32 $0xFFFFF000  }
0x69: {  	[tilespmem:s18], [sflag:$0x3] =	stream.indirect.gather [hbm4b:s4+s14], $0x20, s21, s14, $0xb8;
	[tilespmem:$0xF000] =	vst v63  }
0x6a: {  	_ =	swait.ge [sflag:s26], $0x1000  }
0x6b: {  	[sflag:s26] =	ssyncset.done $0x0  }
0x6c: {  	s21 =	sadd.s32 $0x2980, s19;
	[sflag:s26] =	ssyncadd.s32 $0xFFFFF000  }
0x6d: {  	[spmem:s2] =	stream.indirect.scatter.add.bf16 [tilespmem:s20], [sflag:$0x6], $0x20, s21, s14, $0xb8;
	[tilespmem:$0xF000] =	vst v63  }
0x6e: {  	_ =	swait.ge [sflag:s10], $0x1000  }
0x6f: {  	[sflag:s10] =	ssyncset.done $0x0  }
0x70: {  	s21 =	sadd.s32 $0x400, s19;
	[sflag:s10] =	ssyncadd.s32 $0xFFFFF000  }
0x71: {  	[tilespmem:s20], [sflag:$0x4] =	stream.indirect.gather [hbm4b:s4+s14], $0x20, s21, s14, $0xb8;
	[tilespmem:$0xF000] =	vst v63  }
0x72: {  	_ =	swait.ge [sflag:s28], $0x1000  }
0x73: {  	[sflag:s28] =	ssyncset.done $0x0  }
.Ltmp0:
0x74: {  	s21 =	sadd.s32 $0x2A00, s19;
	[sflag:s28] =	ssyncadd.s32 $0xFFFFF000;
	(pc) =	sbr.rel @p0 .LBB2_2-.Ltmp0, $4  }
0x75: {  	[spmem:s2] =	stream.indirect.scatter.add.bf16 [tilespmem:s22], [sflag:$0x6], $0x20, s21, s14, $0xb8;
	[tilespmem:$0xF000] =	vst v63  }
0x76: {  	_ =	swait.ge [sflag:s10], $0x1000  }
0x77: {  	[sflag:s10] =	ssyncset.done $0x0  }
0x78: {  	s19 =	sadd.s32 $0x480, s19;
	[sflag:s10] =	ssyncadd.s32 $0xFFFFF000  }
0x79: {  	[tilespmem:s22], [sflag:$0x5] =	stream.indirect.gather [hbm4b:s4+s14], $0x20, s19, s14, $0xb8;
	[tilespmem:$0xF000] =	vst v63  }
0x7a: {  	_ =	swait.ge [sflag:s23], $0x1000  }
0x7b: {  	[sflag:s23] =	ssyncset.done $0x0  }
0x7c: {  	[sflag:s23] =	ssyncadd.s32 $0xFFFFF000  }
0x7d: {  	[spmem:s2] =	stream.indirect.scatter.add.bf16 [tilespmem:s15], [sflag:$0x6], $0x20, s29, s14, $0xb8;
	[tilespmem:$0xF000] =	vst v63  }
0x7e: {  	_ =	swait.ge [sflag:s10], $0x1000  }
0x7f: {  	[sflag:s10] =	ssyncset.done $0x0  }
0x80: {  	[sflag:s10] =	ssyncadd.s32 $0xFFFFF000  }
0x81: {  	_ =	swait.ge [sflag:s24], $0x1000  }
0x82: {  	[sflag:s24] =	ssyncset.done $0x0  }
0x83: {  	[sflag:s24] =	ssyncadd.s32 $0xFFFFF000  }
0x84: {  	[spmem:s2] =	stream.indirect.scatter.add.bf16 [tilespmem:s16], [sflag:$0x6], $0x20, s30, s14, $0xb8;
	[tilespmem:$0xF000] =	vst v63  }
0x85: {  	_ =	swait.ge [sflag:s10], $0x1000  }
0x86: {  	[sflag:s10] =	ssyncset.done $0x0  }
0x87: {  	[sflag:s10] =	ssyncadd.s32 $0xFFFFF000  }
0x88: {  	_ =	swait.ge [sflag:s25], $0x1000  }
0x89: {  	[sflag:s25] =	ssyncset.done $0x0  }
0x8a: {  	[sflag:s25] =	ssyncadd.s32 $0xFFFFF000  }
0x8b: {  	[spmem:s2] =	stream.indirect.scatter.add.bf16 [tilespmem:s18], [sflag:$0x6], $0x20, s31, s14, $0xb8;
	[tilespmem:$0xF000] =	vst v63  }
0x8c: {  	_ =	swait.ge [sflag:s10], $0x1000  }
0x8d: {  	[sflag:s10] =	ssyncset.done $0x0  }
0x8e: {  	[sflag:s10] =	ssyncadd.s32 $0xFFFFF000  }
0x8f: {  	_ =	swait.ge [sflag:s26], $0x1000  }
0x90: {  	[sflag:s26] =	ssyncset.done $0x0  }
0x91: {  	[sflag:s26] =	ssyncadd.s32 $0xFFFFF000  }
0x92: {  	[spmem:s2] =	stream.indirect.scatter.add.bf16 [tilespmem:s20], [sflag:$0x6], $0x20, s1, s14, $0xb8;
	[tilespmem:$0xF000] =	vst v63  }
0x93: {  	_ =	swait.ge [sflag:s10], $0x1000  }
0x94: {  	[sflag:s10] =	ssyncset.done $0x0  }
0x95: {  	[sflag:s10] =	ssyncadd.s32 $0xFFFFF000  }
0x96: {  	_ =	swait.ge [sflag:s28], $0x1000  }
0x97: {  	[sflag:s28] =	ssyncset.done $0x0  }
0x98: {  	[sflag:s28] =	ssyncadd.s32 $0xFFFFF000  }
0x99: {  	[spmem:s2] =	stream.indirect.scatter.add.bf16 [tilespmem:s22], [sflag:$0x6], $0x20, s0, s14, $0xb8;
	[tilespmem:$0xF000] =	vst v63  }
0x9a: {  	_ =	swait.ge [sflag:s10], $0x1000  }
0x9b: {  	s11 =	sadd.s32 $0x1, s11;
	[sflag:s10] =	ssyncset.done $0x0  }
0x9c: {  	p0 =	sne.s32 s11, s9;
	[sflag:s10] =	ssyncadd.s32 $0xFFFFF000  }
.Ltmp1:
0x9d: {  	[bflag:$0x0] =	sbarrier.arrive $0xFFFF;
	(pc) =	sbr.rel @p0 .LBB2_1-.Ltmp1, $4  }
0x9e: {  	[hbm:s8], [sflag:s12] =	dma.local [spmem:s13], $0xA00  }
0x9f: {  	_ =	swait.ge [sflag:s10], $0xA00  }
0xa0: {  	[sflag:s10] =	ssyncset.done $0x0  }
0xa1: {  	[sflag:s10] =	ssyncadd.s32 $0xFFFFF600  }
0xa2: {  	_ =	sfence.sel $0x180000  }
0xa3: {  	[bflag:$0x0] =	sbarrier.arrive $0xFFFF  }
0xa4: {  	_ =	strace $0x9000004D  }
0xa5: {  	s0 =	stileid.u32;
	[bflag:$0x2] =	sbarrier.arrive $0xFFFF  }
0xa6: {  	p0 =	sne.s32 s0, $0x0;
	s0 =	rddreg [dreg:$0x2]  }
0xa7: {  	s0 =	sadd.s32 @!p0 $0x100000, s0  }
0xa8: {  	[sflag:s0] =	ssyncadd.tile.s32 @!p0 $0x1;
	_ =	shalt  }
.Lfunc_end2:
_tile_overlayer_lowered:
.L_overlay_start_2:
0xa9: {  	(tag) =	ssettag $0x2  }
0xaa: {  	s0 =	rddreg [dreg:$0x0];
	s2 =	stileid.u32  }
0xab: {  	s1 =	rddreg [dreg:$0x1];
	p0 =	sne.s32 s2, $0x0  }
0xac: {  	s3 =	rddreg [dreg:$0x2];
	[bflag:$0x3] =	sbarrier.arrive $0xFFFF;
	s2 =	simm.s32 @!p0 $0x1C06  }
0xad: {  	[timem:s3], [sflag:s2] =	dma.local @!p0 [hbm:s0], s1  }
0xae: {  	s0 =	simm.s32 @!p0 $0x6  }
0xaf: {  	_ =	swait.ge @!p0 [sflag:s0], s1  }
0xb0: {  	s1 =	ssub.s32 @!p0 $0x0, s1;
	[sflag:s0] =	ssyncset.done @!p0 $0x0  }
0xb1: {  	[sflag:s0] =	ssyncadd.s32 @!p0 s1  }
0xb2: {  	[bflag:$0x3] =	sbarrier.arrive $0xFFFF  }
0xb3: {  	_ =	shalt  }

// kernel: kernel.9.cloned.1.call-start
scs
__scs_entry_jumppad:
0x0: {  	(pc) =	sbr.rel $0x88, $3  }
0x1: {  	(tag) =	ssettag $0x0;
	lr =	simm.s32 $0x1  }
0x2: {  	[smem:$0x3F90] =	sst lr;
	_ =	strace $0xD0000000  }
0x3: {  	_ = 	snop  }
0x4: {  	_ = 	snop  }
0x5: {  	_ = 	snop  }
0x6: {  	_ = 	snop  }
0x7: {  	_ = 	snop  }
__scs_overlays_trampoline_lowered:
0x8: {  	[smem:$0x3F9F] =	sst s0  }
0x9: {  	[smem:$0x3FA0] =	sst s1  }
0xa: {  	[smem:$0x3FA1] =	sst s2  }
0xb: {  	[smem:$0x3FA2] =	sst s3  }
0xc: {  	[smem:$0x3FA3] =	sst s4  }
0xd: {  	[smem:$0x3FA4] =	sst s5  }
0xe: {  	[smem:$0x3FA5] =	sst s6  }
0xf: {  	[smem:$0x3FA6] =	sst s7  }
0x10: {  	[smem:$0x3FA7] =	sst s8  }
0x11: {  	[smem:$0x3FA8] =	sst s9;
	s0 =	simm.s32 @!p0 $0x0  }
0x12: {  	s1 =	sld [smem:$0x3F8E];
	s0 =	simm.s32 @p0 $0x1  }
0x13: {  	[smem:$0x3FA9] =	sst s0;
	s0 =	simm.s32 @!p1 $0x0  }
0x14: {  	s2 =	sld [smem:$0x3F8D];
	s0 =	simm.s32 @p1 $0x1  }
0x15: {  	[smem:$0x3FAA] =	sst s0;
	s0 =	simm.s32 @!p2 $0x0  }
0x16: {  	s3 =	sld [smem:$0x3FDB];
	s0 =	simm.s32 @p2 $0x1  }
0x17: {  	s4 =	simm.s32 $0x1BF5;
	[smem:$0x3FAC] =	sst s0  }
0x18: {  	s0 =	sld [smem:$0x3F8F];
	_ =	swait.ge [sflag:s4], $0x0  }
0x19: {  	s7 =	sld [smem:$0x3F90]  }
0x1a: {  	s8 =	sadd.s32 $0xFFFFE003, lr  }
0x1b: {  	s9 =	sadd.s32 $0xFFFFFEF7, lr;
	s5 =	simm.s32 $0xFFFFFFFF;
	p2 =	slt.u32 s8, $0xFFFFF086  }
0x1c: {  	p1 =	slt.u32 s9, $0xF7A;
	s5 =	simm.s32 @!p2 $0x0  }
0x1d: {  	s5 =	simm.s32 @p1 $0x1;
	p0 =	seq.s32 s7, s2  }
0x1e: {  	s7 =	smul.u32 @!p0 $0xF7A, s2;
	p2 =	seq.s32 @!p0 s5, $0x0  }
0x1f: {  	s9 =	smul.u32 $0xF7A, s1;
	s8 =	simm.s32 @!p0 $0x1BF5;
	p2 =	por !p2, p0  }
0x20: {  	[sflag:s8] =	ssyncset.s32 @!p0 $0xFFFFF086;
	s6 =	sadd.s32 @!p0 s3, s7;
	s7 =	simm.s32 @!p0 $0x108  }
0x21: {  	s3 =	sadd.s32 s3, s9;
	s6 =	sadd.s32 @!p0 $0x88, s6;
	s7 =	simm.s32 @p2 $0x1082  }
0x22: {  	[simem:s7], [sflag:s8] =	dma.local @!p0 [hbm:s6], $0xF7A  }
0x23: {  	s9 =	sor.u32 $0xD0000000, s2;
	s6 =	simm.s32 $0x108;
	_ =	swait.ge @!p0 [sflag:s8], $0x0  }
0x24: {  	s3 =	sadd.s32 $0x88, s3;
	s6 =	simm.s32 @!p1 $0x1082;
	[sflag:s4] =	ssyncset.s32 $0xFFFFF086  }
0x25: {  	[simem:s6], [sflag:s4] =	dma.local [hbm:s3], $0xF7A  }
0x26: {  	[smem:$0x3F90] =	sst s1;
	(tag) =	ssettag s2;
	_ =	strace s9  }
0x27: {  	s1 =	sld [smem:$0x3FA0]  }
0x28: {  	s2 =	sld [smem:$0x3FA1]  }
0x29: {  	s4 =	sld [smem:$0x3FA3]  }
0x2a: {  	p0 =	seq.s32 s5, $0x0;
	s5 =	sld [smem:$0x3FA4]  }
0x2b: {  	s6 =	sld [smem:$0x3FA5]  }
0x2c: {  	s7 =	sld [smem:$0x3FA6]  }
0x2d: {  	s3 =	simm.s32 $0x108;
	s8 =	sld [smem:$0x3FA7]  }
0x2e: {  	s3 =	simm.s32 @!p0 $0x1082;
	s9 =	sld [smem:$0x3FA8]  }
0x2f: {  	lr =	sadd.s32 s0, s3;
	s0 =	sld [smem:$0x3F9F]  }
0x30: {  	s3 =	sld [smem:$0x3FA2]  }
0x31: {  	[smem:$0x3FAB] =	sst s10  }
0x32: {  	s10 =	sld [smem:$0x3FA9];
	_ =	sdelay $0x3  }
0x33: {  	p0 =	seq.s32 s10, $0x1;
	s10 =	sld [smem:$0x3FAB];
	_ =	sdelay $0x3  }
0x34: {  	[smem:$0x3FAB] =	sst s10  }
0x35: {  	s10 =	sld [smem:$0x3FAA];
	_ =	sdelay $0x3  }
0x36: {  	p1 =	seq.s32 s10, $0x1;
	s10 =	sld [smem:$0x3FAB];
	_ =	sdelay $0x3  }
0x37: {  	[smem:$0x3FAB] =	sst s10  }
0x38: {  	s10 =	sld [smem:$0x3FAC]  }
0x39: {  	_ = 	snop;
	(pc) =	sbr.ind lr, $3  }
0x3a: {  	_ = 	snop  }
0x3b: {  	_ = 	snop  }
0x3c: {  	p2 =	seq.s32 s10, $0x1;
	s10 =	sld [smem:$0x3FAB]  }
0x3d: {  	_ =	shalt  }
0x3e: {  	_ =	shalt  }
0x3f: {  	_ =	shalt  }
0x40: {  	_ =	shalt  }
0x41: {  	_ =	shalt  }
0x42: {  	_ =	shalt  }
0x43: {  	_ =	shalt  }
0x44: {  	_ =	shalt  }
0x45: {  	_ =	shalt  }
0x46: {  	_ =	shalt  }
0x47: {  	_ =	shalt  }
0x48: {  	_ =	shalt  }
0x49: {  	_ =	shalt  }
0x4a: {  	_ =	shalt  }
0x4b: {  	_ =	shalt  }
0x4c: {  	_ =	shalt  }
0x4d: {  	_ =	shalt  }
0x4e: {  	_ =	shalt  }
0x4f: {  	_ =	shalt  }
0x50: {  	_ =	shalt  }
0x51: {  	_ =	shalt  }
0x52: {  	_ =	shalt  }
0x53: {  	_ =	shalt  }
0x54: {  	_ =	shalt  }
0x55: {  	_ =	shalt  }
0x56: {  	_ =	shalt  }
0x57: {  	_ =	shalt  }
0x58: {  	_ =	shalt  }
0x59: {  	_ =	shalt  }
0x5a: {  	_ =	shalt  }
0x5b: {  	_ =	shalt  }
0x5c: {  	_ =	shalt  }
0x5d: {  	_ =	shalt  }
0x5e: {  	_ =	shalt  }
0x5f: {  	_ =	shalt  }
0x60: {  	_ =	shalt  }
0x61: {  	_ =	shalt  }
0x62: {  	_ =	shalt  }
0x63: {  	_ =	shalt  }
0x64: {  	_ =	shalt  }
0x65: {  	_ =	shalt  }
0x66: {  	_ =	shalt  }
0x67: {  	_ =	shalt  }
0x68: {  	_ =	shalt  }
0x69: {  	_ =	shalt  }
0x6a: {  	_ =	shalt  }
0x6b: {  	_ =	shalt  }
0x6c: {  	_ =	shalt  }
0x6d: {  	_ =	shalt  }
0x6e: {  	_ =	shalt  }
0x6f: {  	_ =	shalt  }
0x70: {  	_ =	shalt  }
0x71: {  	_ =	shalt  }
0x72: {  	_ =	shalt  }
0x73: {  	_ =	shalt  }
0x74: {  	_ =	shalt  }
0x75: {  	_ =	shalt  }
0x76: {  	_ =	shalt  }
0x77: {  	_ =	shalt  }
0x78: {  	_ =	shalt  }
0x79: {  	_ =	shalt  }
0x7a: {  	_ =	shalt  }
0x7b: {  	_ =	shalt  }
0x7c: {  	_ =	shalt  }
0x7d: {  	_ =	shalt  }
0x7e: {  	_ =	shalt  }
0x7f: {  	_ =	shalt  }
0x80: {  	_ =	shalt  }
0x81: {  	_ =	shalt  }
0x82: {  	_ =	shalt  }
0x83: {  	_ =	shalt  }
0x84: {  	_ =	shalt  }
0x85: {  	_ =	shalt  }
0x86: {  	_ =	shalt  }
0x87: {  	_ =	shalt  }
.Lfunc_end0:
.L_simem_size_0:
called_computation_lowered:
.L_overlay_start_0:
0x88: {  	s2 =	sld [smem:$0x3FD9]  }
0x89: {  	s3 =	sld [smem:$0x3FFE];
	_ =	sdelay $0x1  }
0x8a: {  	s1 =	srdreg.scid  }
0x8b: {  	s0 =	sand.u32 $0x1, s1  }
0x8c: {  	s16 =	sshll.u32 s0, $0xA;
	s2 =	sadd.s32 s3, s2  }
0x8d: {  	s2 =	sadd.s32 s2, s16  }
0x8e: {  	[smem:$0x3FB7] =	sst s2  }
0x8f: {  	_ = 	snop  }
0x90: {  	(tm) =	ssettm $0x1  }
0x91: {  	s17 =	sld [smem:$0x3FFB];
	_ =	sdelay $0x3  }
0x92: {  	_ =	strace s17  }
0x93: {  	s2 =	sld [smem:$0x3FFC];
	_ =	sdelay $0x3  }
0x94: {  	_ =	strace s2  }
0x95: {  	s2 =	sld [smem:$0x3FFD];
	_ =	sdelay $0x3  }
0x96: {  	_ =	strace s2  }
0x97: {  	_ =	strace $0x8FFFFFFF  }
0x98: {  	s18 =	sld [smem:$0x3FDB];
	_ =	sdelay $0x1  }
0x99: {  	s19 =	simm.s32 $_scs_section_size  }
0x9a: {  	s4 =	simm.s32 $_size__tile_overlayer_lowered;
	s5 =	simm.s32 $_tile_overlayer_lowered  }
0x9b: {  	s22 =	simm.s32 $0x1BFF;
	s21 =	sshll.u32 s5, $0x1;
	s2 =	sadd.s32 s19, s18  }
0x9c: {  	s6 =	simm.s32 $0x0;
	s20 =	sshll.u32 s4, $0x1;
	s4 =	sadd.s32 s21, s2  }
0x9d: {  	[timem:s6], [sflag:s22] =	dma.local [hbm:s4], s20  }
0x9e: {  	_ =	swait.ge [sflag:s22], s20  }
0x9f: {  	s3 =	ssub.s32 $0x0, s20;
	[sflag:s22] =	ssyncset.done $0x0  }
0xa0: {  	[sflag:s22] =	ssyncadd.s32 s3;
	_ =	sdelay $0x1  }
0xa1: {  	s23 =	simm.s32 $0x1B8B  }
0xa2: {  	_ =	swait.ge [sflag:s23], $0x1  }
0xa3: {  	[sflag:s23] =	ssyncset.done $0x0  }
0xa4: {  	s25 =	simm.s32 $0x1B8E;
	s24 =	sld [smem:$0x3FFE];
	[sflag:s23] =	ssyncadd.s32 $0xFFFFFFFF  }
0xa5: {  	s26 =	simm.s32 $execute0_lowered;
	[smem:$0x3FD2] =	sst s25  }
0xa6: {  	s4 =	sshll.u32 s26, $0x1;
	_ =	strace $0x80000046;
	[dreg:$0x1] =	wrdreg $0xFFFFFFFF  }
0xa7: {  	s28 =	simm.s32 $_size_execute0_lowered;
	s2 =	sadd.s32 s2, s4;
	[dreg:$0x0] =	wrdreg $0x0  }
0xa8: {  	s4 =	sshll.u32 s28, $0x1;
	[dreg:$0x2] =	wrdreg s2  }
0xa9: {  	[dreg:$0x3] =	wrdreg s4  }
0xaa: {  	[dreg:$0x4] =	wrdreg $0xC0  }
0xab: {  	_ =	task [dreg:s6], $0x5FFFF  }
0xac: {  	[dreg:$0x1] =	wrdreg $0xFFFFFFFF  }
0xad: {  	[dreg:$0x0] =	wrdreg $0x60  }
0xae: {  	[dreg:$0x2] =	wrdreg s24  }
0xaf: {  	[dreg:$0x3] =	wrdreg $0xA0000  }
0xb0: {  	[dreg:$0x4] =	wrdreg $0x9  }
0xb1: {  	_ =	task.clear_ibuf [dreg:s6], $0x5FFFF;
	_ =	strace $0x90000046  }
0xb2: {  	s29 =	simm.s32 $0x9;
	_ =	strace $0x80000048  }
0xb3: {  	_ =	swait.ge [sflag:s29], $0x1  }
0xb4: {  	[sflag:s29] =	ssyncadd.s32 $0xFFFFFFFF  }
0xb5: {  	_ =	strace $0x90000048  }
0xb6: {  	_ =	sfence  }
0xb7: {  	s30 =	sld [smem:$0x0];
	_ =	sdelay $0x2  }
0xb8: {  	s31 =	sshll.u32 s1, $0xD;
	s1 =	sshrl.u32 s1, $0x2  }
0xb9: {  	s3 =	sand.u32 $0x4000, s31;
	s1 =	sadd.s32 s1, s30  }
0xba: {  	s0 =	sor.u32 s3, s0;
	s1 =	sshll.u32 s1, $0x11  }
0xbb: {  	s0 =	sor.u32 s1, s0  }
0xbc: {  	s0 =	sadd.s32 $0x8F2B, s0  }
0xbd: {  	[sflag:s0] =	ssyncadd.remote.s32 $0x1  }
0xbe: {  	_ =	sfence.sel $0xFFFF  }
0xbf: {  	[dreg:$0x0] =	wrdreg $0xFFFFFFFF;
	(pc) =	sbr.abs _section_cstart, $3  }
0xc0: {  	[dreg:$0x1] =	wrdreg $0xFFFFFFFF  }
0xc1: {  	_ =	task.clear_ibuf [dreg:s6], $0x2FFFF;
	_ =	strace $0x9FFFFFFF  }
0xc2: {  	(tm) =	ssettm $0x7FFFFFFF  }
0xc3: {  	_ =	shalt  }
tec
execute0_lowered:
.L_overlay_start_1:
0x0: {  	(tag) =	ssettag $0x1  }
0x1: {  	s0 =	srdreg.scid;
	s5 =	rddreg [dreg:$0x0]  }
0x2: {  	s10 =	stileid.u32;
	s2 =	rddreg [dreg:$0x1]  }
0x3: {  	s3 =	simm.s32 $0x0;
	s14 =	simm.s32 $0x80;
	s15 =	simm.s32 $0x5000  }
0x4: {  	s16 =	simm.s32 $0x6000;
	s18 =	simm.s32 $0x7000;
	s20 =	simm.s32 $0x8000  }
0x5: {  	s22 =	simm.s32 $0x9000;
	s28 =	simm.s32 $0x5;
	s29 =	simm.s32 $0x4D80  }
0x6: {  	s30 =	simm.s32 $0x4E00;
	s31 =	simm.s32 $0x4E80;
	s11 =	simm.s32 $0x0  }
0x7: {  	s0 =	sand.u32 $0x1, s0;
	s1 =	sshll.u32 s10, $0x1;
	s6 =	smul.u32 $0xA000, s10  }
0x8: {  	[smem:$0x7FF] =	sst s3;
	s4 =	sadd.s32 $0x1B600, s5;
	s26 =	sshll.u32 s10, $0x6  }
0x9: {  	s10 =	simm.s32 $0x6;
	s1 =	sor.u32 s0, s1;
	s7 =	smul.u32 $0xA0000, s0  }
0xa: {  	_ =	strace $0x80000047;
	s0 =	ssub.s32 $0x2, s0;
	s12 =	sor.u32 $0x1C06, s26  }
0xb: {  	s26 =	simm.s32 $0x4;
	s1 =	smul.u32 $0x2800, s1;
	s8 =	sshrl.u32 s6, $0x4  }
0xc: {  	s23 =	sshrl.u32 s0, $0x1;
	s24 =	sshrl.u32 s6, $0x1;
	s7 =	sadd.s32 s6, s7  }
0xd: {  	s8 =	sadd.s32 s8, s5;
	s0 =	ssub.s32 s0, s23;
	s25 =	sadd.s32 s24, s2  }
0xe: {  	s23 =	simm.s32 $0x1;
	s24 =	simm.s32 $0x2;
	s1 =	sshrl.u32 s1, $0x3  }
0xf: {  	s7 =	sshrl.u32 s7, $0x4;
	s13 =	sshrl.u32 s25, $0x3;
	s25 =	simm.s32 $0x3  }
0x10: {  	s1 =	sadd.s32 s1, s5;
	s9 =	sadd.s32 s7, s5;
	s7 =	sadd.s32 $0x39400, s8  }
0x11: {  	s5 =	sadd.s32 $0x25400, s1;
	s6 =	sadd.s32 $0x2F400, s1;
	s8 =	sadd.s32 $0x43400, s9  }
0x12: {  	s9 =	smax.u32 s0, $0x1;
	s1 =	simm.s32 $0x4F00;
	s0 =	simm.s32 $0x4F80  }
.LBB2_1:
0x13: {  	[tilespmem:s3], [sflag:$0x6] =	stream.linear.gather [hbm4b:s5+s3], $0x2800, $0x38;
	[tilespmem:$0xF000] =	vst v63  }
0x14: {  	_ =	swait.ge [sflag:s10], $0x2800  }
0x15: {  	[sflag:s10] =	ssyncset.done $0x0  }
0x16: {  	s17 =	simm.s32 $0x2800;
	[sflag:s10] =	ssyncadd.s32 $0xFFFFD800  }
0x17: {  	[tilespmem:s17], [sflag:$0x6] =	stream.linear.gather [hbm4b:s6+s3], $0x2800, $0x38;
	[tilespmem:$0xF000] =	vst v63  }
0x18: {  	_ =	swait.ge [sflag:s10], $0x2800  }
0x19: {  	[sflag:s10] =	ssyncset.done $0x0  }
0x1a: {  	[sflag:s10] =	ssyncadd.s32 $0xFFFFD800  }
0x1b: {  	[spmem:s13], [sflag:s12] =	dma.local [hbm:s7], $0xA00  }
0x1c: {  	_ =	swait.ge [sflag:s10], $0xA00  }
0x1d: {  	[sflag:s10] =	ssyncset.done $0x0  }
0x1e: {  	[sflag:s10] =	ssyncadd.s32 $0xFFFFF600  }
0x1f: {  	[bflag:$0x0] =	sbarrier.arrive $0xFFFF  }
0x20: {  	[tilespmem:s15], [sflag:$0x1] =	stream.indirect.gather [hbm4b:s4+s14], $0x20, s3, s14, $0xb8;
	[tilespmem:$0xF000] =	vst v63  }
0x21: {  	_ = 	snop  }
0x22: {  	[tilespmem:s16], [sflag:$0x2] =	stream.indirect.gather [hbm4b:s4+s14], $0x20, s14, s14, $0xb8;
	[tilespmem:$0xF000] =	vst v63  }
0x23: {  	s19 =	simm.s32 $0x100  }
0x24: {  	[tilespmem:s18], [sflag:$0x3] =	stream.indirect.gather [hbm4b:s4+s14], $0x20, s19, s14, $0xb8;
	[tilespmem:$0xF000] =	vst v63  }
0x25: {  	s21 =	simm.s32 $0x180  }
0x26: {  	[tilespmem:s20], [sflag:$0x4] =	stream.indirect.gather [hbm4b:s4+s14], $0x20, s21, s14, $0xb8;
	[tilespmem:$0xF000] =	vst v63  }
0x27: {  	s19 =	simm.s32 $0x200  }
0x28: {  	[tilespmem:s22], [sflag:$0x5] =	stream.indirect.gather [hbm4b:s4+s14], $0x20, s19, s14, $0xb8;
	[tilespmem:$0xF000] =	vst v63  }
0x29: {  	_ =	swait.ge [sflag:s23], $0x1000  }
0x2a: {  	[sflag:s23] =	ssyncset.done $0x0  }
0x2b: {  	s21 =	simm.s32 $0x2800;
	[sflag:s23] =	ssyncadd.s32 $0xFFFFF000  }
0x2c: {  	[spmem:s2] =	stream.indirect.scatter.add.bf16 [tilespmem:s15], [sflag:$0x6], $0x20, s21, s14, $0xb8;
	[tilespmem:$0xF000] =	vst v63  }
0x2d: {  	_ =	swait.ge [sflag:s10], $0x1000  }
0x2e: {  	[sflag:s10] =	ssyncset.done $0x0  }
0x2f: {  	s19 =	simm.s32 $0x280;
	[sflag:s10] =	ssyncadd.s32 $0xFFFFF000  }
0x30: {  	[tilespmem:s15], [sflag:$0x1] =	stream.indirect.gather [hbm4b:s4+s14], $0x20, s19, s14, $0xb8;
	[tilespmem:$0xF000] =	vst v63  }
0x31: {  	_ =	swait.ge [sflag:s24], $0x1000  }
0x32: {  	[sflag:s24] =	ssyncset.done $0x0  }
0x33: {  	s21 =	simm.s32 $0x2880;
	[sflag:s24] =	ssyncadd.s32 $0xFFFFF000  }
0x34: {  	[spmem:s2] =	stream.indirect.scatter.add.bf16 [tilespmem:s16], [sflag:$0x6], $0x20, s21, s14, $0xb8;
	[tilespmem:$0xF000] =	vst v63  }
0x35: {  	_ =	swait.ge [sflag:s10], $0x1000  }
0x36: {  	[sflag:s10] =	ssyncset.done $0x0  }
0x37: {  	s19 =	simm.s32 $0x300;
	[sflag:s10] =	ssyncadd.s32 $0xFFFFF000  }
0x38: {  	[tilespmem:s16], [sflag:$0x2] =	stream.indirect.gather [hbm4b:s4+s14], $0x20, s19, s14, $0xb8;
	[tilespmem:$0xF000] =	vst v63  }
0x39: {  	_ =	swait.ge [sflag:s25], $0x1000  }
0x3a: {  	[sflag:s25] =	ssyncset.done $0x0  }
0x3b: {  	s21 =	simm.s32 $0x2900;
	[sflag:s25] =	ssyncadd.s32 $0xFFFFF000  }
0x3c: {  	[spmem:s2] =	stream.indirect.scatter.add.bf16 [tilespmem:s18], [sflag:$0x6], $0x20, s21, s14, $0xb8;
	[tilespmem:$0xF000] =	vst v63  }
0x3d: {  	_ =	swait.ge [sflag:s10], $0x1000  }
0x3e: {  	[sflag:s10] =	ssyncset.done $0x0  }
0x3f: {  	s19 =	simm.s32 $0x380;
	[sflag:s10] =	ssyncadd.s32 $0xFFFFF000  }
0x40: {  	[tilespmem:s18], [sflag:$0x3] =	stream.indirect.gather [hbm4b:s4+s14], $0x20, s19, s14, $0xb8;
	[tilespmem:$0xF000] =	vst v63  }
0x41: {  	_ =	swait.ge [sflag:s26], $0x1000  }
0x42: {  	[sflag:s26] =	ssyncset.done $0x0  }
0x43: {  	s21 =	simm.s32 $0x2980;
	[sflag:s26] =	ssyncadd.s32 $0xFFFFF000  }
0x44: {  	[spmem:s2] =	stream.indirect.scatter.add.bf16 [tilespmem:s20], [sflag:$0x6], $0x20, s21, s14, $0xb8;
	[tilespmem:$0xF000] =	vst v63  }
0x45: {  	_ =	swait.ge [sflag:s10], $0x1000  }
0x46: {  	[sflag:s10] =	ssyncset.done $0x0  }
0x47: {  	s19 =	simm.s32 $0x400;
	[sflag:s10] =	ssyncadd.s32 $0xFFFFF000  }
0x48: {  	[tilespmem:s20], [sflag:$0x4] =	stream.indirect.gather [hbm4b:s4+s14], $0x20, s19, s14, $0xb8;
	[tilespmem:$0xF000] =	vst v63  }
0x49: {  	_ =	swait.ge [sflag:s28], $0x1000  }
0x4a: {  	[sflag:s28] =	ssyncset.done $0x0  }
0x4b: {  	s21 =	simm.s32 $0x2A00;
	[sflag:s28] =	ssyncadd.s32 $0xFFFFF000  }
0x4c: {  	[spmem:s2] =	stream.indirect.scatter.add.bf16 [tilespmem:s22], [sflag:$0x6], $0x20, s21, s14, $0xb8;
	[tilespmem:$0xF000] =	vst v63  }
0x4d: {  	_ =	swait.ge [sflag:s10], $0x1000  }
0x4e: {  	[sflag:s10] =	ssyncset.done $0x0  }
0x4f: {  	s17 =	simm.s32 $0xA00;
	s19 =	simm.s32 $0x480;
	[sflag:s10] =	ssyncadd.s32 $0xFFFFF000  }
.LBB2_2:
0x50: {  	[tilespmem:s22], [sflag:$0x5] =	stream.indirect.gather [hbm4b:s4+s14], $0x20, s19, s14, $0xb8;
	[tilespmem:$0xF000] =	vst v63  }
0x51: {  	s19 =	smov.u32 s17  }
0x52: {  	p0 =	sne.s32 s17, $0x8C00;
	s17 =	sadd.s32 $0xA00, s17;
	_ =	swait.ge [sflag:s23], $0x1000  }
0x53: {  	s19 =	sshra.s32 s19, $0x2;
	[sflag:s23] =	ssyncset.done $0x0  }
0x54: {  	s21 =	sadd.s32 $0x2800, s19;
	[sflag:s23] =	ssyncadd.s32 $0xFFFFF000  }
0x55: {  	[spmem:s2] =	stream.indirect.scatter.add.bf16 [tilespmem:s15], [sflag:$0x6], $0x20, s21, s14, $0xb8;
	[tilespmem:$0xF000] =	vst v63  }
0x56: {  	_ =	swait.ge [sflag:s10], $0x1000  }
0x57: {  	[sflag:s10] =	ssyncset.done $0x0  }
0x58: {  	s21 =	sadd.s32 $0x280, s19;
	[sflag:s10] =	ssyncadd.s32 $0xFFFFF000  }
0x59: {  	[tilespmem:s15], [sflag:$0x1] =	stream.indirect.gather [hbm4b:s4+s14], $0x20, s21, s14, $0xb8;
	[tilespmem:$0xF000] =	vst v63  }
0x5a: {  	_ =	swait.ge [sflag:s24], $0x1000  }
0x5b: {  	[sflag:s24] =	ssyncset.done $0x0  }
0x5c: {  	s21 =	sadd.s32 $0x2880, s19;
	[sflag:s24] =	ssyncadd.s32 $0xFFFFF000  }
0x5d: {  	[spmem:s2] =	stream.indirect.scatter.add.bf16 [tilespmem:s16], [sflag:$0x6], $0x20, s21, s14, $0xb8;
	[tilespmem:$0xF000] =	vst v63  }
0x5e: {  	_ =	swait.ge [sflag:s10], $0x1000  }
0x5f: {  	[sflag:s10] =	ssyncset.done $0x0  }
0x60: {  	s21 =	sadd.s32 $0x300, s19;
	[sflag:s10] =	ssyncadd.s32 $0xFFFFF000  }
0x61: {  	[tilespmem:s16], [sflag:$0x2] =	stream.indirect.gather [hbm4b:s4+s14], $0x20, s21, s14, $0xb8;
	[tilespmem:$0xF000] =	vst v63  }
0x62: {  	_ =	swait.ge [sflag:s25], $0x1000  }
0x63: {  	[sflag:s25] =	ssyncset.done $0x0  }
0x64: {  	s21 =	sadd.s32 $0x2900, s19;
	[sflag:s25] =	ssyncadd.s32 $0xFFFFF000  }
0x65: {  	[spmem:s2] =	stream.indirect.scatter.add.bf16 [tilespmem:s18], [sflag:$0x6], $0x20, s21, s14, $0xb8;
	[tilespmem:$0xF000] =	vst v63  }
0x66: {  	_ =	swait.ge [sflag:s10], $0x1000  }
0x67: {  	[sflag:s10] =	ssyncset.done $0x0  }
0x68: {  	s21 =	sadd.s32 $0x380, s19;
	[sflag:s10] =	ssyncadd.s32 $0xFFFFF000  }
0x69: {  	[tilespmem:s18], [sflag:$0x3] =	stream.indirect.gather [hbm4b:s4+s14], $0x20, s21, s14, $0xb8;
	[tilespmem:$0xF000] =	vst v63  }
0x6a: {  	_ =	swait.ge [sflag:s26], $0x1000  }
0x6b: {  	[sflag:s26] =	ssyncset.done $0x0  }
0x6c: {  	s21 =	sadd.s32 $0x2980, s19;
	[sflag:s26] =	ssyncadd.s32 $0xFFFFF000  }
0x6d: {  	[spmem:s2] =	stream.indirect.scatter.add.bf16 [tilespmem:s20], [sflag:$0x6], $0x20, s21, s14, $0xb8;
	[tilespmem:$0xF000] =	vst v63  }
0x6e: {  	_ =	swait.ge [sflag:s10], $0x1000  }
0x6f: {  	[sflag:s10] =	ssyncset.done $0x0  }
0x70: {  	s21 =	sadd.s32 $0x400, s19;
	[sflag:s10] =	ssyncadd.s32 $0xFFFFF000  }
0x71: {  	[tilespmem:s20], [sflag:$0x4] =	stream.indirect.gather [hbm4b:s4+s14], $0x20, s21, s14, $0xb8;
	[tilespmem:$0xF000] =	vst v63  }
0x72: {  	_ =	swait.ge [sflag:s28], $0x1000  }
0x73: {  	[sflag:s28] =	ssyncset.done $0x0  }
.Ltmp0:
0x74: {  	s21 =	sadd.s32 $0x2A00, s19;
	[sflag:s28] =	ssyncadd.s32 $0xFFFFF000;
	(pc) =	sbr.rel @p0 .LBB2_2-.Ltmp0, $4  }
0x75: {  	[spmem:s2] =	stream.indirect.scatter.add.bf16 [tilespmem:s22], [sflag:$0x6], $0x20, s21, s14, $0xb8;
	[tilespmem:$0xF000] =	vst v63  }
0x76: {  	_ =	swait.ge [sflag:s10], $0x1000  }
0x77: {  	[sflag:s10] =	ssyncset.done $0x0  }
0x78: {  	s19 =	sadd.s32 $0x480, s19;
	[sflag:s10] =	ssyncadd.s32 $0xFFFFF000  }
0x79: {  	[tilespmem:s22], [sflag:$0x5] =	stream.indirect.gather [hbm4b:s4+s14], $0x20, s19, s14, $0xb8;
	[tilespmem:$0xF000] =	vst v63  }
0x7a: {  	_ =	swait.ge [sflag:s23], $0x1000  }
0x7b: {  	[sflag:s23] =	ssyncset.done $0x0  }
0x7c: {  	[sflag:s23] =	ssyncadd.s32 $0xFFFFF000  }
0x7d: {  	[spmem:s2] =	stream.indirect.scatter.add.bf16 [tilespmem:s15], [sflag:$0x6], $0x20, s29, s14, $0xb8;
	[tilespmem:$0xF000] =	vst v63  }
0x7e: {  	_ =	swait.ge [sflag:s10], $0x1000  }
0x7f: {  	[sflag:s10] =	ssyncset.done $0x0  }
0x80: {  	[sflag:s10] =	ssyncadd.s32 $0xFFFFF000  }
0x81: {  	_ =	swait.ge [sflag:s24], $0x1000  }
0x82: {  	[sflag:s24] =	ssyncset.done $0x0  }
0x83: {  	[sflag:s24] =	ssyncadd.s32 $0xFFFFF000  }
0x84: {  	[spmem:s2] =	stream.indirect.scatter.add.bf16 [tilespmem:s16], [sflag:$0x6], $0x20, s30, s14, $0xb8;
	[tilespmem:$0xF000] =	vst v63  }
0x85: {  	_ =	swait.ge [sflag:s10], $0x1000  }
0x86: {  	[sflag:s10] =	ssyncset.done $0x0  }
0x87: {  	[sflag:s10] =	ssyncadd.s32 $0xFFFFF000  }
0x88: {  	_ =	swait.ge [sflag:s25], $0x1000  }
0x89: {  	[sflag:s25] =	ssyncset.done $0x0  }
0x8a: {  	[sflag:s25] =	ssyncadd.s32 $0xFFFFF000  }
0x8b: {  	[spmem:s2] =	stream.indirect.scatter.add.bf16 [tilespmem:s18], [sflag:$0x6], $0x20, s31, s14, $0xb8;
	[tilespmem:$0xF000] =	vst v63  }
0x8c: {  	_ =	swait.ge [sflag:s10], $0x1000  }
0x8d: {  	[sflag:s10] =	ssyncset.done $0x0  }
0x8e: {  	[sflag:s10] =	ssyncadd.s32 $0xFFFFF000  }
0x8f: {  	_ =	swait.ge [sflag:s26], $0x1000  }
0x90: {  	[sflag:s26] =	ssyncset.done $0x0  }
0x91: {  	[sflag:s26] =	ssyncadd.s32 $0xFFFFF000  }
0x92: {  	[spmem:s2] =	stream.indirect.scatter.add.bf16 [tilespmem:s20], [sflag:$0x6], $0x20, s1, s14, $0xb8;
	[tilespmem:$0xF000] =	vst v63  }
0x93: {  	_ =	swait.ge [sflag:s10], $0x1000  }
0x94: {  	[sflag:s10] =	ssyncset.done $0x0  }
0x95: {  	[sflag:s10] =	ssyncadd.s32 $0xFFFFF000  }
0x96: {  	_ =	swait.ge [sflag:s28], $0x1000  }
0x97: {  	[sflag:s28] =	ssyncset.done $0x0  }
0x98: {  	[sflag:s28] =	ssyncadd.s32 $0xFFFFF000  }
0x99: {  	[spmem:s2] =	stream.indirect.scatter.add.bf16 [tilespmem:s22], [sflag:$0x6], $0x20, s0, s14, $0xb8;
	[tilespmem:$0xF000] =	vst v63  }
0x9a: {  	_ =	swait.ge [sflag:s10], $0x1000  }
0x9b: {  	s11 =	sadd.s32 $0x1, s11;
	[sflag:s10] =	ssyncset.done $0x0  }
0x9c: {  	p0 =	sne.s32 s11, s9;
	[sflag:s10] =	ssyncadd.s32 $0xFFFFF000  }
.Ltmp1:
0x9d: {  	[bflag:$0x0] =	sbarrier.arrive $0xFFFF;
	(pc) =	sbr.rel @p0 .LBB2_1-.Ltmp1, $4  }
0x9e: {  	[hbm:s8], [sflag:s12] =	dma.local [spmem:s13], $0xA00  }
0x9f: {  	_ =	swait.ge [sflag:s10], $0xA00  }
0xa0: {  	[sflag:s10] =	ssyncset.done $0x0  }
0xa1: {  	[sflag:s10] =	ssyncadd.s32 $0xFFFFF600  }
0xa2: {  	_ =	sfence.sel $0x180000  }
0xa3: {  	[bflag:$0x0] =	sbarrier.arrive $0xFFFF  }
0xa4: {  	_ =	strace $0x90000047  }
0xa5: {  	s0 =	stileid.u32;
	[bflag:$0x2] =	sbarrier.arrive $0xFFFF  }
0xa6: {  	p0 =	sne.s32 s0, $0x0;
	s0 =	rddreg [dreg:$0x2]  }
0xa7: {  	s0 =	sadd.s32 @!p0 $0x100000, s0  }
0xa8: {  	[sflag:s0] =	ssyncadd.tile.s32 @!p0 $0x1;
	_ =	shalt  }
.Lfunc_end2:
_tile_overlayer_lowered:
.L_overlay_start_2:
0xa9: {  	(tag) =	ssettag $0x2  }
0xaa: {  	s0 =	rddreg [dreg:$0x0];
	s2 =	stileid.u32  }
0xab: {  	s1 =	rddreg [dreg:$0x1];
	p0 =	sne.s32 s2, $0x0  }
0xac: {  	s3 =	rddreg [dreg:$0x2];
	[bflag:$0x3] =	sbarrier.arrive $0xFFFF;
	s2 =	simm.s32 @!p0 $0x1C06  }
0xad: {  	[timem:s3], [sflag:s2] =	dma.local @!p0 [hbm:s0], s1  }
0xae: {  	s0 =	simm.s32 @!p0 $0x6  }
0xaf: {  	_ =	swait.ge @!p0 [sflag:s0], s1  }
0xb0: {  	s1 =	ssub.s32 @!p0 $0x0, s1;
	[sflag:s0] =	ssyncset.done @!p0 $0x0  }
0xb1: {  	[sflag:s0] =	ssyncadd.s32 @!p0 s1  }
0xb2: {  	[bflag:$0x3] =	sbarrier.arrive $0xFFFF  }
0xb3: {  	_ =	shalt  }

</sc_bundles>
